<compile_context>
chip_gen: v7x
topology: tpu7x:2x2x1
jax: 0.10.2.dev20260603
libtpu: 0.0.44.dev20260713+nightly
codegen_flags: <defaults>
</compile_context>

<pallas_src>
import functools
import jax
import jax.numpy as jnp
from jax import lax
from jax.experimental import pallas as pl
from jax.experimental.pallas import tpu as pltpu
from jax.experimental.pallas import tpu_sc as plsc

NC = 2
NS = 16
L = 16
NW = NC * NS
B = 128
G = 8
F0_NUM, F0_DEN = 2, 3

_GATHER_DNUMS = lax.GatherDimensionNumbers(
    offset_dims=(), collapsed_slice_dims=(0,), start_index_map=(0,))


def _bcast_lane(vec, i):
    idx = jnp.full((L, 1), i, jnp.int32)
    return lax.gather(vec, idx, _GATHER_DNUMS, slice_sizes=(1,),
                      mode=lax.GatherScatterMode.PROMISE_IN_BOUNDS)


def _matmul(inp, weights):
    n, d_in = inp.shape
    r, _, d_out = weights.shape
    br = 2000

    def body(x_ref, w_ref, y_ref):
        y_ref[0] = jnp.dot(x_ref[...], w_ref[0],
                           preferred_element_type=jnp.float32)

    return pl.pallas_call(
        body,
        grid=(r, n // br),
        in_specs=[
            pl.BlockSpec((br, d_in), lambda ri, i: (i, 0)),
            pl.BlockSpec((1, d_in, d_out), lambda ri, i: (ri, 0, 0)),
        ],
        out_specs=pl.BlockSpec((1, br, d_out), lambda ri, i: (ri, i, 0)),
        out_shape=jax.ShapeDtypeStruct((r, n, d_out), jnp.float32),
    )(inp, weights)


def _add_partials(partials, n):
    d = partials.shape[2]
    br = 1000

    def body(p_ref, o_ref):
        o_ref[...] = p_ref[0] + p_ref[1]

    return pl.pallas_call(
        body,
        grid=(n // br,),
        in_specs=[pl.BlockSpec((2, br, d), lambda i: (0, i, 0))],
        out_specs=pl.BlockSpec((br, d), lambda i: (i, 0)),
        out_shape=jax.ShapeDtypeStruct((n, d), jnp.float32),
    )(partials)


def _sc_edge_kernel(n, d, pe):
    npad = -(-n // (NS * B)) * (NS * B)
    zr = npad // NS
    mesh = plsc.VectorSubcoreMesh(core_axis_name="c", subcore_axis_name="s",
                                  num_cores=NC, num_subcores=NS)

    def scale_rows(rows, vref):
        @pl.loop(0, B // L)
        def _(g):
            vvec = vref[pl.ds(g * L, L)]
            for i in range(L):
                vb = _bcast_lane(vvec, i)
                for j in range(d // L):
                    sl = rows[g * L + i, pl.ds(j * L, L)]
                    rows[g * L + i, pl.ds(j * L, L)] = sl * vb

    @functools.partial(
        pl.kernel,
        out_type=jax.ShapeDtypeStruct((NC, npad, d), jnp.float32),
        mesh=mesh,
        scratch_types=[
            pltpu.VMEM((B,), jnp.int32),
            pltpu.VMEM((B,), jnp.int32),
            pltpu.VMEM((B,), jnp.float32),
            pltpu.VMEM((B, d), jnp.float32),
            pltpu.VMEM_SHARED((npad, d), jnp.float32),
            pltpu.SemaphoreType.DMA,
        ],
    )
    def k(y_hbm, src_hbm, dst_hbm, val_hbm, out_hbm,
          src_v, dst_v, val_v, rows, acc, sg0):
        c = lax.axis_index("c")
        s = lax.axis_index("s")

        @pl.loop(0, B)
        def _(i):
            for j in range(d // L):
                rows[i, pl.ds(j * L, L)] = jnp.zeros((L,), jnp.float32)

        @pl.loop(0, zr // B)
        def _(q):
            pltpu.sync_copy(rows, acc.at[pl.ds(s * zr + q * B, B), :])

        plsc.subcore_barrier()

        ch_tot = (pe // B) // NS
        ch0 = ch_tot * F0_NUM // F0_DEN
        ch1 = ch_tot - ch0
        my_ch = jnp.where(c == 0, ch0, ch1)
        base = jnp.where(c == 0, s * ch0, NS * ch0 + s * ch1) * B

        @pl.loop(0, my_ch)
        def _(it):
            off = base + it * B
            pltpu.sync_copy(src_hbm.at[pl.ds(off, B)], src_v)
            g = pltpu.async_copy(y_hbm.at[src_v], rows, sg0)
            pltpu.sync_copy(val_hbm.at[pl.ds(off, B)], val_v)
            pltpu.sync_copy(dst_hbm.at[pl.ds(off, B)], dst_v)
            g.wait()
            scale_rows(rows, val_v)
            pltpu.sync_copy(rows, acc.at[dst_v], add=True)

        plsc.subcore_barrier()
        pltpu.sync_copy(acc.at[pl.ds(s * zr, zr), :],
                        out_hbm.at[c, pl.ds(s * zr, zr), :])

    return k


def kernel(inp, edge_index, edge_vals, weights):
    n, d_in = inp.shape
    r, _, d_out = weights.shape
    e = edge_index.shape[2]

    y = _matmul(inp, weights).reshape(r * n, d_out)

    rel_off = (jnp.arange(r, dtype=jnp.int32) * n)[:, None]
    src = (edge_index[:, 1, :].astype(jnp.int32) + rel_off).reshape(-1)
    dst = edge_index[:, 0, :].astype(jnp.int32).reshape(-1)
    vals = edge_vals.reshape(-1).astype(jnp.float32)

    te = r * e
    pe = -(-te // (NW * B * G)) * (NW * B * G)
    pad = pe - te
    if pad:
        src = jnp.concatenate([src, jnp.zeros((pad,), jnp.int32)])
        dst = jnp.concatenate([dst, jnp.zeros((pad,), jnp.int32)])
        vals = jnp.concatenate([vals, jnp.zeros((pad,), jnp.float32)])

    partials = _sc_edge_kernel(n, d_out, pe)(y, src, dst, vals)
    return _add_partials(partials, n)

# --- scband reference (transcript-rebuilt; emitter-appended) ---
"""Pipeline reference for scband-gcnlayer-80255758893545 (READ-ONLY COPY).

The authoritative reference and input builder live on the scoring server;
editing this copy changes nothing except your own understanding.
"""

import jax, jax.numpy as jnp
import numpy as np

N = 10000
D_IN = 128
D_OUT = 128
R = 4
E = 80000

def setup_inputs(seed: int = 0) -> dict:
    key = jax.random.key(seed)
    k1, k2, k3, k4 = jax.random.split(key, 4)
    inp = jax.random.normal(k1, (N, D_IN), dtype=jnp.float32)
    edge_index = jax.random.randint(k2, (R, 2, E), 0, N)
    edge_vals = jax.random.uniform(k3, (R, E), dtype=jnp.float32)
    # xavier_uniform for weights of shape (total_rel, in_size, out_size)
    limit = float(np.sqrt(6.0 / (D_IN + D_OUT)))
    weights = jax.random.uniform(k4, (R, D_IN, D_OUT), minval=-limit, maxval=limit, dtype=jnp.float32)
    return {"inp": inp, "edge_index": edge_index, "edge_vals": edge_vals, "weights": weights}

def reference(inp, edge_index, edge_vals, weights):
    # adj_mat_list[r] is an N x N sparse matrix in COO form:
    #   row = edge_index[r,0] (dst), col = edge_index[r,1] (src), val = edge_vals[r]
    # torch.sparse.mm(mat, inp)[i] = sum_{edges with dst=i} val * inp[src]
    n = inp.shape[0]
    emb_acc = []
    for r in range(R):
        dst = edge_index[r, 0]
        src = edge_index[r, 1]
        msgs = jnp.take(inp, src, axis=0) * edge_vals[r][:, None]
        agg = jax.ops.segment_sum(msgs, dst, num_segments=n)
        emb_acc.append(agg)
    tmp = jnp.concatenate(emb_acc, axis=1)  # (N, R*D_IN)
    w = weights.reshape(weights.shape[0] * weights.shape[1], weights.shape[2])  # (R*D_IN, D_OUT)
    out = jnp.matmul(tmp, w)
    return out

if __name__ == "__main__":
    import jax
    _d = setup_inputs()
    print(jax.jit(kernel)(*tuple(_d.values())))

</pallas_src>

<mosaic_0001>
#map = affine_map<(d0, d1) -> (0, 0)>
#map1 = affine_map<(d0, d1) -> (0)>
#map2 = affine_map<(d0, d1) -> (0, 0, 0)>
module attributes {stable_mosaic.version = 14 : i64} {
  func.func @k(%arg0: i32, %arg1: i32, %arg2: memref<40000x128xf32, #tpu.memory_space<hbm>>, %arg3: memref<327680xi32, #tpu.memory_space<hbm>>, %arg4: memref<327680xi32, #tpu.memory_space<hbm>>, %arg5: memref<327680xf32, #tpu.memory_space<hbm>>, %arg6: memref<2x10240x128xf32, #tpu.memory_space<hbm>>, %arg7: memref<128xi32, #tpu.memory_space<vmem>>, %arg8: memref<128xi32, #tpu.memory_space<vmem>>, %arg9: memref<128xf32, #tpu.memory_space<vmem>>, %arg10: memref<128x128xf32, #tpu.memory_space<vmem>>, %arg11: memref<10240x128xf32, #tpu.memory_space<vmem_shared>>, %arg12: memref<!tpu.dma_semaphore, #tpu.memory_space<semaphore_mem>>) attributes {dimension_semantics = [#tpu.dimension_semantics<core_parallel>, #tpu.dimension_semantics<subcore_parallel>], iteration_bounds = array<i64: 2, 16>, scalar_prefetch = 0 : i64, scratch_operands = 6 : i64, tpu.core_type = #tpu.core_type<sc_vector_subcore>, window_params = [{transform_indices = #map}, {transform_indices = #map1}, {transform_indices = #map1}, {transform_indices = #map1}, {transform_indices = #map2}]} {
    %scan3A = arith.constant 0 : i32
    %scan3A_0 = arith.constant 128 : i32
    %scan3A_1 = arith.addi %scan3A, %scan3A_0 : i32
    %scan3A_2 = arith.constant 1 : i32
    scf.for %scan3A_41 = %scan3A to %scan3A_1 step %scan3A_2  : i32 {
      %mul3A_42 = arith.constant 1 : i32
      %mul3A_43 = arith.muli %scan3A_41, %mul3A_42 : i32
      %add3A_44 = arith.constant 0 : i32
      %add3A_45 = arith.addi %add3A_44, %mul3A_43 : i32
      %broadcast_in_dim3A = arith.constant 0.000000e+00 : f32
      %broadcast_in_dim3A_46 = vector.broadcast %broadcast_in_dim3A : f32 to vector<16xf32>
      %swap3A = arith.index_cast %add3A_45 : i32 to index
      %swap3A_47 = arith.constant 0 : index
      %swap3A_48 = tpu.vector_load %arg10[%swap3A, %swap3A_47] {strides = array<i32>} : memref<128x128xf32, #tpu.memory_space<vmem>>, vector<1x16xf32>,
      %swap3A_49 = vector.shape_cast %swap3A_48 : vector<1x16xf32> to vector<16xf32>
      %swap3A_50 = vector.shape_cast %broadcast_in_dim3A_46 : vector<16xf32> to vector<1x16xf32>
      tpu.vector_store %arg10[%swap3A, %swap3A_47], %swap3A_50 {strides = array<i32>} : memref<128x128xf32, #tpu.memory_space<vmem>>, vector<1x16xf32>,
      %broadcast_in_dim3A_51 = arith.constant 0.000000e+00 : f32
      %broadcast_in_dim3A_52 = vector.broadcast %broadcast_in_dim3A_51 : f32 to vector<16xf32>
      %swap3A_53 = arith.index_cast %add3A_45 : i32 to index
      %swap3A_54 = arith.constant 16 : index
      %swap3A_55 = tpu.vector_load %arg10[%swap3A_53, %swap3A_54] {strides = array<i32>} : memref<128x128xf32, #tpu.memory_space<vmem>>, vector<1x16xf32>,
      %swap3A_56 = vector.shape_cast %swap3A_55 : vector<1x16xf32> to vector<16xf32>
      %swap3A_57 = vector.shape_cast %broadcast_in_dim3A_52 : vector<16xf32> to vector<1x16xf32>
      tpu.vector_store %arg10[%swap3A_53, %swap3A_54], %swap3A_57 {strides = array<i32>} : memref<128x128xf32, #tpu.memory_space<vmem>>, vector<1x16xf32>,
      %broadcast_in_dim3A_58 = arith.constant 0.000000e+00 : f32
      %broadcast_in_dim3A_59 = vector.broadcast %broadcast_in_dim3A_58 : f32 to vector<16xf32>
      %swap3A_60 = arith.index_cast %add3A_45 : i32 to index
      %swap3A_61 = arith.constant 32 : index
      %swap3A_62 = tpu.vector_load %arg10[%swap3A_60, %swap3A_61] {strides = array<i32>} : memref<128x128xf32, #tpu.memory_space<vmem>>, vector<1x16xf32>,
      %swap3A_63 = vector.shape_cast %swap3A_62 : vector<1x16xf32> to vector<16xf32>
      %swap3A_64 = vector.shape_cast %broadcast_in_dim3A_59 : vector<16xf32> to vector<1x16xf32>
      tpu.vector_store %arg10[%swap3A_60, %swap3A_61], %swap3A_64 {strides = array<i32>} : memref<128x128xf32, #tpu.memory_space<vmem>>, vector<1x16xf32>,
      %broadcast_in_dim3A_65 = arith.constant 0.000000e+00 : f32
      %broadcast_in_dim3A_66 = vector.broadcast %broadcast_in_dim3A_65 : f32 to vector<16xf32>
      %swap3A_67 = arith.index_cast %add3A_45 : i32 to index
      %swap3A_68 = arith.constant 48 : index
      %swap3A_69 = tpu.vector_load %arg10[%swap3A_67, %swap3A_68] {strides = array<i32>} : memref<128x128xf32, #tpu.memory_space<vmem>>, vector<1x16xf32>,
      %swap3A_70 = vector.shape_cast %swap3A_69 : vector<1x16xf32> to vector<16xf32>
      %swap3A_71 = vector.shape_cast %broadcast_in_dim3A_66 : vector<16xf32> to vector<1x16xf32>
      tpu.vector_store %arg10[%swap3A_67, %swap3A_68], %swap3A_71 {strides = array<i32>} : memref<128x128xf32, #tpu.memory_space<vmem>>, vector<1x16xf32>,
      %broadcast_in_dim3A_72 = arith.constant 0.000000e+00 : f32
      %broadcast_in_dim3A_73 = vector.broadcast %broadcast_in_dim3A_72 : f32 to vector<16xf32>
      %swap3A_74 = arith.index_cast %add3A_45 : i32 to index
      %swap3A_75 = arith.constant 64 : index
      %swap3A_76 = tpu.vector_load %arg10[%swap3A_74, %swap3A_75] {strides = array<i32>} : memref<128x128xf32, #tpu.memory_space<vmem>>, vector<1x16xf32>,
      %swap3A_77 = vector.shape_cast %swap3A_76 : vector<1x16xf32> to vector<16xf32>
      %swap3A_78 = vector.shape_cast %broadcast_in_dim3A_73 : vector<16xf32> to vector<1x16xf32>
      tpu.vector_store %arg10[%swap3A_74, %swap3A_75], %swap3A_78 {strides = array<i32>} : memref<128x128xf32, #tpu.memory_space<vmem>>, vector<1x16xf32>,
      %broadcast_in_dim3A_79 = arith.constant 0.000000e+00 : f32
      %broadcast_in_dim3A_80 = vector.broadcast %broadcast_in_dim3A_79 : f32 to vector<16xf32>
      %swap3A_81 = arith.index_cast %add3A_45 : i32 to index
      %swap3A_82 = arith.constant 80 : index
      %swap3A_83 = tpu.vector_load %arg10[%swap3A_81, %swap3A_82] {strides = array<i32>} : memref<128x128xf32, #tpu.memory_space<vmem>>, vector<1x16xf32>,
      %swap3A_84 = vector.shape_cast %swap3A_83 : vector<1x16xf32> to vector<16xf32>
      %swap3A_85 = vector.shape_cast %broadcast_in_dim3A_80 : vector<16xf32> to vector<1x16xf32>
      tpu.vector_store %arg10[%swap3A_81, %swap3A_82], %swap3A_85 {strides = array<i32>} : memref<128x128xf32, #tpu.memory_space<vmem>>, vector<1x16xf32>,
      %broadcast_in_dim3A_86 = arith.constant 0.000000e+00 : f32
      %broadcast_in_dim3A_87 = vector.broadcast %broadcast_in_dim3A_86 : f32 to vector<16xf32>
      %swap3A_88 = arith.index_cast %add3A_45 : i32 to index
      %swap3A_89 = arith.constant 96 : index
      %swap3A_90 = tpu.vector_load %arg10[%swap3A_88, %swap3A_89] {strides = array<i32>} : memref<128x128xf32, #tpu.memory_space<vmem>>, vector<1x16xf32>,
      %swap3A_91 = vector.shape_cast %swap3A_90 : vector<1x16xf32> to vector<16xf32>
      %swap3A_92 = vector.shape_cast %broadcast_in_dim3A_87 : vector<16xf32> to vector<1x16xf32>
      tpu.vector_store %arg10[%swap3A_88, %swap3A_89], %swap3A_92 {strides = array<i32>} : memref<128x128xf32, #tpu.memory_space<vmem>>, vector<1x16xf32>,
      %broadcast_in_dim3A_93 = arith.constant 0.000000e+00 : f32
      %broadcast_in_dim3A_94 = vector.broadcast %broadcast_in_dim3A_93 : f32 to vector<16xf32>
      %swap3A_95 = arith.index_cast %add3A_45 : i32 to index
      %swap3A_96 = arith.constant 112 : index
      %swap3A_97 = tpu.vector_load %arg10[%swap3A_95, %swap3A_96] {strides = array<i32>} : memref<128x128xf32, #tpu.memory_space<vmem>>, vector<1x16xf32>,
      %swap3A_98 = vector.shape_cast %swap3A_97 : vector<1x16xf32> to vector<16xf32>
      %swap3A_99 = vector.shape_cast %broadcast_in_dim3A_94 : vector<16xf32> to vector<1x16xf32>
      tpu.vector_store %arg10[%swap3A_95, %swap3A_96], %swap3A_99 {strides = array<i32>} : memref<128x128xf32, #tpu.memory_space<vmem>>, vector<1x16xf32>,
    }
    %scan3A_3 = arith.constant 128 : i32
    %scan3A_4 = arith.constant 0 : i32
    %scan3A_5 = arith.constant 5 : i32
    %scan3A_6 = arith.addi %scan3A_4, %scan3A_5 : i32
    %scan3A_7 = arith.constant 1 : i32
    scf.for %scan3A_41 = %scan3A_4 to %scan3A_6 step %scan3A_7  : i32 {
      %mul3A_42 = arith.constant 1 : i32
      %mul3A_43 = arith.muli %scan3A_41, %mul3A_42 : i32
      %add3A_44 = arith.constant 0 : i32
      %add3A_45 = arith.addi %add3A_44, %mul3A_43 : i32
      %mul3A_46 = arith.constant 640 : i32
      %mul3A_47 = arith.muli %arg1, %mul3A_46 : i32
      %mul3A_48 = arith.constant 128 : i32
      %mul3A_49 = arith.muli %add3A_45, %mul3A_48 : i32
      %add3A_50 = arith.addi %mul3A_47, %mul3A_49 : i32
      "tpu.region"() ({
        %run_scoped3A = tpu.sem_alloc : memref<!tpu.dma_semaphore, #tpu.memory_space<semaphore_mem>>
        %dma_start3A = arith.constant 0 : i32
        %dma_start3A_51 = tpu.memref_slice %arg11[%add3A_50, %dma_start3A] : memref<10240x128xf32, #tpu.memory_space<vmem_shared>> -> memref<128x128xf32, #tpu.memory_space<vmem_shared>>
        %dma_start3A_52 = arith.constant 0 : i32
        %dma_start3A_53 = tpu.memref_slice %arg11[%add3A_50, %dma_start3A_52] : memref<10240x128xf32, #tpu.memory_space<vmem_shared>> -> memref<128x128xf32, #tpu.memory_space<vmem_shared>>
        tpu.enqueue_dma source(%arg10 : memref<128x128xf32, #tpu.memory_space<vmem>>) target(%dma_start3A_53 : memref<128x128xf32, #tpu.memory_space<vmem_shared>>) target_semaphore(%run_scoped3A : memref<!tpu.dma_semaphore, #tpu.memory_space<semaphore_mem>>)
        %dma_wait3A = arith.constant 0 : i32
        %dma_wait3A_54 = tpu.memref_slice %arg11[%add3A_50, %dma_wait3A] : memref<10240x128xf32, #tpu.memory_space<vmem_shared>> -> memref<128x128xf32, #tpu.memory_space<vmem_shared>>
        %dma_wait3A_55 = arith.constant 0 : i32
        %dma_wait3A_56 = tpu.memref_slice %arg11[%add3A_50, %dma_wait3A_55] : memref<10240x128xf32, #tpu.memory_space<vmem_shared>> -> memref<128x128xf32, #tpu.memory_space<vmem_shared>>
        tpu.wait_dma2 semaphore(%run_scoped3A : memref<!tpu.dma_semaphore, #tpu.memory_space<semaphore_mem>>) src(%arg10 : memref<128x128xf32, #tpu.memory_space<vmem>>) dst(%dma_wait3A_56 : memref<128x128xf32, #tpu.memory_space<vmem_shared>>)
        tpu.yield
      }) : () -> ()
    }
    %scan3A_8 = arith.constant 5 : i32
    %barrier3A = arith.constant 0 : index
    tpu.barrier barrier_id(%barrier3A)
    %eq3A = arith.constant 0 : i32
    %eq3A_9 = arith.cmpi eq, %arg0, %eq3A : i32
    %jit3A = arith.constant 106 : i32
    %jit3A_10 = arith.constant 54 : i32
    %select_n3A = arith.select %eq3A_9, %jit3A, %jit3A_10 : i32
    %eq3A_11 = arith.constant 0 : i32
    %eq3A_12 = arith.cmpi eq, %arg0, %eq3A_11 : i32
    %mul3A = arith.constant 106 : i32
    %mul3A_13 = arith.muli %arg1, %mul3A : i32
    %mul3A_14 = arith.constant 54 : i32
    %mul3A_15 = arith.muli %arg1, %mul3A_14 : i32
    %add3A = arith.constant 1696 : i32
    %add3A_16 = arith.addi %add3A, %mul3A_15 : i32
    %select_n3A_17 = arith.select %eq3A_12, %mul3A_13, %add3A_16 : i32
    %mul3A_18 = arith.constant 128 : i32
    %mul3A_19 = arith.muli %select_n3A_17, %mul3A_18 : i32
    %sub3A = arith.constant 0 : i32
    %sub3A_20 = arith.subi %select_n3A, %sub3A : i32
    %sub3A_21 = arith.constant 1 : i32
    %sub3A_22 = arith.constant 1 : i32
    %sub3A_23 = arith.subi %sub3A_21, %sub3A_22 : i32
    %add3A_24 = arith.addi %sub3A_20, %sub3A_23 : i32
    %div3A = arith.constant 1 : i32
    %div3A_25 = arith.divsi %add3A_24, %div3A : i32
    %while3A = arith.constant 1 : i32
    %while3A_26 = arith.constant 0 : i32
    %while3A_27 = arith.constant 0 : i32
    %while3A_28 = arith.subi %div3A_25, %while3A_27 : i32
    %while3A_29 = arith.addi %while3A_27, %while3A_28 : i32
    %while3A_30 = arith.constant 1 : i32
    %while3A_31 = arith.divsi %while3A_28, %while3A_30 : i32
    %while3A_32 = arith.muli %while3A_31, %while3A_30 : i32
    %while3A_33 = arith.addi %while3A_27, %while3A_32 : i32
    %while3A_34 = arith.constant 1 : i32
    scf.for %while3A_41 = %while3A_27 to %while3A_33 step %while3A_34  : i32 {
      %mul3A_42 = arith.muli %while3A_41, %while3A : i32
      %add3A_43 = arith.addi %while3A_26, %mul3A_42 : i32
      %mul3A_44 = arith.constant 128 : i32
      %mul3A_45 = arith.muli %add3A_43, %mul3A_44 : i32
      %add3A_46 = arith.addi %mul3A_19, %mul3A_45 : i32
      "tpu.region"() ({
        %run_scoped3A = tpu.sem_alloc : memref<!tpu.dma_semaphore, #tpu.memory_space<semaphore_mem>>
        %dma_start3A_56 = tpu.memref_slice %arg3[%add3A_46] : memref<327680xi32, #tpu.memory_space<hbm>> -> memref<128xi32, #tpu.memory_space<hbm>>
        %dma_start3A_57 = tpu.memref_slice %arg3[%add3A_46] : memref<327680xi32, #tpu.memory_space<hbm>> -> memref<128xi32, #tpu.memory_space<hbm>>
        tpu.enqueue_dma source(%dma_start3A_57 : memref<128xi32, #tpu.memory_space<hbm>>) target(%arg7 : memref<128xi32, #tpu.memory_space<vmem>>) target_semaphore(%run_scoped3A : memref<!tpu.dma_semaphore, #tpu.memory_space<semaphore_mem>>)
        %dma_wait3A_58 = tpu.memref_slice %arg3[%add3A_46] : memref<327680xi32, #tpu.memory_space<hbm>> -> memref<128xi32, #tpu.memory_space<hbm>>
        %dma_wait3A_59 = tpu.memref_slice %arg3[%add3A_46] : memref<327680xi32, #tpu.memory_space<hbm>> -> memref<128xi32, #tpu.memory_space<hbm>>
        tpu.wait_dma2 semaphore(%run_scoped3A : memref<!tpu.dma_semaphore, #tpu.memory_space<semaphore_mem>>) src(%dma_wait3A_59 : memref<128xi32, #tpu.memory_space<hbm>>) dst(%arg7 : memref<128xi32, #tpu.memory_space<vmem>>)
        tpu.yield
      }) : () -> ()
      %dma_start3A = arith.constant 0 : i32
      %dma_start3A_47 = arith.constant 0 : i32
      %dma_start3A_48 = tpu.memref_slice %arg2[%dma_start3A, %dma_start3A_47] : memref<40000x128xf32, #tpu.memory_space<hbm>> -> memref<40000x128xf32, #tpu.memory_space<hbm>>
      tpu.enqueue_indirect_dma source(%dma_start3A_48 : memref<40000x128xf32, #tpu.memory_space<hbm>>) target(%arg10 : memref<128x128xf32, #tpu.memory_space<vmem>>) offsets(%arg7 : memref<128xi32, #tpu.memory_space<vmem>>) semaphore(%arg12 : memref<!tpu.dma_semaphore, #tpu.memory_space<semaphore_mem>>)
      "tpu.region"() ({
        %run_scoped3A = tpu.sem_alloc : memref<!tpu.dma_semaphore, #tpu.memory_space<semaphore_mem>>
        %dma_start3A_56 = tpu.memref_slice %arg5[%add3A_46] : memref<327680xf32, #tpu.memory_space<hbm>> -> memref<128xf32, #tpu.memory_space<hbm>>
        %dma_start3A_57 = tpu.memref_slice %arg5[%add3A_46] : memref<327680xf32, #tpu.memory_space<hbm>> -> memref<128xf32, #tpu.memory_space<hbm>>
        tpu.enqueue_dma source(%dma_start3A_57 : memref<128xf32, #tpu.memory_space<hbm>>) target(%arg9 : memref<128xf32, #tpu.memory_space<vmem>>) target_semaphore(%run_scoped3A : memref<!tpu.dma_semaphore, #tpu.memory_space<semaphore_mem>>)
        %dma_wait3A_58 = tpu.memref_slice %arg5[%add3A_46] : memref<327680xf32, #tpu.memory_space<hbm>> -> memref<128xf32, #tpu.memory_space<hbm>>
        %dma_wait3A_59 = tpu.memref_slice %arg5[%add3A_46] : memref<327680xf32, #tpu.memory_space<hbm>> -> memref<128xf32, #tpu.memory_space<hbm>>
        tpu.wait_dma2 semaphore(%run_scoped3A : memref<!tpu.dma_semaphore, #tpu.memory_space<semaphore_mem>>) src(%dma_wait3A_59 : memref<128xf32, #tpu.memory_space<hbm>>) dst(%arg9 : memref<128xf32, #tpu.memory_space<vmem>>)
        tpu.yield
      }) : () -> ()
      "tpu.region"() ({
        %run_scoped3A = tpu.sem_alloc : memref<!tpu.dma_semaphore, #tpu.memory_space<semaphore_mem>>
        %dma_start3A_56 = tpu.memref_slice %arg4[%add3A_46] : memref<327680xi32, #tpu.memory_space<hbm>> -> memref<128xi32, #tpu.memory_space<hbm>>
        %dma_start3A_57 = tpu.memref_slice %arg4[%add3A_46] : memref<327680xi32, #tpu.memory_space<hbm>> -> memref<128xi32, #tpu.memory_space<hbm>>
        tpu.enqueue_dma source(%dma_start3A_57 : memref<128xi32, #tpu.memory_space<hbm>>) target(%arg8 : memref<128xi32, #tpu.memory_space<vmem>>) target_semaphore(%run_scoped3A : memref<!tpu.dma_semaphore, #tpu.memory_space<semaphore_mem>>)
        %dma_wait3A_58 = tpu.memref_slice %arg4[%add3A_46] : memref<327680xi32, #tpu.memory_space<hbm>> -> memref<128xi32, #tpu.memory_space<hbm>>
        %dma_wait3A_59 = tpu.memref_slice %arg4[%add3A_46] : memref<327680xi32, #tpu.memory_space<hbm>> -> memref<128xi32, #tpu.memory_space<hbm>>
        tpu.wait_dma2 semaphore(%run_scoped3A : memref<!tpu.dma_semaphore, #tpu.memory_space<semaphore_mem>>) src(%dma_wait3A_59 : memref<128xi32, #tpu.memory_space<hbm>>) dst(%arg8 : memref<128xi32, #tpu.memory_space<vmem>>)
        tpu.yield
      }) : () -> ()
      %dma_wait3A = arith.constant 0 : i32
      %dma_wait3A_49 = arith.constant 0 : i32
      %dma_wait3A_50 = tpu.memref_slice %arg2[%dma_wait3A, %dma_wait3A_49] : memref<40000x128xf32, #tpu.memory_space<hbm>> -> memref<40000x128xf32, #tpu.memory_space<hbm>>
      tpu.wait_indirect_dma semaphore(%arg12 : memref<!tpu.dma_semaphore, #tpu.memory_space<semaphore_mem>>) src(%dma_wait3A_50 : memref<40000x128xf32, #tpu.memory_space<hbm>>) dst(%arg10 : memref<128x128xf32, #tpu.memory_space<vmem>>)
      %scan3A_51 = arith.constant 0 : i32
      %scan3A_52 = arith.constant 8 : i32
      %scan3A_53 = arith.addi %scan3A_51, %scan3A_52 : i32
      %scan3A_54 = arith.constant 1 : i32
      scf.for %scan3A_56 = %scan3A_51 to %scan3A_53 step %scan3A_54  : i32 {
        %mul3A_57 = arith.constant 1 : i32
        %mul3A_58 = arith.muli %scan3A_56, %mul3A_57 : i32
        %add3A_59 = arith.constant 0 : i32
        %add3A_60 = arith.addi %add3A_59, %mul3A_58 : i32
        %mul3A_61 = arith.constant 16 : i32
        %mul3A_62 = arith.muli %add3A_60, %mul3A_61 : i32
        %get3A = arith.index_cast %mul3A_62 : i32 to index
        %get3A_63 = tpu.vector_load %arg9[%get3A] {strides = array<i32>} : memref<128xf32, #tpu.memory_space<vmem>>, vector<16xf32>,
        %get3A_64 = vector.shape_cast %get3A_63 : vector<16xf32> to vector<16xf32>
        %broadcast_in_dim3A = arith.constant 0 : i32
        %broadcast_in_dim3A_65 = vector.broadcast %broadcast_in_dim3A : i32 to vector<16x1xi32>
        %gather3A = vector.shape_cast %broadcast_in_dim3A_65 : vector<16x1xi32> to vector<16xi32>
        %gather3A_66 = tpu.dynamic_gather %get3A_64[%gather3A] in [0] : vector<16xf32>, vector<16xi32> -> vector<16xf32>
        %mul3A_67 = arith.constant 16 : i32
        %mul3A_68 = arith.muli %add3A_60, %mul3A_67 : i32
        %add3A_69 = arith.constant 0 : i32
        %add3A_70 = arith.addi %mul3A_68, %add3A_69 : i32
        %get3A_71 = arith.index_cast %add3A_70 : i32 to index
        %get3A_72 = arith.constant 0 : index
        %get3A_73 = tpu.vector_load %arg10[%get3A_71, %get3A_72] {strides = array<i32>} : memref<128x128xf32, #tpu.memory_space<vmem>>, vector<1x16xf32>,
        %get3A_74 = vector.shape_cast %get3A_73 : vector<1x16xf32> to vector<16xf32>
        %mul3A_75 = arith.mulf %get3A_74, %gather3A_66 : vector<16xf32>
        %mul3A_76 = arith.constant 16 : i32
        %mul3A_77 = arith.muli %add3A_60, %mul3A_76 : i32
        %add3A_78 = arith.constant 0 : i32
        %add3A_79 = arith.addi %mul3A_77, %add3A_78 : i32
        %swap3A = arith.index_cast %add3A_79 : i32 to index
        %swap3A_80 = arith.constant 0 : index
        %swap3A_81 = tpu.vector_load %arg10[%swap3A, %swap3A_80] {strides = array<i32>} : memref<128x128xf32, #tpu.memory_space<vmem>>, vector<1x16xf32>,
        %swap3A_82 = vector.shape_cast %swap3A_81 : vector<1x16xf32> to vector<16xf32>
        %swap3A_83 = vector.shape_cast %mul3A_75 : vector<16xf32> to vector<1x16xf32>
        tpu.vector_store %arg10[%swap3A, %swap3A_80], %swap3A_83 {strides = array<i32>} : memref<128x128xf32, #tpu.memory_space<vmem>>, vector<1x16xf32>,
        %mul3A_84 = arith.constant 16 : i32
        %mul3A_85 = arith.muli %add3A_60, %mul3A_84 : i32
        %add3A_86 = arith.constant 0 : i32
        %add3A_87 = arith.addi %mul3A_85, %add3A_86 : i32
        %get3A_88 = arith.index_cast %add3A_87 : i32 to index
        %get3A_89 = arith.constant 16 : index
        %get3A_90 = tpu.vector_load %arg10[%get3A_88, %get3A_89] {strides = array<i32>} : memref<128x128xf32, #tpu.memory_space<vmem>>, vector<1x16xf32>,
        %get3A_91 = vector.shape_cast %get3A_90 : vector<1x16xf32> to vector<16xf32>
        %mul3A_92 = arith.mulf %get3A_91, %gather3A_66 : vector<16xf32>
        %mul3A_93 = arith.constant 16 : i32
        %mul3A_94 = arith.muli %add3A_60, %mul3A_93 : i32
        %add3A_95 = arith.constant 0 : i32
        %add3A_96 = arith.addi %mul3A_94, %add3A_95 : i32
        %swap3A_97 = arith.index_cast %add3A_96 : i32 to index
        %swap3A_98 = arith.constant 16 : index
        %swap3A_99 = tpu.vector_load %arg10[%swap3A_97, %swap3A_98] {strides = array<i32>} : memref<128x128xf32, #tpu.memory_space<vmem>>, vector<1x16xf32>,
        %swap3A_100 = vector.shape_cast %swap3A_99 : vector<1x16xf32> to vector<16xf32>
        %swap3A_101 = vector.shape_cast %mul3A_92 : vector<16xf32> to vector<1x16xf32>
        tpu.vector_store %arg10[%swap3A_97, %swap3A_98], %swap3A_101 {strides = array<i32>} : memref<128x128xf32, #tpu.memory_space<vmem>>, vector<1x16xf32>,
        %mul3A_102 = arith.constant 16 : i32
        %mul3A_103 = arith.muli %add3A_60, %mul3A_102 : i32
        %add3A_104 = arith.constant 0 : i32
        %add3A_105 = arith.addi %mul3A_103, %add3A_104 : i32
        %get3A_106 = arith.index_cast %add3A_105 : i32 to index
        %get3A_107 = arith.constant 32 : index
        %get3A_108 = tpu.vector_load %arg10[%get3A_106, %get3A_107] {strides = array<i32>} : memref<128x128xf32, #tpu.memory_space<vmem>>, vector<1x16xf32>,
        %get3A_109 = vector.shape_cast %get3A_108 : vector<1x16xf32> to vector<16xf32>
        %mul3A_110 = arith.mulf %get3A_109, %gather3A_66 : vector<16xf32>
        %mul3A_111 = arith.constant 16 : i32
        %mul3A_112 = arith.muli %add3A_60, %mul3A_111 : i32
        %add3A_113 = arith.constant 0 : i32
        %add3A_114 = arith.addi %mul3A_112, %add3A_113 : i32
        %swap3A_115 = arith.index_cast %add3A_114 : i32 to index
        %swap3A_116 = arith.constant 32 : index
        %swap3A_117 = tpu.vector_load %arg10[%swap3A_115, %swap3A_116] {strides = array<i32>} : memref<128x128xf32, #tpu.memory_space<vmem>>, vector<1x16xf32>,
        %swap3A_118 = vector.shape_cast %swap3A_117 : vector<1x16xf32> to vector<16xf32>
        %swap3A_119 = vector.shape_cast %mul3A_110 : vector<16xf32> to vector<1x16xf32>
        tpu.vector_store %arg10[%swap3A_115, %swap3A_116], %swap3A_119 {strides = array<i32>} : memref<128x128xf32, #tpu.memory_space<vmem>>, vector<1x16xf32>,
        %mul3A_120 = arith.constant 16 : i32
        %mul3A_121 = arith.muli %add3A_60, %mul3A_120 : i32
        %add3A_122 = arith.constant 0 : i32
        %add3A_123 = arith.addi %mul3A_121, %add3A_122 : i32
        %get3A_124 = arith.index_cast %add3A_123 : i32 to index
        %get3A_125 = arith.constant 48 : index
        %get3A_126 = tpu.vector_load %arg10[%get3A_124, %get3A_125] {strides = array<i32>} : memref<128x128xf32, #tpu.memory_space<vmem>>, vector<1x16xf32>,
        %get3A_127 = vector.shape_cast %get3A_126 : vector<1x16xf32> to vector<16xf32>
        %mul3A_128 = arith.mulf %get3A_127, %gather3A_66 : vector<16xf32>
        %mul3A_129 = arith.constant 16 : i32
        %mul3A_130 = arith.muli %add3A_60, %mul3A_129 : i32
        %add3A_131 = arith.constant 0 : i32
        %add3A_132 = arith.addi %mul3A_130, %add3A_131 : i32
        %swap3A_133 = arith.index_cast %add3A_132 : i32 to index
        %swap3A_134 = arith.constant 48 : index
        %swap3A_135 = tpu.vector_load %arg10[%swap3A_133, %swap3A_134] {strides = array<i32>} : memref<128x128xf32, #tpu.memory_space<vmem>>, vector<1x16xf32>,
        %swap3A_136 = vector.shape_cast %swap3A_135 : vector<1x16xf32> to vector<16xf32>
        %swap3A_137 = vector.shape_cast %mul3A_128 : vector<16xf32> to vector<1x16xf32>
        tpu.vector_store %arg10[%swap3A_133, %swap3A_134], %swap3A_137 {strides = array<i32>} : memref<128x128xf32, #tpu.memory_space<vmem>>, vector<1x16xf32>,
        %mul3A_138 = arith.constant 16 : i32
        %mul3A_139 = arith.muli %add3A_60, %mul3A_138 : i32
        %add3A_140 = arith.constant 0 : i32
        %add3A_141 = arith.addi %mul3A_139, %add3A_140 : i32
        %get3A_142 = arith.index_cast %add3A_141 : i32 to index
        %get3A_143 = arith.constant 64 : index
        %get3A_144 = tpu.vector_load %arg10[%get3A_142, %get3A_143] {strides = array<i32>} : memref<128x128xf32, #tpu.memory_space<vmem>>, vector<1x16xf32>,
        %get3A_145 = vector.shape_cast %get3A_144 : vector<1x16xf32> to vector<16xf32>
        %mul3A_146 = arith.mulf %get3A_145, %gather3A_66 : vector<16xf32>
        %mul3A_147 = arith.constant 16 : i32
        %mul3A_148 = arith.muli %add3A_60, %mul3A_147 : i32
        %add3A_149 = arith.constant 0 : i32
        %add3A_150 = arith.addi %mul3A_148, %add3A_149 : i32
        %swap3A_151 = arith.index_cast %add3A_150 : i32 to index
        %swap3A_152 = arith.constant 64 : index
        %swap3A_153 = tpu.vector_load %arg10[%swap3A_151, %swap3A_152] {strides = array<i32>} : memref<128x128xf32, #tpu.memory_space<vmem>>, vector<1x16xf32>,
        %swap3A_154 = vector.shape_cast %swap3A_153 : vector<1x16xf32> to vector<16xf32>
        %swap3A_155 = vector.shape_cast %mul3A_146 : vector<16xf32> to vector<1x16xf32>
        tpu.vector_store %arg10[%swap3A_151, %swap3A_152], %swap3A_155 {strides = array<i32>} : memref<128x128xf32, #tpu.memory_space<vmem>>, vector<1x16xf32>,
        %mul3A_156 = arith.constant 16 : i32
        %mul3A_157 = arith.muli %add3A_60, %mul3A_156 : i32
        %add3A_158 = arith.constant 0 : i32
        %add3A_159 = arith.addi %mul3A_157, %add3A_158 : i32
        %get3A_160 = arith.index_cast %add3A_159 : i32 to index
        %get3A_161 = arith.constant 80 : index
        %get3A_162 = tpu.vector_load %arg10[%get3A_160, %get3A_161] {strides = array<i32>} : memref<128x128xf32, #tpu.memory_space<vmem>>, vector<1x16xf32>,
        %get3A_163 = vector.shape_cast %get3A_162 : vector<1x16xf32> to vector<16xf32>
        %mul3A_164 = arith.mulf %get3A_163, %gather3A_66 : vector<16xf32>
        %mul3A_165 = arith.constant 16 : i32
        %mul3A_166 = arith.muli %add3A_60, %mul3A_165 : i32
        %add3A_167 = arith.constant 0 : i32
        %add3A_168 = arith.addi %mul3A_166, %add3A_167 : i32
        %swap3A_169 = arith.index_cast %add3A_168 : i32 to index
        %swap3A_170 = arith.constant 80 : index
        %swap3A_171 = tpu.vector_load %arg10[%swap3A_169, %swap3A_170] {strides = array<i32>} : memref<128x128xf32, #tpu.memory_space<vmem>>, vector<1x16xf32>,
        %swap3A_172 = vector.shape_cast %swap3A_171 : vector<1x16xf32> to vector<16xf32>
        %swap3A_173 = vector.shape_cast %mul3A_164 : vector<16xf32> to vector<1x16xf32>
        tpu.vector_store %arg10[%swap3A_169, %swap3A_170], %swap3A_173 {strides = array<i32>} : memref<128x128xf32, #tpu.memory_space<vmem>>, vector<1x16xf32>,
        %mul3A_174 = arith.constant 16 : i32
        %mul3A_175 = arith.muli %add3A_60, %mul3A_174 : i32
        %add3A_176 = arith.constant 0 : i32
        %add3A_177 = arith.addi %mul3A_175, %add3A_176 : i32
        %get3A_178 = arith.index_cast %add3A_177 : i32 to index
        %get3A_179 = arith.constant 96 : index
        %get3A_180 = tpu.vector_load %arg10[%get3A_178, %get3A_179] {strides = array<i32>} : memref<128x128xf32, #tpu.memory_space<vmem>>, vector<1x16xf32>,
        %get3A_181 = vector.shape_cast %get3A_180 : vector<1x16xf32> to vector<16xf32>
        %mul3A_182 = arith.mulf %get3A_181, %gather3A_66 : vector<16xf32>
        %mul3A_183 = arith.constant 16 : i32
        %mul3A_184 = arith.muli %add3A_60, %mul3A_183 : i32
        %add3A_185 = arith.constant 0 : i32
        %add3A_186 = arith.addi %mul3A_184, %add3A_185 : i32
        %swap3A_187 = arith.index_cast %add3A_186 : i32 to index
        %swap3A_188 = arith.constant 96 : index
        %swap3A_189 = tpu.vector_load %arg10[%swap3A_187, %swap3A_188] {strides = array<i32>} : memref<128x128xf32, #tpu.memory_space<vmem>>, vector<1x16xf32>,
        %swap3A_190 = vector.shape_cast %swap3A_189 : vector<1x16xf32> to vector<16xf32>
        %swap3A_191 = vector.shape_cast %mul3A_182 : vector<16xf32> to vector<1x16xf32>
        tpu.vector_store %arg10[%swap3A_187, %swap3A_188], %swap3A_191 {strides = array<i32>} : memref<128x128xf32, #tpu.memory_space<vmem>>, vector<1x16xf32>,
        %mul3A_192 = arith.constant 16 : i32
        %mul3A_193 = arith.muli %add3A_60, %mul3A_192 : i32
        %add3A_194 = arith.constant 0 : i32
        %add3A_195 = arith.addi %mul3A_193, %add3A_194 : i32
        %get3A_196 = arith.index_cast %add3A_195 : i32 to index
        %get3A_197 = arith.constant 112 : index
        %get3A_198 = tpu.vector_load %arg10[%get3A_196, %get3A_197] {strides = array<i32>} : memref<128x128xf32, #tpu.memory_space<vmem>>, vector<1x16xf32>,
        %get3A_199 = vector.shape_cast %get3A_198 : vector<1x16xf32> to vector<16xf32>
        %mul3A_200 = arith.mulf %get3A_199, %gather3A_66 : vector<16xf32>
        %mul3A_201 = arith.constant 16 : i32
        %mul3A_202 = arith.muli %add3A_60, %mul3A_201 : i32
        %add3A_203 = arith.constant 0 : i32
        %add3A_204 = arith.addi %mul3A_202, %add3A_203 : i32
        %swap3A_205 = arith.index_cast %add3A_204 : i32 to index
        %swap3A_206 = arith.constant 112 : index
        %swap3A_207 = tpu.vector_load %arg10[%swap3A_205, %swap3A_206] {strides = array<i32>} : memref<128x128xf32, #tpu.memory_space<vmem>>, vector<1x16xf32>,
        %swap3A_208 = vector.shape_cast %swap3A_207 : vector<1x16xf32> to vector<16xf32>
        %swap3A_209 = vector.shape_cast %mul3A_200 : vector<16xf32> to vector<1x16xf32>
        tpu.vector_store %arg10[%swap3A_205, %swap3A_206], %swap3A_209 {strides = array<i32>} : memref<128x128xf32, #tpu.memory_space<vmem>>, vector<1x16xf32>,
        %broadcast_in_dim3A_210 = arith.constant 1 : i32
        %broadcast_in_dim3A_211 = vector.broadcast %broadcast_in_dim3A_210 : i32 to vector<16x1xi32>
        %gather3A_212 = vector.shape_cast %broadcast_in_dim3A_211 : vector<16x1xi32> to vector<16xi32>
        %gather3A_213 = tpu.dynamic_gather %get3A_64[%gather3A_212] in [0] : vector<16xf32>, vector<16xi32> -> vector<16xf32>
        %mul3A_214 = arith.constant 16 : i32
        %mul3A_215 = arith.muli %add3A_60, %mul3A_214 : i32
        %add3A_216 = arith.constant 1 : i32
        %add3A_217 = arith.addi %mul3A_215, %add3A_216 : i32
        %get3A_218 = arith.index_cast %add3A_217 : i32 to index
        %get3A_219 = arith.constant 0 : index
        %get3A_220 = tpu.vector_load %arg10[%get3A_218, %get3A_219] {strides = array<i32>} : memref<128x128xf32, #tpu.memory_space<vmem>>, vector<1x16xf32>,
        %get3A_221 = vector.shape_cast %get3A_220 : vector<1x16xf32> to vector<16xf32>
        %mul3A_222 = arith.mulf %get3A_221, %gather3A_213 : vector<16xf32>
        %mul3A_223 = arith.constant 16 : i32
        %mul3A_224 = arith.muli %add3A_60, %mul3A_223 : i32
        %add3A_225 = arith.constant 1 : i32
        %add3A_226 = arith.addi %mul3A_224, %add3A_225 : i32
        %swap3A_227 = arith.index_cast %add3A_226 : i32 to index
        %swap3A_228 = arith.constant 0 : index
        %swap3A_229 = tpu.vector_load %arg10[%swap3A_227, %swap3A_228] {strides = array<i32>} : memref<128x128xf32, #tpu.memory_space<vmem>>, vector<1x16xf32>,
        %swap3A_230 = vector.shape_cast %swap3A_229 : vector<1x16xf32> to vector<16xf32>
        %swap3A_231 = vector.shape_cast %mul3A_222 : vector<16xf32> to vector<1x16xf32>
        tpu.vector_store %arg10[%swap3A_227, %swap3A_228], %swap3A_231 {strides = array<i32>} : memref<128x128xf32, #tpu.memory_space<vmem>>, vector<1x16xf32>,
        %mul3A_232 = arith.constant 16 : i32
        %mul3A_233 = arith.muli %add3A_60, %mul3A_232 : i32
        %add3A_234 = arith.constant 1 : i32
        %add3A_235 = arith.addi %mul3A_233, %add3A_234 : i32
        %get3A_236 = arith.index_cast %add3A_235 : i32 to index
        %get3A_237 = arith.constant 16 : index
        %get3A_238 = tpu.vector_load %arg10[%get3A_236, %get3A_237] {strides = array<i32>} : memref<128x128xf32, #tpu.memory_space<vmem>>, vector<1x16xf32>,
        %get3A_239 = vector.shape_cast %get3A_238 : vector<1x16xf32> to vector<16xf32>
        %mul3A_240 = arith.mulf %get3A_239, %gather3A_213 : vector<16xf32>
        %mul3A_241 = arith.constant 16 : i32
        %mul3A_242 = arith.muli %add3A_60, %mul3A_241 : i32
        %add3A_243 = arith.constant 1 : i32
        %add3A_244 = arith.addi %mul3A_242, %add3A_243 : i32
        %swap3A_245 = arith.index_cast %add3A_244 : i32 to index
        %swap3A_246 = arith.constant 16 : index
        %swap3A_247 = tpu.vector_load %arg10[%swap3A_245, %swap3A_246] {strides = array<i32>} : memref<128x128xf32, #tpu.memory_space<vmem>>, vector<1x16xf32>,
        %swap3A_248 = vector.shape_cast %swap3A_247 : vector<1x16xf32> to vector<16xf32>
        %swap3A_249 = vector.shape_cast %mul3A_240 : vector<16xf32> to vector<1x16xf32>
        tpu.vector_store %arg10[%swap3A_245, %swap3A_246], %swap3A_249 {strides = array<i32>} : memref<128x128xf32, #tpu.memory_space<vmem>>, vector<1x16xf32>,
        %mul3A_250 = arith.constant 16 : i32
        %mul3A_251 = arith.muli %add3A_60, %mul3A_250 : i32
        %add3A_252 = arith.constant 1 : i32
        %add3A_253 = arith.addi %mul3A_251, %add3A_252 : i32
        %get3A_254 = arith.index_cast %add3A_253 : i32 to index
        %get3A_255 = arith.constant 32 : index
        %get3A_256 = tpu.vector_load %arg10[%get3A_254, %get3A_255] {strides = array<i32>} : memref<128x128xf32, #tpu.memory_space<vmem>>, vector<1x16xf32>,
        %get3A_257 = vector.shape_cast %get3A_256 : vector<1x16xf32> to vector<16xf32>
        %mul3A_258 = arith.mulf %get3A_257, %gather3A_213 : vector<16xf32>
        %mul3A_259 = arith.constant 16 : i32
        %mul3A_260 = arith.muli %add3A_60, %mul3A_259 : i32
        %add3A_261 = arith.constant 1 : i32
        %add3A_262 = arith.addi %mul3A_260, %add3A_261 : i32
        %swap3A_263 = arith.index_cast %add3A_262 : i32 to index
        %swap3A_264 = arith.constant 32 : index
        %swap3A_265 = tpu.vector_load %arg10[%swap3A_263, %swap3A_264] {strides = array<i32>} : memref<128x128xf32, #tpu.memory_space<vmem>>, vector<1x16xf32>,
        %swap3A_266 = vector.shape_cast %swap3A_265 : vector<1x16xf32> to vector<16xf32>
        %swap3A_267 = vector.shape_cast %mul3A_258 : vector<16xf32> to vector<1x16xf32>
        tpu.vector_store %arg10[%swap3A_263, %swap3A_264], %swap3A_267 {strides = array<i32>} : memref<128x128xf32, #tpu.memory_space<vmem>>, vector<1x16xf32>,
        %mul3A_268 = arith.constant 16 : i32
        %mul3A_269 = arith.muli %add3A_60, %mul3A_268 : i32
        %add3A_270 = arith.constant 1 : i32
        %add3A_271 = arith.addi %mul3A_269, %add3A_270 : i32
        %get3A_272 = arith.index_cast %add3A_271 : i32 to index
        %get3A_273 = arith.constant 48 : index
        %get3A_274 = tpu.vector_load %arg10[%get3A_272, %get3A_273] {strides = array<i32>} : memref<128x128xf32, #tpu.memory_space<vmem>>, vector<1x16xf32>,
        %get3A_275 = vector.shape_cast %get3A_274 : vector<1x16xf32> to vector<16xf32>
        %mul3A_276 = arith.mulf %get3A_275, %gather3A_213 : vector<16xf32>
        %mul3A_277 = arith.constant 16 : i32
        %mul3A_278 = arith.muli %add3A_60, %mul3A_277 : i32
        %add3A_279 = arith.constant 1 : i32
        %add3A_280 = arith.addi %mul3A_278, %add3A_279 : i32
        %swap3A_281 = arith.index_cast %add3A_280 : i32 to index
        %swap3A_282 = arith.constant 48 : index
        %swap3A_283 = tpu.vector_load %arg10[%swap3A_281, %swap3A_282] {strides = array<i32>} : memref<128x128xf32, #tpu.memory_space<vmem>>, vector<1x16xf32>,
        %swap3A_284 = vector.shape_cast %swap3A_283 : vector<1x16xf32> to vector<16xf32>
        %swap3A_285 = vector.shape_cast %mul3A_276 : vector<16xf32> to vector<1x16xf32>
        tpu.vector_store %arg10[%swap3A_281, %swap3A_282], %swap3A_285 {strides = array<i32>} : memref<128x128xf32, #tpu.memory_space<vmem>>, vector<1x16xf32>,
        %mul3A_286 = arith.constant 16 : i32
        %mul3A_287 = arith.muli %add3A_60, %mul3A_286 : i32
        %add3A_288 = arith.constant 1 : i32
        %add3A_289 = arith.addi %mul3A_287, %add3A_288 : i32
        %get3A_290 = arith.index_cast %add3A_289 : i32 to index
        %get3A_291 = arith.constant 64 : index
        %get3A_292 = tpu.vector_load %arg10[%get3A_290, %get3A_291] {strides = array<i32>} : memref<128x128xf32, #tpu.memory_space<vmem>>, vector<1x16xf32>,
        %get3A_293 = vector.shape_cast %get3A_292 : vector<1x16xf32> to vector<16xf32>
        %mul3A_294 = arith.mulf %get3A_293, %gather3A_213 : vector<16xf32>
        %mul3A_295 = arith.constant 16 : i32
        %mul3A_296 = arith.muli %add3A_60, %mul3A_295 : i32
        %add3A_297 = arith.constant 1 : i32
        %add3A_298 = arith.addi %mul3A_296, %add3A_297 : i32
        %swap3A_299 = arith.index_cast %add3A_298 : i32 to index
        %swap3A_300 = arith.constant 64 : index
        %swap3A_301 = tpu.vector_load %arg10[%swap3A_299, %swap3A_300] {strides = array<i32>} : memref<128x128xf32, #tpu.memory_space<vmem>>, vector<1x16xf32>,
        %swap3A_302 = vector.shape_cast %swap3A_301 : vector<1x16xf32> to vector<16xf32>
        %swap3A_303 = vector.shape_cast %mul3A_294 : vector<16xf32> to vector<1x16xf32>
        tpu.vector_store %arg10[%swap3A_299, %swap3A_300], %swap3A_303 {strides = array<i32>} : memref<128x128xf32, #tpu.memory_space<vmem>>, vector<1x16xf32>,
        %mul3A_304 = arith.constant 16 : i32
        %mul3A_305 = arith.muli %add3A_60, %mul3A_304 : i32
        %add3A_306 = arith.constant 1 : i32
        %add3A_307 = arith.addi %mul3A_305, %add3A_306 : i32
        %get3A_308 = arith.index_cast %add3A_307 : i32 to index
        %get3A_309 = arith.constant 80 : index
        %get3A_310 = tpu.vector_load %arg10[%get3A_308, %get3A_309] {strides = array<i32>} : memref<128x128xf32, #tpu.memory_space<vmem>>, vector<1x16xf32>,
        %get3A_311 = vector.shape_cast %get3A_310 : vector<1x16xf32> to vector<16xf32>
        %mul3A_312 = arith.mulf %get3A_311, %gather3A_213 : vector<16xf32>
        %mul3A_313 = arith.constant 16 : i32
        %mul3A_314 = arith.muli %add3A_60, %mul3A_313 : i32
        %add3A_315 = arith.constant 1 : i32
        %add3A_316 = arith.addi %mul3A_314, %add3A_315 : i32
        %swap3A_317 = arith.index_cast %add3A_316 : i32 to index
        %swap3A_318 = arith.constant 80 : index
        %swap3A_319 = tpu.vector_load %arg10[%swap3A_317, %swap3A_318] {strides = array<i32>} : memref<128x128xf32, #tpu.memory_space<vmem>>, vector<1x16xf32>,
        %swap3A_320 = vector.shape_cast %swap3A_319 : vector<1x16xf32> to vector<16xf32>
        %swap3A_321 = vector.shape_cast %mul3A_312 : vector<16xf32> to vector<1x16xf32>
        tpu.vector_store %arg10[%swap3A_317, %swap3A_318], %swap3A_321 {strides = array<i32>} : memref<128x128xf32, #tpu.memory_space<vmem>>, vector<1x16xf32>,
        %mul3A_322 = arith.constant 16 : i32
        %mul3A_323 = arith.muli %add3A_60, %mul3A_322 : i32
        %add3A_324 = arith.constant 1 : i32
        %add3A_325 = arith.addi %mul3A_323, %add3A_324 : i32
        %get3A_326 = arith.index_cast %add3A_325 : i32 to index
        %get3A_327 = arith.constant 96 : index
        %get3A_328 = tpu.vector_load %arg10[%get3A_326, %get3A_327] {strides = array<i32>} : memref<128x128xf32, #tpu.memory_space<vmem>>, vector<1x16xf32>,
        %get3A_329 = vector.shape_cast %get3A_328 : vector<1x16xf32> to vector<16xf32>
        %mul3A_330 = arith.mulf %get3A_329, %gather3A_213 : vector<16xf32>
        %mul3A_331 = arith.constant 16 : i32
        %mul3A_332 = arith.muli %add3A_60, %mul3A_331 : i32
        %add3A_333 = arith.constant 1 : i32
        %add3A_334 = arith.addi %mul3A_332, %add3A_333 : i32
        %swap3A_335 = arith.index_cast %add3A_334 : i32 to index
        %swap3A_336 = arith.constant 96 : index
        %swap3A_337 = tpu.vector_load %arg10[%swap3A_335, %swap3A_336] {strides = array<i32>} : memref<128x128xf32, #tpu.memory_space<vmem>>, vector<1x16xf32>,
        %swap3A_338 = vector.shape_cast %swap3A_337 : vector<1x16xf32> to vector<16xf32>
        %swap3A_339 = vector.shape_cast %mul3A_330 : vector<16xf32> to vector<1x16xf32>
        tpu.vector_store %arg10[%swap3A_335, %swap3A_336], %swap3A_339 {strides = array<i32>} : memref<128x128xf32, #tpu.memory_space<vmem>>, vector<1x16xf32>,
        %mul3A_340 = arith.constant 16 : i32
        %mul3A_341 = arith.muli %add3A_60, %mul3A_340 : i32
        %add3A_342 = arith.constant 1 : i32
        %add3A_343 = arith.addi %mul3A_341, %add3A_342 : i32
        %get3A_344 = arith.index_cast %add3A_343 : i32 to index
        %get3A_345 = arith.constant 112 : index
        %get3A_346 = tpu.vector_load %arg10[%get3A_344, %get3A_345] {strides = array<i32>} : memref<128x128xf32, #tpu.memory_space<vmem>>, vector<1x16xf32>,
        %get3A_347 = vector.shape_cast %get3A_346 : vector<1x16xf32> to vector<16xf32>
        %mul3A_348 = arith.mulf %get3A_347, %gather3A_213 : vector<16xf32>
        %mul3A_349 = arith.constant 16 : i32
        %mul3A_350 = arith.muli %add3A_60, %mul3A_349 : i32
        %add3A_351 = arith.constant 1 : i32
        %add3A_352 = arith.addi %mul3A_350, %add3A_351 : i32
        %swap3A_353 = arith.index_cast %add3A_352 : i32 to index
        %swap3A_354 = arith.constant 112 : index
        %swap3A_355 = tpu.vector_load %arg10[%swap3A_353, %swap3A_354] {strides = array<i32>} : memref<128x128xf32, #tpu.memory_space<vmem>>, vector<1x16xf32>,
        %swap3A_356 = vector.shape_cast %swap3A_355 : vector<1x16xf32> to vector<16xf32>
        %swap3A_357 = vector.shape_cast %mul3A_348 : vector<16xf32> to vector<1x16xf32>
        tpu.vector_store %arg10[%swap3A_353, %swap3A_354], %swap3A_357 {strides = array<i32>} : memref<128x128xf32, #tpu.memory_space<vmem>>, vector<1x16xf32>,
        %broadcast_in_dim3A_358 = arith.constant 2 : i32
        %broadcast_in_dim3A_359 = vector.broadcast %broadcast_in_dim3A_358 : i32 to vector<16x1xi32>
        %gather3A_360 = vector.shape_cast %broadcast_in_dim3A_359 : vector<16x1xi32> to vector<16xi32>
        %gather3A_361 = tpu.dynamic_gather %get3A_64[%gather3A_360] in [0] : vector<16xf32>, vector<16xi32> -> vector<16xf32>
        %mul3A_362 = arith.constant 16 : i32
        %mul3A_363 = arith.muli %add3A_60, %mul3A_362 : i32
        %add3A_364 = arith.constant 2 : i32
        %add3A_365 = arith.addi %mul3A_363, %add3A_364 : i32
        %get3A_366 = arith.index_cast %add3A_365 : i32 to index
        %get3A_367 = arith.constant 0 : index
        %get3A_368 = tpu.vector_load %arg10[%get3A_366, %get3A_367] {strides = array<i32>} : memref<128x128xf32, #tpu.memory_space<vmem>>, vector<1x16xf32>,
        %get3A_369 = vector.shape_cast %get3A_368 : vector<1x16xf32> to vector<16xf32>
        %mul3A_370 = arith.mulf %get3A_369, %gather3A_361 : vector<16xf32>
        %mul3A_371 = arith.constant 16 : i32
        %mul3A_372 = arith.muli %add3A_60, %mul3A_371 : i32
        %add3A_373 = arith.constant 2 : i32
        %add3A_374 = arith.addi %mul3A_372, %add3A_373 : i32
        %swap3A_375 = arith.index_cast %add3A_374 : i32 to index
        %swap3A_376 = arith.constant 0 : index
        %swap3A_377 = tpu.vector_load %arg10[%swap3A_375, %swap3A_376] {strides = array<i32>} : memref<128x128xf32, #tpu.memory_space<vmem>>, vector<1x16xf32>,
        %swap3A_378 = vector.shape_cast %swap3A_377 : vector<1x16xf32> to vector<16xf32>
        %swap3A_379 = vector.shape_cast %mul3A_370 : vector<16xf32> to vector<1x16xf32>
        tpu.vector_store %arg10[%swap3A_375, %swap3A_376], %swap3A_379 {strides = array<i32>} : memref<128x128xf32, #tpu.memory_space<vmem>>, vector<1x16xf32>,
        %mul3A_380 = arith.constant 16 : i32
        %mul3A_381 = arith.muli %add3A_60, %mul3A_380 : i32
        %add3A_382 = arith.constant 2 : i32
        %add3A_383 = arith.addi %mul3A_381, %add3A_382 : i32
        %get3A_384 = arith.index_cast %add3A_383 : i32 to index
        %get3A_385 = arith.constant 16 : index
        %get3A_386 = tpu.vector_load %arg10[%get3A_384, %get3A_385] {strides = array<i32>} : memref<128x128xf32, #tpu.memory_space<vmem>>, vector<1x16xf32>,
        %get3A_387 = vector.shape_cast %get3A_386 : vector<1x16xf32> to vector<16xf32>
        %mul3A_388 = arith.mulf %get3A_387, %gather3A_361 : vector<16xf32>
        %mul3A_389 = arith.constant 16 : i32
        %mul3A_390 = arith.muli %add3A_60, %mul3A_389 : i32
        %add3A_391 = arith.constant 2 : i32
        %add3A_392 = arith.addi %mul3A_390, %add3A_391 : i32
        %swap3A_393 = arith.index_cast %add3A_392 : i32 to index
        %swap3A_394 = arith.constant 16 : index
        %swap3A_395 = tpu.vector_load %arg10[%swap3A_393, %swap3A_394] {strides = array<i32>} : memref<128x128xf32, #tpu.memory_space<vmem>>, vector<1x16xf32>,
        %swap3A_396 = vector.shape_cast %swap3A_395 : vector<1x16xf32> to vector<16xf32>
        %swap3A_397 = vector.shape_cast %mul3A_388 : vector<16xf32> to vector<1x16xf32>
        tpu.vector_store %arg10[%swap3A_393, %swap3A_394], %swap3A_397 {strides = array<i32>} : memref<128x128xf32, #tpu.memory_space<vmem>>, vector<1x16xf32>,
        %mul3A_398 = arith.constant 16 : i32
        %mul3A_399 = arith.muli %add3A_60, %mul3A_398 : i32
        %add3A_400 = arith.constant 2 : i32
        %add3A_401 = arith.addi %mul3A_399, %add3A_400 : i32
        %get3A_402 = arith.index_cast %add3A_401 : i32 to index
        %get3A_403 = arith.constant 32 : index
        %get3A_404 = tpu.vector_load %arg10[%get3A_402, %get3A_403] {strides = array<i32>} : memref<128x128xf32, #tpu.memory_space<vmem>>, vector<1x16xf32>,
        %get3A_405 = vector.shape_cast %get3A_404 : vector<1x16xf32> to vector<16xf32>
        %mul3A_406 = arith.mulf %get3A_405, %gather3A_361 : vector<16xf32>
        %mul3A_407 = arith.constant 16 : i32
        %mul3A_408 = arith.muli %add3A_60, %mul3A_407 : i32
        %add3A_409 = arith.constant 2 : i32
        %add3A_410 = arith.addi %mul3A_408, %add3A_409 : i32
        %swap3A_411 = arith.index_cast %add3A_410 : i32 to index
        %swap3A_412 = arith.constant 32 : index
        %swap3A_413 = tpu.vector_load %arg10[%swap3A_411, %swap3A_412] {strides = array<i32>} : memref<128x128xf32, #tpu.memory_space<vmem>>, vector<1x16xf32>,
        %swap3A_414 = vector.shape_cast %swap3A_413 : vector<1x16xf32> to vector<16xf32>
        %swap3A_415 = vector.shape_cast %mul3A_406 : vector<16xf32> to vector<1x16xf32>
        tpu.vector_store %arg10[%swap3A_411, %swap3A_412], %swap3A_415 {strides = array<i32>} : memref<128x128xf32, #tpu.memory_space<vmem>>, vector<1x16xf32>,
        %mul3A_416 = arith.constant 16 : i32
        %mul3A_417 = arith.muli %add3A_60, %mul3A_416 : i32
        %add3A_418 = arith.constant 2 : i32
        %add3A_419 = arith.addi %mul3A_417, %add3A_418 : i32
        %get3A_420 = arith.index_cast %add3A_419 : i32 to index
        %get3A_421 = arith.constant 48 : index
        %get3A_422 = tpu.vector_load %arg10[%get3A_420, %get3A_421] {strides = array<i32>} : memref<128x128xf32, #tpu.memory_space<vmem>>, vector<1x16xf32>,
        %get3A_423 = vector.shape_cast %get3A_422 : vector<1x16xf32> to vector<16xf32>
        %mul3A_424 = arith.mulf %get3A_423, %gather3A_361 : vector<16xf32>
        %mul3A_425 = arith.constant 16 : i32
        %mul3A_426 = arith.muli %add3A_60, %mul3A_425 : i32
        %add3A_427 = arith.constant 2 : i32
        %add3A_428 = arith.addi %mul3A_426, %add3A_427 : i32
        %swap3A_429 = arith.index_cast %add3A_428 : i32 to index
        %swap3A_430 = arith.constant 48 : index
        %swap3A_431 = tpu.vector_load %arg10[%swap3A_429, %swap3A_430] {strides = array<i32>} : memref<128x128xf32, #tpu.memory_space<vmem>>, vector<1x16xf32>,
        %swap3A_432 = vector.shape_cast %swap3A_431 : vector<1x16xf32> to vector<16xf32>
        %swap3A_433 = vector.shape_cast %mul3A_424 : vector<16xf32> to vector<1x16xf32>
        tpu.vector_store %arg10[%swap3A_429, %swap3A_430], %swap3A_433 {strides = array<i32>} : memref<128x128xf32, #tpu.memory_space<vmem>>, vector<1x16xf32>,
        %mul3A_434 = arith.constant 16 : i32
        %mul3A_435 = arith.muli %add3A_60, %mul3A_434 : i32
        %add3A_436 = arith.constant 2 : i32
        %add3A_437 = arith.addi %mul3A_435, %add3A_436 : i32
        %get3A_438 = arith.index_cast %add3A_437 : i32 to index
        %get3A_439 = arith.constant 64 : index
        %get3A_440 = tpu.vector_load %arg10[%get3A_438, %get3A_439] {strides = array<i32>} : memref<128x128xf32, #tpu.memory_space<vmem>>, vector<1x16xf32>,
        %get3A_441 = vector.shape_cast %get3A_440 : vector<1x16xf32> to vector<16xf32>
        %mul3A_442 = arith.mulf %get3A_441, %gather3A_361 : vector<16xf32>
        %mul3A_443 = arith.constant 16 : i32
        %mul3A_444 = arith.muli %add3A_60, %mul3A_443 : i32
        %add3A_445 = arith.constant 2 : i32
        %add3A_446 = arith.addi %mul3A_444, %add3A_445 : i32
        %swap3A_447 = arith.index_cast %add3A_446 : i32 to index
        %swap3A_448 = arith.constant 64 : index
        %swap3A_449 = tpu.vector_load %arg10[%swap3A_447, %swap3A_448] {strides = array<i32>} : memref<128x128xf32, #tpu.memory_space<vmem>>, vector<1x16xf32>,
        %swap3A_450 = vector.shape_cast %swap3A_449 : vector<1x16xf32> to vector<16xf32>
        %swap3A_451 = vector.shape_cast %mul3A_442 : vector<16xf32> to vector<1x16xf32>
        tpu.vector_store %arg10[%swap3A_447, %swap3A_448], %swap3A_451 {strides = array<i32>} : memref<128x128xf32, #tpu.memory_space<vmem>>, vector<1x16xf32>,
        %mul3A_452 = arith.constant 16 : i32
        %mul3A_453 = arith.muli %add3A_60, %mul3A_452 : i32
        %add3A_454 = arith.constant 2 : i32
        %add3A_455 = arith.addi %mul3A_453, %add3A_454 : i32
        %get3A_456 = arith.index_cast %add3A_455 : i32 to index
        %get3A_457 = arith.constant 80 : index
        %get3A_458 = tpu.vector_load %arg10[%get3A_456, %get3A_457] {strides = array<i32>} : memref<128x128xf32, #tpu.memory_space<vmem>>, vector<1x16xf32>,
        %get3A_459 = vector.shape_cast %get3A_458 : vector<1x16xf32> to vector<16xf32>
        %mul3A_460 = arith.mulf %get3A_459, %gather3A_361 : vector<16xf32>
        %mul3A_461 = arith.constant 16 : i32
        %mul3A_462 = arith.muli %add3A_60, %mul3A_461 : i32
        %add3A_463 = arith.constant 2 : i32
        %add3A_464 = arith.addi %mul3A_462, %add3A_463 : i32
        %swap3A_465 = arith.index_cast %add3A_464 : i32 to index
        %swap3A_466 = arith.constant 80 : index
        %swap3A_467 = tpu.vector_load %arg10[%swap3A_465, %swap3A_466] {strides = array<i32>} : memref<128x128xf32, #tpu.memory_space<vmem>>, vector<1x16xf32>,
        %swap3A_468 = vector.shape_cast %swap3A_467 : vector<1x16xf32> to vector<16xf32>
        %swap3A_469 = vector.shape_cast %mul3A_460 : vector<16xf32> to vector<1x16xf32>
        tpu.vector_store %arg10[%swap3A_465, %swap3A_466], %swap3A_469 {strides = array<i32>} : memref<128x128xf32, #tpu.memory_space<vmem>>, vector<1x16xf32>,
        %mul3A_470 = arith.constant 16 : i32
        %mul3A_471 = arith.muli %add3A_60, %mul3A_470 : i32
        %add3A_472 = arith.constant 2 : i32
        %add3A_473 = arith.addi %mul3A_471, %add3A_472 : i32
        %get3A_474 = arith.index_cast %add3A_473 : i32 to index
        %get3A_475 = arith.constant 96 : index
        %get3A_476 = tpu.vector_load %arg10[%get3A_474, %get3A_475] {strides = array<i32>} : memref<128x128xf32, #tpu.memory_space<vmem>>, vector<1x16xf32>,
        %get3A_477 = vector.shape_cast %get3A_476 : vector<1x16xf32> to vector<16xf32>
        %mul3A_478 = arith.mulf %get3A_477, %gather3A_361 : vector<16xf32>
        %mul3A_479 = arith.constant 16 : i32
        %mul3A_480 = arith.muli %add3A_60, %mul3A_479 : i32
        %add3A_481 = arith.constant 2 : i32
        %add3A_482 = arith.addi %mul3A_480, %add3A_481 : i32
        %swap3A_483 = arith.index_cast %add3A_482 : i32 to index
        %swap3A_484 = arith.constant 96 : index
        %swap3A_485 = tpu.vector_load %arg10[%swap3A_483, %swap3A_484] {strides = array<i32>} : memref<128x128xf32, #tpu.memory_space<vmem>>, vector<1x16xf32>,
        %swap3A_486 = vector.shape_cast %swap3A_485 : vector<1x16xf32> to vector<16xf32>
        %swap3A_487 = vector.shape_cast %mul3A_478 : vector<16xf32> to vector<1x16xf32>
        tpu.vector_store %arg10[%swap3A_483, %swap3A_484], %swap3A_487 {strides = array<i32>} : memref<128x128xf32, #tpu.memory_space<vmem>>, vector<1x16xf32>,
        %mul3A_488 = arith.constant 16 : i32
        %mul3A_489 = arith.muli %add3A_60, %mul3A_488 : i32
        %add3A_490 = arith.constant 2 : i32
        %add3A_491 = arith.addi %mul3A_489, %add3A_490 : i32
        %get3A_492 = arith.index_cast %add3A_491 : i32 to index
        %get3A_493 = arith.constant 112 : index
        %get3A_494 = tpu.vector_load %arg10[%get3A_492, %get3A_493] {strides = array<i32>} : memref<128x128xf32, #tpu.memory_space<vmem>>, vector<1x16xf32>,
        %get3A_495 = vector.shape_cast %get3A_494 : vector<1x16xf32> to vector<16xf32>
        %mul3A_496 = arith.mulf %get3A_495, %gather3A_361 : vector<16xf32>
        %mul3A_497 = arith.constant 16 : i32
        %mul3A_498 = arith.muli %add3A_60, %mul3A_497 : i32
        %add3A_499 = arith.constant 2 : i32
        %add3A_500 = arith.addi %mul3A_498, %add3A_499 : i32
        %swap3A_501 = arith.index_cast %add3A_500 : i32 to index
        %swap3A_502 = arith.constant 112 : index
        %swap3A_503 = tpu.vector_load %arg10[%swap3A_501, %swap3A_502] {strides = array<i32>} : memref<128x128xf32, #tpu.memory_space<vmem>>, vector<1x16xf32>,
        %swap3A_504 = vector.shape_cast %swap3A_503 : vector<1x16xf32> to vector<16xf32>
        %swap3A_505 = vector.shape_cast %mul3A_496 : vector<16xf32> to vector<1x16xf32>
        tpu.vector_store %arg10[%swap3A_501, %swap3A_502], %swap3A_505 {strides = array<i32>} : memref<128x128xf32, #tpu.memory_space<vmem>>, vector<1x16xf32>,
        %broadcast_in_dim3A_506 = arith.constant 3 : i32
        %broadcast_in_dim3A_507 = vector.broadcast %broadcast_in_dim3A_506 : i32 to vector<16x1xi32>
        %gather3A_508 = vector.shape_cast %broadcast_in_dim3A_507 : vector<16x1xi32> to vector<16xi32>
        %gather3A_509 = tpu.dynamic_gather %get3A_64[%gather3A_508] in [0] : vector<16xf32>, vector<16xi32> -> vector<16xf32>
        %mul3A_510 = arith.constant 16 : i32
        %mul3A_511 = arith.muli %add3A_60, %mul3A_510 : i32
        %add3A_512 = arith.constant 3 : i32
        %add3A_513 = arith.addi %mul3A_511, %add3A_512 : i32
        %get3A_514 = arith.index_cast %add3A_513 : i32 to index
        %get3A_515 = arith.constant 0 : index
        %get3A_516 = tpu.vector_load %arg10[%get3A_514, %get3A_515] {strides = array<i32>} : memref<128x128xf32, #tpu.memory_space<vmem>>, vector<1x16xf32>,
        %get3A_517 = vector.shape_cast %get3A_516 : vector<1x16xf32> to vector<16xf32>
        %mul3A_518 = arith.mulf %get3A_517, %gather3A_509 : vector<16xf32>
        %mul3A_519 = arith.constant 16 : i32
        %mul3A_520 = arith.muli %add3A_60, %mul3A_519 : i32
        %add3A_521 = arith.constant 3 : i32
        %add3A_522 = arith.addi %mul3A_520, %add3A_521 : i32
        %swap3A_523 = arith.index_cast %add3A_522 : i32 to index
        %swap3A_524 = arith.constant 0 : index
        %swap3A_525 = tpu.vector_load %arg10[%swap3A_523, %swap3A_524] {strides = array<i32>} : memref<128x128xf32, #tpu.memory_space<vmem>>, vector<1x16xf32>,
        %swap3A_526 = vector.shape_cast %swap3A_525 : vector<1x16xf32> to vector<16xf32>
        %swap3A_527 = vector.shape_cast %mul3A_518 : vector<16xf32> to vector<1x16xf32>
        tpu.vector_store %arg10[%swap3A_523, %swap3A_524], %swap3A_527 {strides = array<i32>} : memref<128x128xf32, #tpu.memory_space<vmem>>, vector<1x16xf32>,
        %mul3A_528 = arith.constant 16 : i32
        %mul3A_529 = arith.muli %add3A_60, %mul3A_528 : i32
        %add3A_530 = arith.constant 3 : i32
        %add3A_531 = arith.addi %mul3A_529, %add3A_530 : i32
        %get3A_532 = arith.index_cast %add3A_531 : i32 to index
        %get3A_533 = arith.constant 16 : index
        %get3A_534 = tpu.vector_load %arg10[%get3A_532, %get3A_533] {strides = array<i32>} : memref<128x128xf32, #tpu.memory_space<vmem>>, vector<1x16xf32>,
        %get3A_535 = vector.shape_cast %get3A_534 : vector<1x16xf32> to vector<16xf32>
        %mul3A_536 = arith.mulf %get3A_535, %gather3A_509 : vector<16xf32>
        %mul3A_537 = arith.constant 16 : i32
        %mul3A_538 = arith.muli %add3A_60, %mul3A_537 : i32
        %add3A_539 = arith.constant 3 : i32
        %add3A_540 = arith.addi %mul3A_538, %add3A_539 : i32
        %swap3A_541 = arith.index_cast %add3A_540 : i32 to index
        %swap3A_542 = arith.constant 16 : index
        %swap3A_543 = tpu.vector_load %arg10[%swap3A_541, %swap3A_542] {strides = array<i32>} : memref<128x128xf32, #tpu.memory_space<vmem>>, vector<1x16xf32>,
        %swap3A_544 = vector.shape_cast %swap3A_543 : vector<1x16xf32> to vector<16xf32>
        %swap3A_545 = vector.shape_cast %mul3A_536 : vector<16xf32> to vector<1x16xf32>
        tpu.vector_store %arg10[%swap3A_541, %swap3A_542], %swap3A_545 {strides = array<i32>} : memref<128x128xf32, #tpu.memory_space<vmem>>, vector<1x16xf32>,
        %mul3A_546 = arith.constant 16 : i32
        %mul3A_547 = arith.muli %add3A_60, %mul3A_546 : i32
        %add3A_548 = arith.constant 3 : i32
        %add3A_549 = arith.addi %mul3A_547, %add3A_548 : i32
        %get3A_550 = arith.index_cast %add3A_549 : i32 to index
        %get3A_551 = arith.constant 32 : index
        %get3A_552 = tpu.vector_load %arg10[%get3A_550, %get3A_551] {strides = array<i32>} : memref<128x128xf32, #tpu.memory_space<vmem>>, vector<1x16xf32>,
        %get3A_553 = vector.shape_cast %get3A_552 : vector<1x16xf32> to vector<16xf32>
        %mul3A_554 = arith.mulf %get3A_553, %gather3A_509 : vector<16xf32>
        %mul3A_555 = arith.constant 16 : i32
        %mul3A_556 = arith.muli %add3A_60, %mul3A_555 : i32
        %add3A_557 = arith.constant 3 : i32
        %add3A_558 = arith.addi %mul3A_556, %add3A_557 : i32
        %swap3A_559 = arith.index_cast %add3A_558 : i32 to index
        %swap3A_560 = arith.constant 32 : index
        %swap3A_561 = tpu.vector_load %arg10[%swap3A_559, %swap3A_560] {strides = array<i32>} : memref<128x128xf32, #tpu.memory_space<vmem>>, vector<1x16xf32>,
        %swap3A_562 = vector.shape_cast %swap3A_561 : vector<1x16xf32> to vector<16xf32>
        %swap3A_563 = vector.shape_cast %mul3A_554 : vector<16xf32> to vector<1x16xf32>
        tpu.vector_store %arg10[%swap3A_559, %swap3A_560], %swap3A_563 {strides = array<i32>} : memref<128x128xf32, #tpu.memory_space<vmem>>, vector<1x16xf32>,
        %mul3A_564 = arith.constant 16 : i32
        %mul3A_565 = arith.muli %add3A_60, %mul3A_564 : i32
        %add3A_566 = arith.constant 3 : i32
        %add3A_567 = arith.addi %mul3A_565, %add3A_566 : i32
        %get3A_568 = arith.index_cast %add3A_567 : i32 to index
        %get3A_569 = arith.constant 48 : index
        %get3A_570 = tpu.vector_load %arg10[%get3A_568, %get3A_569] {strides = array<i32>} : memref<128x128xf32, #tpu.memory_space<vmem>>, vector<1x16xf32>,
        %get3A_571 = vector.shape_cast %get3A_570 : vector<1x16xf32> to vector<16xf32>
        %mul3A_572 = arith.mulf %get3A_571, %gather3A_509 : vector<16xf32>
        %mul3A_573 = arith.constant 16 : i32
        %mul3A_574 = arith.muli %add3A_60, %mul3A_573 : i32
        %add3A_575 = arith.constant 3 : i32
        %add3A_576 = arith.addi %mul3A_574, %add3A_575 : i32
        %swap3A_577 = arith.index_cast %add3A_576 : i32 to index
        %swap3A_578 = arith.constant 48 : index
        %swap3A_579 = tpu.vector_load %arg10[%swap3A_577, %swap3A_578] {strides = array<i32>} : memref<128x128xf32, #tpu.memory_space<vmem>>, vector<1x16xf32>,
        %swap3A_580 = vector.shape_cast %swap3A_579 : vector<1x16xf32> to vector<16xf32>
        %swap3A_581 = vector.shape_cast %mul3A_572 : vector<16xf32> to vector<1x16xf32>
        tpu.vector_store %arg10[%swap3A_577, %swap3A_578], %swap3A_581 {strides = array<i32>} : memref<128x128xf32, #tpu.memory_space<vmem>>, vector<1x16xf32>,
        %mul3A_582 = arith.constant 16 : i32
        %mul3A_583 = arith.muli %add3A_60, %mul3A_582 : i32
        %add3A_584 = arith.constant 3 : i32
        %add3A_585 = arith.addi %mul3A_583, %add3A_584 : i32
        %get3A_586 = arith.index_cast %add3A_585 : i32 to index
        %get3A_587 = arith.constant 64 : index
        %get3A_588 = tpu.vector_load %arg10[%get3A_586, %get3A_587] {strides = array<i32>} : memref<128x128xf32, #tpu.memory_space<vmem>>, vector<1x16xf32>,
        %get3A_589 = vector.shape_cast %get3A_588 : vector<1x16xf32> to vector<16xf32>
        %mul3A_590 = arith.mulf %get3A_589, %gather3A_509 : vector<16xf32>
        %mul3A_591 = arith.constant 16 : i32
        %mul3A_592 = arith.muli %add3A_60, %mul3A_591 : i32
        %add3A_593 = arith.constant 3 : i32
        %add3A_594 = arith.addi %mul3A_592, %add3A_593 : i32
        %swap3A_595 = arith.index_cast %add3A_594 : i32 to index
        %swap3A_596 = arith.constant 64 : index
        %swap3A_597 = tpu.vector_load %arg10[%swap3A_595, %swap3A_596] {strides = array<i32>} : memref<128x128xf32, #tpu.memory_space<vmem>>, vector<1x16xf32>,
        %swap3A_598 = vector.shape_cast %swap3A_597 : vector<1x16xf32> to vector<16xf32>
        %swap3A_599 = vector.shape_cast %mul3A_590 : vector<16xf32> to vector<1x16xf32>
        tpu.vector_store %arg10[%swap3A_595, %swap3A_596], %swap3A_599 {strides = array<i32>} : memref<128x128xf32, #tpu.memory_space<vmem>>, vector<1x16xf32>,
        %mul3A_600 = arith.constant 16 : i32
        %mul3A_601 = arith.muli %add3A_60, %mul3A_600 : i32
        %add3A_602 = arith.constant 3 : i32
        %add3A_603 = arith.addi %mul3A_601, %add3A_602 : i32
        %get3A_604 = arith.index_cast %add3A_603 : i32 to index
        %get3A_605 = arith.constant 80 : index
        %get3A_606 = tpu.vector_load %arg10[%get3A_604, %get3A_605] {strides = array<i32>} : memref<128x128xf32, #tpu.memory_space<vmem>>, vector<1x16xf32>,
        %get3A_607 = vector.shape_cast %get3A_606 : vector<1x16xf32> to vector<16xf32>
        %mul3A_608 = arith.mulf %get3A_607, %gather3A_509 : vector<16xf32>
        %mul3A_609 = arith.constant 16 : i32
        %mul3A_610 = arith.muli %add3A_60, %mul3A_609 : i32
        %add3A_611 = arith.constant 3 : i32
        %add3A_612 = arith.addi %mul3A_610, %add3A_611 : i32
        %swap3A_613 = arith.index_cast %add3A_612 : i32 to index
        %swap3A_614 = arith.constant 80 : index
        %swap3A_615 = tpu.vector_load %arg10[%swap3A_613, %swap3A_614] {strides = array<i32>} : memref<128x128xf32, #tpu.memory_space<vmem>>, vector<1x16xf32>,
        %swap3A_616 = vector.shape_cast %swap3A_615 : vector<1x16xf32> to vector<16xf32>
        %swap3A_617 = vector.shape_cast %mul3A_608 : vector<16xf32> to vector<1x16xf32>
        tpu.vector_store %arg10[%swap3A_613, %swap3A_614], %swap3A_617 {strides = array<i32>} : memref<128x128xf32, #tpu.memory_space<vmem>>, vector<1x16xf32>,
        %mul3A_618 = arith.constant 16 : i32
        %mul3A_619 = arith.muli %add3A_60, %mul3A_618 : i32
        %add3A_620 = arith.constant 3 : i32
        %add3A_621 = arith.addi %mul3A_619, %add3A_620 : i32
        %get3A_622 = arith.index_cast %add3A_621 : i32 to index
        %get3A_623 = arith.constant 96 : index
        %get3A_624 = tpu.vector_load %arg10[%get3A_622, %get3A_623] {strides = array<i32>} : memref<128x128xf32, #tpu.memory_space<vmem>>, vector<1x16xf32>,
        %get3A_625 = vector.shape_cast %get3A_624 : vector<1x16xf32> to vector<16xf32>
        %mul3A_626 = arith.mulf %get3A_625, %gather3A_509 : vector<16xf32>
        %mul3A_627 = arith.constant 16 : i32
        %mul3A_628 = arith.muli %add3A_60, %mul3A_627 : i32
        %add3A_629 = arith.constant 3 : i32
        %add3A_630 = arith.addi %mul3A_628, %add3A_629 : i32
        %swap3A_631 = arith.index_cast %add3A_630 : i32 to index
        %swap3A_632 = arith.constant 96 : index
        %swap3A_633 = tpu.vector_load %arg10[%swap3A_631, %swap3A_632] {strides = array<i32>} : memref<128x128xf32, #tpu.memory_space<vmem>>, vector<1x16xf32>,
        %swap3A_634 = vector.shape_cast %swap3A_633 : vector<1x16xf32> to vector<16xf32>
        %swap3A_635 = vector.shape_cast %mul3A_626 : vector<16xf32> to vector<1x16xf32>
        tpu.vector_store %arg10[%swap3A_631, %swap3A_632], %swap3A_635 {strides = array<i32>} : memref<128x128xf32, #tpu.memory_space<vmem>>, vector<1x16xf32>,
        %mul3A_636 = arith.constant 16 : i32
        %mul3A_637 = arith.muli %add3A_60, %mul3A_636 : i32
        %add3A_638 = arith.constant 3 : i32
        %add3A_639 = arith.addi %mul3A_637, %add3A_638 : i32
        %get3A_640 = arith.index_cast %add3A_639 : i32 to index
        %get3A_641 = arith.constant 112 : index
        %get3A_642 = tpu.vector_load %arg10[%get3A_640, %get3A_641] {strides = array<i32>} : memref<128x128xf32, #tpu.memory_space<vmem>>, vector<1x16xf32>,
        %get3A_643 = vector.shape_cast %get3A_642 : vector<1x16xf32> to vector<16xf32>
        %mul3A_644 = arith.mulf %get3A_643, %gather3A_509 : vector<16xf32>
        %mul3A_645 = arith.constant 16 : i32
        %mul3A_646 = arith.muli %add3A_60, %mul3A_645 : i32
        %add3A_647 = arith.constant 3 : i32
        %add3A_648 = arith.addi %mul3A_646, %add3A_647 : i32
        %swap3A_649 = arith.index_cast %add3A_648 : i32 to index
        %swap3A_650 = arith.constant 112 : index
        %swap3A_651 = tpu.vector_load %arg10[%swap3A_649, %swap3A_650] {strides = array<i32>} : memref<128x128xf32, #tpu.memory_space<vmem>>, vector<1x16xf32>,
        %swap3A_652 = vector.shape_cast %swap3A_651 : vector<1x16xf32> to vector<16xf32>
        %swap3A_653 = vector.shape_cast %mul3A_644 : vector<16xf32> to vector<1x16xf32>
        tpu.vector_store %arg10[%swap3A_649, %swap3A_650], %swap3A_653 {strides = array<i32>} : memref<128x128xf32, #tpu.memory_space<vmem>>, vector<1x16xf32>,
        %broadcast_in_dim3A_654 = arith.constant 4 : i32
        %broadcast_in_dim3A_655 = vector.broadcast %broadcast_in_dim3A_654 : i32 to vector<16x1xi32>
        %gather3A_656 = vector.shape_cast %broadcast_in_dim3A_655 : vector<16x1xi32> to vector<16xi32>
        %gather3A_657 = tpu.dynamic_gather %get3A_64[%gather3A_656] in [0] : vector<16xf32>, vector<16xi32> -> vector<16xf32>
        %mul3A_658 = arith.constant 16 : i32
        %mul3A_659 = arith.muli %add3A_60, %mul3A_658 : i32
        %add3A_660 = arith.constant 4 : i32
        %add3A_661 = arith.addi %mul3A_659, %add3A_660 : i32
        %get3A_662 = arith.index_cast %add3A_661 : i32 to index
        %get3A_663 = arith.constant 0 : index
        %get3A_664 = tpu.vector_load %arg10[%get3A_662, %get3A_663] {strides = array<i32>} : memref<128x128xf32, #tpu.memory_space<vmem>>, vector<1x16xf32>,
        %get3A_665 = vector.shape_cast %get3A_664 : vector<1x16xf32> to vector<16xf32>
        %mul3A_666 = arith.mulf %get3A_665, %gather3A_657 : vector<16xf32>
        %mul3A_667 = arith.constant 16 : i32
        %mul3A_668 = arith.muli %add3A_60, %mul3A_667 : i32
        %add3A_669 = arith.constant 4 : i32
        %add3A_670 = arith.addi %mul3A_668, %add3A_669 : i32
        %swap3A_671 = arith.index_cast %add3A_670 : i32 to index
        %swap3A_672 = arith.constant 0 : index
        %swap3A_673 = tpu.vector_load %arg10[%swap3A_671, %swap3A_672] {strides = array<i32>} : memref<128x128xf32, #tpu.memory_space<vmem>>, vector<1x16xf32>,
        %swap3A_674 = vector.shape_cast %swap3A_673 : vector<1x16xf32> to vector<16xf32>
        %swap3A_675 = vector.shape_cast %mul3A_666 : vector<16xf32> to vector<1x16xf32>
        tpu.vector_store %arg10[%swap3A_671, %swap3A_672], %swap3A_675 {strides = array<i32>} : memref<128x128xf32, #tpu.memory_space<vmem>>, vector<1x16xf32>,
        %mul3A_676 = arith.constant 16 : i32
        %mul3A_677 = arith.muli %add3A_60, %mul3A_676 : i32
        %add3A_678 = arith.constant 4 : i32
        %add3A_679 = arith.addi %mul3A_677, %add3A_678 : i32
        %get3A_680 = arith.index_cast %add3A_679 : i32 to index
        %get3A_681 = arith.constant 16 : index
        %get3A_682 = tpu.vector_load %arg10[%get3A_680, %get3A_681] {strides = array<i32>} : memref<128x128xf32, #tpu.memory_space<vmem>>, vector<1x16xf32>,
        %get3A_683 = vector.shape_cast %get3A_682 : vector<1x16xf32> to vector<16xf32>
        %mul3A_684 = arith.mulf %get3A_683, %gather3A_657 : vector<16xf32>
        %mul3A_685 = arith.constant 16 : i32
        %mul3A_686 = arith.muli %add3A_60, %mul3A_685 : i32
        %add3A_687 = arith.constant 4 : i32
        %add3A_688 = arith.addi %mul3A_686, %add3A_687 : i32
        %swap3A_689 = arith.index_cast %add3A_688 : i32 to index
        %swap3A_690 = arith.constant 16 : index
        %swap3A_691 = tpu.vector_load %arg10[%swap3A_689, %swap3A_690] {strides = array<i32>} : memref<128x128xf32, #tpu.memory_space<vmem>>, vector<1x16xf32>,
        %swap3A_692 = vector.shape_cast %swap3A_691 : vector<1x16xf32> to vector<16xf32>
        %swap3A_693 = vector.shape_cast %mul3A_684 : vector<16xf32> to vector<1x16xf32>
        tpu.vector_store %arg10[%swap3A_689, %swap3A_690], %swap3A_693 {strides = array<i32>} : memref<128x128xf32, #tpu.memory_space<vmem>>, vector<1x16xf32>,
        %mul3A_694 = arith.constant 16 : i32
        %mul3A_695 = arith.muli %add3A_60, %mul3A_694 : i32
        %add3A_696 = arith.constant 4 : i32
        %add3A_697 = arith.addi %mul3A_695, %add3A_696 : i32
        %get3A_698 = arith.index_cast %add3A_697 : i32 to index
        %get3A_699 = arith.constant 32 : index
        %get3A_700 = tpu.vector_load %arg10[%get3A_698, %get3A_699] {strides = array<i32>} : memref<128x128xf32, #tpu.memory_space<vmem>>, vector<1x16xf32>,
        %get3A_701 = vector.shape_cast %get3A_700 : vector<1x16xf32> to vector<16xf32>
        %mul3A_702 = arith.mulf %get3A_701, %gather3A_657 : vector<16xf32>
        %mul3A_703 = arith.constant 16 : i32
        %mul3A_704 = arith.muli %add3A_60, %mul3A_703 : i32
        %add3A_705 = arith.constant 4 : i32
        %add3A_706 = arith.addi %mul3A_704, %add3A_705 : i32
        %swap3A_707 = arith.index_cast %add3A_706 : i32 to index
        %swap3A_708 = arith.constant 32 : index
        %swap3A_709 = tpu.vector_load %arg10[%swap3A_707, %swap3A_708] {strides = array<i32>} : memref<128x128xf32, #tpu.memory_space<vmem>>, vector<1x16xf32>,
        %swap3A_710 = vector.shape_cast %swap3A_709 : vector<1x16xf32> to vector<16xf32>
        %swap3A_711 = vector.shape_cast %mul3A_702 : vector<16xf32> to vector<1x16xf32>
        tpu.vector_store %arg10[%swap3A_707, %swap3A_708], %swap3A_711 {strides = array<i32>} : memref<128x128xf32, #tpu.memory_space<vmem>>, vector<1x16xf32>,
        %mul3A_712 = arith.constant 16 : i32
        %mul3A_713 = arith.muli %add3A_60, %mul3A_712 : i32
        %add3A_714 = arith.constant 4 : i32
        %add3A_715 = arith.addi %mul3A_713, %add3A_714 : i32
        %get3A_716 = arith.index_cast %add3A_715 : i32 to index
        %get3A_717 = arith.constant 48 : index
        %get3A_718 = tpu.vector_load %arg10[%get3A_716, %get3A_717] {strides = array<i32>} : memref<128x128xf32, #tpu.memory_space<vmem>>, vector<1x16xf32>,
        %get3A_719 = vector.shape_cast %get3A_718 : vector<1x16xf32> to vector<16xf32>
        %mul3A_720 = arith.mulf %get3A_719, %gather3A_657 : vector<16xf32>
        %mul3A_721 = arith.constant 16 : i32
        %mul3A_722 = arith.muli %add3A_60, %mul3A_721 : i32
        %add3A_723 = arith.constant 4 : i32
        %add3A_724 = arith.addi %mul3A_722, %add3A_723 : i32
        %swap3A_725 = arith.index_cast %add3A_724 : i32 to index
        %swap3A_726 = arith.constant 48 : index
        %swap3A_727 = tpu.vector_load %arg10[%swap3A_725, %swap3A_726] {strides = array<i32>} : memref<128x128xf32, #tpu.memory_space<vmem>>, vector<1x16xf32>,
        %swap3A_728 = vector.shape_cast %swap3A_727 : vector<1x16xf32> to vector<16xf32>
        %swap3A_729 = vector.shape_cast %mul3A_720 : vector<16xf32> to vector<1x16xf32>
        tpu.vector_store %arg10[%swap3A_725, %swap3A_726], %swap3A_729 {strides = array<i32>} : memref<128x128xf32, #tpu.memory_space<vmem>>, vector<1x16xf32>,
        %mul3A_730 = arith.constant 16 : i32
        %mul3A_731 = arith.muli %add3A_60, %mul3A_730 : i32
        %add3A_732 = arith.constant 4 : i32
        %add3A_733 = arith.addi %mul3A_731, %add3A_732 : i32
        %get3A_734 = arith.index_cast %add3A_733 : i32 to index
        %get3A_735 = arith.constant 64 : index
        %get3A_736 = tpu.vector_load %arg10[%get3A_734, %get3A_735] {strides = array<i32>} : memref<128x128xf32, #tpu.memory_space<vmem>>, vector<1x16xf32>,
        %get3A_737 = vector.shape_cast %get3A_736 : vector<1x16xf32> to vector<16xf32>
        %mul3A_738 = arith.mulf %get3A_737, %gather3A_657 : vector<16xf32>
        %mul3A_739 = arith.constant 16 : i32
        %mul3A_740 = arith.muli %add3A_60, %mul3A_739 : i32
        %add3A_741 = arith.constant 4 : i32
        %add3A_742 = arith.addi %mul3A_740, %add3A_741 : i32
        %swap3A_743 = arith.index_cast %add3A_742 : i32 to index
        %swap3A_744 = arith.constant 64 : index
        %swap3A_745 = tpu.vector_load %arg10[%swap3A_743, %swap3A_744] {strides = array<i32>} : memref<128x128xf32, #tpu.memory_space<vmem>>, vector<1x16xf32>,
        %swap3A_746 = vector.shape_cast %swap3A_745 : vector<1x16xf32> to vector<16xf32>
        %swap3A_747 = vector.shape_cast %mul3A_738 : vector<16xf32> to vector<1x16xf32>
        tpu.vector_store %arg10[%swap3A_743, %swap3A_744], %swap3A_747 {strides = array<i32>} : memref<128x128xf32, #tpu.memory_space<vmem>>, vector<1x16xf32>,
        %mul3A_748 = arith.constant 16 : i32
        %mul3A_749 = arith.muli %add3A_60, %mul3A_748 : i32
        %add3A_750 = arith.constant 4 : i32
        %add3A_751 = arith.addi %mul3A_749, %add3A_750 : i32
        %get3A_752 = arith.index_cast %add3A_751 : i32 to index
        %get3A_753 = arith.constant 80 : index
        %get3A_754 = tpu.vector_load %arg10[%get3A_752, %get3A_753] {strides = array<i32>} : memref<128x128xf32, #tpu.memory_space<vmem>>, vector<1x16xf32>,
        %get3A_755 = vector.shape_cast %get3A_754 : vector<1x16xf32> to vector<16xf32>
        %mul3A_756 = arith.mulf %get3A_755, %gather3A_657 : vector<16xf32>
        %mul3A_757 = arith.constant 16 : i32
        %mul3A_758 = arith.muli %add3A_60, %mul3A_757 : i32
        %add3A_759 = arith.constant 4 : i32
        %add3A_760 = arith.addi %mul3A_758, %add3A_759 : i32
        %swap3A_761 = arith.index_cast %add3A_760 : i32 to index
        %swap3A_762 = arith.constant 80 : index
        %swap3A_763 = tpu.vector_load %arg10[%swap3A_761, %swap3A_762] {strides = array<i32>} : memref<128x128xf32, #tpu.memory_space<vmem>>, vector<1x16xf32>,
        %swap3A_764 = vector.shape_cast %swap3A_763 : vector<1x16xf32> to vector<16xf32>
        %swap3A_765 = vector.shape_cast %mul3A_756 : vector<16xf32> to vector<1x16xf32>
        tpu.vector_store %arg10[%swap3A_761, %swap3A_762], %swap3A_765 {strides = array<i32>} : memref<128x128xf32, #tpu.memory_space<vmem>>, vector<1x16xf32>,
        %mul3A_766 = arith.constant 16 : i32
        %mul3A_767 = arith.muli %add3A_60, %mul3A_766 : i32
        %add3A_768 = arith.constant 4 : i32
        %add3A_769 = arith.addi %mul3A_767, %add3A_768 : i32
        %get3A_770 = arith.index_cast %add3A_769 : i32 to index
        %get3A_771 = arith.constant 96 : index
        %get3A_772 = tpu.vector_load %arg10[%get3A_770, %get3A_771] {strides = array<i32>} : memref<128x128xf32, #tpu.memory_space<vmem>>, vector<1x16xf32>,
        %get3A_773 = vector.shape_cast %get3A_772 : vector<1x16xf32> to vector<16xf32>
        %mul3A_774 = arith.mulf %get3A_773, %gather3A_657 : vector<16xf32>
        %mul3A_775 = arith.constant 16 : i32
        %mul3A_776 = arith.muli %add3A_60, %mul3A_775 : i32
        %add3A_777 = arith.constant 4 : i32
        %add3A_778 = arith.addi %mul3A_776, %add3A_777 : i32
        %swap3A_779 = arith.index_cast %add3A_778 : i32 to index
        %swap3A_780 = arith.constant 96 : index
        %swap3A_781 = tpu.vector_load %arg10[%swap3A_779, %swap3A_780] {strides = array<i32>} : memref<128x128xf32, #tpu.memory_space<vmem>>, vector<1x16xf32>,
        %swap3A_782 = vector.shape_cast %swap3A_781 : vector<1x16xf32> to vector<16xf32>
        %swap3A_783 = vector.shape_cast %mul3A_774 : vector<16xf32> to vector<1x16xf32>
        tpu.vector_store %arg10[%swap3A_779, %swap3A_780], %swap3A_783 {strides = array<i32>} : memref<128x128xf32, #tpu.memory_space<vmem>>, vector<1x16xf32>,
        %mul3A_784 = arith.constant 16 : i32
        %mul3A_785 = arith.muli %add3A_60, %mul3A_784 : i32
        %add3A_786 = arith.constant 4 : i32
        %add3A_787 = arith.addi %mul3A_785, %add3A_786 : i32
        %get3A_788 = arith.index_cast %add3A_787 : i32 to index
        %get3A_789 = arith.constant 112 : index
        %get3A_790 = tpu.vector_load %arg10[%get3A_788, %get3A_789] {strides = array<i32>} : memref<128x128xf32, #tpu.memory_space<vmem>>, vector<1x16xf32>,
        %get3A_791 = vector.shape_cast %get3A_790 : vector<1x16xf32> to vector<16xf32>
        %mul3A_792 = arith.mulf %get3A_791, %gather3A_657 : vector<16xf32>
        %mul3A_793 = arith.constant 16 : i32
        %mul3A_794 = arith.muli %add3A_60, %mul3A_793 : i32
        %add3A_795 = arith.constant 4 : i32
        %add3A_796 = arith.addi %mul3A_794, %add3A_795 : i32
        %swap3A_797 = arith.index_cast %add3A_796 : i32 to index
        %swap3A_798 = arith.constant 112 : index
        %swap3A_799 = tpu.vector_load %arg10[%swap3A_797, %swap3A_798] {strides = array<i32>} : memref<128x128xf32, #tpu.memory_space<vmem>>, vector<1x16xf32>,
        %swap3A_800 = vector.shape_cast %swap3A_799 : vector<1x16xf32> to vector<16xf32>
        %swap3A_801 = vector.shape_cast %mul3A_792 : vector<16xf32> to vector<1x16xf32>
        tpu.vector_store %arg10[%swap3A_797, %swap3A_798], %swap3A_801 {strides = array<i32>} : memref<128x128xf32, #tpu.memory_space<vmem>>, vector<1x16xf32>,
        %broadcast_in_dim3A_802 = arith.constant 5 : i32
        %broadcast_in_dim3A_803 = vector.broadcast %broadcast_in_dim3A_802 : i32 to vector<16x1xi32>
        %gather3A_804 = vector.shape_cast %broadcast_in_dim3A_803 : vector<16x1xi32> to vector<16xi32>
        %gather3A_805 = tpu.dynamic_gather %get3A_64[%gather3A_804] in [0] : vector<16xf32>, vector<16xi32> -> vector<16xf32>
        %mul3A_806 = arith.constant 16 : i32
        %mul3A_807 = arith.muli %add3A_60, %mul3A_806 : i32
        %add3A_808 = arith.constant 5 : i32
        %add3A_809 = arith.addi %mul3A_807, %add3A_808 : i32
        %get3A_810 = arith.index_cast %add3A_809 : i32 to index
        %get3A_811 = arith.constant 0 : index
        %get3A_812 = tpu.vector_load %arg10[%get3A_810, %get3A_811] {strides = array<i32>} : memref<128x128xf32, #tpu.memory_space<vmem>>, vector<1x16xf32>,
        %get3A_813 = vector.shape_cast %get3A_812 : vector<1x16xf32> to vector<16xf32>
        %mul3A_814 = arith.mulf %get3A_813, %gather3A_805 : vector<16xf32>
        %mul3A_815 = arith.constant 16 : i32
        %mul3A_816 = arith.muli %add3A_60, %mul3A_815 : i32
        %add3A_817 = arith.constant 5 : i32
        %add3A_818 = arith.addi %mul3A_816, %add3A_817 : i32
        %swap3A_819 = arith.index_cast %add3A_818 : i32 to index
        %swap3A_820 = arith.constant 0 : index
        %swap3A_821 = tpu.vector_load %arg10[%swap3A_819, %swap3A_820] {strides = array<i32>} : memref<128x128xf32, #tpu.memory_space<vmem>>, vector<1x16xf32>,
        %swap3A_822 = vector.shape_cast %swap3A_821 : vector<1x16xf32> to vector<16xf32>
        %swap3A_823 = vector.shape_cast %mul3A_814 : vector<16xf32> to vector<1x16xf32>
        tpu.vector_store %arg10[%swap3A_819, %swap3A_820], %swap3A_823 {strides = array<i32>} : memref<128x128xf32, #tpu.memory_space<vmem>>, vector<1x16xf32>,
        %mul3A_824 = arith.constant 16 : i32
        %mul3A_825 = arith.muli %add3A_60, %mul3A_824 : i32
        %add3A_826 = arith.constant 5 : i32
        %add3A_827 = arith.addi %mul3A_825, %add3A_826 : i32
        %get3A_828 = arith.index_cast %add3A_827 : i32 to index
        %get3A_829 = arith.constant 16 : index
        %get3A_830 = tpu.vector_load %arg10[%get3A_828, %get3A_829] {strides = array<i32>} : memref<128x128xf32, #tpu.memory_space<vmem>>, vector<1x16xf32>,
        %get3A_831 = vector.shape_cast %get3A_830 : vector<1x16xf32> to vector<16xf32>
        %mul3A_832 = arith.mulf %get3A_831, %gather3A_805 : vector<16xf32>
        %mul3A_833 = arith.constant 16 : i32
        %mul3A_834 = arith.muli %add3A_60, %mul3A_833 : i32
        %add3A_835 = arith.constant 5 : i32
        %add3A_836 = arith.addi %mul3A_834, %add3A_835 : i32
        %swap3A_837 = arith.index_cast %add3A_836 : i32 to index
        %swap3A_838 = arith.constant 16 : index
        %swap3A_839 = tpu.vector_load %arg10[%swap3A_837, %swap3A_838] {strides = array<i32>} : memref<128x128xf32, #tpu.memory_space<vmem>>, vector<1x16xf32>,
        %swap3A_840 = vector.shape_cast %swap3A_839 : vector<1x16xf32> to vector<16xf32>
        %swap3A_841 = vector.shape_cast %mul3A_832 : vector<16xf32> to vector<1x16xf32>
        tpu.vector_store %arg10[%swap3A_837, %swap3A_838], %swap3A_841 {strides = array<i32>} : memref<128x128xf32, #tpu.memory_space<vmem>>, vector<1x16xf32>,
        %mul3A_842 = arith.constant 16 : i32
        %mul3A_843 = arith.muli %add3A_60, %mul3A_842 : i32
        %add3A_844 = arith.constant 5 : i32
        %add3A_845 = arith.addi %mul3A_843, %add3A_844 : i32
        %get3A_846 = arith.index_cast %add3A_845 : i32 to index
        %get3A_847 = arith.constant 32 : index
        %get3A_848 = tpu.vector_load %arg10[%get3A_846, %get3A_847] {strides = array<i32>} : memref<128x128xf32, #tpu.memory_space<vmem>>, vector<1x16xf32>,
        %get3A_849 = vector.shape_cast %get3A_848 : vector<1x16xf32> to vector<16xf32>
        %mul3A_850 = arith.mulf %get3A_849, %gather3A_805 : vector<16xf32>
        %mul3A_851 = arith.constant 16 : i32
        %mul3A_852 = arith.muli %add3A_60, %mul3A_851 : i32
        %add3A_853 = arith.constant 5 : i32
        %add3A_854 = arith.addi %mul3A_852, %add3A_853 : i32
        %swap3A_855 = arith.index_cast %add3A_854 : i32 to index
        %swap3A_856 = arith.constant 32 : index
        %swap3A_857 = tpu.vector_load %arg10[%swap3A_855, %swap3A_856] {strides = array<i32>} : memref<128x128xf32, #tpu.memory_space<vmem>>, vector<1x16xf32>,
        %swap3A_858 = vector.shape_cast %swap3A_857 : vector<1x16xf32> to vector<16xf32>
        %swap3A_859 = vector.shape_cast %mul3A_850 : vector<16xf32> to vector<1x16xf32>
        tpu.vector_store %arg10[%swap3A_855, %swap3A_856], %swap3A_859 {strides = array<i32>} : memref<128x128xf32, #tpu.memory_space<vmem>>, vector<1x16xf32>,
        %mul3A_860 = arith.constant 16 : i32
        %mul3A_861 = arith.muli %add3A_60, %mul3A_860 : i32
        %add3A_862 = arith.constant 5 : i32
        %add3A_863 = arith.addi %mul3A_861, %add3A_862 : i32
        %get3A_864 = arith.index_cast %add3A_863 : i32 to index
        %get3A_865 = arith.constant 48 : index
        %get3A_866 = tpu.vector_load %arg10[%get3A_864, %get3A_865] {strides = array<i32>} : memref<128x128xf32, #tpu.memory_space<vmem>>, vector<1x16xf32>,
        %get3A_867 = vector.shape_cast %get3A_866 : vector<1x16xf32> to vector<16xf32>
        %mul3A_868 = arith.mulf %get3A_867, %gather3A_805 : vector<16xf32>
        %mul3A_869 = arith.constant 16 : i32
        %mul3A_870 = arith.muli %add3A_60, %mul3A_869 : i32
        %add3A_871 = arith.constant 5 : i32
        %add3A_872 = arith.addi %mul3A_870, %add3A_871 : i32
        %swap3A_873 = arith.index_cast %add3A_872 : i32 to index
        %swap3A_874 = arith.constant 48 : index
        %swap3A_875 = tpu.vector_load %arg10[%swap3A_873, %swap3A_874] {strides = array<i32>} : memref<128x128xf32, #tpu.memory_space<vmem>>, vector<1x16xf32>,
        %swap3A_876 = vector.shape_cast %swap3A_875 : vector<1x16xf32> to vector<16xf32>
        %swap3A_877 = vector.shape_cast %mul3A_868 : vector<16xf32> to vector<1x16xf32>
        tpu.vector_store %arg10[%swap3A_873, %swap3A_874], %swap3A_877 {strides = array<i32>} : memref<128x128xf32, #tpu.memory_space<vmem>>, vector<1x16xf32>,
        %mul3A_878 = arith.constant 16 : i32
        %mul3A_879 = arith.muli %add3A_60, %mul3A_878 : i32
        %add3A_880 = arith.constant 5 : i32
        %add3A_881 = arith.addi %mul3A_879, %add3A_880 : i32
        %get3A_882 = arith.index_cast %add3A_881 : i32 to index
        %get3A_883 = arith.constant 64 : index
        %get3A_884 = tpu.vector_load %arg10[%get3A_882, %get3A_883] {strides = array<i32>} : memref<128x128xf32, #tpu.memory_space<vmem>>, vector<1x16xf32>,
        %get3A_885 = vector.shape_cast %get3A_884 : vector<1x16xf32> to vector<16xf32>
        %mul3A_886 = arith.mulf %get3A_885, %gather3A_805 : vector<16xf32>
        %mul3A_887 = arith.constant 16 : i32
        %mul3A_888 = arith.muli %add3A_60, %mul3A_887 : i32
        %add3A_889 = arith.constant 5 : i32
        %add3A_890 = arith.addi %mul3A_888, %add3A_889 : i32
        %swap3A_891 = arith.index_cast %add3A_890 : i32 to index
        %swap3A_892 = arith.constant 64 : index
        %swap3A_893 = tpu.vector_load %arg10[%swap3A_891, %swap3A_892] {strides = array<i32>} : memref<128x128xf32, #tpu.memory_space<vmem>>, vector<1x16xf32>,
        %swap3A_894 = vector.shape_cast %swap3A_893 : vector<1x16xf32> to vector<16xf32>
        %swap3A_895 = vector.shape_cast %mul3A_886 : vector<16xf32> to vector<1x16xf32>
        tpu.vector_store %arg10[%swap3A_891, %swap3A_892], %swap3A_895 {strides = array<i32>} : memref<128x128xf32, #tpu.memory_space<vmem>>, vector<1x16xf32>,
        %mul3A_896 = arith.constant 16 : i32
        %mul3A_897 = arith.muli %add3A_60, %mul3A_896 : i32
        %add3A_898 = arith.constant 5 : i32
        %add3A_899 = arith.addi %mul3A_897, %add3A_898 : i32
        %get3A_900 = arith.index_cast %add3A_899 : i32 to index
        %get3A_901 = arith.constant 80 : index
        %get3A_902 = tpu.vector_load %arg10[%get3A_900, %get3A_901] {strides = array<i32>} : memref<128x128xf32, #tpu.memory_space<vmem>>, vector<1x16xf32>,
        %get3A_903 = vector.shape_cast %get3A_902 : vector<1x16xf32> to vector<16xf32>
        %mul3A_904 = arith.mulf %get3A_903, %gather3A_805 : vector<16xf32>
        %mul3A_905 = arith.constant 16 : i32
        %mul3A_906 = arith.muli %add3A_60, %mul3A_905 : i32
        %add3A_907 = arith.constant 5 : i32
        %add3A_908 = arith.addi %mul3A_906, %add3A_907 : i32
        %swap3A_909 = arith.index_cast %add3A_908 : i32 to index
        %swap3A_910 = arith.constant 80 : index
        %swap3A_911 = tpu.vector_load %arg10[%swap3A_909, %swap3A_910] {strides = array<i32>} : memref<128x128xf32, #tpu.memory_space<vmem>>, vector<1x16xf32>,
        %swap3A_912 = vector.shape_cast %swap3A_911 : vector<1x16xf32> to vector<16xf32>
        %swap3A_913 = vector.shape_cast %mul3A_904 : vector<16xf32> to vector<1x16xf32>
        tpu.vector_store %arg10[%swap3A_909, %swap3A_910], %swap3A_913 {strides = array<i32>} : memref<128x128xf32, #tpu.memory_space<vmem>>, vector<1x16xf32>,
        %mul3A_914 = arith.constant 16 : i32
        %mul3A_915 = arith.muli %add3A_60, %mul3A_914 : i32
        %add3A_916 = arith.constant 5 : i32
        %add3A_917 = arith.addi %mul3A_915, %add3A_916 : i32
        %get3A_918 = arith.index_cast %add3A_917 : i32 to index
        %get3A_919 = arith.constant 96 : index
        %get3A_920 = tpu.vector_load %arg10[%get3A_918, %get3A_919] {strides = array<i32>} : memref<128x128xf32, #tpu.memory_space<vmem>>, vector<1x16xf32>,
        %get3A_921 = vector.shape_cast %get3A_920 : vector<1x16xf32> to vector<16xf32>
        %mul3A_922 = arith.mulf %get3A_921, %gather3A_805 : vector<16xf32>
        %mul3A_923 = arith.constant 16 : i32
        %mul3A_924 = arith.muli %add3A_60, %mul3A_923 : i32
        %add3A_925 = arith.constant 5 : i32
        %add3A_926 = arith.addi %mul3A_924, %add3A_925 : i32
        %swap3A_927 = arith.index_cast %add3A_926 : i32 to index
        %swap3A_928 = arith.constant 96 : index
        %swap3A_929 = tpu.vector_load %arg10[%swap3A_927, %swap3A_928] {strides = array<i32>} : memref<128x128xf32, #tpu.memory_space<vmem>>, vector<1x16xf32>,
        %swap3A_930 = vector.shape_cast %swap3A_929 : vector<1x16xf32> to vector<16xf32>
        %swap3A_931 = vector.shape_cast %mul3A_922 : vector<16xf32> to vector<1x16xf32>
        tpu.vector_store %arg10[%swap3A_927, %swap3A_928], %swap3A_931 {strides = array<i32>} : memref<128x128xf32, #tpu.memory_space<vmem>>, vector<1x16xf32>,
        %mul3A_932 = arith.constant 16 : i32
        %mul3A_933 = arith.muli %add3A_60, %mul3A_932 : i32
        %add3A_934 = arith.constant 5 : i32
        %add3A_935 = arith.addi %mul3A_933, %add3A_934 : i32
        %get3A_936 = arith.index_cast %add3A_935 : i32 to index
        %get3A_937 = arith.constant 112 : index
        %get3A_938 = tpu.vector_load %arg10[%get3A_936, %get3A_937] {strides = array<i32>} : memref<128x128xf32, #tpu.memory_space<vmem>>, vector<1x16xf32>,
        %get3A_939 = vector.shape_cast %get3A_938 : vector<1x16xf32> to vector<16xf32>
        %mul3A_940 = arith.mulf %get3A_939, %gather3A_805 : vector<16xf32>
        %mul3A_941 = arith.constant 16 : i32
        %mul3A_942 = arith.muli %add3A_60, %mul3A_941 : i32
        %add3A_943 = arith.constant 5 : i32
        %add3A_944 = arith.addi %mul3A_942, %add3A_943 : i32
        %swap3A_945 = arith.index_cast %add3A_944 : i32 to index
        %swap3A_946 = arith.constant 112 : index
        %swap3A_947 = tpu.vector_load %arg10[%swap3A_945, %swap3A_946] {strides = array<i32>} : memref<128x128xf32, #tpu.memory_space<vmem>>, vector<1x16xf32>,
        %swap3A_948 = vector.shape_cast %swap3A_947 : vector<1x16xf32> to vector<16xf32>
        %swap3A_949 = vector.shape_cast %mul3A_940 : vector<16xf32> to vector<1x16xf32>
        tpu.vector_store %arg10[%swap3A_945, %swap3A_946], %swap3A_949 {strides = array<i32>} : memref<128x128xf32, #tpu.memory_space<vmem>>, vector<1x16xf32>,
        %broadcast_in_dim3A_950 = arith.constant 6 : i32
        %broadcast_in_dim3A_951 = vector.broadcast %broadcast_in_dim3A_950 : i32 to vector<16x1xi32>
        %gather3A_952 = vector.shape_cast %broadcast_in_dim3A_951 : vector<16x1xi32> to vector<16xi32>
        %gather3A_953 = tpu.dynamic_gather %get3A_64[%gather3A_952] in [0] : vector<16xf32>, vector<16xi32> -> vector<16xf32>
        %mul3A_954 = arith.constant 16 : i32
        %mul3A_955 = arith.muli %add3A_60, %mul3A_954 : i32
        %add3A_956 = arith.constant 6 : i32
        %add3A_957 = arith.addi %mul3A_955, %add3A_956 : i32
        %get3A_958 = arith.index_cast %add3A_957 : i32 to index
        %get3A_959 = arith.constant 0 : index
        %get3A_960 = tpu.vector_load %arg10[%get3A_958, %get3A_959] {strides = array<i32>} : memref<128x128xf32, #tpu.memory_space<vmem>>, vector<1x16xf32>,
        %get3A_961 = vector.shape_cast %get3A_960 : vector<1x16xf32> to vector<16xf32>
        %mul3A_962 = arith.mulf %get3A_961, %gather3A_953 : vector<16xf32>
        %mul3A_963 = arith.constant 16 : i32
        %mul3A_964 = arith.muli %add3A_60, %mul3A_963 : i32
        %add3A_965 = arith.constant 6 : i32
        %add3A_966 = arith.addi %mul3A_964, %add3A_965 : i32
        %swap3A_967 = arith.index_cast %add3A_966 : i32 to index
        %swap3A_968 = arith.constant 0 : index
        %swap3A_969 = tpu.vector_load %arg10[%swap3A_967, %swap3A_968] {strides = array<i32>} : memref<128x128xf32, #tpu.memory_space<vmem>>, vector<1x16xf32>,
        %swap3A_970 = vector.shape_cast %swap3A_969 : vector<1x16xf32> to vector<16xf32>
        %swap3A_971 = vector.shape_cast %mul3A_962 : vector<16xf32> to vector<1x16xf32>
        tpu.vector_store %arg10[%swap3A_967, %swap3A_968], %swap3A_971 {strides = array<i32>} : memref<128x128xf32, #tpu.memory_space<vmem>>, vector<1x16xf32>,
        %mul3A_972 = arith.constant 16 : i32
        %mul3A_973 = arith.muli %add3A_60, %mul3A_972 : i32
        %add3A_974 = arith.constant 6 : i32
        %add3A_975 = arith.addi %mul3A_973, %add3A_974 : i32
        %get3A_976 = arith.index_cast %add3A_975 : i32 to index
        %get3A_977 = arith.constant 16 : index
        %get3A_978 = tpu.vector_load %arg10[%get3A_976, %get3A_977] {strides = array<i32>} : memref<128x128xf32, #tpu.memory_space<vmem>>, vector<1x16xf32>,
        %get3A_979 = vector.shape_cast %get3A_978 : vector<1x16xf32> to vector<16xf32>
        %mul3A_980 = arith.mulf %get3A_979, %gather3A_953 : vector<16xf32>
        %mul3A_981 = arith.constant 16 : i32
        %mul3A_982 = arith.muli %add3A_60, %mul3A_981 : i32
        %add3A_983 = arith.constant 6 : i32
        %add3A_984 = arith.addi %mul3A_982, %add3A_983 : i32
        %swap3A_985 = arith.index_cast %add3A_984 : i32 to index
        %swap3A_986 = arith.constant 16 : index
        %swap3A_987 = tpu.vector_load %arg10[%swap3A_985, %swap3A_986] {strides = array<i32>} : memref<128x128xf32, #tpu.memory_space<vmem>>, vector<1x16xf32>,
        %swap3A_988 = vector.shape_cast %swap3A_987 : vector<1x16xf32> to vector<16xf32>
        %swap3A_989 = vector.shape_cast %mul3A_980 : vector<16xf32> to vector<1x16xf32>
        tpu.vector_store %arg10[%swap3A_985, %swap3A_986], %swap3A_989 {strides = array<i32>} : memref<128x128xf32, #tpu.memory_space<vmem>>, vector<1x16xf32>,
        %mul3A_990 = arith.constant 16 : i32
        %mul3A_991 = arith.muli %add3A_60, %mul3A_990 : i32
        %add3A_992 = arith.constant 6 : i32
        %add3A_993 = arith.addi %mul3A_991, %add3A_992 : i32
        %get3A_994 = arith.index_cast %add3A_993 : i32 to index
        %get3A_995 = arith.constant 32 : index
        %get3A_996 = tpu.vector_load %arg10[%get3A_994, %get3A_995] {strides = array<i32>} : memref<128x128xf32, #tpu.memory_space<vmem>>, vector<1x16xf32>,
        %get3A_997 = vector.shape_cast %get3A_996 : vector<1x16xf32> to vector<16xf32>
        %mul3A_998 = arith.mulf %get3A_997, %gather3A_953 : vector<16xf32>
        %mul3A_999 = arith.constant 16 : i32
        %mul3A_1000 = arith.muli %add3A_60, %mul3A_999 : i32
        %add3A_1001 = arith.constant 6 : i32
        %add3A_1002 = arith.addi %mul3A_1000, %add3A_1001 : i32
        %swap3A_1003 = arith.index_cast %add3A_1002 : i32 to index
        %swap3A_1004 = arith.constant 32 : index
        %swap3A_1005 = tpu.vector_load %arg10[%swap3A_1003, %swap3A_1004] {strides = array<i32>} : memref<128x128xf32, #tpu.memory_space<vmem>>, vector<1x16xf32>,
        %swap3A_1006 = vector.shape_cast %swap3A_1005 : vector<1x16xf32> to vector<16xf32>
        %swap3A_1007 = vector.shape_cast %mul3A_998 : vector<16xf32> to vector<1x16xf32>
        tpu.vector_store %arg10[%swap3A_1003, %swap3A_1004], %swap3A_1007 {strides = array<i32>} : memref<128x128xf32, #tpu.memory_space<vmem>>, vector<1x16xf32>,
        %mul3A_1008 = arith.constant 16 : i32
        %mul3A_1009 = arith.muli %add3A_60, %mul3A_1008 : i32
        %add3A_1010 = arith.constant 6 : i32
        %add3A_1011 = arith.addi %mul3A_1009, %add3A_1010 : i32
        %get3A_1012 = arith.index_cast %add3A_1011 : i32 to index
        %get3A_1013 = arith.constant 48 : index
        %get3A_1014 = tpu.vector_load %arg10[%get3A_1012, %get3A_1013] {strides = array<i32>} : memref<128x128xf32, #tpu.memory_space<vmem>>, vector<1x16xf32>,
        %get3A_1015 = vector.shape_cast %get3A_1014 : vector<1x16xf32> to vector<16xf32>
        %mul3A_1016 = arith.mulf %get3A_1015, %gather3A_953 : vector<16xf32>
        %mul3A_1017 = arith.constant 16 : i32
        %mul3A_1018 = arith.muli %add3A_60, %mul3A_1017 : i32
        %add3A_1019 = arith.constant 6 : i32
        %add3A_1020 = arith.addi %mul3A_1018, %add3A_1019 : i32
        %swap3A_1021 = arith.index_cast %add3A_1020 : i32 to index
        %swap3A_1022 = arith.constant 48 : index
        %swap3A_1023 = tpu.vector_load %arg10[%swap3A_1021, %swap3A_1022] {strides = array<i32>} : memref<128x128xf32, #tpu.memory_space<vmem>>, vector<1x16xf32>,
        %swap3A_1024 = vector.shape_cast %swap3A_1023 : vector<1x16xf32> to vector<16xf32>
        %swap3A_1025 = vector.shape_cast %mul3A_1016 : vector<16xf32> to vector<1x16xf32>
        tpu.vector_store %arg10[%swap3A_1021, %swap3A_1022], %swap3A_1025 {strides = array<i32>} : memref<128x128xf32, #tpu.memory_space<vmem>>, vector<1x16xf32>,
        %mul3A_1026 = arith.constant 16 : i32
        %mul3A_1027 = arith.muli %add3A_60, %mul3A_1026 : i32
        %add3A_1028 = arith.constant 6 : i32
        %add3A_1029 = arith.addi %mul3A_1027, %add3A_1028 : i32
        %get3A_1030 = arith.index_cast %add3A_1029 : i32 to index
        %get3A_1031 = arith.constant 64 : index
        %get3A_1032 = tpu.vector_load %arg10[%get3A_1030, %get3A_1031] {strides = array<i32>} : memref<128x128xf32, #tpu.memory_space<vmem>>, vector<1x16xf32>,
        %get3A_1033 = vector.shape_cast %get3A_1032 : vector<1x16xf32> to vector<16xf32>
        %mul3A_1034 = arith.mulf %get3A_1033, %gather3A_953 : vector<16xf32>
        %mul3A_1035 = arith.constant 16 : i32
        %mul3A_1036 = arith.muli %add3A_60, %mul3A_1035 : i32
        %add3A_1037 = arith.constant 6 : i32
        %add3A_1038 = arith.addi %mul3A_1036, %add3A_1037 : i32
        %swap3A_1039 = arith.index_cast %add3A_1038 : i32 to index
        %swap3A_1040 = arith.constant 64 : index
        %swap3A_1041 = tpu.vector_load %arg10[%swap3A_1039, %swap3A_1040] {strides = array<i32>} : memref<128x128xf32, #tpu.memory_space<vmem>>, vector<1x16xf32>,
        %swap3A_1042 = vector.shape_cast %swap3A_1041 : vector<1x16xf32> to vector<16xf32>
        %swap3A_1043 = vector.shape_cast %mul3A_1034 : vector<16xf32> to vector<1x16xf32>
        tpu.vector_store %arg10[%swap3A_1039, %swap3A_1040], %swap3A_1043 {strides = array<i32>} : memref<128x128xf32, #tpu.memory_space<vmem>>, vector<1x16xf32>,
        %mul3A_1044 = arith.constant 16 : i32
        %mul3A_1045 = arith.muli %add3A_60, %mul3A_1044 : i32
        %add3A_1046 = arith.constant 6 : i32
        %add3A_1047 = arith.addi %mul3A_1045, %add3A_1046 : i32
        %get3A_1048 = arith.index_cast %add3A_1047 : i32 to index
        %get3A_1049 = arith.constant 80 : index
        %get3A_1050 = tpu.vector_load %arg10[%get3A_1048, %get3A_1049] {strides = array<i32>} : memref<128x128xf32, #tpu.memory_space<vmem>>, vector<1x16xf32>,
        %get3A_1051 = vector.shape_cast %get3A_1050 : vector<1x16xf32> to vector<16xf32>
        %mul3A_1052 = arith.mulf %get3A_1051, %gather3A_953 : vector<16xf32>
        %mul3A_1053 = arith.constant 16 : i32
        %mul3A_1054 = arith.muli %add3A_60, %mul3A_1053 : i32
        %add3A_1055 = arith.constant 6 : i32
        %add3A_1056 = arith.addi %mul3A_1054, %add3A_1055 : i32
        %swap3A_1057 = arith.index_cast %add3A_1056 : i32 to index
        %swap3A_1058 = arith.constant 80 : index
        %swap3A_1059 = tpu.vector_load %arg10[%swap3A_1057, %swap3A_1058] {strides = array<i32>} : memref<128x128xf32, #tpu.memory_space<vmem>>, vector<1x16xf32>,
        %swap3A_1060 = vector.shape_cast %swap3A_1059 : vector<1x16xf32> to vector<16xf32>
        %swap3A_1061 = vector.shape_cast %mul3A_1052 : vector<16xf32> to vector<1x16xf32>
        tpu.vector_store %arg10[%swap3A_1057, %swap3A_1058], %swap3A_1061 {strides = array<i32>} : memref<128x128xf32, #tpu.memory_space<vmem>>, vector<1x16xf32>,
        %mul3A_1062 = arith.constant 16 : i32
        %mul3A_1063 = arith.muli %add3A_60, %mul3A_1062 : i32
        %add3A_1064 = arith.constant 6 : i32
        %add3A_1065 = arith.addi %mul3A_1063, %add3A_1064 : i32
        %get3A_1066 = arith.index_cast %add3A_1065 : i32 to index
        %get3A_1067 = arith.constant 96 : index
        %get3A_1068 = tpu.vector_load %arg10[%get3A_1066, %get3A_1067] {strides = array<i32>} : memref<128x128xf32, #tpu.memory_space<vmem>>, vector<1x16xf32>,
        %get3A_1069 = vector.shape_cast %get3A_1068 : vector<1x16xf32> to vector<16xf32>
        %mul3A_1070 = arith.mulf %get3A_1069, %gather3A_953 : vector<16xf32>
        %mul3A_1071 = arith.constant 16 : i32
        %mul3A_1072 = arith.muli %add3A_60, %mul3A_1071 : i32
        %add3A_1073 = arith.constant 6 : i32
        %add3A_1074 = arith.addi %mul3A_1072, %add3A_1073 : i32
        %swap3A_1075 = arith.index_cast %add3A_1074 : i32 to index
        %swap3A_1076 = arith.constant 96 : index
        %swap3A_1077 = tpu.vector_load %arg10[%swap3A_1075, %swap3A_1076] {strides = array<i32>} : memref<128x128xf32, #tpu.memory_space<vmem>>, vector<1x16xf32>,
        %swap3A_1078 = vector.shape_cast %swap3A_1077 : vector<1x16xf32> to vector<16xf32>
        %swap3A_1079 = vector.shape_cast %mul3A_1070 : vector<16xf32> to vector<1x16xf32>
        tpu.vector_store %arg10[%swap3A_1075, %swap3A_1076], %swap3A_1079 {strides = array<i32>} : memref<128x128xf32, #tpu.memory_space<vmem>>, vector<1x16xf32>,
        %mul3A_1080 = arith.constant 16 : i32
        %mul3A_1081 = arith.muli %add3A_60, %mul3A_1080 : i32
        %add3A_1082 = arith.constant 6 : i32
        %add3A_1083 = arith.addi %mul3A_1081, %add3A_1082 : i32
        %get3A_1084 = arith.index_cast %add3A_1083 : i32 to index
        %get3A_1085 = arith.constant 112 : index
        %get3A_1086 = tpu.vector_load %arg10[%get3A_1084, %get3A_1085] {strides = array<i32>} : memref<128x128xf32, #tpu.memory_space<vmem>>, vector<1x16xf32>,
        %get3A_1087 = vector.shape_cast %get3A_1086 : vector<1x16xf32> to vector<16xf32>
        %mul3A_1088 = arith.mulf %get3A_1087, %gather3A_953 : vector<16xf32>
        %mul3A_1089 = arith.constant 16 : i32
        %mul3A_1090 = arith.muli %add3A_60, %mul3A_1089 : i32
        %add3A_1091 = arith.constant 6 : i32
        %add3A_1092 = arith.addi %mul3A_1090, %add3A_1091 : i32
        %swap3A_1093 = arith.index_cast %add3A_1092 : i32 to index
        %swap3A_1094 = arith.constant 112 : index
        %swap3A_1095 = tpu.vector_load %arg10[%swap3A_1093, %swap3A_1094] {strides = array<i32>} : memref<128x128xf32, #tpu.memory_space<vmem>>, vector<1x16xf32>,
        %swap3A_1096 = vector.shape_cast %swap3A_1095 : vector<1x16xf32> to vector<16xf32>
        %swap3A_1097 = vector.shape_cast %mul3A_1088 : vector<16xf32> to vector<1x16xf32>
        tpu.vector_store %arg10[%swap3A_1093, %swap3A_1094], %swap3A_1097 {strides = array<i32>} : memref<128x128xf32, #tpu.memory_space<vmem>>, vector<1x16xf32>,
        %broadcast_in_dim3A_1098 = arith.constant 7 : i32
        %broadcast_in_dim3A_1099 = vector.broadcast %broadcast_in_dim3A_1098 : i32 to vector<16x1xi32>
        %gather3A_1100 = vector.shape_cast %broadcast_in_dim3A_1099 : vector<16x1xi32> to vector<16xi32>
        %gather3A_1101 = tpu.dynamic_gather %get3A_64[%gather3A_1100] in [0] : vector<16xf32>, vector<16xi32> -> vector<16xf32>
        %mul3A_1102 = arith.constant 16 : i32
        %mul3A_1103 = arith.muli %add3A_60, %mul3A_1102 : i32
        %add3A_1104 = arith.constant 7 : i32
        %add3A_1105 = arith.addi %mul3A_1103, %add3A_1104 : i32
        %get3A_1106 = arith.index_cast %add3A_1105 : i32 to index
        %get3A_1107 = arith.constant 0 : index
        %get3A_1108 = tpu.vector_load %arg10[%get3A_1106, %get3A_1107] {strides = array<i32>} : memref<128x128xf32, #tpu.memory_space<vmem>>, vector<1x16xf32>,
        %get3A_1109 = vector.shape_cast %get3A_1108 : vector<1x16xf32> to vector<16xf32>
        %mul3A_1110 = arith.mulf %get3A_1109, %gather3A_1101 : vector<16xf32>
        %mul3A_1111 = arith.constant 16 : i32
        %mul3A_1112 = arith.muli %add3A_60, %mul3A_1111 : i32
        %add3A_1113 = arith.constant 7 : i32
        %add3A_1114 = arith.addi %mul3A_1112, %add3A_1113 : i32
        %swap3A_1115 = arith.index_cast %add3A_1114 : i32 to index
        %swap3A_1116 = arith.constant 0 : index
        %swap3A_1117 = tpu.vector_load %arg10[%swap3A_1115, %swap3A_1116] {strides = array<i32>} : memref<128x128xf32, #tpu.memory_space<vmem>>, vector<1x16xf32>,
        %swap3A_1118 = vector.shape_cast %swap3A_1117 : vector<1x16xf32> to vector<16xf32>
        %swap3A_1119 = vector.shape_cast %mul3A_1110 : vector<16xf32> to vector<1x16xf32>
        tpu.vector_store %arg10[%swap3A_1115, %swap3A_1116], %swap3A_1119 {strides = array<i32>} : memref<128x128xf32, #tpu.memory_space<vmem>>, vector<1x16xf32>,
        %mul3A_1120 = arith.constant 16 : i32
        %mul3A_1121 = arith.muli %add3A_60, %mul3A_1120 : i32
        %add3A_1122 = arith.constant 7 : i32
        %add3A_1123 = arith.addi %mul3A_1121, %add3A_1122 : i32
        %get3A_1124 = arith.index_cast %add3A_1123 : i32 to index
        %get3A_1125 = arith.constant 16 : index
        %get3A_1126 = tpu.vector_load %arg10[%get3A_1124, %get3A_1125] {strides = array<i32>} : memref<128x128xf32, #tpu.memory_space<vmem>>, vector<1x16xf32>,
        %get3A_1127 = vector.shape_cast %get3A_1126 : vector<1x16xf32> to vector<16xf32>
        %mul3A_1128 = arith.mulf %get3A_1127, %gather3A_1101 : vector<16xf32>
        %mul3A_1129 = arith.constant 16 : i32
        %mul3A_1130 = arith.muli %add3A_60, %mul3A_1129 : i32
        %add3A_1131 = arith.constant 7 : i32
        %add3A_1132 = arith.addi %mul3A_1130, %add3A_1131 : i32
        %swap3A_1133 = arith.index_cast %add3A_1132 : i32 to index
        %swap3A_1134 = arith.constant 16 : index
        %swap3A_1135 = tpu.vector_load %arg10[%swap3A_1133, %swap3A_1134] {strides = array<i32>} : memref<128x128xf32, #tpu.memory_space<vmem>>, vector<1x16xf32>,
        %swap3A_1136 = vector.shape_cast %swap3A_1135 : vector<1x16xf32> to vector<16xf32>
        %swap3A_1137 = vector.shape_cast %mul3A_1128 : vector<16xf32> to vector<1x16xf32>
        tpu.vector_store %arg10[%swap3A_1133, %swap3A_1134], %swap3A_1137 {strides = array<i32>} : memref<128x128xf32, #tpu.memory_space<vmem>>, vector<1x16xf32>,
        %mul3A_1138 = arith.constant 16 : i32
        %mul3A_1139 = arith.muli %add3A_60, %mul3A_1138 : i32
        %add3A_1140 = arith.constant 7 : i32
        %add3A_1141 = arith.addi %mul3A_1139, %add3A_1140 : i32
        %get3A_1142 = arith.index_cast %add3A_1141 : i32 to index
        %get3A_1143 = arith.constant 32 : index
        %get3A_1144 = tpu.vector_load %arg10[%get3A_1142, %get3A_1143] {strides = array<i32>} : memref<128x128xf32, #tpu.memory_space<vmem>>, vector<1x16xf32>,
        %get3A_1145 = vector.shape_cast %get3A_1144 : vector<1x16xf32> to vector<16xf32>
        %mul3A_1146 = arith.mulf %get3A_1145, %gather3A_1101 : vector<16xf32>
        %mul3A_1147 = arith.constant 16 : i32
        %mul3A_1148 = arith.muli %add3A_60, %mul3A_1147 : i32
        %add3A_1149 = arith.constant 7 : i32
        %add3A_1150 = arith.addi %mul3A_1148, %add3A_1149 : i32
        %swap3A_1151 = arith.index_cast %add3A_1150 : i32 to index
        %swap3A_1152 = arith.constant 32 : index
        %swap3A_1153 = tpu.vector_load %arg10[%swap3A_1151, %swap3A_1152] {strides = array<i32>} : memref<128x128xf32, #tpu.memory_space<vmem>>, vector<1x16xf32>,
        %swap3A_1154 = vector.shape_cast %swap3A_1153 : vector<1x16xf32> to vector<16xf32>
        %swap3A_1155 = vector.shape_cast %mul3A_1146 : vector<16xf32> to vector<1x16xf32>
        tpu.vector_store %arg10[%swap3A_1151, %swap3A_1152], %swap3A_1155 {strides = array<i32>} : memref<128x128xf32, #tpu.memory_space<vmem>>, vector<1x16xf32>,
        %mul3A_1156 = arith.constant 16 : i32
        %mul3A_1157 = arith.muli %add3A_60, %mul3A_1156 : i32
        %add3A_1158 = arith.constant 7 : i32
        %add3A_1159 = arith.addi %mul3A_1157, %add3A_1158 : i32
        %get3A_1160 = arith.index_cast %add3A_1159 : i32 to index
        %get3A_1161 = arith.constant 48 : index
        %get3A_1162 = tpu.vector_load %arg10[%get3A_1160, %get3A_1161] {strides = array<i32>} : memref<128x128xf32, #tpu.memory_space<vmem>>, vector<1x16xf32>,
        %get3A_1163 = vector.shape_cast %get3A_1162 : vector<1x16xf32> to vector<16xf32>
        %mul3A_1164 = arith.mulf %get3A_1163, %gather3A_1101 : vector<16xf32>
        %mul3A_1165 = arith.constant 16 : i32
        %mul3A_1166 = arith.muli %add3A_60, %mul3A_1165 : i32
        %add3A_1167 = arith.constant 7 : i32
        %add3A_1168 = arith.addi %mul3A_1166, %add3A_1167 : i32
        %swap3A_1169 = arith.index_cast %add3A_1168 : i32 to index
        %swap3A_1170 = arith.constant 48 : index
        %swap3A_1171 = tpu.vector_load %arg10[%swap3A_1169, %swap3A_1170] {strides = array<i32>} : memref<128x128xf32, #tpu.memory_space<vmem>>, vector<1x16xf32>,
        %swap3A_1172 = vector.shape_cast %swap3A_1171 : vector<1x16xf32> to vector<16xf32>
        %swap3A_1173 = vector.shape_cast %mul3A_1164 : vector<16xf32> to vector<1x16xf32>
        tpu.vector_store %arg10[%swap3A_1169, %swap3A_1170], %swap3A_1173 {strides = array<i32>} : memref<128x128xf32, #tpu.memory_space<vmem>>, vector<1x16xf32>,
        %mul3A_1174 = arith.constant 16 : i32
        %mul3A_1175 = arith.muli %add3A_60, %mul3A_1174 : i32
        %add3A_1176 = arith.constant 7 : i32
        %add3A_1177 = arith.addi %mul3A_1175, %add3A_1176 : i32
        %get3A_1178 = arith.index_cast %add3A_1177 : i32 to index
        %get3A_1179 = arith.constant 64 : index
        %get3A_1180 = tpu.vector_load %arg10[%get3A_1178, %get3A_1179] {strides = array<i32>} : memref<128x128xf32, #tpu.memory_space<vmem>>, vector<1x16xf32>,
        %get3A_1181 = vector.shape_cast %get3A_1180 : vector<1x16xf32> to vector<16xf32>
        %mul3A_1182 = arith.mulf %get3A_1181, %gather3A_1101 : vector<16xf32>
        %mul3A_1183 = arith.constant 16 : i32
        %mul3A_1184 = arith.muli %add3A_60, %mul3A_1183 : i32
        %add3A_1185 = arith.constant 7 : i32
        %add3A_1186 = arith.addi %mul3A_1184, %add3A_1185 : i32
        %swap3A_1187 = arith.index_cast %add3A_1186 : i32 to index
        %swap3A_1188 = arith.constant 64 : index
        %swap3A_1189 = tpu.vector_load %arg10[%swap3A_1187, %swap3A_1188] {strides = array<i32>} : memref<128x128xf32, #tpu.memory_space<vmem>>, vector<1x16xf32>,
        %swap3A_1190 = vector.shape_cast %swap3A_1189 : vector<1x16xf32> to vector<16xf32>
        %swap3A_1191 = vector.shape_cast %mul3A_1182 : vector<16xf32> to vector<1x16xf32>
        tpu.vector_store %arg10[%swap3A_1187, %swap3A_1188], %swap3A_1191 {strides = array<i32>} : memref<128x128xf32, #tpu.memory_space<vmem>>, vector<1x16xf32>,
        %mul3A_1192 = arith.constant 16 : i32
        %mul3A_1193 = arith.muli %add3A_60, %mul3A_1192 : i32
        %add3A_1194 = arith.constant 7 : i32
        %add3A_1195 = arith.addi %mul3A_1193, %add3A_1194 : i32
        %get3A_1196 = arith.index_cast %add3A_1195 : i32 to index
        %get3A_1197 = arith.constant 80 : index
        %get3A_1198 = tpu.vector_load %arg10[%get3A_1196, %get3A_1197] {strides = array<i32>} : memref<128x128xf32, #tpu.memory_space<vmem>>, vector<1x16xf32>,
        %get3A_1199 = vector.shape_cast %get3A_1198 : vector<1x16xf32> to vector<16xf32>
        %mul3A_1200 = arith.mulf %get3A_1199, %gather3A_1101 : vector<16xf32>
        %mul3A_1201 = arith.constant 16 : i32
        %mul3A_1202 = arith.muli %add3A_60, %mul3A_1201 : i32
        %add3A_1203 = arith.constant 7 : i32
        %add3A_1204 = arith.addi %mul3A_1202, %add3A_1203 : i32
        %swap3A_1205 = arith.index_cast %add3A_1204 : i32 to index
        %swap3A_1206 = arith.constant 80 : index
        %swap3A_1207 = tpu.vector_load %arg10[%swap3A_1205, %swap3A_1206] {strides = array<i32>} : memref<128x128xf32, #tpu.memory_space<vmem>>, vector<1x16xf32>,
        %swap3A_1208 = vector.shape_cast %swap3A_1207 : vector<1x16xf32> to vector<16xf32>
        %swap3A_1209 = vector.shape_cast %mul3A_1200 : vector<16xf32> to vector<1x16xf32>
        tpu.vector_store %arg10[%swap3A_1205, %swap3A_1206], %swap3A_1209 {strides = array<i32>} : memref<128x128xf32, #tpu.memory_space<vmem>>, vector<1x16xf32>,
        %mul3A_1210 = arith.constant 16 : i32
        %mul3A_1211 = arith.muli %add3A_60, %mul3A_1210 : i32
        %add3A_1212 = arith.constant 7 : i32
        %add3A_1213 = arith.addi %mul3A_1211, %add3A_1212 : i32
        %get3A_1214 = arith.index_cast %add3A_1213 : i32 to index
        %get3A_1215 = arith.constant 96 : index
        %get3A_1216 = tpu.vector_load %arg10[%get3A_1214, %get3A_1215] {strides = array<i32>} : memref<128x128xf32, #tpu.memory_space<vmem>>, vector<1x16xf32>,
        %get3A_1217 = vector.shape_cast %get3A_1216 : vector<1x16xf32> to vector<16xf32>
        %mul3A_1218 = arith.mulf %get3A_1217, %gather3A_1101 : vector<16xf32>
        %mul3A_1219 = arith.constant 16 : i32
        %mul3A_1220 = arith.muli %add3A_60, %mul3A_1219 : i32
        %add3A_1221 = arith.constant 7 : i32
        %add3A_1222 = arith.addi %mul3A_1220, %add3A_1221 : i32
        %swap3A_1223 = arith.index_cast %add3A_1222 : i32 to index
        %swap3A_1224 = arith.constant 96 : index
        %swap3A_1225 = tpu.vector_load %arg10[%swap3A_1223, %swap3A_1224] {strides = array<i32>} : memref<128x128xf32, #tpu.memory_space<vmem>>, vector<1x16xf32>,
        %swap3A_1226 = vector.shape_cast %swap3A_1225 : vector<1x16xf32> to vector<16xf32>
        %swap3A_1227 = vector.shape_cast %mul3A_1218 : vector<16xf32> to vector<1x16xf32>
        tpu.vector_store %arg10[%swap3A_1223, %swap3A_1224], %swap3A_1227 {strides = array<i32>} : memref<128x128xf32, #tpu.memory_space<vmem>>, vector<1x16xf32>,
        %mul3A_1228 = arith.constant 16 : i32
        %mul3A_1229 = arith.muli %add3A_60, %mul3A_1228 : i32
        %add3A_1230 = arith.constant 7 : i32
        %add3A_1231 = arith.addi %mul3A_1229, %add3A_1230 : i32
        %get3A_1232 = arith.index_cast %add3A_1231 : i32 to index
        %get3A_1233 = arith.constant 112 : index
        %get3A_1234 = tpu.vector_load %arg10[%get3A_1232, %get3A_1233] {strides = array<i32>} : memref<128x128xf32, #tpu.memory_space<vmem>>, vector<1x16xf32>,
        %get3A_1235 = vector.shape_cast %get3A_1234 : vector<1x16xf32> to vector<16xf32>
        %mul3A_1236 = arith.mulf %get3A_1235, %gather3A_1101 : vector<16xf32>
        %mul3A_1237 = arith.constant 16 : i32
        %mul3A_1238 = arith.muli %add3A_60, %mul3A_1237 : i32
        %add3A_1239 = arith.constant 7 : i32
        %add3A_1240 = arith.addi %mul3A_1238, %add3A_1239 : i32
        %swap3A_1241 = arith.index_cast %add3A_1240 : i32 to index
        %swap3A_1242 = arith.constant 112 : index
        %swap3A_1243 = tpu.vector_load %arg10[%swap3A_1241, %swap3A_1242] {strides = array<i32>} : memref<128x128xf32, #tpu.memory_space<vmem>>, vector<1x16xf32>,
        %swap3A_1244 = vector.shape_cast %swap3A_1243 : vector<1x16xf32> to vector<16xf32>
        %swap3A_1245 = vector.shape_cast %mul3A_1236 : vector<16xf32> to vector<1x16xf32>
        tpu.vector_store %arg10[%swap3A_1241, %swap3A_1242], %swap3A_1245 {strides = array<i32>} : memref<128x128xf32, #tpu.memory_space<vmem>>, vector<1x16xf32>,
        %broadcast_in_dim3A_1246 = arith.constant 8 : i32
        %broadcast_in_dim3A_1247 = vector.broadcast %broadcast_in_dim3A_1246 : i32 to vector<16x1xi32>
        %gather3A_1248 = vector.shape_cast %broadcast_in_dim3A_1247 : vector<16x1xi32> to vector<16xi32>
        %gather3A_1249 = tpu.dynamic_gather %get3A_64[%gather3A_1248] in [0] : vector<16xf32>, vector<16xi32> -> vector<16xf32>
        %mul3A_1250 = arith.constant 16 : i32
        %mul3A_1251 = arith.muli %add3A_60, %mul3A_1250 : i32
        %add3A_1252 = arith.constant 8 : i32
        %add3A_1253 = arith.addi %mul3A_1251, %add3A_1252 : i32
        %get3A_1254 = arith.index_cast %add3A_1253 : i32 to index
        %get3A_1255 = arith.constant 0 : index
        %get3A_1256 = tpu.vector_load %arg10[%get3A_1254, %get3A_1255] {strides = array<i32>} : memref<128x128xf32, #tpu.memory_space<vmem>>, vector<1x16xf32>,
        %get3A_1257 = vector.shape_cast %get3A_1256 : vector<1x16xf32> to vector<16xf32>
        %mul3A_1258 = arith.mulf %get3A_1257, %gather3A_1249 : vector<16xf32>
        %mul3A_1259 = arith.constant 16 : i32
        %mul3A_1260 = arith.muli %add3A_60, %mul3A_1259 : i32
        %add3A_1261 = arith.constant 8 : i32
        %add3A_1262 = arith.addi %mul3A_1260, %add3A_1261 : i32
        %swap3A_1263 = arith.index_cast %add3A_1262 : i32 to index
        %swap3A_1264 = arith.constant 0 : index
        %swap3A_1265 = tpu.vector_load %arg10[%swap3A_1263, %swap3A_1264] {strides = array<i32>} : memref<128x128xf32, #tpu.memory_space<vmem>>, vector<1x16xf32>,
        %swap3A_1266 = vector.shape_cast %swap3A_1265 : vector<1x16xf32> to vector<16xf32>
        %swap3A_1267 = vector.shape_cast %mul3A_1258 : vector<16xf32> to vector<1x16xf32>
        tpu.vector_store %arg10[%swap3A_1263, %swap3A_1264], %swap3A_1267 {strides = array<i32>} : memref<128x128xf32, #tpu.memory_space<vmem>>, vector<1x16xf32>,
        %mul3A_1268 = arith.constant 16 : i32
        %mul3A_1269 = arith.muli %add3A_60, %mul3A_1268 : i32
        %add3A_1270 = arith.constant 8 : i32
        %add3A_1271 = arith.addi %mul3A_1269, %add3A_1270 : i32
        %get3A_1272 = arith.index_cast %add3A_1271 : i32 to index
        %get3A_1273 = arith.constant 16 : index
        %get3A_1274 = tpu.vector_load %arg10[%get3A_1272, %get3A_1273] {strides = array<i32>} : memref<128x128xf32, #tpu.memory_space<vmem>>, vector<1x16xf32>,
        %get3A_1275 = vector.shape_cast %get3A_1274 : vector<1x16xf32> to vector<16xf32>
        %mul3A_1276 = arith.mulf %get3A_1275, %gather3A_1249 : vector<16xf32>
        %mul3A_1277 = arith.constant 16 : i32
        %mul3A_1278 = arith.muli %add3A_60, %mul3A_1277 : i32
        %add3A_1279 = arith.constant 8 : i32
        %add3A_1280 = arith.addi %mul3A_1278, %add3A_1279 : i32
        %swap3A_1281 = arith.index_cast %add3A_1280 : i32 to index
        %swap3A_1282 = arith.constant 16 : index
        %swap3A_1283 = tpu.vector_load %arg10[%swap3A_1281, %swap3A_1282] {strides = array<i32>} : memref<128x128xf32, #tpu.memory_space<vmem>>, vector<1x16xf32>,
        %swap3A_1284 = vector.shape_cast %swap3A_1283 : vector<1x16xf32> to vector<16xf32>
        %swap3A_1285 = vector.shape_cast %mul3A_1276 : vector<16xf32> to vector<1x16xf32>
        tpu.vector_store %arg10[%swap3A_1281, %swap3A_1282], %swap3A_1285 {strides = array<i32>} : memref<128x128xf32, #tpu.memory_space<vmem>>, vector<1x16xf32>,
        %mul3A_1286 = arith.constant 16 : i32
        %mul3A_1287 = arith.muli %add3A_60, %mul3A_1286 : i32
        %add3A_1288 = arith.constant 8 : i32
        %add3A_1289 = arith.addi %mul3A_1287, %add3A_1288 : i32
        %get3A_1290 = arith.index_cast %add3A_1289 : i32 to index
        %get3A_1291 = arith.constant 32 : index
        %get3A_1292 = tpu.vector_load %arg10[%get3A_1290, %get3A_1291] {strides = array<i32>} : memref<128x128xf32, #tpu.memory_space<vmem>>, vector<1x16xf32>,
        %get3A_1293 = vector.shape_cast %get3A_1292 : vector<1x16xf32> to vector<16xf32>
        %mul3A_1294 = arith.mulf %get3A_1293, %gather3A_1249 : vector<16xf32>
        %mul3A_1295 = arith.constant 16 : i32
        %mul3A_1296 = arith.muli %add3A_60, %mul3A_1295 : i32
        %add3A_1297 = arith.constant 8 : i32
        %add3A_1298 = arith.addi %mul3A_1296, %add3A_1297 : i32
        %swap3A_1299 = arith.index_cast %add3A_1298 : i32 to index
        %swap3A_1300 = arith.constant 32 : index
        %swap3A_1301 = tpu.vector_load %arg10[%swap3A_1299, %swap3A_1300] {strides = array<i32>} : memref<128x128xf32, #tpu.memory_space<vmem>>, vector<1x16xf32>,
        %swap3A_1302 = vector.shape_cast %swap3A_1301 : vector<1x16xf32> to vector<16xf32>
        %swap3A_1303 = vector.shape_cast %mul3A_1294 : vector<16xf32> to vector<1x16xf32>
        tpu.vector_store %arg10[%swap3A_1299, %swap3A_1300], %swap3A_1303 {strides = array<i32>} : memref<128x128xf32, #tpu.memory_space<vmem>>, vector<1x16xf32>,
        %mul3A_1304 = arith.constant 16 : i32
        %mul3A_1305 = arith.muli %add3A_60, %mul3A_1304 : i32
        %add3A_1306 = arith.constant 8 : i32
        %add3A_1307 = arith.addi %mul3A_1305, %add3A_1306 : i32
        %get3A_1308 = arith.index_cast %add3A_1307 : i32 to index
        %get3A_1309 = arith.constant 48 : index
        %get3A_1310 = tpu.vector_load %arg10[%get3A_1308, %get3A_1309] {strides = array<i32>} : memref<128x128xf32, #tpu.memory_space<vmem>>, vector<1x16xf32>,
        %get3A_1311 = vector.shape_cast %get3A_1310 : vector<1x16xf32> to vector<16xf32>
        %mul3A_1312 = arith.mulf %get3A_1311, %gather3A_1249 : vector<16xf32>
        %mul3A_1313 = arith.constant 16 : i32
        %mul3A_1314 = arith.muli %add3A_60, %mul3A_1313 : i32
        %add3A_1315 = arith.constant 8 : i32
        %add3A_1316 = arith.addi %mul3A_1314, %add3A_1315 : i32
        %swap3A_1317 = arith.index_cast %add3A_1316 : i32 to index
        %swap3A_1318 = arith.constant 48 : index
        %swap3A_1319 = tpu.vector_load %arg10[%swap3A_1317, %swap3A_1318] {strides = array<i32>} : memref<128x128xf32, #tpu.memory_space<vmem>>, vector<1x16xf32>,
        %swap3A_1320 = vector.shape_cast %swap3A_1319 : vector<1x16xf32> to vector<16xf32>
        %swap3A_1321 = vector.shape_cast %mul3A_1312 : vector<16xf32> to vector<1x16xf32>
        tpu.vector_store %arg10[%swap3A_1317, %swap3A_1318], %swap3A_1321 {strides = array<i32>} : memref<128x128xf32, #tpu.memory_space<vmem>>, vector<1x16xf32>,
        %mul3A_1322 = arith.constant 16 : i32
        %mul3A_1323 = arith.muli %add3A_60, %mul3A_1322 : i32
        %add3A_1324 = arith.constant 8 : i32
        %add3A_1325 = arith.addi %mul3A_1323, %add3A_1324 : i32
        %get3A_1326 = arith.index_cast %add3A_1325 : i32 to index
        %get3A_1327 = arith.constant 64 : index
        %get3A_1328 = tpu.vector_load %arg10[%get3A_1326, %get3A_1327] {strides = array<i32>} : memref<128x128xf32, #tpu.memory_space<vmem>>, vector<1x16xf32>,
        %get3A_1329 = vector.shape_cast %get3A_1328 : vector<1x16xf32> to vector<16xf32>
        %mul3A_1330 = arith.mulf %get3A_1329, %gather3A_1249 : vector<16xf32>
        %mul3A_1331 = arith.constant 16 : i32
        %mul3A_1332 = arith.muli %add3A_60, %mul3A_1331 : i32
        %add3A_1333 = arith.constant 8 : i32
        %add3A_1334 = arith.addi %mul3A_1332, %add3A_1333 : i32
        %swap3A_1335 = arith.index_cast %add3A_1334 : i32 to index
        %swap3A_1336 = arith.constant 64 : index
        %swap3A_1337 = tpu.vector_load %arg10[%swap3A_1335, %swap3A_1336] {strides = array<i32>} : memref<128x128xf32, #tpu.memory_space<vmem>>, vector<1x16xf32>,
        %swap3A_1338 = vector.shape_cast %swap3A_1337 : vector<1x16xf32> to vector<16xf32>
        %swap3A_1339 = vector.shape_cast %mul3A_1330 : vector<16xf32> to vector<1x16xf32>
        tpu.vector_store %arg10[%swap3A_1335, %swap3A_1336], %swap3A_1339 {strides = array<i32>} : memref<128x128xf32, #tpu.memory_space<vmem>>, vector<1x16xf32>,
        %mul3A_1340 = arith.constant 16 : i32
        %mul3A_1341 = arith.muli %add3A_60, %mul3A_1340 : i32
        %add3A_1342 = arith.constant 8 : i32
        %add3A_1343 = arith.addi %mul3A_1341, %add3A_1342 : i32
        %get3A_1344 = arith.index_cast %add3A_1343 : i32 to index
        %get3A_1345 = arith.constant 80 : index
        %get3A_1346 = tpu.vector_load %arg10[%get3A_1344, %get3A_1345] {strides = array<i32>} : memref<128x128xf32, #tpu.memory_space<vmem>>, vector<1x16xf32>,
        %get3A_1347 = vector.shape_cast %get3A_1346 : vector<1x16xf32> to vector<16xf32>
        %mul3A_1348 = arith.mulf %get3A_1347, %gather3A_1249 : vector<16xf32>
        %mul3A_1349 = arith.constant 16 : i32
        %mul3A_1350 = arith.muli %add3A_60, %mul3A_1349 : i32
        %add3A_1351 = arith.constant 8 : i32
        %add3A_1352 = arith.addi %mul3A_1350, %add3A_1351 : i32
        %swap3A_1353 = arith.index_cast %add3A_1352 : i32 to index
        %swap3A_1354 = arith.constant 80 : index
        %swap3A_1355 = tpu.vector_load %arg10[%swap3A_1353, %swap3A_1354] {strides = array<i32>} : memref<128x128xf32, #tpu.memory_space<vmem>>, vector<1x16xf32>,
        %swap3A_1356 = vector.shape_cast %swap3A_1355 : vector<1x16xf32> to vector<16xf32>
        %swap3A_1357 = vector.shape_cast %mul3A_1348 : vector<16xf32> to vector<1x16xf32>
        tpu.vector_store %arg10[%swap3A_1353, %swap3A_1354], %swap3A_1357 {strides = array<i32>} : memref<128x128xf32, #tpu.memory_space<vmem>>, vector<1x16xf32>,
        %mul3A_1358 = arith.constant 16 : i32
        %mul3A_1359 = arith.muli %add3A_60, %mul3A_1358 : i32
        %add3A_1360 = arith.constant 8 : i32
        %add3A_1361 = arith.addi %mul3A_1359, %add3A_1360 : i32
        %get3A_1362 = arith.index_cast %add3A_1361 : i32 to index
        %get3A_1363 = arith.constant 96 : index
        %get3A_1364 = tpu.vector_load %arg10[%get3A_1362, %get3A_1363] {strides = array<i32>} : memref<128x128xf32, #tpu.memory_space<vmem>>, vector<1x16xf32>,
        %get3A_1365 = vector.shape_cast %get3A_1364 : vector<1x16xf32> to vector<16xf32>
        %mul3A_1366 = arith.mulf %get3A_1365, %gather3A_1249 : vector<16xf32>
        %mul3A_1367 = arith.constant 16 : i32
        %mul3A_1368 = arith.muli %add3A_60, %mul3A_1367 : i32
        %add3A_1369 = arith.constant 8 : i32
        %add3A_1370 = arith.addi %mul3A_1368, %add3A_1369 : i32
        %swap3A_1371 = arith.index_cast %add3A_1370 : i32 to index
        %swap3A_1372 = arith.constant 96 : index
        %swap3A_1373 = tpu.vector_load %arg10[%swap3A_1371, %swap3A_1372] {strides = array<i32>} : memref<128x128xf32, #tpu.memory_space<vmem>>, vector<1x16xf32>,
        %swap3A_1374 = vector.shape_cast %swap3A_1373 : vector<1x16xf32> to vector<16xf32>
        %swap3A_1375 = vector.shape_cast %mul3A_1366 : vector<16xf32> to vector<1x16xf32>
        tpu.vector_store %arg10[%swap3A_1371, %swap3A_1372], %swap3A_1375 {strides = array<i32>} : memref<128x128xf32, #tpu.memory_space<vmem>>, vector<1x16xf32>,
        %mul3A_1376 = arith.constant 16 : i32
        %mul3A_1377 = arith.muli %add3A_60, %mul3A_1376 : i32
        %add3A_1378 = arith.constant 8 : i32
        %add3A_1379 = arith.addi %mul3A_1377, %add3A_1378 : i32
        %get3A_1380 = arith.index_cast %add3A_1379 : i32 to index
        %get3A_1381 = arith.constant 112 : index
        %get3A_1382 = tpu.vector_load %arg10[%get3A_1380, %get3A_1381] {strides = array<i32>} : memref<128x128xf32, #tpu.memory_space<vmem>>, vector<1x16xf32>,
        %get3A_1383 = vector.shape_cast %get3A_1382 : vector<1x16xf32> to vector<16xf32>
        %mul3A_1384 = arith.mulf %get3A_1383, %gather3A_1249 : vector<16xf32>
        %mul3A_1385 = arith.constant 16 : i32
        %mul3A_1386 = arith.muli %add3A_60, %mul3A_1385 : i32
        %add3A_1387 = arith.constant 8 : i32
        %add3A_1388 = arith.addi %mul3A_1386, %add3A_1387 : i32
        %swap3A_1389 = arith.index_cast %add3A_1388 : i32 to index
        %swap3A_1390 = arith.constant 112 : index
        %swap3A_1391 = tpu.vector_load %arg10[%swap3A_1389, %swap3A_1390] {strides = array<i32>} : memref<128x128xf32, #tpu.memory_space<vmem>>, vector<1x16xf32>,
        %swap3A_1392 = vector.shape_cast %swap3A_1391 : vector<1x16xf32> to vector<16xf32>
        %swap3A_1393 = vector.shape_cast %mul3A_1384 : vector<16xf32> to vector<1x16xf32>
        tpu.vector_store %arg10[%swap3A_1389, %swap3A_1390], %swap3A_1393 {strides = array<i32>} : memref<128x128xf32, #tpu.memory_space<vmem>>, vector<1x16xf32>,
        %broadcast_in_dim3A_1394 = arith.constant 9 : i32
        %broadcast_in_dim3A_1395 = vector.broadcast %broadcast_in_dim3A_1394 : i32 to vector<16x1xi32>
        %gather3A_1396 = vector.shape_cast %broadcast_in_dim3A_1395 : vector<16x1xi32> to vector<16xi32>
        %gather3A_1397 = tpu.dynamic_gather %get3A_64[%gather3A_1396] in [0] : vector<16xf32>, vector<16xi32> -> vector<16xf32>
        %mul3A_1398 = arith.constant 16 : i32
        %mul3A_1399 = arith.muli %add3A_60, %mul3A_1398 : i32
        %add3A_1400 = arith.constant 9 : i32
        %add3A_1401 = arith.addi %mul3A_1399, %add3A_1400 : i32
        %get3A_1402 = arith.index_cast %add3A_1401 : i32 to index
        %get3A_1403 = arith.constant 0 : index
        %get3A_1404 = tpu.vector_load %arg10[%get3A_1402, %get3A_1403] {strides = array<i32>} : memref<128x128xf32, #tpu.memory_space<vmem>>, vector<1x16xf32>,
        %get3A_1405 = vector.shape_cast %get3A_1404 : vector<1x16xf32> to vector<16xf32>
        %mul3A_1406 = arith.mulf %get3A_1405, %gather3A_1397 : vector<16xf32>
        %mul3A_1407 = arith.constant 16 : i32
        %mul3A_1408 = arith.muli %add3A_60, %mul3A_1407 : i32
        %add3A_1409 = arith.constant 9 : i32
        %add3A_1410 = arith.addi %mul3A_1408, %add3A_1409 : i32
        %swap3A_1411 = arith.index_cast %add3A_1410 : i32 to index
        %swap3A_1412 = arith.constant 0 : index
        %swap3A_1413 = tpu.vector_load %arg10[%swap3A_1411, %swap3A_1412] {strides = array<i32>} : memref<128x128xf32, #tpu.memory_space<vmem>>, vector<1x16xf32>,
        %swap3A_1414 = vector.shape_cast %swap3A_1413 : vector<1x16xf32> to vector<16xf32>
        %swap3A_1415 = vector.shape_cast %mul3A_1406 : vector<16xf32> to vector<1x16xf32>
        tpu.vector_store %arg10[%swap3A_1411, %swap3A_1412], %swap3A_1415 {strides = array<i32>} : memref<128x128xf32, #tpu.memory_space<vmem>>, vector<1x16xf32>,
        %mul3A_1416 = arith.constant 16 : i32
        %mul3A_1417 = arith.muli %add3A_60, %mul3A_1416 : i32
        %add3A_1418 = arith.constant 9 : i32
        %add3A_1419 = arith.addi %mul3A_1417, %add3A_1418 : i32
        %get3A_1420 = arith.index_cast %add3A_1419 : i32 to index
        %get3A_1421 = arith.constant 16 : index
        %get3A_1422 = tpu.vector_load %arg10[%get3A_1420, %get3A_1421] {strides = array<i32>} : memref<128x128xf32, #tpu.memory_space<vmem>>, vector<1x16xf32>,
        %get3A_1423 = vector.shape_cast %get3A_1422 : vector<1x16xf32> to vector<16xf32>
        %mul3A_1424 = arith.mulf %get3A_1423, %gather3A_1397 : vector<16xf32>
        %mul3A_1425 = arith.constant 16 : i32
        %mul3A_1426 = arith.muli %add3A_60, %mul3A_1425 : i32
        %add3A_1427 = arith.constant 9 : i32
        %add3A_1428 = arith.addi %mul3A_1426, %add3A_1427 : i32
        %swap3A_1429 = arith.index_cast %add3A_1428 : i32 to index
        %swap3A_1430 = arith.constant 16 : index
        %swap3A_1431 = tpu.vector_load %arg10[%swap3A_1429, %swap3A_1430] {strides = array<i32>} : memref<128x128xf32, #tpu.memory_space<vmem>>, vector<1x16xf32>,
        %swap3A_1432 = vector.shape_cast %swap3A_1431 : vector<1x16xf32> to vector<16xf32>
        %swap3A_1433 = vector.shape_cast %mul3A_1424 : vector<16xf32> to vector<1x16xf32>
        tpu.vector_store %arg10[%swap3A_1429, %swap3A_1430], %swap3A_1433 {strides = array<i32>} : memref<128x128xf32, #tpu.memory_space<vmem>>, vector<1x16xf32>,
        %mul3A_1434 = arith.constant 16 : i32
        %mul3A_1435 = arith.muli %add3A_60, %mul3A_1434 : i32
        %add3A_1436 = arith.constant 9 : i32
        %add3A_1437 = arith.addi %mul3A_1435, %add3A_1436 : i32
        %get3A_1438 = arith.index_cast %add3A_1437 : i32 to index
        %get3A_1439 = arith.constant 32 : index
        %get3A_1440 = tpu.vector_load %arg10[%get3A_1438, %get3A_1439] {strides = array<i32>} : memref<128x128xf32, #tpu.memory_space<vmem>>, vector<1x16xf32>,
        %get3A_1441 = vector.shape_cast %get3A_1440 : vector<1x16xf32> to vector<16xf32>
        %mul3A_1442 = arith.mulf %get3A_1441, %gather3A_1397 : vector<16xf32>
        %mul3A_1443 = arith.constant 16 : i32
        %mul3A_1444 = arith.muli %add3A_60, %mul3A_1443 : i32
        %add3A_1445 = arith.constant 9 : i32
        %add3A_1446 = arith.addi %mul3A_1444, %add3A_1445 : i32
        %swap3A_1447 = arith.index_cast %add3A_1446 : i32 to index
        %swap3A_1448 = arith.constant 32 : index
        %swap3A_1449 = tpu.vector_load %arg10[%swap3A_1447, %swap3A_1448] {strides = array<i32>} : memref<128x128xf32, #tpu.memory_space<vmem>>, vector<1x16xf32>,
        %swap3A_1450 = vector.shape_cast %swap3A_1449 : vector<1x16xf32> to vector<16xf32>
        %swap3A_1451 = vector.shape_cast %mul3A_1442 : vector<16xf32> to vector<1x16xf32>
        tpu.vector_store %arg10[%swap3A_1447, %swap3A_1448], %swap3A_1451 {strides = array<i32>} : memref<128x128xf32, #tpu.memory_space<vmem>>, vector<1x16xf32>,
        %mul3A_1452 = arith.constant 16 : i32
        %mul3A_1453 = arith.muli %add3A_60, %mul3A_1452 : i32
        %add3A_1454 = arith.constant 9 : i32
        %add3A_1455 = arith.addi %mul3A_1453, %add3A_1454 : i32
        %get3A_1456 = arith.index_cast %add3A_1455 : i32 to index
        %get3A_1457 = arith.constant 48 : index
        %get3A_1458 = tpu.vector_load %arg10[%get3A_1456, %get3A_1457] {strides = array<i32>} : memref<128x128xf32, #tpu.memory_space<vmem>>, vector<1x16xf32>,
        %get3A_1459 = vector.shape_cast %get3A_1458 : vector<1x16xf32> to vector<16xf32>
        %mul3A_1460 = arith.mulf %get3A_1459, %gather3A_1397 : vector<16xf32>
        %mul3A_1461 = arith.constant 16 : i32
        %mul3A_1462 = arith.muli %add3A_60, %mul3A_1461 : i32
        %add3A_1463 = arith.constant 9 : i32
        %add3A_1464 = arith.addi %mul3A_1462, %add3A_1463 : i32
        %swap3A_1465 = arith.index_cast %add3A_1464 : i32 to index
        %swap3A_1466 = arith.constant 48 : index
        %swap3A_1467 = tpu.vector_load %arg10[%swap3A_1465, %swap3A_1466] {strides = array<i32>} : memref<128x128xf32, #tpu.memory_space<vmem>>, vector<1x16xf32>,
        %swap3A_1468 = vector.shape_cast %swap3A_1467 : vector<1x16xf32> to vector<16xf32>
        %swap3A_1469 = vector.shape_cast %mul3A_1460 : vector<16xf32> to vector<1x16xf32>
        tpu.vector_store %arg10[%swap3A_1465, %swap3A_1466], %swap3A_1469 {strides = array<i32>} : memref<128x128xf32, #tpu.memory_space<vmem>>, vector<1x16xf32>,
        %mul3A_1470 = arith.constant 16 : i32
        %mul3A_1471 = arith.muli %add3A_60, %mul3A_1470 : i32
        %add3A_1472 = arith.constant 9 : i32
        %add3A_1473 = arith.addi %mul3A_1471, %add3A_1472 : i32
        %get3A_1474 = arith.index_cast %add3A_1473 : i32 to index
        %get3A_1475 = arith.constant 64 : index
        %get3A_1476 = tpu.vector_load %arg10[%get3A_1474, %get3A_1475] {strides = array<i32>} : memref<128x128xf32, #tpu.memory_space<vmem>>, vector<1x16xf32>,
        %get3A_1477 = vector.shape_cast %get3A_1476 : vector<1x16xf32> to vector<16xf32>
        %mul3A_1478 = arith.mulf %get3A_1477, %gather3A_1397 : vector<16xf32>
        %mul3A_1479 = arith.constant 16 : i32
        %mul3A_1480 = arith.muli %add3A_60, %mul3A_1479 : i32
        %add3A_1481 = arith.constant 9 : i32
        %add3A_1482 = arith.addi %mul3A_1480, %add3A_1481 : i32
        %swap3A_1483 = arith.index_cast %add3A_1482 : i32 to index
        %swap3A_1484 = arith.constant 64 : index
        %swap3A_1485 = tpu.vector_load %arg10[%swap3A_1483, %swap3A_1484] {strides = array<i32>} : memref<128x128xf32, #tpu.memory_space<vmem>>, vector<1x16xf32>,
        %swap3A_1486 = vector.shape_cast %swap3A_1485 : vector<1x16xf32> to vector<16xf32>
        %swap3A_1487 = vector.shape_cast %mul3A_1478 : vector<16xf32> to vector<1x16xf32>
        tpu.vector_store %arg10[%swap3A_1483, %swap3A_1484], %swap3A_1487 {strides = array<i32>} : memref<128x128xf32, #tpu.memory_space<vmem>>, vector<1x16xf32>,
        %mul3A_1488 = arith.constant 16 : i32
        %mul3A_1489 = arith.muli %add3A_60, %mul3A_1488 : i32
        %add3A_1490 = arith.constant 9 : i32
        %add3A_1491 = arith.addi %mul3A_1489, %add3A_1490 : i32
        %get3A_1492 = arith.index_cast %add3A_1491 : i32 to index
        %get3A_1493 = arith.constant 80 : index
        %get3A_1494 = tpu.vector_load %arg10[%get3A_1492, %get3A_1493] {strides = array<i32>} : memref<128x128xf32, #tpu.memory_space<vmem>>, vector<1x16xf32>,
        %get3A_1495 = vector.shape_cast %get3A_1494 : vector<1x16xf32> to vector<16xf32>
        %mul3A_1496 = arith.mulf %get3A_1495, %gather3A_1397 : vector<16xf32>
        %mul3A_1497 = arith.constant 16 : i32
        %mul3A_1498 = arith.muli %add3A_60, %mul3A_1497 : i32
        %add3A_1499 = arith.constant 9 : i32
        %add3A_1500 = arith.addi %mul3A_1498, %add3A_1499 : i32
        %swap3A_1501 = arith.index_cast %add3A_1500 : i32 to index
        %swap3A_1502 = arith.constant 80 : index
        %swap3A_1503 = tpu.vector_load %arg10[%swap3A_1501, %swap3A_1502] {strides = array<i32>} : memref<128x128xf32, #tpu.memory_space<vmem>>, vector<1x16xf32>,
        %swap3A_1504 = vector.shape_cast %swap3A_1503 : vector<1x16xf32> to vector<16xf32>
        %swap3A_1505 = vector.shape_cast %mul3A_1496 : vector<16xf32> to vector<1x16xf32>
        tpu.vector_store %arg10[%swap3A_1501, %swap3A_1502], %swap3A_1505 {strides = array<i32>} : memref<128x128xf32, #tpu.memory_space<vmem>>, vector<1x16xf32>,
        %mul3A_1506 = arith.constant 16 : i32
        %mul3A_1507 = arith.muli %add3A_60, %mul3A_1506 : i32
        %add3A_1508 = arith.constant 9 : i32
        %add3A_1509 = arith.addi %mul3A_1507, %add3A_1508 : i32
        %get3A_1510 = arith.index_cast %add3A_1509 : i32 to index
        %get3A_1511 = arith.constant 96 : index
        %get3A_1512 = tpu.vector_load %arg10[%get3A_1510, %get3A_1511] {strides = array<i32>} : memref<128x128xf32, #tpu.memory_space<vmem>>, vector<1x16xf32>,
        %get3A_1513 = vector.shape_cast %get3A_1512 : vector<1x16xf32> to vector<16xf32>
        %mul3A_1514 = arith.mulf %get3A_1513, %gather3A_1397 : vector<16xf32>
        %mul3A_1515 = arith.constant 16 : i32
        %mul3A_1516 = arith.muli %add3A_60, %mul3A_1515 : i32
        %add3A_1517 = arith.constant 9 : i32
        %add3A_1518 = arith.addi %mul3A_1516, %add3A_1517 : i32
        %swap3A_1519 = arith.index_cast %add3A_1518 : i32 to index
        %swap3A_1520 = arith.constant 96 : index
        %swap3A_1521 = tpu.vector_load %arg10[%swap3A_1519, %swap3A_1520] {strides = array<i32>} : memref<128x128xf32, #tpu.memory_space<vmem>>, vector<1x16xf32>,
        %swap3A_1522 = vector.shape_cast %swap3A_1521 : vector<1x16xf32> to vector<16xf32>
        %swap3A_1523 = vector.shape_cast %mul3A_1514 : vector<16xf32> to vector<1x16xf32>
        tpu.vector_store %arg10[%swap3A_1519, %swap3A_1520], %swap3A_1523 {strides = array<i32>} : memref<128x128xf32, #tpu.memory_space<vmem>>, vector<1x16xf32>,
        %mul3A_1524 = arith.constant 16 : i32
        %mul3A_1525 = arith.muli %add3A_60, %mul3A_1524 : i32
        %add3A_1526 = arith.constant 9 : i32
        %add3A_1527 = arith.addi %mul3A_1525, %add3A_1526 : i32
        %get3A_1528 = arith.index_cast %add3A_1527 : i32 to index
        %get3A_1529 = arith.constant 112 : index
        %get3A_1530 = tpu.vector_load %arg10[%get3A_1528, %get3A_1529] {strides = array<i32>} : memref<128x128xf32, #tpu.memory_space<vmem>>, vector<1x16xf32>,
        %get3A_1531 = vector.shape_cast %get3A_1530 : vector<1x16xf32> to vector<16xf32>
        %mul3A_1532 = arith.mulf %get3A_1531, %gather3A_1397 : vector<16xf32>
        %mul3A_1533 = arith.constant 16 : i32
        %mul3A_1534 = arith.muli %add3A_60, %mul3A_1533 : i32
        %add3A_1535 = arith.constant 9 : i32
        %add3A_1536 = arith.addi %mul3A_1534, %add3A_1535 : i32
        %swap3A_1537 = arith.index_cast %add3A_1536 : i32 to index
        %swap3A_1538 = arith.constant 112 : index
        %swap3A_1539 = tpu.vector_load %arg10[%swap3A_1537, %swap3A_1538] {strides = array<i32>} : memref<128x128xf32, #tpu.memory_space<vmem>>, vector<1x16xf32>,
        %swap3A_1540 = vector.shape_cast %swap3A_1539 : vector<1x16xf32> to vector<16xf32>
        %swap3A_1541 = vector.shape_cast %mul3A_1532 : vector<16xf32> to vector<1x16xf32>
        tpu.vector_store %arg10[%swap3A_1537, %swap3A_1538], %swap3A_1541 {strides = array<i32>} : memref<128x128xf32, #tpu.memory_space<vmem>>, vector<1x16xf32>,
        %broadcast_in_dim3A_1542 = arith.constant 10 : i32
        %broadcast_in_dim3A_1543 = vector.broadcast %broadcast_in_dim3A_1542 : i32 to vector<16x1xi32>
        %gather3A_1544 = vector.shape_cast %broadcast_in_dim3A_1543 : vector<16x1xi32> to vector<16xi32>
        %gather3A_1545 = tpu.dynamic_gather %get3A_64[%gather3A_1544] in [0] : vector<16xf32>, vector<16xi32> -> vector<16xf32>
        %mul3A_1546 = arith.constant 16 : i32
        %mul3A_1547 = arith.muli %add3A_60, %mul3A_1546 : i32
        %add3A_1548 = arith.constant 10 : i32
        %add3A_1549 = arith.addi %mul3A_1547, %add3A_1548 : i32
        %get3A_1550 = arith.index_cast %add3A_1549 : i32 to index
        %get3A_1551 = arith.constant 0 : index
        %get3A_1552 = tpu.vector_load %arg10[%get3A_1550, %get3A_1551] {strides = array<i32>} : memref<128x128xf32, #tpu.memory_space<vmem>>, vector<1x16xf32>,
        %get3A_1553 = vector.shape_cast %get3A_1552 : vector<1x16xf32> to vector<16xf32>
        %mul3A_1554 = arith.mulf %get3A_1553, %gather3A_1545 : vector<16xf32>
        %mul3A_1555 = arith.constant 16 : i32
        %mul3A_1556 = arith.muli %add3A_60, %mul3A_1555 : i32
        %add3A_1557 = arith.constant 10 : i32
        %add3A_1558 = arith.addi %mul3A_1556, %add3A_1557 : i32
        %swap3A_1559 = arith.index_cast %add3A_1558 : i32 to index
        %swap3A_1560 = arith.constant 0 : index
        %swap3A_1561 = tpu.vector_load %arg10[%swap3A_1559, %swap3A_1560] {strides = array<i32>} : memref<128x128xf32, #tpu.memory_space<vmem>>, vector<1x16xf32>,
        %swap3A_1562 = vector.shape_cast %swap3A_1561 : vector<1x16xf32> to vector<16xf32>
        %swap3A_1563 = vector.shape_cast %mul3A_1554 : vector<16xf32> to vector<1x16xf32>
        tpu.vector_store %arg10[%swap3A_1559, %swap3A_1560], %swap3A_1563 {strides = array<i32>} : memref<128x128xf32, #tpu.memory_space<vmem>>, vector<1x16xf32>,
        %mul3A_1564 = arith.constant 16 : i32
        %mul3A_1565 = arith.muli %add3A_60, %mul3A_1564 : i32
        %add3A_1566 = arith.constant 10 : i32
        %add3A_1567 = arith.addi %mul3A_1565, %add3A_1566 : i32
        %get3A_1568 = arith.index_cast %add3A_1567 : i32 to index
        %get3A_1569 = arith.constant 16 : index
        %get3A_1570 = tpu.vector_load %arg10[%get3A_1568, %get3A_1569] {strides = array<i32>} : memref<128x128xf32, #tpu.memory_space<vmem>>, vector<1x16xf32>,
        %get3A_1571 = vector.shape_cast %get3A_1570 : vector<1x16xf32> to vector<16xf32>
        %mul3A_1572 = arith.mulf %get3A_1571, %gather3A_1545 : vector<16xf32>
        %mul3A_1573 = arith.constant 16 : i32
        %mul3A_1574 = arith.muli %add3A_60, %mul3A_1573 : i32
        %add3A_1575 = arith.constant 10 : i32
        %add3A_1576 = arith.addi %mul3A_1574, %add3A_1575 : i32
        %swap3A_1577 = arith.index_cast %add3A_1576 : i32 to index
        %swap3A_1578 = arith.constant 16 : index
        %swap3A_1579 = tpu.vector_load %arg10[%swap3A_1577, %swap3A_1578] {strides = array<i32>} : memref<128x128xf32, #tpu.memory_space<vmem>>, vector<1x16xf32>,
        %swap3A_1580 = vector.shape_cast %swap3A_1579 : vector<1x16xf32> to vector<16xf32>
        %swap3A_1581 = vector.shape_cast %mul3A_1572 : vector<16xf32> to vector<1x16xf32>
        tpu.vector_store %arg10[%swap3A_1577, %swap3A_1578], %swap3A_1581 {strides = array<i32>} : memref<128x128xf32, #tpu.memory_space<vmem>>, vector<1x16xf32>,
        %mul3A_1582 = arith.constant 16 : i32
        %mul3A_1583 = arith.muli %add3A_60, %mul3A_1582 : i32
        %add3A_1584 = arith.constant 10 : i32
        %add3A_1585 = arith.addi %mul3A_1583, %add3A_1584 : i32
        %get3A_1586 = arith.index_cast %add3A_1585 : i32 to index
        %get3A_1587 = arith.constant 32 : index
        %get3A_1588 = tpu.vector_load %arg10[%get3A_1586, %get3A_1587] {strides = array<i32>} : memref<128x128xf32, #tpu.memory_space<vmem>>, vector<1x16xf32>,
        %get3A_1589 = vector.shape_cast %get3A_1588 : vector<1x16xf32> to vector<16xf32>
        %mul3A_1590 = arith.mulf %get3A_1589, %gather3A_1545 : vector<16xf32>
        %mul3A_1591 = arith.constant 16 : i32
        %mul3A_1592 = arith.muli %add3A_60, %mul3A_1591 : i32
        %add3A_1593 = arith.constant 10 : i32
        %add3A_1594 = arith.addi %mul3A_1592, %add3A_1593 : i32
        %swap3A_1595 = arith.index_cast %add3A_1594 : i32 to index
        %swap3A_1596 = arith.constant 32 : index
        %swap3A_1597 = tpu.vector_load %arg10[%swap3A_1595, %swap3A_1596] {strides = array<i32>} : memref<128x128xf32, #tpu.memory_space<vmem>>, vector<1x16xf32>,
        %swap3A_1598 = vector.shape_cast %swap3A_1597 : vector<1x16xf32> to vector<16xf32>
        %swap3A_1599 = vector.shape_cast %mul3A_1590 : vector<16xf32> to vector<1x16xf32>
        tpu.vector_store %arg10[%swap3A_1595, %swap3A_1596], %swap3A_1599 {strides = array<i32>} : memref<128x128xf32, #tpu.memory_space<vmem>>, vector<1x16xf32>,
        %mul3A_1600 = arith.constant 16 : i32
        %mul3A_1601 = arith.muli %add3A_60, %mul3A_1600 : i32
        %add3A_1602 = arith.constant 10 : i32
        %add3A_1603 = arith.addi %mul3A_1601, %add3A_1602 : i32
        %get3A_1604 = arith.index_cast %add3A_1603 : i32 to index
        %get3A_1605 = arith.constant 48 : index
        %get3A_1606 = tpu.vector_load %arg10[%get3A_1604, %get3A_1605] {strides = array<i32>} : memref<128x128xf32, #tpu.memory_space<vmem>>, vector<1x16xf32>,
        %get3A_1607 = vector.shape_cast %get3A_1606 : vector<1x16xf32> to vector<16xf32>
        %mul3A_1608 = arith.mulf %get3A_1607, %gather3A_1545 : vector<16xf32>
        %mul3A_1609 = arith.constant 16 : i32
        %mul3A_1610 = arith.muli %add3A_60, %mul3A_1609 : i32
        %add3A_1611 = arith.constant 10 : i32
        %add3A_1612 = arith.addi %mul3A_1610, %add3A_1611 : i32
        %swap3A_1613 = arith.index_cast %add3A_1612 : i32 to index
        %swap3A_1614 = arith.constant 48 : index
        %swap3A_1615 = tpu.vector_load %arg10[%swap3A_1613, %swap3A_1614] {strides = array<i32>} : memref<128x128xf32, #tpu.memory_space<vmem>>, vector<1x16xf32>,
        %swap3A_1616 = vector.shape_cast %swap3A_1615 : vector<1x16xf32> to vector<16xf32>
        %swap3A_1617 = vector.shape_cast %mul3A_1608 : vector<16xf32> to vector<1x16xf32>
        tpu.vector_store %arg10[%swap3A_1613, %swap3A_1614], %swap3A_1617 {strides = array<i32>} : memref<128x128xf32, #tpu.memory_space<vmem>>, vector<1x16xf32>,
        %mul3A_1618 = arith.constant 16 : i32
        %mul3A_1619 = arith.muli %add3A_60, %mul3A_1618 : i32
        %add3A_1620 = arith.constant 10 : i32
        %add3A_1621 = arith.addi %mul3A_1619, %add3A_1620 : i32
        %get3A_1622 = arith.index_cast %add3A_1621 : i32 to index
        %get3A_1623 = arith.constant 64 : index
        %get3A_1624 = tpu.vector_load %arg10[%get3A_1622, %get3A_1623] {strides = array<i32>} : memref<128x128xf32, #tpu.memory_space<vmem>>, vector<1x16xf32>,
        %get3A_1625 = vector.shape_cast %get3A_1624 : vector<1x16xf32> to vector<16xf32>
        %mul3A_1626 = arith.mulf %get3A_1625, %gather3A_1545 : vector<16xf32>
        %mul3A_1627 = arith.constant 16 : i32
        %mul3A_1628 = arith.muli %add3A_60, %mul3A_1627 : i32
        %add3A_1629 = arith.constant 10 : i32
        %add3A_1630 = arith.addi %mul3A_1628, %add3A_1629 : i32
        %swap3A_1631 = arith.index_cast %add3A_1630 : i32 to index
        %swap3A_1632 = arith.constant 64 : index
        %swap3A_1633 = tpu.vector_load %arg10[%swap3A_1631, %swap3A_1632] {strides = array<i32>} : memref<128x128xf32, #tpu.memory_space<vmem>>, vector<1x16xf32>,
        %swap3A_1634 = vector.shape_cast %swap3A_1633 : vector<1x16xf32> to vector<16xf32>
        %swap3A_1635 = vector.shape_cast %mul3A_1626 : vector<16xf32> to vector<1x16xf32>
        tpu.vector_store %arg10[%swap3A_1631, %swap3A_1632], %swap3A_1635 {strides = array<i32>} : memref<128x128xf32, #tpu.memory_space<vmem>>, vector<1x16xf32>,
        %mul3A_1636 = arith.constant 16 : i32
        %mul3A_1637 = arith.muli %add3A_60, %mul3A_1636 : i32
        %add3A_1638 = arith.constant 10 : i32
        %add3A_1639 = arith.addi %mul3A_1637, %add3A_1638 : i32
        %get3A_1640 = arith.index_cast %add3A_1639 : i32 to index
        %get3A_1641 = arith.constant 80 : index
        %get3A_1642 = tpu.vector_load %arg10[%get3A_1640, %get3A_1641] {strides = array<i32>} : memref<128x128xf32, #tpu.memory_space<vmem>>, vector<1x16xf32>,
        %get3A_1643 = vector.shape_cast %get3A_1642 : vector<1x16xf32> to vector<16xf32>
        %mul3A_1644 = arith.mulf %get3A_1643, %gather3A_1545 : vector<16xf32>
        %mul3A_1645 = arith.constant 16 : i32
        %mul3A_1646 = arith.muli %add3A_60, %mul3A_1645 : i32
        %add3A_1647 = arith.constant 10 : i32
        %add3A_1648 = arith.addi %mul3A_1646, %add3A_1647 : i32
        %swap3A_1649 = arith.index_cast %add3A_1648 : i32 to index
        %swap3A_1650 = arith.constant 80 : index
        %swap3A_1651 = tpu.vector_load %arg10[%swap3A_1649, %swap3A_1650] {strides = array<i32>} : memref<128x128xf32, #tpu.memory_space<vmem>>, vector<1x16xf32>,
        %swap3A_1652 = vector.shape_cast %swap3A_1651 : vector<1x16xf32> to vector<16xf32>
        %swap3A_1653 = vector.shape_cast %mul3A_1644 : vector<16xf32> to vector<1x16xf32>
        tpu.vector_store %arg10[%swap3A_1649, %swap3A_1650], %swap3A_1653 {strides = array<i32>} : memref<128x128xf32, #tpu.memory_space<vmem>>, vector<1x16xf32>,
        %mul3A_1654 = arith.constant 16 : i32
        %mul3A_1655 = arith.muli %add3A_60, %mul3A_1654 : i32
        %add3A_1656 = arith.constant 10 : i32
        %add3A_1657 = arith.addi %mul3A_1655, %add3A_1656 : i32
        %get3A_1658 = arith.index_cast %add3A_1657 : i32 to index
        %get3A_1659 = arith.constant 96 : index
        %get3A_1660 = tpu.vector_load %arg10[%get3A_1658, %get3A_1659] {strides = array<i32>} : memref<128x128xf32, #tpu.memory_space<vmem>>, vector<1x16xf32>,
        %get3A_1661 = vector.shape_cast %get3A_1660 : vector<1x16xf32> to vector<16xf32>
        %mul3A_1662 = arith.mulf %get3A_1661, %gather3A_1545 : vector<16xf32>
        %mul3A_1663 = arith.constant 16 : i32
        %mul3A_1664 = arith.muli %add3A_60, %mul3A_1663 : i32
        %add3A_1665 = arith.constant 10 : i32
        %add3A_1666 = arith.addi %mul3A_1664, %add3A_1665 : i32
        %swap3A_1667 = arith.index_cast %add3A_1666 : i32 to index
        %swap3A_1668 = arith.constant 96 : index
        %swap3A_1669 = tpu.vector_load %arg10[%swap3A_1667, %swap3A_1668] {strides = array<i32>} : memref<128x128xf32, #tpu.memory_space<vmem>>, vector<1x16xf32>,
        %swap3A_1670 = vector.shape_cast %swap3A_1669 : vector<1x16xf32> to vector<16xf32>
        %swap3A_1671 = vector.shape_cast %mul3A_1662 : vector<16xf32> to vector<1x16xf32>
        tpu.vector_store %arg10[%swap3A_1667, %swap3A_1668], %swap3A_1671 {strides = array<i32>} : memref<128x128xf32, #tpu.memory_space<vmem>>, vector<1x16xf32>,
        %mul3A_1672 = arith.constant 16 : i32
        %mul3A_1673 = arith.muli %add3A_60, %mul3A_1672 : i32
        %add3A_1674 = arith.constant 10 : i32
        %add3A_1675 = arith.addi %mul3A_1673, %add3A_1674 : i32
        %get3A_1676 = arith.index_cast %add3A_1675 : i32 to index
        %get3A_1677 = arith.constant 112 : index
        %get3A_1678 = tpu.vector_load %arg10[%get3A_1676, %get3A_1677] {strides = array<i32>} : memref<128x128xf32, #tpu.memory_space<vmem>>, vector<1x16xf32>,
        %get3A_1679 = vector.shape_cast %get3A_1678 : vector<1x16xf32> to vector<16xf32>
        %mul3A_1680 = arith.mulf %get3A_1679, %gather3A_1545 : vector<16xf32>
        %mul3A_1681 = arith.constant 16 : i32
        %mul3A_1682 = arith.muli %add3A_60, %mul3A_1681 : i32
        %add3A_1683 = arith.constant 10 : i32
        %add3A_1684 = arith.addi %mul3A_1682, %add3A_1683 : i32
        %swap3A_1685 = arith.index_cast %add3A_1684 : i32 to index
        %swap3A_1686 = arith.constant 112 : index
        %swap3A_1687 = tpu.vector_load %arg10[%swap3A_1685, %swap3A_1686] {strides = array<i32>} : memref<128x128xf32, #tpu.memory_space<vmem>>, vector<1x16xf32>,
        %swap3A_1688 = vector.shape_cast %swap3A_1687 : vector<1x16xf32> to vector<16xf32>
        %swap3A_1689 = vector.shape_cast %mul3A_1680 : vector<16xf32> to vector<1x16xf32>
        tpu.vector_store %arg10[%swap3A_1685, %swap3A_1686], %swap3A_1689 {strides = array<i32>} : memref<128x128xf32, #tpu.memory_space<vmem>>, vector<1x16xf32>,
        %broadcast_in_dim3A_1690 = arith.constant 11 : i32
        %broadcast_in_dim3A_1691 = vector.broadcast %broadcast_in_dim3A_1690 : i32 to vector<16x1xi32>
        %gather3A_1692 = vector.shape_cast %broadcast_in_dim3A_1691 : vector<16x1xi32> to vector<16xi32>
        %gather3A_1693 = tpu.dynamic_gather %get3A_64[%gather3A_1692] in [0] : vector<16xf32>, vector<16xi32> -> vector<16xf32>
        %mul3A_1694 = arith.constant 16 : i32
        %mul3A_1695 = arith.muli %add3A_60, %mul3A_1694 : i32
        %add3A_1696 = arith.constant 11 : i32
        %add3A_1697 = arith.addi %mul3A_1695, %add3A_1696 : i32
        %get3A_1698 = arith.index_cast %add3A_1697 : i32 to index
        %get3A_1699 = arith.constant 0 : index
        %get3A_1700 = tpu.vector_load %arg10[%get3A_1698, %get3A_1699] {strides = array<i32>} : memref<128x128xf32, #tpu.memory_space<vmem>>, vector<1x16xf32>,
        %get3A_1701 = vector.shape_cast %get3A_1700 : vector<1x16xf32> to vector<16xf32>
        %mul3A_1702 = arith.mulf %get3A_1701, %gather3A_1693 : vector<16xf32>
        %mul3A_1703 = arith.constant 16 : i32
        %mul3A_1704 = arith.muli %add3A_60, %mul3A_1703 : i32
        %add3A_1705 = arith.constant 11 : i32
        %add3A_1706 = arith.addi %mul3A_1704, %add3A_1705 : i32
        %swap3A_1707 = arith.index_cast %add3A_1706 : i32 to index
        %swap3A_1708 = arith.constant 0 : index
        %swap3A_1709 = tpu.vector_load %arg10[%swap3A_1707, %swap3A_1708] {strides = array<i32>} : memref<128x128xf32, #tpu.memory_space<vmem>>, vector<1x16xf32>,
        %swap3A_1710 = vector.shape_cast %swap3A_1709 : vector<1x16xf32> to vector<16xf32>
        %swap3A_1711 = vector.shape_cast %mul3A_1702 : vector<16xf32> to vector<1x16xf32>
        tpu.vector_store %arg10[%swap3A_1707, %swap3A_1708], %swap3A_1711 {strides = array<i32>} : memref<128x128xf32, #tpu.memory_space<vmem>>, vector<1x16xf32>,
        %mul3A_1712 = arith.constant 16 : i32
        %mul3A_1713 = arith.muli %add3A_60, %mul3A_1712 : i32
        %add3A_1714 = arith.constant 11 : i32
        %add3A_1715 = arith.addi %mul3A_1713, %add3A_1714 : i32
        %get3A_1716 = arith.index_cast %add3A_1715 : i32 to index
        %get3A_1717 = arith.constant 16 : index
        %get3A_1718 = tpu.vector_load %arg10[%get3A_1716, %get3A_1717] {strides = array<i32>} : memref<128x128xf32, #tpu.memory_space<vmem>>, vector<1x16xf32>,
        %get3A_1719 = vector.shape_cast %get3A_1718 : vector<1x16xf32> to vector<16xf32>
        %mul3A_1720 = arith.mulf %get3A_1719, %gather3A_1693 : vector<16xf32>
        %mul3A_1721 = arith.constant 16 : i32
        %mul3A_1722 = arith.muli %add3A_60, %mul3A_1721 : i32
        %add3A_1723 = arith.constant 11 : i32
        %add3A_1724 = arith.addi %mul3A_1722, %add3A_1723 : i32
        %swap3A_1725 = arith.index_cast %add3A_1724 : i32 to index
        %swap3A_1726 = arith.constant 16 : index
        %swap3A_1727 = tpu.vector_load %arg10[%swap3A_1725, %swap3A_1726] {strides = array<i32>} : memref<128x128xf32, #tpu.memory_space<vmem>>, vector<1x16xf32>,
        %swap3A_1728 = vector.shape_cast %swap3A_1727 : vector<1x16xf32> to vector<16xf32>
        %swap3A_1729 = vector.shape_cast %mul3A_1720 : vector<16xf32> to vector<1x16xf32>
        tpu.vector_store %arg10[%swap3A_1725, %swap3A_1726], %swap3A_1729 {strides = array<i32>} : memref<128x128xf32, #tpu.memory_space<vmem>>, vector<1x16xf32>,
        %mul3A_1730 = arith.constant 16 : i32
        %mul3A_1731 = arith.muli %add3A_60, %mul3A_1730 : i32
        %add3A_1732 = arith.constant 11 : i32
        %add3A_1733 = arith.addi %mul3A_1731, %add3A_1732 : i32
        %get3A_1734 = arith.index_cast %add3A_1733 : i32 to index
        %get3A_1735 = arith.constant 32 : index
        %get3A_1736 = tpu.vector_load %arg10[%get3A_1734, %get3A_1735] {strides = array<i32>} : memref<128x128xf32, #tpu.memory_space<vmem>>, vector<1x16xf32>,
        %get3A_1737 = vector.shape_cast %get3A_1736 : vector<1x16xf32> to vector<16xf32>
        %mul3A_1738 = arith.mulf %get3A_1737, %gather3A_1693 : vector<16xf32>
        %mul3A_1739 = arith.constant 16 : i32
        %mul3A_1740 = arith.muli %add3A_60, %mul3A_1739 : i32
        %add3A_1741 = arith.constant 11 : i32
        %add3A_1742 = arith.addi %mul3A_1740, %add3A_1741 : i32
        %swap3A_1743 = arith.index_cast %add3A_1742 : i32 to index
        %swap3A_1744 = arith.constant 32 : index
        %swap3A_1745 = tpu.vector_load %arg10[%swap3A_1743, %swap3A_1744] {strides = array<i32>} : memref<128x128xf32, #tpu.memory_space<vmem>>, vector<1x16xf32>,
        %swap3A_1746 = vector.shape_cast %swap3A_1745 : vector<1x16xf32> to vector<16xf32>
        %swap3A_1747 = vector.shape_cast %mul3A_1738 : vector<16xf32> to vector<1x16xf32>
        tpu.vector_store %arg10[%swap3A_1743, %swap3A_1744], %swap3A_1747 {strides = array<i32>} : memref<128x128xf32, #tpu.memory_space<vmem>>, vector<1x16xf32>,
        %mul3A_1748 = arith.constant 16 : i32
        %mul3A_1749 = arith.muli %add3A_60, %mul3A_1748 : i32
        %add3A_1750 = arith.constant 11 : i32
        %add3A_1751 = arith.addi %mul3A_1749, %add3A_1750 : i32
        %get3A_1752 = arith.index_cast %add3A_1751 : i32 to index
        %get3A_1753 = arith.constant 48 : index
        %get3A_1754 = tpu.vector_load %arg10[%get3A_1752, %get3A_1753] {strides = array<i32>} : memref<128x128xf32, #tpu.memory_space<vmem>>, vector<1x16xf32>,
        %get3A_1755 = vector.shape_cast %get3A_1754 : vector<1x16xf32> to vector<16xf32>
        %mul3A_1756 = arith.mulf %get3A_1755, %gather3A_1693 : vector<16xf32>
        %mul3A_1757 = arith.constant 16 : i32
        %mul3A_1758 = arith.muli %add3A_60, %mul3A_1757 : i32
        %add3A_1759 = arith.constant 11 : i32
        %add3A_1760 = arith.addi %mul3A_1758, %add3A_1759 : i32
        %swap3A_1761 = arith.index_cast %add3A_1760 : i32 to index
        %swap3A_1762 = arith.constant 48 : index
        %swap3A_1763 = tpu.vector_load %arg10[%swap3A_1761, %swap3A_1762] {strides = array<i32>} : memref<128x128xf32, #tpu.memory_space<vmem>>, vector<1x16xf32>,
        %swap3A_1764 = vector.shape_cast %swap3A_1763 : vector<1x16xf32> to vector<16xf32>
        %swap3A_1765 = vector.shape_cast %mul3A_1756 : vector<16xf32> to vector<1x16xf32>
        tpu.vector_store %arg10[%swap3A_1761, %swap3A_1762], %swap3A_1765 {strides = array<i32>} : memref<128x128xf32, #tpu.memory_space<vmem>>, vector<1x16xf32>,
        %mul3A_1766 = arith.constant 16 : i32
        %mul3A_1767 = arith.muli %add3A_60, %mul3A_1766 : i32
        %add3A_1768 = arith.constant 11 : i32
        %add3A_1769 = arith.addi %mul3A_1767, %add3A_1768 : i32
        %get3A_1770 = arith.index_cast %add3A_1769 : i32 to index
        %get3A_1771 = arith.constant 64 : index
        %get3A_1772 = tpu.vector_load %arg10[%get3A_1770, %get3A_1771] {strides = array<i32>} : memref<128x128xf32, #tpu.memory_space<vmem>>, vector<1x16xf32>,
        %get3A_1773 = vector.shape_cast %get3A_1772 : vector<1x16xf32> to vector<16xf32>
        %mul3A_1774 = arith.mulf %get3A_1773, %gather3A_1693 : vector<16xf32>
        %mul3A_1775 = arith.constant 16 : i32
        %mul3A_1776 = arith.muli %add3A_60, %mul3A_1775 : i32
        %add3A_1777 = arith.constant 11 : i32
        %add3A_1778 = arith.addi %mul3A_1776, %add3A_1777 : i32
        %swap3A_1779 = arith.index_cast %add3A_1778 : i32 to index
        %swap3A_1780 = arith.constant 64 : index
        %swap3A_1781 = tpu.vector_load %arg10[%swap3A_1779, %swap3A_1780] {strides = array<i32>} : memref<128x128xf32, #tpu.memory_space<vmem>>, vector<1x16xf32>,
        %swap3A_1782 = vector.shape_cast %swap3A_1781 : vector<1x16xf32> to vector<16xf32>
        %swap3A_1783 = vector.shape_cast %mul3A_1774 : vector<16xf32> to vector<1x16xf32>
        tpu.vector_store %arg10[%swap3A_1779, %swap3A_1780], %swap3A_1783 {strides = array<i32>} : memref<128x128xf32, #tpu.memory_space<vmem>>, vector<1x16xf32>,
        %mul3A_1784 = arith.constant 16 : i32
        %mul3A_1785 = arith.muli %add3A_60, %mul3A_1784 : i32
        %add3A_1786 = arith.constant 11 : i32
        %add3A_1787 = arith.addi %mul3A_1785, %add3A_1786 : i32
        %get3A_1788 = arith.index_cast %add3A_1787 : i32 to index
        %get3A_1789 = arith.constant 80 : index
        %get3A_1790 = tpu.vector_load %arg10[%get3A_1788, %get3A_1789] {strides = array<i32>} : memref<128x128xf32, #tpu.memory_space<vmem>>, vector<1x16xf32>,
        %get3A_1791 = vector.shape_cast %get3A_1790 : vector<1x16xf32> to vector<16xf32>
        %mul3A_1792 = arith.mulf %get3A_1791, %gather3A_1693 : vector<16xf32>
        %mul3A_1793 = arith.constant 16 : i32
        %mul3A_1794 = arith.muli %add3A_60, %mul3A_1793 : i32
        %add3A_1795 = arith.constant 11 : i32
        %add3A_1796 = arith.addi %mul3A_1794, %add3A_1795 : i32
        %swap3A_1797 = arith.index_cast %add3A_1796 : i32 to index
        %swap3A_1798 = arith.constant 80 : index
        %swap3A_1799 = tpu.vector_load %arg10[%swap3A_1797, %swap3A_1798] {strides = array<i32>} : memref<128x128xf32, #tpu.memory_space<vmem>>, vector<1x16xf32>,
        %swap3A_1800 = vector.shape_cast %swap3A_1799 : vector<1x16xf32> to vector<16xf32>
        %swap3A_1801 = vector.shape_cast %mul3A_1792 : vector<16xf32> to vector<1x16xf32>
        tpu.vector_store %arg10[%swap3A_1797, %swap3A_1798], %swap3A_1801 {strides = array<i32>} : memref<128x128xf32, #tpu.memory_space<vmem>>, vector<1x16xf32>,
        %mul3A_1802 = arith.constant 16 : i32
        %mul3A_1803 = arith.muli %add3A_60, %mul3A_1802 : i32
        %add3A_1804 = arith.constant 11 : i32
        %add3A_1805 = arith.addi %mul3A_1803, %add3A_1804 : i32
        %get3A_1806 = arith.index_cast %add3A_1805 : i32 to index
        %get3A_1807 = arith.constant 96 : index
        %get3A_1808 = tpu.vector_load %arg10[%get3A_1806, %get3A_1807] {strides = array<i32>} : memref<128x128xf32, #tpu.memory_space<vmem>>, vector<1x16xf32>,
        %get3A_1809 = vector.shape_cast %get3A_1808 : vector<1x16xf32> to vector<16xf32>
        %mul3A_1810 = arith.mulf %get3A_1809, %gather3A_1693 : vector<16xf32>
        %mul3A_1811 = arith.constant 16 : i32
        %mul3A_1812 = arith.muli %add3A_60, %mul3A_1811 : i32
        %add3A_1813 = arith.constant 11 : i32
        %add3A_1814 = arith.addi %mul3A_1812, %add3A_1813 : i32
        %swap3A_1815 = arith.index_cast %add3A_1814 : i32 to index
        %swap3A_1816 = arith.constant 96 : index
        %swap3A_1817 = tpu.vector_load %arg10[%swap3A_1815, %swap3A_1816] {strides = array<i32>} : memref<128x128xf32, #tpu.memory_space<vmem>>, vector<1x16xf32>,
        %swap3A_1818 = vector.shape_cast %swap3A_1817 : vector<1x16xf32> to vector<16xf32>
        %swap3A_1819 = vector.shape_cast %mul3A_1810 : vector<16xf32> to vector<1x16xf32>
        tpu.vector_store %arg10[%swap3A_1815, %swap3A_1816], %swap3A_1819 {strides = array<i32>} : memref<128x128xf32, #tpu.memory_space<vmem>>, vector<1x16xf32>,
        %mul3A_1820 = arith.constant 16 : i32
        %mul3A_1821 = arith.muli %add3A_60, %mul3A_1820 : i32
        %add3A_1822 = arith.constant 11 : i32
        %add3A_1823 = arith.addi %mul3A_1821, %add3A_1822 : i32
        %get3A_1824 = arith.index_cast %add3A_1823 : i32 to index
        %get3A_1825 = arith.constant 112 : index
        %get3A_1826 = tpu.vector_load %arg10[%get3A_1824, %get3A_1825] {strides = array<i32>} : memref<128x128xf32, #tpu.memory_space<vmem>>, vector<1x16xf32>,
        %get3A_1827 = vector.shape_cast %get3A_1826 : vector<1x16xf32> to vector<16xf32>
        %mul3A_1828 = arith.mulf %get3A_1827, %gather3A_1693 : vector<16xf32>
        %mul3A_1829 = arith.constant 16 : i32
        %mul3A_1830 = arith.muli %add3A_60, %mul3A_1829 : i32
        %add3A_1831 = arith.constant 11 : i32
        %add3A_1832 = arith.addi %mul3A_1830, %add3A_1831 : i32
        %swap3A_1833 = arith.index_cast %add3A_1832 : i32 to index
        %swap3A_1834 = arith.constant 112 : index
        %swap3A_1835 = tpu.vector_load %arg10[%swap3A_1833, %swap3A_1834] {strides = array<i32>} : memref<128x128xf32, #tpu.memory_space<vmem>>, vector<1x16xf32>,
        %swap3A_1836 = vector.shape_cast %swap3A_1835 : vector<1x16xf32> to vector<16xf32>
        %swap3A_1837 = vector.shape_cast %mul3A_1828 : vector<16xf32> to vector<1x16xf32>
        tpu.vector_store %arg10[%swap3A_1833, %swap3A_1834], %swap3A_1837 {strides = array<i32>} : memref<128x128xf32, #tpu.memory_space<vmem>>, vector<1x16xf32>,
        %broadcast_in_dim3A_1838 = arith.constant 12 : i32
        %broadcast_in_dim3A_1839 = vector.broadcast %broadcast_in_dim3A_1838 : i32 to vector<16x1xi32>
        %gather3A_1840 = vector.shape_cast %broadcast_in_dim3A_1839 : vector<16x1xi32> to vector<16xi32>
        %gather3A_1841 = tpu.dynamic_gather %get3A_64[%gather3A_1840] in [0] : vector<16xf32>, vector<16xi32> -> vector<16xf32>
        %mul3A_1842 = arith.constant 16 : i32
        %mul3A_1843 = arith.muli %add3A_60, %mul3A_1842 : i32
        %add3A_1844 = arith.constant 12 : i32
        %add3A_1845 = arith.addi %mul3A_1843, %add3A_1844 : i32
        %get3A_1846 = arith.index_cast %add3A_1845 : i32 to index
        %get3A_1847 = arith.constant 0 : index
        %get3A_1848 = tpu.vector_load %arg10[%get3A_1846, %get3A_1847] {strides = array<i32>} : memref<128x128xf32, #tpu.memory_space<vmem>>, vector<1x16xf32>,
        %get3A_1849 = vector.shape_cast %get3A_1848 : vector<1x16xf32> to vector<16xf32>
        %mul3A_1850 = arith.mulf %get3A_1849, %gather3A_1841 : vector<16xf32>
        %mul3A_1851 = arith.constant 16 : i32
        %mul3A_1852 = arith.muli %add3A_60, %mul3A_1851 : i32
        %add3A_1853 = arith.constant 12 : i32
        %add3A_1854 = arith.addi %mul3A_1852, %add3A_1853 : i32
        %swap3A_1855 = arith.index_cast %add3A_1854 : i32 to index
        %swap3A_1856 = arith.constant 0 : index
        %swap3A_1857 = tpu.vector_load %arg10[%swap3A_1855, %swap3A_1856] {strides = array<i32>} : memref<128x128xf32, #tpu.memory_space<vmem>>, vector<1x16xf32>,
        %swap3A_1858 = vector.shape_cast %swap3A_1857 : vector<1x16xf32> to vector<16xf32>
        %swap3A_1859 = vector.shape_cast %mul3A_1850 : vector<16xf32> to vector<1x16xf32>
        tpu.vector_store %arg10[%swap3A_1855, %swap3A_1856], %swap3A_1859 {strides = array<i32>} : memref<128x128xf32, #tpu.memory_space<vmem>>, vector<1x16xf32>,
        %mul3A_1860 = arith.constant 16 : i32
        %mul3A_1861 = arith.muli %add3A_60, %mul3A_1860 : i32
        %add3A_1862 = arith.constant 12 : i32
        %add3A_1863 = arith.addi %mul3A_1861, %add3A_1862 : i32
        %get3A_1864 = arith.index_cast %add3A_1863 : i32 to index
        %get3A_1865 = arith.constant 16 : index
        %get3A_1866 = tpu.vector_load %arg10[%get3A_1864, %get3A_1865] {strides = array<i32>} : memref<128x128xf32, #tpu.memory_space<vmem>>, vector<1x16xf32>,
        %get3A_1867 = vector.shape_cast %get3A_1866 : vector<1x16xf32> to vector<16xf32>
        %mul3A_1868 = arith.mulf %get3A_1867, %gather3A_1841 : vector<16xf32>
        %mul3A_1869 = arith.constant 16 : i32
        %mul3A_1870 = arith.muli %add3A_60, %mul3A_1869 : i32
        %add3A_1871 = arith.constant 12 : i32
        %add3A_1872 = arith.addi %mul3A_1870, %add3A_1871 : i32
        %swap3A_1873 = arith.index_cast %add3A_1872 : i32 to index
        %swap3A_1874 = arith.constant 16 : index
        %swap3A_1875 = tpu.vector_load %arg10[%swap3A_1873, %swap3A_1874] {strides = array<i32>} : memref<128x128xf32, #tpu.memory_space<vmem>>, vector<1x16xf32>,
        %swap3A_1876 = vector.shape_cast %swap3A_1875 : vector<1x16xf32> to vector<16xf32>
        %swap3A_1877 = vector.shape_cast %mul3A_1868 : vector<16xf32> to vector<1x16xf32>
        tpu.vector_store %arg10[%swap3A_1873, %swap3A_1874], %swap3A_1877 {strides = array<i32>} : memref<128x128xf32, #tpu.memory_space<vmem>>, vector<1x16xf32>,
        %mul3A_1878 = arith.constant 16 : i32
        %mul3A_1879 = arith.muli %add3A_60, %mul3A_1878 : i32
        %add3A_1880 = arith.constant 12 : i32
        %add3A_1881 = arith.addi %mul3A_1879, %add3A_1880 : i32
        %get3A_1882 = arith.index_cast %add3A_1881 : i32 to index
        %get3A_1883 = arith.constant 32 : index
        %get3A_1884 = tpu.vector_load %arg10[%get3A_1882, %get3A_1883] {strides = array<i32>} : memref<128x128xf32, #tpu.memory_space<vmem>>, vector<1x16xf32>,
        %get3A_1885 = vector.shape_cast %get3A_1884 : vector<1x16xf32> to vector<16xf32>
        %mul3A_1886 = arith.mulf %get3A_1885, %gather3A_1841 : vector<16xf32>
        %mul3A_1887 = arith.constant 16 : i32
        %mul3A_1888 = arith.muli %add3A_60, %mul3A_1887 : i32
        %add3A_1889 = arith.constant 12 : i32
        %add3A_1890 = arith.addi %mul3A_1888, %add3A_1889 : i32
        %swap3A_1891 = arith.index_cast %add3A_1890 : i32 to index
        %swap3A_1892 = arith.constant 32 : index
        %swap3A_1893 = tpu.vector_load %arg10[%swap3A_1891, %swap3A_1892] {strides = array<i32>} : memref<128x128xf32, #tpu.memory_space<vmem>>, vector<1x16xf32>,
        %swap3A_1894 = vector.shape_cast %swap3A_1893 : vector<1x16xf32> to vector<16xf32>
        %swap3A_1895 = vector.shape_cast %mul3A_1886 : vector<16xf32> to vector<1x16xf32>
        tpu.vector_store %arg10[%swap3A_1891, %swap3A_1892], %swap3A_1895 {strides = array<i32>} : memref<128x128xf32, #tpu.memory_space<vmem>>, vector<1x16xf32>,
        %mul3A_1896 = arith.constant 16 : i32
        %mul3A_1897 = arith.muli %add3A_60, %mul3A_1896 : i32
        %add3A_1898 = arith.constant 12 : i32
        %add3A_1899 = arith.addi %mul3A_1897, %add3A_1898 : i32
        %get3A_1900 = arith.index_cast %add3A_1899 : i32 to index
        %get3A_1901 = arith.constant 48 : index
        %get3A_1902 = tpu.vector_load %arg10[%get3A_1900, %get3A_1901] {strides = array<i32>} : memref<128x128xf32, #tpu.memory_space<vmem>>, vector<1x16xf32>,
        %get3A_1903 = vector.shape_cast %get3A_1902 : vector<1x16xf32> to vector<16xf32>
        %mul3A_1904 = arith.mulf %get3A_1903, %gather3A_1841 : vector<16xf32>
        %mul3A_1905 = arith.constant 16 : i32
        %mul3A_1906 = arith.muli %add3A_60, %mul3A_1905 : i32
        %add3A_1907 = arith.constant 12 : i32
        %add3A_1908 = arith.addi %mul3A_1906, %add3A_1907 : i32
        %swap3A_1909 = arith.index_cast %add3A_1908 : i32 to index
        %swap3A_1910 = arith.constant 48 : index
        %swap3A_1911 = tpu.vector_load %arg10[%swap3A_1909, %swap3A_1910] {strides = array<i32>} : memref<128x128xf32, #tpu.memory_space<vmem>>, vector<1x16xf32>,
        %swap3A_1912 = vector.shape_cast %swap3A_1911 : vector<1x16xf32> to vector<16xf32>
        %swap3A_1913 = vector.shape_cast %mul3A_1904 : vector<16xf32> to vector<1x16xf32>
        tpu.vector_store %arg10[%swap3A_1909, %swap3A_1910], %swap3A_1913 {strides = array<i32>} : memref<128x128xf32, #tpu.memory_space<vmem>>, vector<1x16xf32>,
        %mul3A_1914 = arith.constant 16 : i32
        %mul3A_1915 = arith.muli %add3A_60, %mul3A_1914 : i32
        %add3A_1916 = arith.constant 12 : i32
        %add3A_1917 = arith.addi %mul3A_1915, %add3A_1916 : i32
        %get3A_1918 = arith.index_cast %add3A_1917 : i32 to index
        %get3A_1919 = arith.constant 64 : index
        %get3A_1920 = tpu.vector_load %arg10[%get3A_1918, %get3A_1919] {strides = array<i32>} : memref<128x128xf32, #tpu.memory_space<vmem>>, vector<1x16xf32>,
        %get3A_1921 = vector.shape_cast %get3A_1920 : vector<1x16xf32> to vector<16xf32>
        %mul3A_1922 = arith.mulf %get3A_1921, %gather3A_1841 : vector<16xf32>
        %mul3A_1923 = arith.constant 16 : i32
        %mul3A_1924 = arith.muli %add3A_60, %mul3A_1923 : i32
        %add3A_1925 = arith.constant 12 : i32
        %add3A_1926 = arith.addi %mul3A_1924, %add3A_1925 : i32
        %swap3A_1927 = arith.index_cast %add3A_1926 : i32 to index
        %swap3A_1928 = arith.constant 64 : index
        %swap3A_1929 = tpu.vector_load %arg10[%swap3A_1927, %swap3A_1928] {strides = array<i32>} : memref<128x128xf32, #tpu.memory_space<vmem>>, vector<1x16xf32>,
        %swap3A_1930 = vector.shape_cast %swap3A_1929 : vector<1x16xf32> to vector<16xf32>
        %swap3A_1931 = vector.shape_cast %mul3A_1922 : vector<16xf32> to vector<1x16xf32>
        tpu.vector_store %arg10[%swap3A_1927, %swap3A_1928], %swap3A_1931 {strides = array<i32>} : memref<128x128xf32, #tpu.memory_space<vmem>>, vector<1x16xf32>,
        %mul3A_1932 = arith.constant 16 : i32
        %mul3A_1933 = arith.muli %add3A_60, %mul3A_1932 : i32
        %add3A_1934 = arith.constant 12 : i32
        %add3A_1935 = arith.addi %mul3A_1933, %add3A_1934 : i32
        %get3A_1936 = arith.index_cast %add3A_1935 : i32 to index
        %get3A_1937 = arith.constant 80 : index
        %get3A_1938 = tpu.vector_load %arg10[%get3A_1936, %get3A_1937] {strides = array<i32>} : memref<128x128xf32, #tpu.memory_space<vmem>>, vector<1x16xf32>,
        %get3A_1939 = vector.shape_cast %get3A_1938 : vector<1x16xf32> to vector<16xf32>
        %mul3A_1940 = arith.mulf %get3A_1939, %gather3A_1841 : vector<16xf32>
        %mul3A_1941 = arith.constant 16 : i32
        %mul3A_1942 = arith.muli %add3A_60, %mul3A_1941 : i32
        %add3A_1943 = arith.constant 12 : i32
        %add3A_1944 = arith.addi %mul3A_1942, %add3A_1943 : i32
        %swap3A_1945 = arith.index_cast %add3A_1944 : i32 to index
        %swap3A_1946 = arith.constant 80 : index
        %swap3A_1947 = tpu.vector_load %arg10[%swap3A_1945, %swap3A_1946] {strides = array<i32>} : memref<128x128xf32, #tpu.memory_space<vmem>>, vector<1x16xf32>,
        %swap3A_1948 = vector.shape_cast %swap3A_1947 : vector<1x16xf32> to vector<16xf32>
        %swap3A_1949 = vector.shape_cast %mul3A_1940 : vector<16xf32> to vector<1x16xf32>
        tpu.vector_store %arg10[%swap3A_1945, %swap3A_1946], %swap3A_1949 {strides = array<i32>} : memref<128x128xf32, #tpu.memory_space<vmem>>, vector<1x16xf32>,
        %mul3A_1950 = arith.constant 16 : i32
        %mul3A_1951 = arith.muli %add3A_60, %mul3A_1950 : i32
        %add3A_1952 = arith.constant 12 : i32
        %add3A_1953 = arith.addi %mul3A_1951, %add3A_1952 : i32
        %get3A_1954 = arith.index_cast %add3A_1953 : i32 to index
        %get3A_1955 = arith.constant 96 : index
        %get3A_1956 = tpu.vector_load %arg10[%get3A_1954, %get3A_1955] {strides = array<i32>} : memref<128x128xf32, #tpu.memory_space<vmem>>, vector<1x16xf32>,
        %get3A_1957 = vector.shape_cast %get3A_1956 : vector<1x16xf32> to vector<16xf32>
        %mul3A_1958 = arith.mulf %get3A_1957, %gather3A_1841 : vector<16xf32>
        %mul3A_1959 = arith.constant 16 : i32
        %mul3A_1960 = arith.muli %add3A_60, %mul3A_1959 : i32
        %add3A_1961 = arith.constant 12 : i32
        %add3A_1962 = arith.addi %mul3A_1960, %add3A_1961 : i32
        %swap3A_1963 = arith.index_cast %add3A_1962 : i32 to index
        %swap3A_1964 = arith.constant 96 : index
        %swap3A_1965 = tpu.vector_load %arg10[%swap3A_1963, %swap3A_1964] {strides = array<i32>} : memref<128x128xf32, #tpu.memory_space<vmem>>, vector<1x16xf32>,
        %swap3A_1966 = vector.shape_cast %swap3A_1965 : vector<1x16xf32> to vector<16xf32>
        %swap3A_1967 = vector.shape_cast %mul3A_1958 : vector<16xf32> to vector<1x16xf32>
        tpu.vector_store %arg10[%swap3A_1963, %swap3A_1964], %swap3A_1967 {strides = array<i32>} : memref<128x128xf32, #tpu.memory_space<vmem>>, vector<1x16xf32>,
        %mul3A_1968 = arith.constant 16 : i32
        %mul3A_1969 = arith.muli %add3A_60, %mul3A_1968 : i32
        %add3A_1970 = arith.constant 12 : i32
        %add3A_1971 = arith.addi %mul3A_1969, %add3A_1970 : i32
        %get3A_1972 = arith.index_cast %add3A_1971 : i32 to index
        %get3A_1973 = arith.constant 112 : index
        %get3A_1974 = tpu.vector_load %arg10[%get3A_1972, %get3A_1973] {strides = array<i32>} : memref<128x128xf32, #tpu.memory_space<vmem>>, vector<1x16xf32>,
        %get3A_1975 = vector.shape_cast %get3A_1974 : vector<1x16xf32> to vector<16xf32>
        %mul3A_1976 = arith.mulf %get3A_1975, %gather3A_1841 : vector<16xf32>
        %mul3A_1977 = arith.constant 16 : i32
        %mul3A_1978 = arith.muli %add3A_60, %mul3A_1977 : i32
        %add3A_1979 = arith.constant 12 : i32
        %add3A_1980 = arith.addi %mul3A_1978, %add3A_1979 : i32
        %swap3A_1981 = arith.index_cast %add3A_1980 : i32 to index
        %swap3A_1982 = arith.constant 112 : index
        %swap3A_1983 = tpu.vector_load %arg10[%swap3A_1981, %swap3A_1982] {strides = array<i32>} : memref<128x128xf32, #tpu.memory_space<vmem>>, vector<1x16xf32>,
        %swap3A_1984 = vector.shape_cast %swap3A_1983 : vector<1x16xf32> to vector<16xf32>
        %swap3A_1985 = vector.shape_cast %mul3A_1976 : vector<16xf32> to vector<1x16xf32>
        tpu.vector_store %arg10[%swap3A_1981, %swap3A_1982], %swap3A_1985 {strides = array<i32>} : memref<128x128xf32, #tpu.memory_space<vmem>>, vector<1x16xf32>,
        %broadcast_in_dim3A_1986 = arith.constant 13 : i32
        %broadcast_in_dim3A_1987 = vector.broadcast %broadcast_in_dim3A_1986 : i32 to vector<16x1xi32>
        %gather3A_1988 = vector.shape_cast %broadcast_in_dim3A_1987 : vector<16x1xi32> to vector<16xi32>
        %gather3A_1989 = tpu.dynamic_gather %get3A_64[%gather3A_1988] in [0] : vector<16xf32>, vector<16xi32> -> vector<16xf32>
        %mul3A_1990 = arith.constant 16 : i32
        %mul3A_1991 = arith.muli %add3A_60, %mul3A_1990 : i32
        %add3A_1992 = arith.constant 13 : i32
        %add3A_1993 = arith.addi %mul3A_1991, %add3A_1992 : i32
        %get3A_1994 = arith.index_cast %add3A_1993 : i32 to index
        %get3A_1995 = arith.constant 0 : index
        %get3A_1996 = tpu.vector_load %arg10[%get3A_1994, %get3A_1995] {strides = array<i32>} : memref<128x128xf32, #tpu.memory_space<vmem>>, vector<1x16xf32>,
        %get3A_1997 = vector.shape_cast %get3A_1996 : vector<1x16xf32> to vector<16xf32>
        %mul3A_1998 = arith.mulf %get3A_1997, %gather3A_1989 : vector<16xf32>
        %mul3A_1999 = arith.constant 16 : i32
        %mul3A_2000 = arith.muli %add3A_60, %mul3A_1999 : i32
        %add3A_2001 = arith.constant 13 : i32
        %add3A_2002 = arith.addi %mul3A_2000, %add3A_2001 : i32
        %swap3A_2003 = arith.index_cast %add3A_2002 : i32 to index
        %swap3A_2004 = arith.constant 0 : index
        %swap3A_2005 = tpu.vector_load %arg10[%swap3A_2003, %swap3A_2004] {strides = array<i32>} : memref<128x128xf32, #tpu.memory_space<vmem>>, vector<1x16xf32>,
        %swap3A_2006 = vector.shape_cast %swap3A_2005 : vector<1x16xf32> to vector<16xf32>
        %swap3A_2007 = vector.shape_cast %mul3A_1998 : vector<16xf32> to vector<1x16xf32>
        tpu.vector_store %arg10[%swap3A_2003, %swap3A_2004], %swap3A_2007 {strides = array<i32>} : memref<128x128xf32, #tpu.memory_space<vmem>>, vector<1x16xf32>,
        %mul3A_2008 = arith.constant 16 : i32
        %mul3A_2009 = arith.muli %add3A_60, %mul3A_2008 : i32
        %add3A_2010 = arith.constant 13 : i32
        %add3A_2011 = arith.addi %mul3A_2009, %add3A_2010 : i32
        %get3A_2012 = arith.index_cast %add3A_2011 : i32 to index
        %get3A_2013 = arith.constant 16 : index
        %get3A_2014 = tpu.vector_load %arg10[%get3A_2012, %get3A_2013] {strides = array<i32>} : memref<128x128xf32, #tpu.memory_space<vmem>>, vector<1x16xf32>,
        %get3A_2015 = vector.shape_cast %get3A_2014 : vector<1x16xf32> to vector<16xf32>
        %mul3A_2016 = arith.mulf %get3A_2015, %gather3A_1989 : vector<16xf32>
        %mul3A_2017 = arith.constant 16 : i32
        %mul3A_2018 = arith.muli %add3A_60, %mul3A_2017 : i32
        %add3A_2019 = arith.constant 13 : i32
        %add3A_2020 = arith.addi %mul3A_2018, %add3A_2019 : i32
        %swap3A_2021 = arith.index_cast %add3A_2020 : i32 to index
        %swap3A_2022 = arith.constant 16 : index
        %swap3A_2023 = tpu.vector_load %arg10[%swap3A_2021, %swap3A_2022] {strides = array<i32>} : memref<128x128xf32, #tpu.memory_space<vmem>>, vector<1x16xf32>,
        %swap3A_2024 = vector.shape_cast %swap3A_2023 : vector<1x16xf32> to vector<16xf32>
        %swap3A_2025 = vector.shape_cast %mul3A_2016 : vector<16xf32> to vector<1x16xf32>
        tpu.vector_store %arg10[%swap3A_2021, %swap3A_2022], %swap3A_2025 {strides = array<i32>} : memref<128x128xf32, #tpu.memory_space<vmem>>, vector<1x16xf32>,
        %mul3A_2026 = arith.constant 16 : i32
        %mul3A_2027 = arith.muli %add3A_60, %mul3A_2026 : i32
        %add3A_2028 = arith.constant 13 : i32
        %add3A_2029 = arith.addi %mul3A_2027, %add3A_2028 : i32
        %get3A_2030 = arith.index_cast %add3A_2029 : i32 to index
        %get3A_2031 = arith.constant 32 : index
        %get3A_2032 = tpu.vector_load %arg10[%get3A_2030, %get3A_2031] {strides = array<i32>} : memref<128x128xf32, #tpu.memory_space<vmem>>, vector<1x16xf32>,
        %get3A_2033 = vector.shape_cast %get3A_2032 : vector<1x16xf32> to vector<16xf32>
        %mul3A_2034 = arith.mulf %get3A_2033, %gather3A_1989 : vector<16xf32>
        %mul3A_2035 = arith.constant 16 : i32
        %mul3A_2036 = arith.muli %add3A_60, %mul3A_2035 : i32
        %add3A_2037 = arith.constant 13 : i32
        %add3A_2038 = arith.addi %mul3A_2036, %add3A_2037 : i32
        %swap3A_2039 = arith.index_cast %add3A_2038 : i32 to index
        %swap3A_2040 = arith.constant 32 : index
        %swap3A_2041 = tpu.vector_load %arg10[%swap3A_2039, %swap3A_2040] {strides = array<i32>} : memref<128x128xf32, #tpu.memory_space<vmem>>, vector<1x16xf32>,
        %swap3A_2042 = vector.shape_cast %swap3A_2041 : vector<1x16xf32> to vector<16xf32>
        %swap3A_2043 = vector.shape_cast %mul3A_2034 : vector<16xf32> to vector<1x16xf32>
        tpu.vector_store %arg10[%swap3A_2039, %swap3A_2040], %swap3A_2043 {strides = array<i32>} : memref<128x128xf32, #tpu.memory_space<vmem>>, vector<1x16xf32>,
        %mul3A_2044 = arith.constant 16 : i32
        %mul3A_2045 = arith.muli %add3A_60, %mul3A_2044 : i32
        %add3A_2046 = arith.constant 13 : i32
        %add3A_2047 = arith.addi %mul3A_2045, %add3A_2046 : i32
        %get3A_2048 = arith.index_cast %add3A_2047 : i32 to index
        %get3A_2049 = arith.constant 48 : index
        %get3A_2050 = tpu.vector_load %arg10[%get3A_2048, %get3A_2049] {strides = array<i32>} : memref<128x128xf32, #tpu.memory_space<vmem>>, vector<1x16xf32>,
        %get3A_2051 = vector.shape_cast %get3A_2050 : vector<1x16xf32> to vector<16xf32>
        %mul3A_2052 = arith.mulf %get3A_2051, %gather3A_1989 : vector<16xf32>
        %mul3A_2053 = arith.constant 16 : i32
        %mul3A_2054 = arith.muli %add3A_60, %mul3A_2053 : i32
        %add3A_2055 = arith.constant 13 : i32
        %add3A_2056 = arith.addi %mul3A_2054, %add3A_2055 : i32
        %swap3A_2057 = arith.index_cast %add3A_2056 : i32 to index
        %swap3A_2058 = arith.constant 48 : index
        %swap3A_2059 = tpu.vector_load %arg10[%swap3A_2057, %swap3A_2058] {strides = array<i32>} : memref<128x128xf32, #tpu.memory_space<vmem>>, vector<1x16xf32>,
        %swap3A_2060 = vector.shape_cast %swap3A_2059 : vector<1x16xf32> to vector<16xf32>
        %swap3A_2061 = vector.shape_cast %mul3A_2052 : vector<16xf32> to vector<1x16xf32>
        tpu.vector_store %arg10[%swap3A_2057, %swap3A_2058], %swap3A_2061 {strides = array<i32>} : memref<128x128xf32, #tpu.memory_space<vmem>>, vector<1x16xf32>,
        %mul3A_2062 = arith.constant 16 : i32
        %mul3A_2063 = arith.muli %add3A_60, %mul3A_2062 : i32
        %add3A_2064 = arith.constant 13 : i32
        %add3A_2065 = arith.addi %mul3A_2063, %add3A_2064 : i32
        %get3A_2066 = arith.index_cast %add3A_2065 : i32 to index
        %get3A_2067 = arith.constant 64 : index
        %get3A_2068 = tpu.vector_load %arg10[%get3A_2066, %get3A_2067] {strides = array<i32>} : memref<128x128xf32, #tpu.memory_space<vmem>>, vector<1x16xf32>,
        %get3A_2069 = vector.shape_cast %get3A_2068 : vector<1x16xf32> to vector<16xf32>
        %mul3A_2070 = arith.mulf %get3A_2069, %gather3A_1989 : vector<16xf32>
        %mul3A_2071 = arith.constant 16 : i32
        %mul3A_2072 = arith.muli %add3A_60, %mul3A_2071 : i32
        %add3A_2073 = arith.constant 13 : i32
        %add3A_2074 = arith.addi %mul3A_2072, %add3A_2073 : i32
        %swap3A_2075 = arith.index_cast %add3A_2074 : i32 to index
        %swap3A_2076 = arith.constant 64 : index
        %swap3A_2077 = tpu.vector_load %arg10[%swap3A_2075, %swap3A_2076] {strides = array<i32>} : memref<128x128xf32, #tpu.memory_space<vmem>>, vector<1x16xf32>,
        %swap3A_2078 = vector.shape_cast %swap3A_2077 : vector<1x16xf32> to vector<16xf32>
        %swap3A_2079 = vector.shape_cast %mul3A_2070 : vector<16xf32> to vector<1x16xf32>
        tpu.vector_store %arg10[%swap3A_2075, %swap3A_2076], %swap3A_2079 {strides = array<i32>} : memref<128x128xf32, #tpu.memory_space<vmem>>, vector<1x16xf32>,
        %mul3A_2080 = arith.constant 16 : i32
        %mul3A_2081 = arith.muli %add3A_60, %mul3A_2080 : i32
        %add3A_2082 = arith.constant 13 : i32
        %add3A_2083 = arith.addi %mul3A_2081, %add3A_2082 : i32
        %get3A_2084 = arith.index_cast %add3A_2083 : i32 to index
        %get3A_2085 = arith.constant 80 : index
        %get3A_2086 = tpu.vector_load %arg10[%get3A_2084, %get3A_2085] {strides = array<i32>} : memref<128x128xf32, #tpu.memory_space<vmem>>, vector<1x16xf32>,
        %get3A_2087 = vector.shape_cast %get3A_2086 : vector<1x16xf32> to vector<16xf32>
        %mul3A_2088 = arith.mulf %get3A_2087, %gather3A_1989 : vector<16xf32>
        %mul3A_2089 = arith.constant 16 : i32
        %mul3A_2090 = arith.muli %add3A_60, %mul3A_2089 : i32
        %add3A_2091 = arith.constant 13 : i32
        %add3A_2092 = arith.addi %mul3A_2090, %add3A_2091 : i32
        %swap3A_2093 = arith.index_cast %add3A_2092 : i32 to index
        %swap3A_2094 = arith.constant 80 : index
        %swap3A_2095 = tpu.vector_load %arg10[%swap3A_2093, %swap3A_2094] {strides = array<i32>} : memref<128x128xf32, #tpu.memory_space<vmem>>, vector<1x16xf32>,
        %swap3A_2096 = vector.shape_cast %swap3A_2095 : vector<1x16xf32> to vector<16xf32>
        %swap3A_2097 = vector.shape_cast %mul3A_2088 : vector<16xf32> to vector<1x16xf32>
        tpu.vector_store %arg10[%swap3A_2093, %swap3A_2094], %swap3A_2097 {strides = array<i32>} : memref<128x128xf32, #tpu.memory_space<vmem>>, vector<1x16xf32>,
        %mul3A_2098 = arith.constant 16 : i32
        %mul3A_2099 = arith.muli %add3A_60, %mul3A_2098 : i32
        %add3A_2100 = arith.constant 13 : i32
        %add3A_2101 = arith.addi %mul3A_2099, %add3A_2100 : i32
        %get3A_2102 = arith.index_cast %add3A_2101 : i32 to index
        %get3A_2103 = arith.constant 96 : index
        %get3A_2104 = tpu.vector_load %arg10[%get3A_2102, %get3A_2103] {strides = array<i32>} : memref<128x128xf32, #tpu.memory_space<vmem>>, vector<1x16xf32>,
        %get3A_2105 = vector.shape_cast %get3A_2104 : vector<1x16xf32> to vector<16xf32>
        %mul3A_2106 = arith.mulf %get3A_2105, %gather3A_1989 : vector<16xf32>
        %mul3A_2107 = arith.constant 16 : i32
        %mul3A_2108 = arith.muli %add3A_60, %mul3A_2107 : i32
        %add3A_2109 = arith.constant 13 : i32
        %add3A_2110 = arith.addi %mul3A_2108, %add3A_2109 : i32
        %swap3A_2111 = arith.index_cast %add3A_2110 : i32 to index
        %swap3A_2112 = arith.constant 96 : index
        %swap3A_2113 = tpu.vector_load %arg10[%swap3A_2111, %swap3A_2112] {strides = array<i32>} : memref<128x128xf32, #tpu.memory_space<vmem>>, vector<1x16xf32>,
        %swap3A_2114 = vector.shape_cast %swap3A_2113 : vector<1x16xf32> to vector<16xf32>
        %swap3A_2115 = vector.shape_cast %mul3A_2106 : vector<16xf32> to vector<1x16xf32>
        tpu.vector_store %arg10[%swap3A_2111, %swap3A_2112], %swap3A_2115 {strides = array<i32>} : memref<128x128xf32, #tpu.memory_space<vmem>>, vector<1x16xf32>,
        %mul3A_2116 = arith.constant 16 : i32
        %mul3A_2117 = arith.muli %add3A_60, %mul3A_2116 : i32
        %add3A_2118 = arith.constant 13 : i32
        %add3A_2119 = arith.addi %mul3A_2117, %add3A_2118 : i32
        %get3A_2120 = arith.index_cast %add3A_2119 : i32 to index
        %get3A_2121 = arith.constant 112 : index
        %get3A_2122 = tpu.vector_load %arg10[%get3A_2120, %get3A_2121] {strides = array<i32>} : memref<128x128xf32, #tpu.memory_space<vmem>>, vector<1x16xf32>,
        %get3A_2123 = vector.shape_cast %get3A_2122 : vector<1x16xf32> to vector<16xf32>
        %mul3A_2124 = arith.mulf %get3A_2123, %gather3A_1989 : vector<16xf32>
        %mul3A_2125 = arith.constant 16 : i32
        %mul3A_2126 = arith.muli %add3A_60, %mul3A_2125 : i32
        %add3A_2127 = arith.constant 13 : i32
        %add3A_2128 = arith.addi %mul3A_2126, %add3A_2127 : i32
        %swap3A_2129 = arith.index_cast %add3A_2128 : i32 to index
        %swap3A_2130 = arith.constant 112 : index
        %swap3A_2131 = tpu.vector_load %arg10[%swap3A_2129, %swap3A_2130] {strides = array<i32>} : memref<128x128xf32, #tpu.memory_space<vmem>>, vector<1x16xf32>,
        %swap3A_2132 = vector.shape_cast %swap3A_2131 : vector<1x16xf32> to vector<16xf32>
        %swap3A_2133 = vector.shape_cast %mul3A_2124 : vector<16xf32> to vector<1x16xf32>
        tpu.vector_store %arg10[%swap3A_2129, %swap3A_2130], %swap3A_2133 {strides = array<i32>} : memref<128x128xf32, #tpu.memory_space<vmem>>, vector<1x16xf32>,
        %broadcast_in_dim3A_2134 = arith.constant 14 : i32
        %broadcast_in_dim3A_2135 = vector.broadcast %broadcast_in_dim3A_2134 : i32 to vector<16x1xi32>
        %gather3A_2136 = vector.shape_cast %broadcast_in_dim3A_2135 : vector<16x1xi32> to vector<16xi32>
        %gather3A_2137 = tpu.dynamic_gather %get3A_64[%gather3A_2136] in [0] : vector<16xf32>, vector<16xi32> -> vector<16xf32>
        %mul3A_2138 = arith.constant 16 : i32
        %mul3A_2139 = arith.muli %add3A_60, %mul3A_2138 : i32
        %add3A_2140 = arith.constant 14 : i32
        %add3A_2141 = arith.addi %mul3A_2139, %add3A_2140 : i32
        %get3A_2142 = arith.index_cast %add3A_2141 : i32 to index
        %get3A_2143 = arith.constant 0 : index
        %get3A_2144 = tpu.vector_load %arg10[%get3A_2142, %get3A_2143] {strides = array<i32>} : memref<128x128xf32, #tpu.memory_space<vmem>>, vector<1x16xf32>,
        %get3A_2145 = vector.shape_cast %get3A_2144 : vector<1x16xf32> to vector<16xf32>
        %mul3A_2146 = arith.mulf %get3A_2145, %gather3A_2137 : vector<16xf32>
        %mul3A_2147 = arith.constant 16 : i32
        %mul3A_2148 = arith.muli %add3A_60, %mul3A_2147 : i32
        %add3A_2149 = arith.constant 14 : i32
        %add3A_2150 = arith.addi %mul3A_2148, %add3A_2149 : i32
        %swap3A_2151 = arith.index_cast %add3A_2150 : i32 to index
        %swap3A_2152 = arith.constant 0 : index
        %swap3A_2153 = tpu.vector_load %arg10[%swap3A_2151, %swap3A_2152] {strides = array<i32>} : memref<128x128xf32, #tpu.memory_space<vmem>>, vector<1x16xf32>,
        %swap3A_2154 = vector.shape_cast %swap3A_2153 : vector<1x16xf32> to vector<16xf32>
        %swap3A_2155 = vector.shape_cast %mul3A_2146 : vector<16xf32> to vector<1x16xf32>
        tpu.vector_store %arg10[%swap3A_2151, %swap3A_2152], %swap3A_2155 {strides = array<i32>} : memref<128x128xf32, #tpu.memory_space<vmem>>, vector<1x16xf32>,
        %mul3A_2156 = arith.constant 16 : i32
        %mul3A_2157 = arith.muli %add3A_60, %mul3A_2156 : i32
        %add3A_2158 = arith.constant 14 : i32
        %add3A_2159 = arith.addi %mul3A_2157, %add3A_2158 : i32
        %get3A_2160 = arith.index_cast %add3A_2159 : i32 to index
        %get3A_2161 = arith.constant 16 : index
        %get3A_2162 = tpu.vector_load %arg10[%get3A_2160, %get3A_2161] {strides = array<i32>} : memref<128x128xf32, #tpu.memory_space<vmem>>, vector<1x16xf32>,
        %get3A_2163 = vector.shape_cast %get3A_2162 : vector<1x16xf32> to vector<16xf32>
        %mul3A_2164 = arith.mulf %get3A_2163, %gather3A_2137 : vector<16xf32>
        %mul3A_2165 = arith.constant 16 : i32
        %mul3A_2166 = arith.muli %add3A_60, %mul3A_2165 : i32
        %add3A_2167 = arith.constant 14 : i32
        %add3A_2168 = arith.addi %mul3A_2166, %add3A_2167 : i32
        %swap3A_2169 = arith.index_cast %add3A_2168 : i32 to index
        %swap3A_2170 = arith.constant 16 : index
        %swap3A_2171 = tpu.vector_load %arg10[%swap3A_2169, %swap3A_2170] {strides = array<i32>} : memref<128x128xf32, #tpu.memory_space<vmem>>, vector<1x16xf32>,
        %swap3A_2172 = vector.shape_cast %swap3A_2171 : vector<1x16xf32> to vector<16xf32>
        %swap3A_2173 = vector.shape_cast %mul3A_2164 : vector<16xf32> to vector<1x16xf32>
        tpu.vector_store %arg10[%swap3A_2169, %swap3A_2170], %swap3A_2173 {strides = array<i32>} : memref<128x128xf32, #tpu.memory_space<vmem>>, vector<1x16xf32>,
        %mul3A_2174 = arith.constant 16 : i32
        %mul3A_2175 = arith.muli %add3A_60, %mul3A_2174 : i32
        %add3A_2176 = arith.constant 14 : i32
        %add3A_2177 = arith.addi %mul3A_2175, %add3A_2176 : i32
        %get3A_2178 = arith.index_cast %add3A_2177 : i32 to index
        %get3A_2179 = arith.constant 32 : index
        %get3A_2180 = tpu.vector_load %arg10[%get3A_2178, %get3A_2179] {strides = array<i32>} : memref<128x128xf32, #tpu.memory_space<vmem>>, vector<1x16xf32>,
        %get3A_2181 = vector.shape_cast %get3A_2180 : vector<1x16xf32> to vector<16xf32>
        %mul3A_2182 = arith.mulf %get3A_2181, %gather3A_2137 : vector<16xf32>
        %mul3A_2183 = arith.constant 16 : i32
        %mul3A_2184 = arith.muli %add3A_60, %mul3A_2183 : i32
        %add3A_2185 = arith.constant 14 : i32
        %add3A_2186 = arith.addi %mul3A_2184, %add3A_2185 : i32
        %swap3A_2187 = arith.index_cast %add3A_2186 : i32 to index
        %swap3A_2188 = arith.constant 32 : index
        %swap3A_2189 = tpu.vector_load %arg10[%swap3A_2187, %swap3A_2188] {strides = array<i32>} : memref<128x128xf32, #tpu.memory_space<vmem>>, vector<1x16xf32>,
        %swap3A_2190 = vector.shape_cast %swap3A_2189 : vector<1x16xf32> to vector<16xf32>
        %swap3A_2191 = vector.shape_cast %mul3A_2182 : vector<16xf32> to vector<1x16xf32>
        tpu.vector_store %arg10[%swap3A_2187, %swap3A_2188], %swap3A_2191 {strides = array<i32>} : memref<128x128xf32, #tpu.memory_space<vmem>>, vector<1x16xf32>,
        %mul3A_2192 = arith.constant 16 : i32
        %mul3A_2193 = arith.muli %add3A_60, %mul3A_2192 : i32
        %add3A_2194 = arith.constant 14 : i32
        %add3A_2195 = arith.addi %mul3A_2193, %add3A_2194 : i32
        %get3A_2196 = arith.index_cast %add3A_2195 : i32 to index
        %get3A_2197 = arith.constant 48 : index
        %get3A_2198 = tpu.vector_load %arg10[%get3A_2196, %get3A_2197] {strides = array<i32>} : memref<128x128xf32, #tpu.memory_space<vmem>>, vector<1x16xf32>,
        %get3A_2199 = vector.shape_cast %get3A_2198 : vector<1x16xf32> to vector<16xf32>
        %mul3A_2200 = arith.mulf %get3A_2199, %gather3A_2137 : vector<16xf32>
        %mul3A_2201 = arith.constant 16 : i32
        %mul3A_2202 = arith.muli %add3A_60, %mul3A_2201 : i32
        %add3A_2203 = arith.constant 14 : i32
        %add3A_2204 = arith.addi %mul3A_2202, %add3A_2203 : i32
        %swap3A_2205 = arith.index_cast %add3A_2204 : i32 to index
        %swap3A_2206 = arith.constant 48 : index
        %swap3A_2207 = tpu.vector_load %arg10[%swap3A_2205, %swap3A_2206] {strides = array<i32>} : memref<128x128xf32, #tpu.memory_space<vmem>>, vector<1x16xf32>,
        %swap3A_2208 = vector.shape_cast %swap3A_2207 : vector<1x16xf32> to vector<16xf32>
        %swap3A_2209 = vector.shape_cast %mul3A_2200 : vector<16xf32> to vector<1x16xf32>
        tpu.vector_store %arg10[%swap3A_2205, %swap3A_2206], %swap3A_2209 {strides = array<i32>} : memref<128x128xf32, #tpu.memory_space<vmem>>, vector<1x16xf32>,
        %mul3A_2210 = arith.constant 16 : i32
        %mul3A_2211 = arith.muli %add3A_60, %mul3A_2210 : i32
        %add3A_2212 = arith.constant 14 : i32
        %add3A_2213 = arith.addi %mul3A_2211, %add3A_2212 : i32
        %get3A_2214 = arith.index_cast %add3A_2213 : i32 to index
        %get3A_2215 = arith.constant 64 : index
        %get3A_2216 = tpu.vector_load %arg10[%get3A_2214, %get3A_2215] {strides = array<i32>} : memref<128x128xf32, #tpu.memory_space<vmem>>, vector<1x16xf32>,
        %get3A_2217 = vector.shape_cast %get3A_2216 : vector<1x16xf32> to vector<16xf32>
        %mul3A_2218 = arith.mulf %get3A_2217, %gather3A_2137 : vector<16xf32>
        %mul3A_2219 = arith.constant 16 : i32
        %mul3A_2220 = arith.muli %add3A_60, %mul3A_2219 : i32
        %add3A_2221 = arith.constant 14 : i32
        %add3A_2222 = arith.addi %mul3A_2220, %add3A_2221 : i32
        %swap3A_2223 = arith.index_cast %add3A_2222 : i32 to index
        %swap3A_2224 = arith.constant 64 : index
        %swap3A_2225 = tpu.vector_load %arg10[%swap3A_2223, %swap3A_2224] {strides = array<i32>} : memref<128x128xf32, #tpu.memory_space<vmem>>, vector<1x16xf32>,
        %swap3A_2226 = vector.shape_cast %swap3A_2225 : vector<1x16xf32> to vector<16xf32>
        %swap3A_2227 = vector.shape_cast %mul3A_2218 : vector<16xf32> to vector<1x16xf32>
        tpu.vector_store %arg10[%swap3A_2223, %swap3A_2224], %swap3A_2227 {strides = array<i32>} : memref<128x128xf32, #tpu.memory_space<vmem>>, vector<1x16xf32>,
        %mul3A_2228 = arith.constant 16 : i32
        %mul3A_2229 = arith.muli %add3A_60, %mul3A_2228 : i32
        %add3A_2230 = arith.constant 14 : i32
        %add3A_2231 = arith.addi %mul3A_2229, %add3A_2230 : i32
        %get3A_2232 = arith.index_cast %add3A_2231 : i32 to index
        %get3A_2233 = arith.constant 80 : index
        %get3A_2234 = tpu.vector_load %arg10[%get3A_2232, %get3A_2233] {strides = array<i32>} : memref<128x128xf32, #tpu.memory_space<vmem>>, vector<1x16xf32>,
        %get3A_2235 = vector.shape_cast %get3A_2234 : vector<1x16xf32> to vector<16xf32>
        %mul3A_2236 = arith.mulf %get3A_2235, %gather3A_2137 : vector<16xf32>
        %mul3A_2237 = arith.constant 16 : i32
        %mul3A_2238 = arith.muli %add3A_60, %mul3A_2237 : i32
        %add3A_2239 = arith.constant 14 : i32
        %add3A_2240 = arith.addi %mul3A_2238, %add3A_2239 : i32
        %swap3A_2241 = arith.index_cast %add3A_2240 : i32 to index
        %swap3A_2242 = arith.constant 80 : index
        %swap3A_2243 = tpu.vector_load %arg10[%swap3A_2241, %swap3A_2242] {strides = array<i32>} : memref<128x128xf32, #tpu.memory_space<vmem>>, vector<1x16xf32>,
        %swap3A_2244 = vector.shape_cast %swap3A_2243 : vector<1x16xf32> to vector<16xf32>
        %swap3A_2245 = vector.shape_cast %mul3A_2236 : vector<16xf32> to vector<1x16xf32>
        tpu.vector_store %arg10[%swap3A_2241, %swap3A_2242], %swap3A_2245 {strides = array<i32>} : memref<128x128xf32, #tpu.memory_space<vmem>>, vector<1x16xf32>,
        %mul3A_2246 = arith.constant 16 : i32
        %mul3A_2247 = arith.muli %add3A_60, %mul3A_2246 : i32
        %add3A_2248 = arith.constant 14 : i32
        %add3A_2249 = arith.addi %mul3A_2247, %add3A_2248 : i32
        %get3A_2250 = arith.index_cast %add3A_2249 : i32 to index
        %get3A_2251 = arith.constant 96 : index
        %get3A_2252 = tpu.vector_load %arg10[%get3A_2250, %get3A_2251] {strides = array<i32>} : memref<128x128xf32, #tpu.memory_space<vmem>>, vector<1x16xf32>,
        %get3A_2253 = vector.shape_cast %get3A_2252 : vector<1x16xf32> to vector<16xf32>
        %mul3A_2254 = arith.mulf %get3A_2253, %gather3A_2137 : vector<16xf32>
        %mul3A_2255 = arith.constant 16 : i32
        %mul3A_2256 = arith.muli %add3A_60, %mul3A_2255 : i32
        %add3A_2257 = arith.constant 14 : i32
        %add3A_2258 = arith.addi %mul3A_2256, %add3A_2257 : i32
        %swap3A_2259 = arith.index_cast %add3A_2258 : i32 to index
        %swap3A_2260 = arith.constant 96 : index
        %swap3A_2261 = tpu.vector_load %arg10[%swap3A_2259, %swap3A_2260] {strides = array<i32>} : memref<128x128xf32, #tpu.memory_space<vmem>>, vector<1x16xf32>,
        %swap3A_2262 = vector.shape_cast %swap3A_2261 : vector<1x16xf32> to vector<16xf32>
        %swap3A_2263 = vector.shape_cast %mul3A_2254 : vector<16xf32> to vector<1x16xf32>
        tpu.vector_store %arg10[%swap3A_2259, %swap3A_2260], %swap3A_2263 {strides = array<i32>} : memref<128x128xf32, #tpu.memory_space<vmem>>, vector<1x16xf32>,
        %mul3A_2264 = arith.constant 16 : i32
        %mul3A_2265 = arith.muli %add3A_60, %mul3A_2264 : i32
        %add3A_2266 = arith.constant 14 : i32
        %add3A_2267 = arith.addi %mul3A_2265, %add3A_2266 : i32
        %get3A_2268 = arith.index_cast %add3A_2267 : i32 to index
        %get3A_2269 = arith.constant 112 : index
        %get3A_2270 = tpu.vector_load %arg10[%get3A_2268, %get3A_2269] {strides = array<i32>} : memref<128x128xf32, #tpu.memory_space<vmem>>, vector<1x16xf32>,
        %get3A_2271 = vector.shape_cast %get3A_2270 : vector<1x16xf32> to vector<16xf32>
        %mul3A_2272 = arith.mulf %get3A_2271, %gather3A_2137 : vector<16xf32>
        %mul3A_2273 = arith.constant 16 : i32
        %mul3A_2274 = arith.muli %add3A_60, %mul3A_2273 : i32
        %add3A_2275 = arith.constant 14 : i32
        %add3A_2276 = arith.addi %mul3A_2274, %add3A_2275 : i32
        %swap3A_2277 = arith.index_cast %add3A_2276 : i32 to index
        %swap3A_2278 = arith.constant 112 : index
        %swap3A_2279 = tpu.vector_load %arg10[%swap3A_2277, %swap3A_2278] {strides = array<i32>} : memref<128x128xf32, #tpu.memory_space<vmem>>, vector<1x16xf32>,
        %swap3A_2280 = vector.shape_cast %swap3A_2279 : vector<1x16xf32> to vector<16xf32>
        %swap3A_2281 = vector.shape_cast %mul3A_2272 : vector<16xf32> to vector<1x16xf32>
        tpu.vector_store %arg10[%swap3A_2277, %swap3A_2278], %swap3A_2281 {strides = array<i32>} : memref<128x128xf32, #tpu.memory_space<vmem>>, vector<1x16xf32>,
        %broadcast_in_dim3A_2282 = arith.constant 15 : i32
        %broadcast_in_dim3A_2283 = vector.broadcast %broadcast_in_dim3A_2282 : i32 to vector<16x1xi32>
        %gather3A_2284 = vector.shape_cast %broadcast_in_dim3A_2283 : vector<16x1xi32> to vector<16xi32>
        %gather3A_2285 = tpu.dynamic_gather %get3A_64[%gather3A_2284] in [0] : vector<16xf32>, vector<16xi32> -> vector<16xf32>
        %mul3A_2286 = arith.constant 16 : i32
        %mul3A_2287 = arith.muli %add3A_60, %mul3A_2286 : i32
        %add3A_2288 = arith.constant 15 : i32
        %add3A_2289 = arith.addi %mul3A_2287, %add3A_2288 : i32
        %get3A_2290 = arith.index_cast %add3A_2289 : i32 to index
        %get3A_2291 = arith.constant 0 : index
        %get3A_2292 = tpu.vector_load %arg10[%get3A_2290, %get3A_2291] {strides = array<i32>} : memref<128x128xf32, #tpu.memory_space<vmem>>, vector<1x16xf32>,
        %get3A_2293 = vector.shape_cast %get3A_2292 : vector<1x16xf32> to vector<16xf32>
        %mul3A_2294 = arith.mulf %get3A_2293, %gather3A_2285 : vector<16xf32>
        %mul3A_2295 = arith.constant 16 : i32
        %mul3A_2296 = arith.muli %add3A_60, %mul3A_2295 : i32
        %add3A_2297 = arith.constant 15 : i32
        %add3A_2298 = arith.addi %mul3A_2296, %add3A_2297 : i32
        %swap3A_2299 = arith.index_cast %add3A_2298 : i32 to index
        %swap3A_2300 = arith.constant 0 : index
        %swap3A_2301 = tpu.vector_load %arg10[%swap3A_2299, %swap3A_2300] {strides = array<i32>} : memref<128x128xf32, #tpu.memory_space<vmem>>, vector<1x16xf32>,
        %swap3A_2302 = vector.shape_cast %swap3A_2301 : vector<1x16xf32> to vector<16xf32>
        %swap3A_2303 = vector.shape_cast %mul3A_2294 : vector<16xf32> to vector<1x16xf32>
        tpu.vector_store %arg10[%swap3A_2299, %swap3A_2300], %swap3A_2303 {strides = array<i32>} : memref<128x128xf32, #tpu.memory_space<vmem>>, vector<1x16xf32>,
        %mul3A_2304 = arith.constant 16 : i32
        %mul3A_2305 = arith.muli %add3A_60, %mul3A_2304 : i32
        %add3A_2306 = arith.constant 15 : i32
        %add3A_2307 = arith.addi %mul3A_2305, %add3A_2306 : i32
        %get3A_2308 = arith.index_cast %add3A_2307 : i32 to index
        %get3A_2309 = arith.constant 16 : index
        %get3A_2310 = tpu.vector_load %arg10[%get3A_2308, %get3A_2309] {strides = array<i32>} : memref<128x128xf32, #tpu.memory_space<vmem>>, vector<1x16xf32>,
        %get3A_2311 = vector.shape_cast %get3A_2310 : vector<1x16xf32> to vector<16xf32>
        %mul3A_2312 = arith.mulf %get3A_2311, %gather3A_2285 : vector<16xf32>
        %mul3A_2313 = arith.constant 16 : i32
        %mul3A_2314 = arith.muli %add3A_60, %mul3A_2313 : i32
        %add3A_2315 = arith.constant 15 : i32
        %add3A_2316 = arith.addi %mul3A_2314, %add3A_2315 : i32
        %swap3A_2317 = arith.index_cast %add3A_2316 : i32 to index
        %swap3A_2318 = arith.constant 16 : index
        %swap3A_2319 = tpu.vector_load %arg10[%swap3A_2317, %swap3A_2318] {strides = array<i32>} : memref<128x128xf32, #tpu.memory_space<vmem>>, vector<1x16xf32>,
        %swap3A_2320 = vector.shape_cast %swap3A_2319 : vector<1x16xf32> to vector<16xf32>
        %swap3A_2321 = vector.shape_cast %mul3A_2312 : vector<16xf32> to vector<1x16xf32>
        tpu.vector_store %arg10[%swap3A_2317, %swap3A_2318], %swap3A_2321 {strides = array<i32>} : memref<128x128xf32, #tpu.memory_space<vmem>>, vector<1x16xf32>,
        %mul3A_2322 = arith.constant 16 : i32
        %mul3A_2323 = arith.muli %add3A_60, %mul3A_2322 : i32
        %add3A_2324 = arith.constant 15 : i32
        %add3A_2325 = arith.addi %mul3A_2323, %add3A_2324 : i32
        %get3A_2326 = arith.index_cast %add3A_2325 : i32 to index
        %get3A_2327 = arith.constant 32 : index
        %get3A_2328 = tpu.vector_load %arg10[%get3A_2326, %get3A_2327] {strides = array<i32>} : memref<128x128xf32, #tpu.memory_space<vmem>>, vector<1x16xf32>,
        %get3A_2329 = vector.shape_cast %get3A_2328 : vector<1x16xf32> to vector<16xf32>
        %mul3A_2330 = arith.mulf %get3A_2329, %gather3A_2285 : vector<16xf32>
        %mul3A_2331 = arith.constant 16 : i32
        %mul3A_2332 = arith.muli %add3A_60, %mul3A_2331 : i32
        %add3A_2333 = arith.constant 15 : i32
        %add3A_2334 = arith.addi %mul3A_2332, %add3A_2333 : i32
        %swap3A_2335 = arith.index_cast %add3A_2334 : i32 to index
        %swap3A_2336 = arith.constant 32 : index
        %swap3A_2337 = tpu.vector_load %arg10[%swap3A_2335, %swap3A_2336] {strides = array<i32>} : memref<128x128xf32, #tpu.memory_space<vmem>>, vector<1x16xf32>,
        %swap3A_2338 = vector.shape_cast %swap3A_2337 : vector<1x16xf32> to vector<16xf32>
        %swap3A_2339 = vector.shape_cast %mul3A_2330 : vector<16xf32> to vector<1x16xf32>
        tpu.vector_store %arg10[%swap3A_2335, %swap3A_2336], %swap3A_2339 {strides = array<i32>} : memref<128x128xf32, #tpu.memory_space<vmem>>, vector<1x16xf32>,
        %mul3A_2340 = arith.constant 16 : i32
        %mul3A_2341 = arith.muli %add3A_60, %mul3A_2340 : i32
        %add3A_2342 = arith.constant 15 : i32
        %add3A_2343 = arith.addi %mul3A_2341, %add3A_2342 : i32
        %get3A_2344 = arith.index_cast %add3A_2343 : i32 to index
        %get3A_2345 = arith.constant 48 : index
        %get3A_2346 = tpu.vector_load %arg10[%get3A_2344, %get3A_2345] {strides = array<i32>} : memref<128x128xf32, #tpu.memory_space<vmem>>, vector<1x16xf32>,
        %get3A_2347 = vector.shape_cast %get3A_2346 : vector<1x16xf32> to vector<16xf32>
        %mul3A_2348 = arith.mulf %get3A_2347, %gather3A_2285 : vector<16xf32>
        %mul3A_2349 = arith.constant 16 : i32
        %mul3A_2350 = arith.muli %add3A_60, %mul3A_2349 : i32
        %add3A_2351 = arith.constant 15 : i32
        %add3A_2352 = arith.addi %mul3A_2350, %add3A_2351 : i32
        %swap3A_2353 = arith.index_cast %add3A_2352 : i32 to index
        %swap3A_2354 = arith.constant 48 : index
        %swap3A_2355 = tpu.vector_load %arg10[%swap3A_2353, %swap3A_2354] {strides = array<i32>} : memref<128x128xf32, #tpu.memory_space<vmem>>, vector<1x16xf32>,
        %swap3A_2356 = vector.shape_cast %swap3A_2355 : vector<1x16xf32> to vector<16xf32>
        %swap3A_2357 = vector.shape_cast %mul3A_2348 : vector<16xf32> to vector<1x16xf32>
        tpu.vector_store %arg10[%swap3A_2353, %swap3A_2354], %swap3A_2357 {strides = array<i32>} : memref<128x128xf32, #tpu.memory_space<vmem>>, vector<1x16xf32>,
        %mul3A_2358 = arith.constant 16 : i32
        %mul3A_2359 = arith.muli %add3A_60, %mul3A_2358 : i32
        %add3A_2360 = arith.constant 15 : i32
        %add3A_2361 = arith.addi %mul3A_2359, %add3A_2360 : i32
        %get3A_2362 = arith.index_cast %add3A_2361 : i32 to index
        %get3A_2363 = arith.constant 64 : index
        %get3A_2364 = tpu.vector_load %arg10[%get3A_2362, %get3A_2363] {strides = array<i32>} : memref<128x128xf32, #tpu.memory_space<vmem>>, vector<1x16xf32>,
        %get3A_2365 = vector.shape_cast %get3A_2364 : vector<1x16xf32> to vector<16xf32>
        %mul3A_2366 = arith.mulf %get3A_2365, %gather3A_2285 : vector<16xf32>
        %mul3A_2367 = arith.constant 16 : i32
        %mul3A_2368 = arith.muli %add3A_60, %mul3A_2367 : i32
        %add3A_2369 = arith.constant 15 : i32
        %add3A_2370 = arith.addi %mul3A_2368, %add3A_2369 : i32
        %swap3A_2371 = arith.index_cast %add3A_2370 : i32 to index
        %swap3A_2372 = arith.constant 64 : index
        %swap3A_2373 = tpu.vector_load %arg10[%swap3A_2371, %swap3A_2372] {strides = array<i32>} : memref<128x128xf32, #tpu.memory_space<vmem>>, vector<1x16xf32>,
        %swap3A_2374 = vector.shape_cast %swap3A_2373 : vector<1x16xf32> to vector<16xf32>
        %swap3A_2375 = vector.shape_cast %mul3A_2366 : vector<16xf32> to vector<1x16xf32>
        tpu.vector_store %arg10[%swap3A_2371, %swap3A_2372], %swap3A_2375 {strides = array<i32>} : memref<128x128xf32, #tpu.memory_space<vmem>>, vector<1x16xf32>,
        %mul3A_2376 = arith.constant 16 : i32
        %mul3A_2377 = arith.muli %add3A_60, %mul3A_2376 : i32
        %add3A_2378 = arith.constant 15 : i32
        %add3A_2379 = arith.addi %mul3A_2377, %add3A_2378 : i32
        %get3A_2380 = arith.index_cast %add3A_2379 : i32 to index
        %get3A_2381 = arith.constant 80 : index
        %get3A_2382 = tpu.vector_load %arg10[%get3A_2380, %get3A_2381] {strides = array<i32>} : memref<128x128xf32, #tpu.memory_space<vmem>>, vector<1x16xf32>,
        %get3A_2383 = vector.shape_cast %get3A_2382 : vector<1x16xf32> to vector<16xf32>
        %mul3A_2384 = arith.mulf %get3A_2383, %gather3A_2285 : vector<16xf32>
        %mul3A_2385 = arith.constant 16 : i32
        %mul3A_2386 = arith.muli %add3A_60, %mul3A_2385 : i32
        %add3A_2387 = arith.constant 15 : i32
        %add3A_2388 = arith.addi %mul3A_2386, %add3A_2387 : i32
        %swap3A_2389 = arith.index_cast %add3A_2388 : i32 to index
        %swap3A_2390 = arith.constant 80 : index
        %swap3A_2391 = tpu.vector_load %arg10[%swap3A_2389, %swap3A_2390] {strides = array<i32>} : memref<128x128xf32, #tpu.memory_space<vmem>>, vector<1x16xf32>,
        %swap3A_2392 = vector.shape_cast %swap3A_2391 : vector<1x16xf32> to vector<16xf32>
        %swap3A_2393 = vector.shape_cast %mul3A_2384 : vector<16xf32> to vector<1x16xf32>
        tpu.vector_store %arg10[%swap3A_2389, %swap3A_2390], %swap3A_2393 {strides = array<i32>} : memref<128x128xf32, #tpu.memory_space<vmem>>, vector<1x16xf32>,
        %mul3A_2394 = arith.constant 16 : i32
        %mul3A_2395 = arith.muli %add3A_60, %mul3A_2394 : i32
        %add3A_2396 = arith.constant 15 : i32
        %add3A_2397 = arith.addi %mul3A_2395, %add3A_2396 : i32
        %get3A_2398 = arith.index_cast %add3A_2397 : i32 to index
        %get3A_2399 = arith.constant 96 : index
        %get3A_2400 = tpu.vector_load %arg10[%get3A_2398, %get3A_2399] {strides = array<i32>} : memref<128x128xf32, #tpu.memory_space<vmem>>, vector<1x16xf32>,
        %get3A_2401 = vector.shape_cast %get3A_2400 : vector<1x16xf32> to vector<16xf32>
        %mul3A_2402 = arith.mulf %get3A_2401, %gather3A_2285 : vector<16xf32>
        %mul3A_2403 = arith.constant 16 : i32
        %mul3A_2404 = arith.muli %add3A_60, %mul3A_2403 : i32
        %add3A_2405 = arith.constant 15 : i32
        %add3A_2406 = arith.addi %mul3A_2404, %add3A_2405 : i32
        %swap3A_2407 = arith.index_cast %add3A_2406 : i32 to index
        %swap3A_2408 = arith.constant 96 : index
        %swap3A_2409 = tpu.vector_load %arg10[%swap3A_2407, %swap3A_2408] {strides = array<i32>} : memref<128x128xf32, #tpu.memory_space<vmem>>, vector<1x16xf32>,
        %swap3A_2410 = vector.shape_cast %swap3A_2409 : vector<1x16xf32> to vector<16xf32>
        %swap3A_2411 = vector.shape_cast %mul3A_2402 : vector<16xf32> to vector<1x16xf32>
        tpu.vector_store %arg10[%swap3A_2407, %swap3A_2408], %swap3A_2411 {strides = array<i32>} : memref<128x128xf32, #tpu.memory_space<vmem>>, vector<1x16xf32>,
        %mul3A_2412 = arith.constant 16 : i32
        %mul3A_2413 = arith.muli %add3A_60, %mul3A_2412 : i32
        %add3A_2414 = arith.constant 15 : i32
        %add3A_2415 = arith.addi %mul3A_2413, %add3A_2414 : i32
        %get3A_2416 = arith.index_cast %add3A_2415 : i32 to index
        %get3A_2417 = arith.constant 112 : index
        %get3A_2418 = tpu.vector_load %arg10[%get3A_2416, %get3A_2417] {strides = array<i32>} : memref<128x128xf32, #tpu.memory_space<vmem>>, vector<1x16xf32>,
        %get3A_2419 = vector.shape_cast %get3A_2418 : vector<1x16xf32> to vector<16xf32>
        %mul3A_2420 = arith.mulf %get3A_2419, %gather3A_2285 : vector<16xf32>
        %mul3A_2421 = arith.constant 16 : i32
        %mul3A_2422 = arith.muli %add3A_60, %mul3A_2421 : i32
        %add3A_2423 = arith.constant 15 : i32
        %add3A_2424 = arith.addi %mul3A_2422, %add3A_2423 : i32
        %swap3A_2425 = arith.index_cast %add3A_2424 : i32 to index
        %swap3A_2426 = arith.constant 112 : index
        %swap3A_2427 = tpu.vector_load %arg10[%swap3A_2425, %swap3A_2426] {strides = array<i32>} : memref<128x128xf32, #tpu.memory_space<vmem>>, vector<1x16xf32>,
        %swap3A_2428 = vector.shape_cast %swap3A_2427 : vector<1x16xf32> to vector<16xf32>
        %swap3A_2429 = vector.shape_cast %mul3A_2420 : vector<16xf32> to vector<1x16xf32>
        tpu.vector_store %arg10[%swap3A_2425, %swap3A_2426], %swap3A_2429 {strides = array<i32>} : memref<128x128xf32, #tpu.memory_space<vmem>>, vector<1x16xf32>,
      }
      %scan3A_55 = arith.constant 8 : i32
      "tpu.region"() ({
        %run_scoped3A = tpu.sem_alloc : memref<!tpu.dma_semaphore, #tpu.memory_space<semaphore_mem>>
        %dma_start3A_56 = arith.constant 0 : i32
        %dma_start3A_57 = arith.constant 0 : i32
        %dma_start3A_58 = tpu.memref_slice %arg11[%dma_start3A_56, %dma_start3A_57] : memref<10240x128xf32, #tpu.memory_space<vmem_shared>> -> memref<10240x128xf32, #tpu.memory_space<vmem_shared>>
        tpu.enqueue_indirect_dma source(%arg10 : memref<128x128xf32, #tpu.memory_space<vmem>>) target(%dma_start3A_58 : memref<10240x128xf32, #tpu.memory_space<vmem_shared>>) offsets(%arg8 : memref<128xi32, #tpu.memory_space<vmem>>) semaphore(%run_scoped3A : memref<!tpu.dma_semaphore, #tpu.memory_space<semaphore_mem>>) {add = true}
        %dma_wait3A_59 = arith.constant 0 : i32
        %dma_wait3A_60 = arith.constant 0 : i32
        %dma_wait3A_61 = tpu.memref_slice %arg11[%dma_wait3A_59, %dma_wait3A_60] : memref<10240x128xf32, #tpu.memory_space<vmem_shared>> -> memref<10240x128xf32, #tpu.memory_space<vmem_shared>>
        tpu.wait_indirect_dma semaphore(%run_scoped3A : memref<!tpu.dma_semaphore, #tpu.memory_space<semaphore_mem>>) src(%arg10 : memref<128x128xf32, #tpu.memory_space<vmem>>) dst(%dma_wait3A_61 : memref<10240x128xf32, #tpu.memory_space<vmem_shared>>)
        tpu.yield
      }) : () -> ()
    }
    %while3A_35 = arith.constant 1 : i32
    scf.for %while3A_41 = %while3A_33 to %while3A_29 step %while3A_35  : i32 {
      %mul3A_42 = arith.muli %while3A_41, %while3A : i32
      %add3A_43 = arith.addi %while3A_26, %mul3A_42 : i32
      %mul3A_44 = arith.constant 128 : i32
      %mul3A_45 = arith.muli %add3A_43, %mul3A_44 : i32
      %add3A_46 = arith.addi %mul3A_19, %mul3A_45 : i32
      "tpu.region"() ({
        %run_scoped3A = tpu.sem_alloc : memref<!tpu.dma_semaphore, #tpu.memory_space<semaphore_mem>>
        %dma_start3A_56 = tpu.memref_slice %arg3[%add3A_46] : memref<327680xi32, #tpu.memory_space<hbm>> -> memref<128xi32, #tpu.memory_space<hbm>>
        %dma_start3A_57 = tpu.memref_slice %arg3[%add3A_46] : memref<327680xi32, #tpu.memory_space<hbm>> -> memref<128xi32, #tpu.memory_space<hbm>>
        tpu.enqueue_dma source(%dma_start3A_57 : memref<128xi32, #tpu.memory_space<hbm>>) target(%arg7 : memref<128xi32, #tpu.memory_space<vmem>>) target_semaphore(%run_scoped3A : memref<!tpu.dma_semaphore, #tpu.memory_space<semaphore_mem>>)
        %dma_wait3A_58 = tpu.memref_slice %arg3[%add3A_46] : memref<327680xi32, #tpu.memory_space<hbm>> -> memref<128xi32, #tpu.memory_space<hbm>>
        %dma_wait3A_59 = tpu.memref_slice %arg3[%add3A_46] : memref<327680xi32, #tpu.memory_space<hbm>> -> memref<128xi32, #tpu.memory_space<hbm>>
        tpu.wait_dma2 semaphore(%run_scoped3A : memref<!tpu.dma_semaphore, #tpu.memory_space<semaphore_mem>>) src(%dma_wait3A_59 : memref<128xi32, #tpu.memory_space<hbm>>) dst(%arg7 : memref<128xi32, #tpu.memory_space<vmem>>)
        tpu.yield
      }) : () -> ()
      %dma_start3A = arith.constant 0 : i32
      %dma_start3A_47 = arith.constant 0 : i32
      %dma_start3A_48 = tpu.memref_slice %arg2[%dma_start3A, %dma_start3A_47] : memref<40000x128xf32, #tpu.memory_space<hbm>> -> memref<40000x128xf32, #tpu.memory_space<hbm>>
      tpu.enqueue_indirect_dma source(%dma_start3A_48 : memref<40000x128xf32, #tpu.memory_space<hbm>>) target(%arg10 : memref<128x128xf32, #tpu.memory_space<vmem>>) offsets(%arg7 : memref<128xi32, #tpu.memory_space<vmem>>) semaphore(%arg12 : memref<!tpu.dma_semaphore, #tpu.memory_space<semaphore_mem>>)
      "tpu.region"() ({
        %run_scoped3A = tpu.sem_alloc : memref<!tpu.dma_semaphore, #tpu.memory_space<semaphore_mem>>
        %dma_start3A_56 = tpu.memref_slice %arg5[%add3A_46] : memref<327680xf32, #tpu.memory_space<hbm>> -> memref<128xf32, #tpu.memory_space<hbm>>
        %dma_start3A_57 = tpu.memref_slice %arg5[%add3A_46] : memref<327680xf32, #tpu.memory_space<hbm>> -> memref<128xf32, #tpu.memory_space<hbm>>
        tpu.enqueue_dma source(%dma_start3A_57 : memref<128xf32, #tpu.memory_space<hbm>>) target(%arg9 : memref<128xf32, #tpu.memory_space<vmem>>) target_semaphore(%run_scoped3A : memref<!tpu.dma_semaphore, #tpu.memory_space<semaphore_mem>>)
        %dma_wait3A_58 = tpu.memref_slice %arg5[%add3A_46] : memref<327680xf32, #tpu.memory_space<hbm>> -> memref<128xf32, #tpu.memory_space<hbm>>
        %dma_wait3A_59 = tpu.memref_slice %arg5[%add3A_46] : memref<327680xf32, #tpu.memory_space<hbm>> -> memref<128xf32, #tpu.memory_space<hbm>>
        tpu.wait_dma2 semaphore(%run_scoped3A : memref<!tpu.dma_semaphore, #tpu.memory_space<semaphore_mem>>) src(%dma_wait3A_59 : memref<128xf32, #tpu.memory_space<hbm>>) dst(%arg9 : memref<128xf32, #tpu.memory_space<vmem>>)
        tpu.yield
      }) : () -> ()
      "tpu.region"() ({
        %run_scoped3A = tpu.sem_alloc : memref<!tpu.dma_semaphore, #tpu.memory_space<semaphore_mem>>
        %dma_start3A_56 = tpu.memref_slice %arg4[%add3A_46] : memref<327680xi32, #tpu.memory_space<hbm>> -> memref<128xi32, #tpu.memory_space<hbm>>
        %dma_start3A_57 = tpu.memref_slice %arg4[%add3A_46] : memref<327680xi32, #tpu.memory_space<hbm>> -> memref<128xi32, #tpu.memory_space<hbm>>
        tpu.enqueue_dma source(%dma_start3A_57 : memref<128xi32, #tpu.memory_space<hbm>>) target(%arg8 : memref<128xi32, #tpu.memory_space<vmem>>) target_semaphore(%run_scoped3A : memref<!tpu.dma_semaphore, #tpu.memory_space<semaphore_mem>>)
        %dma_wait3A_58 = tpu.memref_slice %arg4[%add3A_46] : memref<327680xi32, #tpu.memory_space<hbm>> -> memref<128xi32, #tpu.memory_space<hbm>>
        %dma_wait3A_59 = tpu.memref_slice %arg4[%add3A_46] : memref<327680xi32, #tpu.memory_space<hbm>> -> memref<128xi32, #tpu.memory_space<hbm>>
        tpu.wait_dma2 semaphore(%run_scoped3A : memref<!tpu.dma_semaphore, #tpu.memory_space<semaphore_mem>>) src(%dma_wait3A_59 : memref<128xi32, #tpu.memory_space<hbm>>) dst(%arg8 : memref<128xi32, #tpu.memory_space<vmem>>)
        tpu.yield
      }) : () -> ()
      %dma_wait3A = arith.constant 0 : i32
      %dma_wait3A_49 = arith.constant 0 : i32
      %dma_wait3A_50 = tpu.memref_slice %arg2[%dma_wait3A, %dma_wait3A_49] : memref<40000x128xf32, #tpu.memory_space<hbm>> -> memref<40000x128xf32, #tpu.memory_space<hbm>>
      tpu.wait_indirect_dma semaphore(%arg12 : memref<!tpu.dma_semaphore, #tpu.memory_space<semaphore_mem>>) src(%dma_wait3A_50 : memref<40000x128xf32, #tpu.memory_space<hbm>>) dst(%arg10 : memref<128x128xf32, #tpu.memory_space<vmem>>)
      %scan3A_51 = arith.constant 0 : i32
      %scan3A_52 = arith.constant 8 : i32
      %scan3A_53 = arith.addi %scan3A_51, %scan3A_52 : i32
      %scan3A_54 = arith.constant 1 : i32
      scf.for %scan3A_56 = %scan3A_51 to %scan3A_53 step %scan3A_54  : i32 {
        %mul3A_57 = arith.constant 1 : i32
        %mul3A_58 = arith.muli %scan3A_56, %mul3A_57 : i32
        %add3A_59 = arith.constant 0 : i32
        %add3A_60 = arith.addi %add3A_59, %mul3A_58 : i32
        %mul3A_61 = arith.constant 16 : i32
        %mul3A_62 = arith.muli %add3A_60, %mul3A_61 : i32
        %get3A = arith.index_cast %mul3A_62 : i32 to index
        %get3A_63 = tpu.vector_load %arg9[%get3A] {strides = array<i32>} : memref<128xf32, #tpu.memory_space<vmem>>, vector<16xf32>,
        %get3A_64 = vector.shape_cast %get3A_63 : vector<16xf32> to vector<16xf32>
        %broadcast_in_dim3A = arith.constant 0 : i32
        %broadcast_in_dim3A_65 = vector.broadcast %broadcast_in_dim3A : i32 to vector<16x1xi32>
        %gather3A = vector.shape_cast %broadcast_in_dim3A_65 : vector<16x1xi32> to vector<16xi32>
        %gather3A_66 = tpu.dynamic_gather %get3A_64[%gather3A] in [0] : vector<16xf32>, vector<16xi32> -> vector<16xf32>
        %mul3A_67 = arith.constant 16 : i32
        %mul3A_68 = arith.muli %add3A_60, %mul3A_67 : i32
        %add3A_69 = arith.constant 0 : i32
        %add3A_70 = arith.addi %mul3A_68, %add3A_69 : i32
        %get3A_71 = arith.index_cast %add3A_70 : i32 to index
        %get3A_72 = arith.constant 0 : index
        %get3A_73 = tpu.vector_load %arg10[%get3A_71, %get3A_72] {strides = array<i32>} : memref<128x128xf32, #tpu.memory_space<vmem>>, vector<1x16xf32>,
        %get3A_74 = vector.shape_cast %get3A_73 : vector<1x16xf32> to vector<16xf32>
        %mul3A_75 = arith.mulf %get3A_74, %gather3A_66 : vector<16xf32>
        %mul3A_76 = arith.constant 16 : i32
        %mul3A_77 = arith.muli %add3A_60, %mul3A_76 : i32
        %add3A_78 = arith.constant 0 : i32
        %add3A_79 = arith.addi %mul3A_77, %add3A_78 : i32
        %swap3A = arith.index_cast %add3A_79 : i32 to index
        %swap3A_80 = arith.constant 0 : index
        %swap3A_81 = tpu.vector_load %arg10[%swap3A, %swap3A_80] {strides = array<i32>} : memref<128x128xf32, #tpu.memory_space<vmem>>, vector<1x16xf32>,
        %swap3A_82 = vector.shape_cast %swap3A_81 : vector<1x16xf32> to vector<16xf32>
        %swap3A_83 = vector.shape_cast %mul3A_75 : vector<16xf32> to vector<1x16xf32>
        tpu.vector_store %arg10[%swap3A, %swap3A_80], %swap3A_83 {strides = array<i32>} : memref<128x128xf32, #tpu.memory_space<vmem>>, vector<1x16xf32>,
        %mul3A_84 = arith.constant 16 : i32
        %mul3A_85 = arith.muli %add3A_60, %mul3A_84 : i32
        %add3A_86 = arith.constant 0 : i32
        %add3A_87 = arith.addi %mul3A_85, %add3A_86 : i32
        %get3A_88 = arith.index_cast %add3A_87 : i32 to index
        %get3A_89 = arith.constant 16 : index
        %get3A_90 = tpu.vector_load %arg10[%get3A_88, %get3A_89] {strides = array<i32>} : memref<128x128xf32, #tpu.memory_space<vmem>>, vector<1x16xf32>,
        %get3A_91 = vector.shape_cast %get3A_90 : vector<1x16xf32> to vector<16xf32>
        %mul3A_92 = arith.mulf %get3A_91, %gather3A_66 : vector<16xf32>
        %mul3A_93 = arith.constant 16 : i32
        %mul3A_94 = arith.muli %add3A_60, %mul3A_93 : i32
        %add3A_95 = arith.constant 0 : i32
        %add3A_96 = arith.addi %mul3A_94, %add3A_95 : i32
        %swap3A_97 = arith.index_cast %add3A_96 : i32 to index
        %swap3A_98 = arith.constant 16 : index
        %swap3A_99 = tpu.vector_load %arg10[%swap3A_97, %swap3A_98] {strides = array<i32>} : memref<128x128xf32, #tpu.memory_space<vmem>>, vector<1x16xf32>,
        %swap3A_100 = vector.shape_cast %swap3A_99 : vector<1x16xf32> to vector<16xf32>
        %swap3A_101 = vector.shape_cast %mul3A_92 : vector<16xf32> to vector<1x16xf32>
        tpu.vector_store %arg10[%swap3A_97, %swap3A_98], %swap3A_101 {strides = array<i32>} : memref<128x128xf32, #tpu.memory_space<vmem>>, vector<1x16xf32>,
        %mul3A_102 = arith.constant 16 : i32
        %mul3A_103 = arith.muli %add3A_60, %mul3A_102 : i32
        %add3A_104 = arith.constant 0 : i32
        %add3A_105 = arith.addi %mul3A_103, %add3A_104 : i32
        %get3A_106 = arith.index_cast %add3A_105 : i32 to index
        %get3A_107 = arith.constant 32 : index
        %get3A_108 = tpu.vector_load %arg10[%get3A_106, %get3A_107] {strides = array<i32>} : memref<128x128xf32, #tpu.memory_space<vmem>>, vector<1x16xf32>,
        %get3A_109 = vector.shape_cast %get3A_108 : vector<1x16xf32> to vector<16xf32>
        %mul3A_110 = arith.mulf %get3A_109, %gather3A_66 : vector<16xf32>
        %mul3A_111 = arith.constant 16 : i32
        %mul3A_112 = arith.muli %add3A_60, %mul3A_111 : i32
        %add3A_113 = arith.constant 0 : i32
        %add3A_114 = arith.addi %mul3A_112, %add3A_113 : i32
        %swap3A_115 = arith.index_cast %add3A_114 : i32 to index
        %swap3A_116 = arith.constant 32 : index
        %swap3A_117 = tpu.vector_load %arg10[%swap3A_115, %swap3A_116] {strides = array<i32>} : memref<128x128xf32, #tpu.memory_space<vmem>>, vector<1x16xf32>,
        %swap3A_118 = vector.shape_cast %swap3A_117 : vector<1x16xf32> to vector<16xf32>
        %swap3A_119 = vector.shape_cast %mul3A_110 : vector<16xf32> to vector<1x16xf32>
        tpu.vector_store %arg10[%swap3A_115, %swap3A_116], %swap3A_119 {strides = array<i32>} : memref<128x128xf32, #tpu.memory_space<vmem>>, vector<1x16xf32>,
        %mul3A_120 = arith.constant 16 : i32
        %mul3A_121 = arith.muli %add3A_60, %mul3A_120 : i32
        %add3A_122 = arith.constant 0 : i32
        %add3A_123 = arith.addi %mul3A_121, %add3A_122 : i32
        %get3A_124 = arith.index_cast %add3A_123 : i32 to index
        %get3A_125 = arith.constant 48 : index
        %get3A_126 = tpu.vector_load %arg10[%get3A_124, %get3A_125] {strides = array<i32>} : memref<128x128xf32, #tpu.memory_space<vmem>>, vector<1x16xf32>,
        %get3A_127 = vector.shape_cast %get3A_126 : vector<1x16xf32> to vector<16xf32>
        %mul3A_128 = arith.mulf %get3A_127, %gather3A_66 : vector<16xf32>
        %mul3A_129 = arith.constant 16 : i32
        %mul3A_130 = arith.muli %add3A_60, %mul3A_129 : i32
        %add3A_131 = arith.constant 0 : i32
        %add3A_132 = arith.addi %mul3A_130, %add3A_131 : i32
        %swap3A_133 = arith.index_cast %add3A_132 : i32 to index
        %swap3A_134 = arith.constant 48 : index
        %swap3A_135 = tpu.vector_load %arg10[%swap3A_133, %swap3A_134] {strides = array<i32>} : memref<128x128xf32, #tpu.memory_space<vmem>>, vector<1x16xf32>,
        %swap3A_136 = vector.shape_cast %swap3A_135 : vector<1x16xf32> to vector<16xf32>
        %swap3A_137 = vector.shape_cast %mul3A_128 : vector<16xf32> to vector<1x16xf32>
        tpu.vector_store %arg10[%swap3A_133, %swap3A_134], %swap3A_137 {strides = array<i32>} : memref<128x128xf32, #tpu.memory_space<vmem>>, vector<1x16xf32>,
        %mul3A_138 = arith.constant 16 : i32
        %mul3A_139 = arith.muli %add3A_60, %mul3A_138 : i32
        %add3A_140 = arith.constant 0 : i32
        %add3A_141 = arith.addi %mul3A_139, %add3A_140 : i32
        %get3A_142 = arith.index_cast %add3A_141 : i32 to index
        %get3A_143 = arith.constant 64 : index
        %get3A_144 = tpu.vector_load %arg10[%get3A_142, %get3A_143] {strides = array<i32>} : memref<128x128xf32, #tpu.memory_space<vmem>>, vector<1x16xf32>,
        %get3A_145 = vector.shape_cast %get3A_144 : vector<1x16xf32> to vector<16xf32>
        %mul3A_146 = arith.mulf %get3A_145, %gather3A_66 : vector<16xf32>
        %mul3A_147 = arith.constant 16 : i32
        %mul3A_148 = arith.muli %add3A_60, %mul3A_147 : i32
        %add3A_149 = arith.constant 0 : i32
        %add3A_150 = arith.addi %mul3A_148, %add3A_149 : i32
        %swap3A_151 = arith.index_cast %add3A_150 : i32 to index
        %swap3A_152 = arith.constant 64 : index
        %swap3A_153 = tpu.vector_load %arg10[%swap3A_151, %swap3A_152] {strides = array<i32>} : memref<128x128xf32, #tpu.memory_space<vmem>>, vector<1x16xf32>,
        %swap3A_154 = vector.shape_cast %swap3A_153 : vector<1x16xf32> to vector<16xf32>
        %swap3A_155 = vector.shape_cast %mul3A_146 : vector<16xf32> to vector<1x16xf32>
        tpu.vector_store %arg10[%swap3A_151, %swap3A_152], %swap3A_155 {strides = array<i32>} : memref<128x128xf32, #tpu.memory_space<vmem>>, vector<1x16xf32>,
        %mul3A_156 = arith.constant 16 : i32
        %mul3A_157 = arith.muli %add3A_60, %mul3A_156 : i32
        %add3A_158 = arith.constant 0 : i32
        %add3A_159 = arith.addi %mul3A_157, %add3A_158 : i32
        %get3A_160 = arith.index_cast %add3A_159 : i32 to index
        %get3A_161 = arith.constant 80 : index
        %get3A_162 = tpu.vector_load %arg10[%get3A_160, %get3A_161] {strides = array<i32>} : memref<128x128xf32, #tpu.memory_space<vmem>>, vector<1x16xf32>,
        %get3A_163 = vector.shape_cast %get3A_162 : vector<1x16xf32> to vector<16xf32>
        %mul3A_164 = arith.mulf %get3A_163, %gather3A_66 : vector<16xf32>
        %mul3A_165 = arith.constant 16 : i32
        %mul3A_166 = arith.muli %add3A_60, %mul3A_165 : i32
        %add3A_167 = arith.constant 0 : i32
        %add3A_168 = arith.addi %mul3A_166, %add3A_167 : i32
        %swap3A_169 = arith.index_cast %add3A_168 : i32 to index
        %swap3A_170 = arith.constant 80 : index
        %swap3A_171 = tpu.vector_load %arg10[%swap3A_169, %swap3A_170] {strides = array<i32>} : memref<128x128xf32, #tpu.memory_space<vmem>>, vector<1x16xf32>,
        %swap3A_172 = vector.shape_cast %swap3A_171 : vector<1x16xf32> to vector<16xf32>
        %swap3A_173 = vector.shape_cast %mul3A_164 : vector<16xf32> to vector<1x16xf32>
        tpu.vector_store %arg10[%swap3A_169, %swap3A_170], %swap3A_173 {strides = array<i32>} : memref<128x128xf32, #tpu.memory_space<vmem>>, vector<1x16xf32>,
        %mul3A_174 = arith.constant 16 : i32
        %mul3A_175 = arith.muli %add3A_60, %mul3A_174 : i32
        %add3A_176 = arith.constant 0 : i32
        %add3A_177 = arith.addi %mul3A_175, %add3A_176 : i32
        %get3A_178 = arith.index_cast %add3A_177 : i32 to index
        %get3A_179 = arith.constant 96 : index
        %get3A_180 = tpu.vector_load %arg10[%get3A_178, %get3A_179] {strides = array<i32>} : memref<128x128xf32, #tpu.memory_space<vmem>>, vector<1x16xf32>,
        %get3A_181 = vector.shape_cast %get3A_180 : vector<1x16xf32> to vector<16xf32>
        %mul3A_182 = arith.mulf %get3A_181, %gather3A_66 : vector<16xf32>
        %mul3A_183 = arith.constant 16 : i32
        %mul3A_184 = arith.muli %add3A_60, %mul3A_183 : i32
        %add3A_185 = arith.constant 0 : i32
        %add3A_186 = arith.addi %mul3A_184, %add3A_185 : i32
        %swap3A_187 = arith.index_cast %add3A_186 : i32 to index
        %swap3A_188 = arith.constant 96 : index
        %swap3A_189 = tpu.vector_load %arg10[%swap3A_187, %swap3A_188] {strides = array<i32>} : memref<128x128xf32, #tpu.memory_space<vmem>>, vector<1x16xf32>,
        %swap3A_190 = vector.shape_cast %swap3A_189 : vector<1x16xf32> to vector<16xf32>
        %swap3A_191 = vector.shape_cast %mul3A_182 : vector<16xf32> to vector<1x16xf32>
        tpu.vector_store %arg10[%swap3A_187, %swap3A_188], %swap3A_191 {strides = array<i32>} : memref<128x128xf32, #tpu.memory_space<vmem>>, vector<1x16xf32>,
        %mul3A_192 = arith.constant 16 : i32
        %mul3A_193 = arith.muli %add3A_60, %mul3A_192 : i32
        %add3A_194 = arith.constant 0 : i32
        %add3A_195 = arith.addi %mul3A_193, %add3A_194 : i32
        %get3A_196 = arith.index_cast %add3A_195 : i32 to index
        %get3A_197 = arith.constant 112 : index
        %get3A_198 = tpu.vector_load %arg10[%get3A_196, %get3A_197] {strides = array<i32>} : memref<128x128xf32, #tpu.memory_space<vmem>>, vector<1x16xf32>,
        %get3A_199 = vector.shape_cast %get3A_198 : vector<1x16xf32> to vector<16xf32>
        %mul3A_200 = arith.mulf %get3A_199, %gather3A_66 : vector<16xf32>
        %mul3A_201 = arith.constant 16 : i32
        %mul3A_202 = arith.muli %add3A_60, %mul3A_201 : i32
        %add3A_203 = arith.constant 0 : i32
        %add3A_204 = arith.addi %mul3A_202, %add3A_203 : i32
        %swap3A_205 = arith.index_cast %add3A_204 : i32 to index
        %swap3A_206 = arith.constant 112 : index
        %swap3A_207 = tpu.vector_load %arg10[%swap3A_205, %swap3A_206] {strides = array<i32>} : memref<128x128xf32, #tpu.memory_space<vmem>>, vector<1x16xf32>,
        %swap3A_208 = vector.shape_cast %swap3A_207 : vector<1x16xf32> to vector<16xf32>
        %swap3A_209 = vector.shape_cast %mul3A_200 : vector<16xf32> to vector<1x16xf32>
        tpu.vector_store %arg10[%swap3A_205, %swap3A_206], %swap3A_209 {strides = array<i32>} : memref<128x128xf32, #tpu.memory_space<vmem>>, vector<1x16xf32>,
        %broadcast_in_dim3A_210 = arith.constant 1 : i32
        %broadcast_in_dim3A_211 = vector.broadcast %broadcast_in_dim3A_210 : i32 to vector<16x1xi32>
        %gather3A_212 = vector.shape_cast %broadcast_in_dim3A_211 : vector<16x1xi32> to vector<16xi32>
        %gather3A_213 = tpu.dynamic_gather %get3A_64[%gather3A_212] in [0] : vector<16xf32>, vector<16xi32> -> vector<16xf32>
        %mul3A_214 = arith.constant 16 : i32
        %mul3A_215 = arith.muli %add3A_60, %mul3A_214 : i32
        %add3A_216 = arith.constant 1 : i32
        %add3A_217 = arith.addi %mul3A_215, %add3A_216 : i32
        %get3A_218 = arith.index_cast %add3A_217 : i32 to index
        %get3A_219 = arith.constant 0 : index
        %get3A_220 = tpu.vector_load %arg10[%get3A_218, %get3A_219] {strides = array<i32>} : memref<128x128xf32, #tpu.memory_space<vmem>>, vector<1x16xf32>,
        %get3A_221 = vector.shape_cast %get3A_220 : vector<1x16xf32> to vector<16xf32>
        %mul3A_222 = arith.mulf %get3A_221, %gather3A_213 : vector<16xf32>
        %mul3A_223 = arith.constant 16 : i32
        %mul3A_224 = arith.muli %add3A_60, %mul3A_223 : i32
        %add3A_225 = arith.constant 1 : i32
        %add3A_226 = arith.addi %mul3A_224, %add3A_225 : i32
        %swap3A_227 = arith.index_cast %add3A_226 : i32 to index
        %swap3A_228 = arith.constant 0 : index
        %swap3A_229 = tpu.vector_load %arg10[%swap3A_227, %swap3A_228] {strides = array<i32>} : memref<128x128xf32, #tpu.memory_space<vmem>>, vector<1x16xf32>,
        %swap3A_230 = vector.shape_cast %swap3A_229 : vector<1x16xf32> to vector<16xf32>
        %swap3A_231 = vector.shape_cast %mul3A_222 : vector<16xf32> to vector<1x16xf32>
        tpu.vector_store %arg10[%swap3A_227, %swap3A_228], %swap3A_231 {strides = array<i32>} : memref<128x128xf32, #tpu.memory_space<vmem>>, vector<1x16xf32>,
        %mul3A_232 = arith.constant 16 : i32
        %mul3A_233 = arith.muli %add3A_60, %mul3A_232 : i32
        %add3A_234 = arith.constant 1 : i32
        %add3A_235 = arith.addi %mul3A_233, %add3A_234 : i32
        %get3A_236 = arith.index_cast %add3A_235 : i32 to index
        %get3A_237 = arith.constant 16 : index
        %get3A_238 = tpu.vector_load %arg10[%get3A_236, %get3A_237] {strides = array<i32>} : memref<128x128xf32, #tpu.memory_space<vmem>>, vector<1x16xf32>,
        %get3A_239 = vector.shape_cast %get3A_238 : vector<1x16xf32> to vector<16xf32>
        %mul3A_240 = arith.mulf %get3A_239, %gather3A_213 : vector<16xf32>
        %mul3A_241 = arith.constant 16 : i32
        %mul3A_242 = arith.muli %add3A_60, %mul3A_241 : i32
        %add3A_243 = arith.constant 1 : i32
        %add3A_244 = arith.addi %mul3A_242, %add3A_243 : i32
        %swap3A_245 = arith.index_cast %add3A_244 : i32 to index
        %swap3A_246 = arith.constant 16 : index
        %swap3A_247 = tpu.vector_load %arg10[%swap3A_245, %swap3A_246] {strides = array<i32>} : memref<128x128xf32, #tpu.memory_space<vmem>>, vector<1x16xf32>,
        %swap3A_248 = vector.shape_cast %swap3A_247 : vector<1x16xf32> to vector<16xf32>
        %swap3A_249 = vector.shape_cast %mul3A_240 : vector<16xf32> to vector<1x16xf32>
        tpu.vector_store %arg10[%swap3A_245, %swap3A_246], %swap3A_249 {strides = array<i32>} : memref<128x128xf32, #tpu.memory_space<vmem>>, vector<1x16xf32>,
        %mul3A_250 = arith.constant 16 : i32
        %mul3A_251 = arith.muli %add3A_60, %mul3A_250 : i32
        %add3A_252 = arith.constant 1 : i32
        %add3A_253 = arith.addi %mul3A_251, %add3A_252 : i32
        %get3A_254 = arith.index_cast %add3A_253 : i32 to index
        %get3A_255 = arith.constant 32 : index
        %get3A_256 = tpu.vector_load %arg10[%get3A_254, %get3A_255] {strides = array<i32>} : memref<128x128xf32, #tpu.memory_space<vmem>>, vector<1x16xf32>,
        %get3A_257 = vector.shape_cast %get3A_256 : vector<1x16xf32> to vector<16xf32>
        %mul3A_258 = arith.mulf %get3A_257, %gather3A_213 : vector<16xf32>
        %mul3A_259 = arith.constant 16 : i32
        %mul3A_260 = arith.muli %add3A_60, %mul3A_259 : i32
        %add3A_261 = arith.constant 1 : i32
        %add3A_262 = arith.addi %mul3A_260, %add3A_261 : i32
        %swap3A_263 = arith.index_cast %add3A_262 : i32 to index
        %swap3A_264 = arith.constant 32 : index
        %swap3A_265 = tpu.vector_load %arg10[%swap3A_263, %swap3A_264] {strides = array<i32>} : memref<128x128xf32, #tpu.memory_space<vmem>>, vector<1x16xf32>,
        %swap3A_266 = vector.shape_cast %swap3A_265 : vector<1x16xf32> to vector<16xf32>
        %swap3A_267 = vector.shape_cast %mul3A_258 : vector<16xf32> to vector<1x16xf32>
        tpu.vector_store %arg10[%swap3A_263, %swap3A_264], %swap3A_267 {strides = array<i32>} : memref<128x128xf32, #tpu.memory_space<vmem>>, vector<1x16xf32>,
        %mul3A_268 = arith.constant 16 : i32
        %mul3A_269 = arith.muli %add3A_60, %mul3A_268 : i32
        %add3A_270 = arith.constant 1 : i32
        %add3A_271 = arith.addi %mul3A_269, %add3A_270 : i32
        %get3A_272 = arith.index_cast %add3A_271 : i32 to index
        %get3A_273 = arith.constant 48 : index
        %get3A_274 = tpu.vector_load %arg10[%get3A_272, %get3A_273] {strides = array<i32>} : memref<128x128xf32, #tpu.memory_space<vmem>>, vector<1x16xf32>,
        %get3A_275 = vector.shape_cast %get3A_274 : vector<1x16xf32> to vector<16xf32>
        %mul3A_276 = arith.mulf %get3A_275, %gather3A_213 : vector<16xf32>
        %mul3A_277 = arith.constant 16 : i32
        %mul3A_278 = arith.muli %add3A_60, %mul3A_277 : i32
        %add3A_279 = arith.constant 1 : i32
        %add3A_280 = arith.addi %mul3A_278, %add3A_279 : i32
        %swap3A_281 = arith.index_cast %add3A_280 : i32 to index
        %swap3A_282 = arith.constant 48 : index
        %swap3A_283 = tpu.vector_load %arg10[%swap3A_281, %swap3A_282] {strides = array<i32>} : memref<128x128xf32, #tpu.memory_space<vmem>>, vector<1x16xf32>,
        %swap3A_284 = vector.shape_cast %swap3A_283 : vector<1x16xf32> to vector<16xf32>
        %swap3A_285 = vector.shape_cast %mul3A_276 : vector<16xf32> to vector<1x16xf32>
        tpu.vector_store %arg10[%swap3A_281, %swap3A_282], %swap3A_285 {strides = array<i32>} : memref<128x128xf32, #tpu.memory_space<vmem>>, vector<1x16xf32>,
        %mul3A_286 = arith.constant 16 : i32
        %mul3A_287 = arith.muli %add3A_60, %mul3A_286 : i32
        %add3A_288 = arith.constant 1 : i32
        %add3A_289 = arith.addi %mul3A_287, %add3A_288 : i32
        %get3A_290 = arith.index_cast %add3A_289 : i32 to index
        %get3A_291 = arith.constant 64 : index
        %get3A_292 = tpu.vector_load %arg10[%get3A_290, %get3A_291] {strides = array<i32>} : memref<128x128xf32, #tpu.memory_space<vmem>>, vector<1x16xf32>,
        %get3A_293 = vector.shape_cast %get3A_292 : vector<1x16xf32> to vector<16xf32>
        %mul3A_294 = arith.mulf %get3A_293, %gather3A_213 : vector<16xf32>
        %mul3A_295 = arith.constant 16 : i32
        %mul3A_296 = arith.muli %add3A_60, %mul3A_295 : i32
        %add3A_297 = arith.constant 1 : i32
        %add3A_298 = arith.addi %mul3A_296, %add3A_297 : i32
        %swap3A_299 = arith.index_cast %add3A_298 : i32 to index
        %swap3A_300 = arith.constant 64 : index
        %swap3A_301 = tpu.vector_load %arg10[%swap3A_299, %swap3A_300] {strides = array<i32>} : memref<128x128xf32, #tpu.memory_space<vmem>>, vector<1x16xf32>,
        %swap3A_302 = vector.shape_cast %swap3A_301 : vector<1x16xf32> to vector<16xf32>
        %swap3A_303 = vector.shape_cast %mul3A_294 : vector<16xf32> to vector<1x16xf32>
        tpu.vector_store %arg10[%swap3A_299, %swap3A_300], %swap3A_303 {strides = array<i32>} : memref<128x128xf32, #tpu.memory_space<vmem>>, vector<1x16xf32>,
        %mul3A_304 = arith.constant 16 : i32
        %mul3A_305 = arith.muli %add3A_60, %mul3A_304 : i32
        %add3A_306 = arith.constant 1 : i32
        %add3A_307 = arith.addi %mul3A_305, %add3A_306 : i32
        %get3A_308 = arith.index_cast %add3A_307 : i32 to index
        %get3A_309 = arith.constant 80 : index
        %get3A_310 = tpu.vector_load %arg10[%get3A_308, %get3A_309] {strides = array<i32>} : memref<128x128xf32, #tpu.memory_space<vmem>>, vector<1x16xf32>,
        %get3A_311 = vector.shape_cast %get3A_310 : vector<1x16xf32> to vector<16xf32>
        %mul3A_312 = arith.mulf %get3A_311, %gather3A_213 : vector<16xf32>
        %mul3A_313 = arith.constant 16 : i32
        %mul3A_314 = arith.muli %add3A_60, %mul3A_313 : i32
        %add3A_315 = arith.constant 1 : i32
        %add3A_316 = arith.addi %mul3A_314, %add3A_315 : i32
        %swap3A_317 = arith.index_cast %add3A_316 : i32 to index
        %swap3A_318 = arith.constant 80 : index
        %swap3A_319 = tpu.vector_load %arg10[%swap3A_317, %swap3A_318] {strides = array<i32>} : memref<128x128xf32, #tpu.memory_space<vmem>>, vector<1x16xf32>,
        %swap3A_320 = vector.shape_cast %swap3A_319 : vector<1x16xf32> to vector<16xf32>
        %swap3A_321 = vector.shape_cast %mul3A_312 : vector<16xf32> to vector<1x16xf32>
        tpu.vector_store %arg10[%swap3A_317, %swap3A_318], %swap3A_321 {strides = array<i32>} : memref<128x128xf32, #tpu.memory_space<vmem>>, vector<1x16xf32>,
        %mul3A_322 = arith.constant 16 : i32
        %mul3A_323 = arith.muli %add3A_60, %mul3A_322 : i32
        %add3A_324 = arith.constant 1 : i32
        %add3A_325 = arith.addi %mul3A_323, %add3A_324 : i32
        %get3A_326 = arith.index_cast %add3A_325 : i32 to index
        %get3A_327 = arith.constant 96 : index
        %get3A_328 = tpu.vector_load %arg10[%get3A_326, %get3A_327] {strides = array<i32>} : memref<128x128xf32, #tpu.memory_space<vmem>>, vector<1x16xf32>,
        %get3A_329 = vector.shape_cast %get3A_328 : vector<1x16xf32> to vector<16xf32>
        %mul3A_330 = arith.mulf %get3A_329, %gather3A_213 : vector<16xf32>
        %mul3A_331 = arith.constant 16 : i32
        %mul3A_332 = arith.muli %add3A_60, %mul3A_331 : i32
        %add3A_333 = arith.constant 1 : i32
        %add3A_334 = arith.addi %mul3A_332, %add3A_333 : i32
        %swap3A_335 = arith.index_cast %add3A_334 : i32 to index
        %swap3A_336 = arith.constant 96 : index
        %swap3A_337 = tpu.vector_load %arg10[%swap3A_335, %swap3A_336] {strides = array<i32>} : memref<128x128xf32, #tpu.memory_space<vmem>>, vector<1x16xf32>,
        %swap3A_338 = vector.shape_cast %swap3A_337 : vector<1x16xf32> to vector<16xf32>
        %swap3A_339 = vector.shape_cast %mul3A_330 : vector<16xf32> to vector<1x16xf32>
        tpu.vector_store %arg10[%swap3A_335, %swap3A_336], %swap3A_339 {strides = array<i32>} : memref<128x128xf32, #tpu.memory_space<vmem>>, vector<1x16xf32>,
        %mul3A_340 = arith.constant 16 : i32
        %mul3A_341 = arith.muli %add3A_60, %mul3A_340 : i32
        %add3A_342 = arith.constant 1 : i32
        %add3A_343 = arith.addi %mul3A_341, %add3A_342 : i32
        %get3A_344 = arith.index_cast %add3A_343 : i32 to index
        %get3A_345 = arith.constant 112 : index
        %get3A_346 = tpu.vector_load %arg10[%get3A_344, %get3A_345] {strides = array<i32>} : memref<128x128xf32, #tpu.memory_space<vmem>>, vector<1x16xf32>,
        %get3A_347 = vector.shape_cast %get3A_346 : vector<1x16xf32> to vector<16xf32>
        %mul3A_348 = arith.mulf %get3A_347, %gather3A_213 : vector<16xf32>
        %mul3A_349 = arith.constant 16 : i32
        %mul3A_350 = arith.muli %add3A_60, %mul3A_349 : i32
        %add3A_351 = arith.constant 1 : i32
        %add3A_352 = arith.addi %mul3A_350, %add3A_351 : i32
        %swap3A_353 = arith.index_cast %add3A_352 : i32 to index
        %swap3A_354 = arith.constant 112 : index
        %swap3A_355 = tpu.vector_load %arg10[%swap3A_353, %swap3A_354] {strides = array<i32>} : memref<128x128xf32, #tpu.memory_space<vmem>>, vector<1x16xf32>,
        %swap3A_356 = vector.shape_cast %swap3A_355 : vector<1x16xf32> to vector<16xf32>
        %swap3A_357 = vector.shape_cast %mul3A_348 : vector<16xf32> to vector<1x16xf32>
        tpu.vector_store %arg10[%swap3A_353, %swap3A_354], %swap3A_357 {strides = array<i32>} : memref<128x128xf32, #tpu.memory_space<vmem>>, vector<1x16xf32>,
        %broadcast_in_dim3A_358 = arith.constant 2 : i32
        %broadcast_in_dim3A_359 = vector.broadcast %broadcast_in_dim3A_358 : i32 to vector<16x1xi32>
        %gather3A_360 = vector.shape_cast %broadcast_in_dim3A_359 : vector<16x1xi32> to vector<16xi32>
        %gather3A_361 = tpu.dynamic_gather %get3A_64[%gather3A_360] in [0] : vector<16xf32>, vector<16xi32> -> vector<16xf32>
        %mul3A_362 = arith.constant 16 : i32
        %mul3A_363 = arith.muli %add3A_60, %mul3A_362 : i32
        %add3A_364 = arith.constant 2 : i32
        %add3A_365 = arith.addi %mul3A_363, %add3A_364 : i32
        %get3A_366 = arith.index_cast %add3A_365 : i32 to index
        %get3A_367 = arith.constant 0 : index
        %get3A_368 = tpu.vector_load %arg10[%get3A_366, %get3A_367] {strides = array<i32>} : memref<128x128xf32, #tpu.memory_space<vmem>>, vector<1x16xf32>,
        %get3A_369 = vector.shape_cast %get3A_368 : vector<1x16xf32> to vector<16xf32>
        %mul3A_370 = arith.mulf %get3A_369, %gather3A_361 : vector<16xf32>
        %mul3A_371 = arith.constant 16 : i32
        %mul3A_372 = arith.muli %add3A_60, %mul3A_371 : i32
        %add3A_373 = arith.constant 2 : i32
        %add3A_374 = arith.addi %mul3A_372, %add3A_373 : i32
        %swap3A_375 = arith.index_cast %add3A_374 : i32 to index
        %swap3A_376 = arith.constant 0 : index
        %swap3A_377 = tpu.vector_load %arg10[%swap3A_375, %swap3A_376] {strides = array<i32>} : memref<128x128xf32, #tpu.memory_space<vmem>>, vector<1x16xf32>,
        %swap3A_378 = vector.shape_cast %swap3A_377 : vector<1x16xf32> to vector<16xf32>
        %swap3A_379 = vector.shape_cast %mul3A_370 : vector<16xf32> to vector<1x16xf32>
        tpu.vector_store %arg10[%swap3A_375, %swap3A_376], %swap3A_379 {strides = array<i32>} : memref<128x128xf32, #tpu.memory_space<vmem>>, vector<1x16xf32>,
        %mul3A_380 = arith.constant 16 : i32
        %mul3A_381 = arith.muli %add3A_60, %mul3A_380 : i32
        %add3A_382 = arith.constant 2 : i32
        %add3A_383 = arith.addi %mul3A_381, %add3A_382 : i32
        %get3A_384 = arith.index_cast %add3A_383 : i32 to index
        %get3A_385 = arith.constant 16 : index
        %get3A_386 = tpu.vector_load %arg10[%get3A_384, %get3A_385] {strides = array<i32>} : memref<128x128xf32, #tpu.memory_space<vmem>>, vector<1x16xf32>,
        %get3A_387 = vector.shape_cast %get3A_386 : vector<1x16xf32> to vector<16xf32>
        %mul3A_388 = arith.mulf %get3A_387, %gather3A_361 : vector<16xf32>
        %mul3A_389 = arith.constant 16 : i32
        %mul3A_390 = arith.muli %add3A_60, %mul3A_389 : i32
        %add3A_391 = arith.constant 2 : i32
        %add3A_392 = arith.addi %mul3A_390, %add3A_391 : i32
        %swap3A_393 = arith.index_cast %add3A_392 : i32 to index
        %swap3A_394 = arith.constant 16 : index
        %swap3A_395 = tpu.vector_load %arg10[%swap3A_393, %swap3A_394] {strides = array<i32>} : memref<128x128xf32, #tpu.memory_space<vmem>>, vector<1x16xf32>,
        %swap3A_396 = vector.shape_cast %swap3A_395 : vector<1x16xf32> to vector<16xf32>
        %swap3A_397 = vector.shape_cast %mul3A_388 : vector<16xf32> to vector<1x16xf32>
        tpu.vector_store %arg10[%swap3A_393, %swap3A_394], %swap3A_397 {strides = array<i32>} : memref<128x128xf32, #tpu.memory_space<vmem>>, vector<1x16xf32>,
        %mul3A_398 = arith.constant 16 : i32
        %mul3A_399 = arith.muli %add3A_60, %mul3A_398 : i32
        %add3A_400 = arith.constant 2 : i32
        %add3A_401 = arith.addi %mul3A_399, %add3A_400 : i32
        %get3A_402 = arith.index_cast %add3A_401 : i32 to index
        %get3A_403 = arith.constant 32 : index
        %get3A_404 = tpu.vector_load %arg10[%get3A_402, %get3A_403] {strides = array<i32>} : memref<128x128xf32, #tpu.memory_space<vmem>>, vector<1x16xf32>,
        %get3A_405 = vector.shape_cast %get3A_404 : vector<1x16xf32> to vector<16xf32>
        %mul3A_406 = arith.mulf %get3A_405, %gather3A_361 : vector<16xf32>
        %mul3A_407 = arith.constant 16 : i32
        %mul3A_408 = arith.muli %add3A_60, %mul3A_407 : i32
        %add3A_409 = arith.constant 2 : i32
        %add3A_410 = arith.addi %mul3A_408, %add3A_409 : i32
        %swap3A_411 = arith.index_cast %add3A_410 : i32 to index
        %swap3A_412 = arith.constant 32 : index
        %swap3A_413 = tpu.vector_load %arg10[%swap3A_411, %swap3A_412] {strides = array<i32>} : memref<128x128xf32, #tpu.memory_space<vmem>>, vector<1x16xf32>,
        %swap3A_414 = vector.shape_cast %swap3A_413 : vector<1x16xf32> to vector<16xf32>
        %swap3A_415 = vector.shape_cast %mul3A_406 : vector<16xf32> to vector<1x16xf32>
        tpu.vector_store %arg10[%swap3A_411, %swap3A_412], %swap3A_415 {strides = array<i32>} : memref<128x128xf32, #tpu.memory_space<vmem>>, vector<1x16xf32>,
        %mul3A_416 = arith.constant 16 : i32
        %mul3A_417 = arith.muli %add3A_60, %mul3A_416 : i32
        %add3A_418 = arith.constant 2 : i32
        %add3A_419 = arith.addi %mul3A_417, %add3A_418 : i32
        %get3A_420 = arith.index_cast %add3A_419 : i32 to index
        %get3A_421 = arith.constant 48 : index
        %get3A_422 = tpu.vector_load %arg10[%get3A_420, %get3A_421] {strides = array<i32>} : memref<128x128xf32, #tpu.memory_space<vmem>>, vector<1x16xf32>,
        %get3A_423 = vector.shape_cast %get3A_422 : vector<1x16xf32> to vector<16xf32>
        %mul3A_424 = arith.mulf %get3A_423, %gather3A_361 : vector<16xf32>
        %mul3A_425 = arith.constant 16 : i32
        %mul3A_426 = arith.muli %add3A_60, %mul3A_425 : i32
        %add3A_427 = arith.constant 2 : i32
        %add3A_428 = arith.addi %mul3A_426, %add3A_427 : i32
        %swap3A_429 = arith.index_cast %add3A_428 : i32 to index
        %swap3A_430 = arith.constant 48 : index
        %swap3A_431 = tpu.vector_load %arg10[%swap3A_429, %swap3A_430] {strides = array<i32>} : memref<128x128xf32, #tpu.memory_space<vmem>>, vector<1x16xf32>,
        %swap3A_432 = vector.shape_cast %swap3A_431 : vector<1x16xf32> to vector<16xf32>
        %swap3A_433 = vector.shape_cast %mul3A_424 : vector<16xf32> to vector<1x16xf32>
        tpu.vector_store %arg10[%swap3A_429, %swap3A_430], %swap3A_433 {strides = array<i32>} : memref<128x128xf32, #tpu.memory_space<vmem>>, vector<1x16xf32>,
        %mul3A_434 = arith.constant 16 : i32
        %mul3A_435 = arith.muli %add3A_60, %mul3A_434 : i32
        %add3A_436 = arith.constant 2 : i32
        %add3A_437 = arith.addi %mul3A_435, %add3A_436 : i32
        %get3A_438 = arith.index_cast %add3A_437 : i32 to index
        %get3A_439 = arith.constant 64 : index
        %get3A_440 = tpu.vector_load %arg10[%get3A_438, %get3A_439] {strides = array<i32>} : memref<128x128xf32, #tpu.memory_space<vmem>>, vector<1x16xf32>,
        %get3A_441 = vector.shape_cast %get3A_440 : vector<1x16xf32> to vector<16xf32>
        %mul3A_442 = arith.mulf %get3A_441, %gather3A_361 : vector<16xf32>
        %mul3A_443 = arith.constant 16 : i32
        %mul3A_444 = arith.muli %add3A_60, %mul3A_443 : i32
        %add3A_445 = arith.constant 2 : i32
        %add3A_446 = arith.addi %mul3A_444, %add3A_445 : i32
        %swap3A_447 = arith.index_cast %add3A_446 : i32 to index
        %swap3A_448 = arith.constant 64 : index
        %swap3A_449 = tpu.vector_load %arg10[%swap3A_447, %swap3A_448] {strides = array<i32>} : memref<128x128xf32, #tpu.memory_space<vmem>>, vector<1x16xf32>,
        %swap3A_450 = vector.shape_cast %swap3A_449 : vector<1x16xf32> to vector<16xf32>
        %swap3A_451 = vector.shape_cast %mul3A_442 : vector<16xf32> to vector<1x16xf32>
        tpu.vector_store %arg10[%swap3A_447, %swap3A_448], %swap3A_451 {strides = array<i32>} : memref<128x128xf32, #tpu.memory_space<vmem>>, vector<1x16xf32>,
        %mul3A_452 = arith.constant 16 : i32
        %mul3A_453 = arith.muli %add3A_60, %mul3A_452 : i32
        %add3A_454 = arith.constant 2 : i32
        %add3A_455 = arith.addi %mul3A_453, %add3A_454 : i32
        %get3A_456 = arith.index_cast %add3A_455 : i32 to index
        %get3A_457 = arith.constant 80 : index
        %get3A_458 = tpu.vector_load %arg10[%get3A_456, %get3A_457] {strides = array<i32>} : memref<128x128xf32, #tpu.memory_space<vmem>>, vector<1x16xf32>,
        %get3A_459 = vector.shape_cast %get3A_458 : vector<1x16xf32> to vector<16xf32>
        %mul3A_460 = arith.mulf %get3A_459, %gather3A_361 : vector<16xf32>
        %mul3A_461 = arith.constant 16 : i32
        %mul3A_462 = arith.muli %add3A_60, %mul3A_461 : i32
        %add3A_463 = arith.constant 2 : i32
        %add3A_464 = arith.addi %mul3A_462, %add3A_463 : i32
        %swap3A_465 = arith.index_cast %add3A_464 : i32 to index
        %swap3A_466 = arith.constant 80 : index
        %swap3A_467 = tpu.vector_load %arg10[%swap3A_465, %swap3A_466] {strides = array<i32>} : memref<128x128xf32, #tpu.memory_space<vmem>>, vector<1x16xf32>,
        %swap3A_468 = vector.shape_cast %swap3A_467 : vector<1x16xf32> to vector<16xf32>
        %swap3A_469 = vector.shape_cast %mul3A_460 : vector<16xf32> to vector<1x16xf32>
        tpu.vector_store %arg10[%swap3A_465, %swap3A_466], %swap3A_469 {strides = array<i32>} : memref<128x128xf32, #tpu.memory_space<vmem>>, vector<1x16xf32>,
        %mul3A_470 = arith.constant 16 : i32
        %mul3A_471 = arith.muli %add3A_60, %mul3A_470 : i32
        %add3A_472 = arith.constant 2 : i32
        %add3A_473 = arith.addi %mul3A_471, %add3A_472 : i32
        %get3A_474 = arith.index_cast %add3A_473 : i32 to index
        %get3A_475 = arith.constant 96 : index
        %get3A_476 = tpu.vector_load %arg10[%get3A_474, %get3A_475] {strides = array<i32>} : memref<128x128xf32, #tpu.memory_space<vmem>>, vector<1x16xf32>,
        %get3A_477 = vector.shape_cast %get3A_476 : vector<1x16xf32> to vector<16xf32>
        %mul3A_478 = arith.mulf %get3A_477, %gather3A_361 : vector<16xf32>
        %mul3A_479 = arith.constant 16 : i32
        %mul3A_480 = arith.muli %add3A_60, %mul3A_479 : i32
        %add3A_481 = arith.constant 2 : i32
        %add3A_482 = arith.addi %mul3A_480, %add3A_481 : i32
        %swap3A_483 = arith.index_cast %add3A_482 : i32 to index
        %swap3A_484 = arith.constant 96 : index
        %swap3A_485 = tpu.vector_load %arg10[%swap3A_483, %swap3A_484] {strides = array<i32>} : memref<128x128xf32, #tpu.memory_space<vmem>>, vector<1x16xf32>,
        %swap3A_486 = vector.shape_cast %swap3A_485 : vector<1x16xf32> to vector<16xf32>
        %swap3A_487 = vector.shape_cast %mul3A_478 : vector<16xf32> to vector<1x16xf32>
        tpu.vector_store %arg10[%swap3A_483, %swap3A_484], %swap3A_487 {strides = array<i32>} : memref<128x128xf32, #tpu.memory_space<vmem>>, vector<1x16xf32>,
        %mul3A_488 = arith.constant 16 : i32
        %mul3A_489 = arith.muli %add3A_60, %mul3A_488 : i32
        %add3A_490 = arith.constant 2 : i32
        %add3A_491 = arith.addi %mul3A_489, %add3A_490 : i32
        %get3A_492 = arith.index_cast %add3A_491 : i32 to index
        %get3A_493 = arith.constant 112 : index
        %get3A_494 = tpu.vector_load %arg10[%get3A_492, %get3A_493] {strides = array<i32>} : memref<128x128xf32, #tpu.memory_space<vmem>>, vector<1x16xf32>,
        %get3A_495 = vector.shape_cast %get3A_494 : vector<1x16xf32> to vector<16xf32>
        %mul3A_496 = arith.mulf %get3A_495, %gather3A_361 : vector<16xf32>
        %mul3A_497 = arith.constant 16 : i32
        %mul3A_498 = arith.muli %add3A_60, %mul3A_497 : i32
        %add3A_499 = arith.constant 2 : i32
        %add3A_500 = arith.addi %mul3A_498, %add3A_499 : i32
        %swap3A_501 = arith.index_cast %add3A_500 : i32 to index
        %swap3A_502 = arith.constant 112 : index
        %swap3A_503 = tpu.vector_load %arg10[%swap3A_501, %swap3A_502] {strides = array<i32>} : memref<128x128xf32, #tpu.memory_space<vmem>>, vector<1x16xf32>,
        %swap3A_504 = vector.shape_cast %swap3A_503 : vector<1x16xf32> to vector<16xf32>
        %swap3A_505 = vector.shape_cast %mul3A_496 : vector<16xf32> to vector<1x16xf32>
        tpu.vector_store %arg10[%swap3A_501, %swap3A_502], %swap3A_505 {strides = array<i32>} : memref<128x128xf32, #tpu.memory_space<vmem>>, vector<1x16xf32>,
        %broadcast_in_dim3A_506 = arith.constant 3 : i32
        %broadcast_in_dim3A_507 = vector.broadcast %broadcast_in_dim3A_506 : i32 to vector<16x1xi32>
        %gather3A_508 = vector.shape_cast %broadcast_in_dim3A_507 : vector<16x1xi32> to vector<16xi32>
        %gather3A_509 = tpu.dynamic_gather %get3A_64[%gather3A_508] in [0] : vector<16xf32>, vector<16xi32> -> vector<16xf32>
        %mul3A_510 = arith.constant 16 : i32
        %mul3A_511 = arith.muli %add3A_60, %mul3A_510 : i32
        %add3A_512 = arith.constant 3 : i32
        %add3A_513 = arith.addi %mul3A_511, %add3A_512 : i32
        %get3A_514 = arith.index_cast %add3A_513 : i32 to index
        %get3A_515 = arith.constant 0 : index
        %get3A_516 = tpu.vector_load %arg10[%get3A_514, %get3A_515] {strides = array<i32>} : memref<128x128xf32, #tpu.memory_space<vmem>>, vector<1x16xf32>,
        %get3A_517 = vector.shape_cast %get3A_516 : vector<1x16xf32> to vector<16xf32>
        %mul3A_518 = arith.mulf %get3A_517, %gather3A_509 : vector<16xf32>
        %mul3A_519 = arith.constant 16 : i32
        %mul3A_520 = arith.muli %add3A_60, %mul3A_519 : i32
        %add3A_521 = arith.constant 3 : i32
        %add3A_522 = arith.addi %mul3A_520, %add3A_521 : i32
        %swap3A_523 = arith.index_cast %add3A_522 : i32 to index
        %swap3A_524 = arith.constant 0 : index
        %swap3A_525 = tpu.vector_load %arg10[%swap3A_523, %swap3A_524] {strides = array<i32>} : memref<128x128xf32, #tpu.memory_space<vmem>>, vector<1x16xf32>,
        %swap3A_526 = vector.shape_cast %swap3A_525 : vector<1x16xf32> to vector<16xf32>
        %swap3A_527 = vector.shape_cast %mul3A_518 : vector<16xf32> to vector<1x16xf32>
        tpu.vector_store %arg10[%swap3A_523, %swap3A_524], %swap3A_527 {strides = array<i32>} : memref<128x128xf32, #tpu.memory_space<vmem>>, vector<1x16xf32>,
        %mul3A_528 = arith.constant 16 : i32
        %mul3A_529 = arith.muli %add3A_60, %mul3A_528 : i32
        %add3A_530 = arith.constant 3 : i32
        %add3A_531 = arith.addi %mul3A_529, %add3A_530 : i32
        %get3A_532 = arith.index_cast %add3A_531 : i32 to index
        %get3A_533 = arith.constant 16 : index
        %get3A_534 = tpu.vector_load %arg10[%get3A_532, %get3A_533] {strides = array<i32>} : memref<128x128xf32, #tpu.memory_space<vmem>>, vector<1x16xf32>,
        %get3A_535 = vector.shape_cast %get3A_534 : vector<1x16xf32> to vector<16xf32>
        %mul3A_536 = arith.mulf %get3A_535, %gather3A_509 : vector<16xf32>
        %mul3A_537 = arith.constant 16 : i32
        %mul3A_538 = arith.muli %add3A_60, %mul3A_537 : i32
        %add3A_539 = arith.constant 3 : i32
        %add3A_540 = arith.addi %mul3A_538, %add3A_539 : i32
        %swap3A_541 = arith.index_cast %add3A_540 : i32 to index
        %swap3A_542 = arith.constant 16 : index
        %swap3A_543 = tpu.vector_load %arg10[%swap3A_541, %swap3A_542] {strides = array<i32>} : memref<128x128xf32, #tpu.memory_space<vmem>>, vector<1x16xf32>,
        %swap3A_544 = vector.shape_cast %swap3A_543 : vector<1x16xf32> to vector<16xf32>
        %swap3A_545 = vector.shape_cast %mul3A_536 : vector<16xf32> to vector<1x16xf32>
        tpu.vector_store %arg10[%swap3A_541, %swap3A_542], %swap3A_545 {strides = array<i32>} : memref<128x128xf32, #tpu.memory_space<vmem>>, vector<1x16xf32>,
        %mul3A_546 = arith.constant 16 : i32
        %mul3A_547 = arith.muli %add3A_60, %mul3A_546 : i32
        %add3A_548 = arith.constant 3 : i32
        %add3A_549 = arith.addi %mul3A_547, %add3A_548 : i32
        %get3A_550 = arith.index_cast %add3A_549 : i32 to index
        %get3A_551 = arith.constant 32 : index
        %get3A_552 = tpu.vector_load %arg10[%get3A_550, %get3A_551] {strides = array<i32>} : memref<128x128xf32, #tpu.memory_space<vmem>>, vector<1x16xf32>,
        %get3A_553 = vector.shape_cast %get3A_552 : vector<1x16xf32> to vector<16xf32>
        %mul3A_554 = arith.mulf %get3A_553, %gather3A_509 : vector<16xf32>
        %mul3A_555 = arith.constant 16 : i32
        %mul3A_556 = arith.muli %add3A_60, %mul3A_555 : i32
        %add3A_557 = arith.constant 3 : i32
        %add3A_558 = arith.addi %mul3A_556, %add3A_557 : i32
        %swap3A_559 = arith.index_cast %add3A_558 : i32 to index
        %swap3A_560 = arith.constant 32 : index
        %swap3A_561 = tpu.vector_load %arg10[%swap3A_559, %swap3A_560] {strides = array<i32>} : memref<128x128xf32, #tpu.memory_space<vmem>>, vector<1x16xf32>,
        %swap3A_562 = vector.shape_cast %swap3A_561 : vector<1x16xf32> to vector<16xf32>
        %swap3A_563 = vector.shape_cast %mul3A_554 : vector<16xf32> to vector<1x16xf32>
        tpu.vector_store %arg10[%swap3A_559, %swap3A_560], %swap3A_563 {strides = array<i32>} : memref<128x128xf32, #tpu.memory_space<vmem>>, vector<1x16xf32>,
        %mul3A_564 = arith.constant 16 : i32
        %mul3A_565 = arith.muli %add3A_60, %mul3A_564 : i32
        %add3A_566 = arith.constant 3 : i32
        %add3A_567 = arith.addi %mul3A_565, %add3A_566 : i32
        %get3A_568 = arith.index_cast %add3A_567 : i32 to index
        %get3A_569 = arith.constant 48 : index
        %get3A_570 = tpu.vector_load %arg10[%get3A_568, %get3A_569] {strides = array<i32>} : memref<128x128xf32, #tpu.memory_space<vmem>>, vector<1x16xf32>,
        %get3A_571 = vector.shape_cast %get3A_570 : vector<1x16xf32> to vector<16xf32>
        %mul3A_572 = arith.mulf %get3A_571, %gather3A_509 : vector<16xf32>
        %mul3A_573 = arith.constant 16 : i32
        %mul3A_574 = arith.muli %add3A_60, %mul3A_573 : i32
        %add3A_575 = arith.constant 3 : i32
        %add3A_576 = arith.addi %mul3A_574, %add3A_575 : i32
        %swap3A_577 = arith.index_cast %add3A_576 : i32 to index
        %swap3A_578 = arith.constant 48 : index
        %swap3A_579 = tpu.vector_load %arg10[%swap3A_577, %swap3A_578] {strides = array<i32>} : memref<128x128xf32, #tpu.memory_space<vmem>>, vector<1x16xf32>,
        %swap3A_580 = vector.shape_cast %swap3A_579 : vector<1x16xf32> to vector<16xf32>
        %swap3A_581 = vector.shape_cast %mul3A_572 : vector<16xf32> to vector<1x16xf32>
        tpu.vector_store %arg10[%swap3A_577, %swap3A_578], %swap3A_581 {strides = array<i32>} : memref<128x128xf32, #tpu.memory_space<vmem>>, vector<1x16xf32>,
        %mul3A_582 = arith.constant 16 : i32
        %mul3A_583 = arith.muli %add3A_60, %mul3A_582 : i32
        %add3A_584 = arith.constant 3 : i32
        %add3A_585 = arith.addi %mul3A_583, %add3A_584 : i32
        %get3A_586 = arith.index_cast %add3A_585 : i32 to index
        %get3A_587 = arith.constant 64 : index
        %get3A_588 = tpu.vector_load %arg10[%get3A_586, %get3A_587] {strides = array<i32>} : memref<128x128xf32, #tpu.memory_space<vmem>>, vector<1x16xf32>,
        %get3A_589 = vector.shape_cast %get3A_588 : vector<1x16xf32> to vector<16xf32>
        %mul3A_590 = arith.mulf %get3A_589, %gather3A_509 : vector<16xf32>
        %mul3A_591 = arith.constant 16 : i32
        %mul3A_592 = arith.muli %add3A_60, %mul3A_591 : i32
        %add3A_593 = arith.constant 3 : i32
        %add3A_594 = arith.addi %mul3A_592, %add3A_593 : i32
        %swap3A_595 = arith.index_cast %add3A_594 : i32 to index
        %swap3A_596 = arith.constant 64 : index
        %swap3A_597 = tpu.vector_load %arg10[%swap3A_595, %swap3A_596] {strides = array<i32>} : memref<128x128xf32, #tpu.memory_space<vmem>>, vector<1x16xf32>,
        %swap3A_598 = vector.shape_cast %swap3A_597 : vector<1x16xf32> to vector<16xf32>
        %swap3A_599 = vector.shape_cast %mul3A_590 : vector<16xf32> to vector<1x16xf32>
        tpu.vector_store %arg10[%swap3A_595, %swap3A_596], %swap3A_599 {strides = array<i32>} : memref<128x128xf32, #tpu.memory_space<vmem>>, vector<1x16xf32>,
        %mul3A_600 = arith.constant 16 : i32
        %mul3A_601 = arith.muli %add3A_60, %mul3A_600 : i32
        %add3A_602 = arith.constant 3 : i32
        %add3A_603 = arith.addi %mul3A_601, %add3A_602 : i32
        %get3A_604 = arith.index_cast %add3A_603 : i32 to index
        %get3A_605 = arith.constant 80 : index
        %get3A_606 = tpu.vector_load %arg10[%get3A_604, %get3A_605] {strides = array<i32>} : memref<128x128xf32, #tpu.memory_space<vmem>>, vector<1x16xf32>,
        %get3A_607 = vector.shape_cast %get3A_606 : vector<1x16xf32> to vector<16xf32>
        %mul3A_608 = arith.mulf %get3A_607, %gather3A_509 : vector<16xf32>
        %mul3A_609 = arith.constant 16 : i32
        %mul3A_610 = arith.muli %add3A_60, %mul3A_609 : i32
        %add3A_611 = arith.constant 3 : i32
        %add3A_612 = arith.addi %mul3A_610, %add3A_611 : i32
        %swap3A_613 = arith.index_cast %add3A_612 : i32 to index
        %swap3A_614 = arith.constant 80 : index
        %swap3A_615 = tpu.vector_load %arg10[%swap3A_613, %swap3A_614] {strides = array<i32>} : memref<128x128xf32, #tpu.memory_space<vmem>>, vector<1x16xf32>,
        %swap3A_616 = vector.shape_cast %swap3A_615 : vector<1x16xf32> to vector<16xf32>
        %swap3A_617 = vector.shape_cast %mul3A_608 : vector<16xf32> to vector<1x16xf32>
        tpu.vector_store %arg10[%swap3A_613, %swap3A_614], %swap3A_617 {strides = array<i32>} : memref<128x128xf32, #tpu.memory_space<vmem>>, vector<1x16xf32>,
        %mul3A_618 = arith.constant 16 : i32
        %mul3A_619 = arith.muli %add3A_60, %mul3A_618 : i32
        %add3A_620 = arith.constant 3 : i32
        %add3A_621 = arith.addi %mul3A_619, %add3A_620 : i32
        %get3A_622 = arith.index_cast %add3A_621 : i32 to index
        %get3A_623 = arith.constant 96 : index
        %get3A_624 = tpu.vector_load %arg10[%get3A_622, %get3A_623] {strides = array<i32>} : memref<128x128xf32, #tpu.memory_space<vmem>>, vector<1x16xf32>,
        %get3A_625 = vector.shape_cast %get3A_624 : vector<1x16xf32> to vector<16xf32>
        %mul3A_626 = arith.mulf %get3A_625, %gather3A_509 : vector<16xf32>
        %mul3A_627 = arith.constant 16 : i32
        %mul3A_628 = arith.muli %add3A_60, %mul3A_627 : i32
        %add3A_629 = arith.constant 3 : i32
        %add3A_630 = arith.addi %mul3A_628, %add3A_629 : i32
        %swap3A_631 = arith.index_cast %add3A_630 : i32 to index
        %swap3A_632 = arith.constant 96 : index
        %swap3A_633 = tpu.vector_load %arg10[%swap3A_631, %swap3A_632] {strides = array<i32>} : memref<128x128xf32, #tpu.memory_space<vmem>>, vector<1x16xf32>,
        %swap3A_634 = vector.shape_cast %swap3A_633 : vector<1x16xf32> to vector<16xf32>
        %swap3A_635 = vector.shape_cast %mul3A_626 : vector<16xf32> to vector<1x16xf32>
        tpu.vector_store %arg10[%swap3A_631, %swap3A_632], %swap3A_635 {strides = array<i32>} : memref<128x128xf32, #tpu.memory_space<vmem>>, vector<1x16xf32>,
        %mul3A_636 = arith.constant 16 : i32
        %mul3A_637 = arith.muli %add3A_60, %mul3A_636 : i32
        %add3A_638 = arith.constant 3 : i32
        %add3A_639 = arith.addi %mul3A_637, %add3A_638 : i32
        %get3A_640 = arith.index_cast %add3A_639 : i32 to index
        %get3A_641 = arith.constant 112 : index
        %get3A_642 = tpu.vector_load %arg10[%get3A_640, %get3A_641] {strides = array<i32>} : memref<128x128xf32, #tpu.memory_space<vmem>>, vector<1x16xf32>,
        %get3A_643 = vector.shape_cast %get3A_642 : vector<1x16xf32> to vector<16xf32>
        %mul3A_644 = arith.mulf %get3A_643, %gather3A_509 : vector<16xf32>
        %mul3A_645 = arith.constant 16 : i32
        %mul3A_646 = arith.muli %add3A_60, %mul3A_645 : i32
        %add3A_647 = arith.constant 3 : i32
        %add3A_648 = arith.addi %mul3A_646, %add3A_647 : i32
        %swap3A_649 = arith.index_cast %add3A_648 : i32 to index
        %swap3A_650 = arith.constant 112 : index
        %swap3A_651 = tpu.vector_load %arg10[%swap3A_649, %swap3A_650] {strides = array<i32>} : memref<128x128xf32, #tpu.memory_space<vmem>>, vector<1x16xf32>,
        %swap3A_652 = vector.shape_cast %swap3A_651 : vector<1x16xf32> to vector<16xf32>
        %swap3A_653 = vector.shape_cast %mul3A_644 : vector<16xf32> to vector<1x16xf32>
        tpu.vector_store %arg10[%swap3A_649, %swap3A_650], %swap3A_653 {strides = array<i32>} : memref<128x128xf32, #tpu.memory_space<vmem>>, vector<1x16xf32>,
        %broadcast_in_dim3A_654 = arith.constant 4 : i32
        %broadcast_in_dim3A_655 = vector.broadcast %broadcast_in_dim3A_654 : i32 to vector<16x1xi32>
        %gather3A_656 = vector.shape_cast %broadcast_in_dim3A_655 : vector<16x1xi32> to vector<16xi32>
        %gather3A_657 = tpu.dynamic_gather %get3A_64[%gather3A_656] in [0] : vector<16xf32>, vector<16xi32> -> vector<16xf32>
        %mul3A_658 = arith.constant 16 : i32
        %mul3A_659 = arith.muli %add3A_60, %mul3A_658 : i32
        %add3A_660 = arith.constant 4 : i32
        %add3A_661 = arith.addi %mul3A_659, %add3A_660 : i32
        %get3A_662 = arith.index_cast %add3A_661 : i32 to index
        %get3A_663 = arith.constant 0 : index
        %get3A_664 = tpu.vector_load %arg10[%get3A_662, %get3A_663] {strides = array<i32>} : memref<128x128xf32, #tpu.memory_space<vmem>>, vector<1x16xf32>,
        %get3A_665 = vector.shape_cast %get3A_664 : vector<1x16xf32> to vector<16xf32>
        %mul3A_666 = arith.mulf %get3A_665, %gather3A_657 : vector<16xf32>
        %mul3A_667 = arith.constant 16 : i32
        %mul3A_668 = arith.muli %add3A_60, %mul3A_667 : i32
        %add3A_669 = arith.constant 4 : i32
        %add3A_670 = arith.addi %mul3A_668, %add3A_669 : i32
        %swap3A_671 = arith.index_cast %add3A_670 : i32 to index
        %swap3A_672 = arith.constant 0 : index
        %swap3A_673 = tpu.vector_load %arg10[%swap3A_671, %swap3A_672] {strides = array<i32>} : memref<128x128xf32, #tpu.memory_space<vmem>>, vector<1x16xf32>,
        %swap3A_674 = vector.shape_cast %swap3A_673 : vector<1x16xf32> to vector<16xf32>
        %swap3A_675 = vector.shape_cast %mul3A_666 : vector<16xf32> to vector<1x16xf32>
        tpu.vector_store %arg10[%swap3A_671, %swap3A_672], %swap3A_675 {strides = array<i32>} : memref<128x128xf32, #tpu.memory_space<vmem>>, vector<1x16xf32>,
        %mul3A_676 = arith.constant 16 : i32
        %mul3A_677 = arith.muli %add3A_60, %mul3A_676 : i32
        %add3A_678 = arith.constant 4 : i32
        %add3A_679 = arith.addi %mul3A_677, %add3A_678 : i32
        %get3A_680 = arith.index_cast %add3A_679 : i32 to index
        %get3A_681 = arith.constant 16 : index
        %get3A_682 = tpu.vector_load %arg10[%get3A_680, %get3A_681] {strides = array<i32>} : memref<128x128xf32, #tpu.memory_space<vmem>>, vector<1x16xf32>,
        %get3A_683 = vector.shape_cast %get3A_682 : vector<1x16xf32> to vector<16xf32>
        %mul3A_684 = arith.mulf %get3A_683, %gather3A_657 : vector<16xf32>
        %mul3A_685 = arith.constant 16 : i32
        %mul3A_686 = arith.muli %add3A_60, %mul3A_685 : i32
        %add3A_687 = arith.constant 4 : i32
        %add3A_688 = arith.addi %mul3A_686, %add3A_687 : i32
        %swap3A_689 = arith.index_cast %add3A_688 : i32 to index
        %swap3A_690 = arith.constant 16 : index
        %swap3A_691 = tpu.vector_load %arg10[%swap3A_689, %swap3A_690] {strides = array<i32>} : memref<128x128xf32, #tpu.memory_space<vmem>>, vector<1x16xf32>,
        %swap3A_692 = vector.shape_cast %swap3A_691 : vector<1x16xf32> to vector<16xf32>
        %swap3A_693 = vector.shape_cast %mul3A_684 : vector<16xf32> to vector<1x16xf32>
        tpu.vector_store %arg10[%swap3A_689, %swap3A_690], %swap3A_693 {strides = array<i32>} : memref<128x128xf32, #tpu.memory_space<vmem>>, vector<1x16xf32>,
        %mul3A_694 = arith.constant 16 : i32
        %mul3A_695 = arith.muli %add3A_60, %mul3A_694 : i32
        %add3A_696 = arith.constant 4 : i32
        %add3A_697 = arith.addi %mul3A_695, %add3A_696 : i32
        %get3A_698 = arith.index_cast %add3A_697 : i32 to index
        %get3A_699 = arith.constant 32 : index
        %get3A_700 = tpu.vector_load %arg10[%get3A_698, %get3A_699] {strides = array<i32>} : memref<128x128xf32, #tpu.memory_space<vmem>>, vector<1x16xf32>,
        %get3A_701 = vector.shape_cast %get3A_700 : vector<1x16xf32> to vector<16xf32>
        %mul3A_702 = arith.mulf %get3A_701, %gather3A_657 : vector<16xf32>
        %mul3A_703 = arith.constant 16 : i32
        %mul3A_704 = arith.muli %add3A_60, %mul3A_703 : i32
        %add3A_705 = arith.constant 4 : i32
        %add3A_706 = arith.addi %mul3A_704, %add3A_705 : i32
        %swap3A_707 = arith.index_cast %add3A_706 : i32 to index
        %swap3A_708 = arith.constant 32 : index
        %swap3A_709 = tpu.vector_load %arg10[%swap3A_707, %swap3A_708] {strides = array<i32>} : memref<128x128xf32, #tpu.memory_space<vmem>>, vector<1x16xf32>,
        %swap3A_710 = vector.shape_cast %swap3A_709 : vector<1x16xf32> to vector<16xf32>
        %swap3A_711 = vector.shape_cast %mul3A_702 : vector<16xf32> to vector<1x16xf32>
        tpu.vector_store %arg10[%swap3A_707, %swap3A_708], %swap3A_711 {strides = array<i32>} : memref<128x128xf32, #tpu.memory_space<vmem>>, vector<1x16xf32>,
        %mul3A_712 = arith.constant 16 : i32
        %mul3A_713 = arith.muli %add3A_60, %mul3A_712 : i32
        %add3A_714 = arith.constant 4 : i32
        %add3A_715 = arith.addi %mul3A_713, %add3A_714 : i32
        %get3A_716 = arith.index_cast %add3A_715 : i32 to index
        %get3A_717 = arith.constant 48 : index
        %get3A_718 = tpu.vector_load %arg10[%get3A_716, %get3A_717] {strides = array<i32>} : memref<128x128xf32, #tpu.memory_space<vmem>>, vector<1x16xf32>,
        %get3A_719 = vector.shape_cast %get3A_718 : vector<1x16xf32> to vector<16xf32>
        %mul3A_720 = arith.mulf %get3A_719, %gather3A_657 : vector<16xf32>
        %mul3A_721 = arith.constant 16 : i32
        %mul3A_722 = arith.muli %add3A_60, %mul3A_721 : i32
        %add3A_723 = arith.constant 4 : i32
        %add3A_724 = arith.addi %mul3A_722, %add3A_723 : i32
        %swap3A_725 = arith.index_cast %add3A_724 : i32 to index
        %swap3A_726 = arith.constant 48 : index
        %swap3A_727 = tpu.vector_load %arg10[%swap3A_725, %swap3A_726] {strides = array<i32>} : memref<128x128xf32, #tpu.memory_space<vmem>>, vector<1x16xf32>,
        %swap3A_728 = vector.shape_cast %swap3A_727 : vector<1x16xf32> to vector<16xf32>
        %swap3A_729 = vector.shape_cast %mul3A_720 : vector<16xf32> to vector<1x16xf32>
        tpu.vector_store %arg10[%swap3A_725, %swap3A_726], %swap3A_729 {strides = array<i32>} : memref<128x128xf32, #tpu.memory_space<vmem>>, vector<1x16xf32>,
        %mul3A_730 = arith.constant 16 : i32
        %mul3A_731 = arith.muli %add3A_60, %mul3A_730 : i32
        %add3A_732 = arith.constant 4 : i32
        %add3A_733 = arith.addi %mul3A_731, %add3A_732 : i32
        %get3A_734 = arith.index_cast %add3A_733 : i32 to index
        %get3A_735 = arith.constant 64 : index
        %get3A_736 = tpu.vector_load %arg10[%get3A_734, %get3A_735] {strides = array<i32>} : memref<128x128xf32, #tpu.memory_space<vmem>>, vector<1x16xf32>,
        %get3A_737 = vector.shape_cast %get3A_736 : vector<1x16xf32> to vector<16xf32>
        %mul3A_738 = arith.mulf %get3A_737, %gather3A_657 : vector<16xf32>
        %mul3A_739 = arith.constant 16 : i32
        %mul3A_740 = arith.muli %add3A_60, %mul3A_739 : i32
        %add3A_741 = arith.constant 4 : i32
        %add3A_742 = arith.addi %mul3A_740, %add3A_741 : i32
        %swap3A_743 = arith.index_cast %add3A_742 : i32 to index
        %swap3A_744 = arith.constant 64 : index
        %swap3A_745 = tpu.vector_load %arg10[%swap3A_743, %swap3A_744] {strides = array<i32>} : memref<128x128xf32, #tpu.memory_space<vmem>>, vector<1x16xf32>,
        %swap3A_746 = vector.shape_cast %swap3A_745 : vector<1x16xf32> to vector<16xf32>
        %swap3A_747 = vector.shape_cast %mul3A_738 : vector<16xf32> to vector<1x16xf32>
        tpu.vector_store %arg10[%swap3A_743, %swap3A_744], %swap3A_747 {strides = array<i32>} : memref<128x128xf32, #tpu.memory_space<vmem>>, vector<1x16xf32>,
        %mul3A_748 = arith.constant 16 : i32
        %mul3A_749 = arith.muli %add3A_60, %mul3A_748 : i32
        %add3A_750 = arith.constant 4 : i32
        %add3A_751 = arith.addi %mul3A_749, %add3A_750 : i32
        %get3A_752 = arith.index_cast %add3A_751 : i32 to index
        %get3A_753 = arith.constant 80 : index
        %get3A_754 = tpu.vector_load %arg10[%get3A_752, %get3A_753] {strides = array<i32>} : memref<128x128xf32, #tpu.memory_space<vmem>>, vector<1x16xf32>,
        %get3A_755 = vector.shape_cast %get3A_754 : vector<1x16xf32> to vector<16xf32>
        %mul3A_756 = arith.mulf %get3A_755, %gather3A_657 : vector<16xf32>
        %mul3A_757 = arith.constant 16 : i32
        %mul3A_758 = arith.muli %add3A_60, %mul3A_757 : i32
        %add3A_759 = arith.constant 4 : i32
        %add3A_760 = arith.addi %mul3A_758, %add3A_759 : i32
        %swap3A_761 = arith.index_cast %add3A_760 : i32 to index
        %swap3A_762 = arith.constant 80 : index
        %swap3A_763 = tpu.vector_load %arg10[%swap3A_761, %swap3A_762] {strides = array<i32>} : memref<128x128xf32, #tpu.memory_space<vmem>>, vector<1x16xf32>,
        %swap3A_764 = vector.shape_cast %swap3A_763 : vector<1x16xf32> to vector<16xf32>
        %swap3A_765 = vector.shape_cast %mul3A_756 : vector<16xf32> to vector<1x16xf32>
        tpu.vector_store %arg10[%swap3A_761, %swap3A_762], %swap3A_765 {strides = array<i32>} : memref<128x128xf32, #tpu.memory_space<vmem>>, vector<1x16xf32>,
        %mul3A_766 = arith.constant 16 : i32
        %mul3A_767 = arith.muli %add3A_60, %mul3A_766 : i32
        %add3A_768 = arith.constant 4 : i32
        %add3A_769 = arith.addi %mul3A_767, %add3A_768 : i32
        %get3A_770 = arith.index_cast %add3A_769 : i32 to index
        %get3A_771 = arith.constant 96 : index
        %get3A_772 = tpu.vector_load %arg10[%get3A_770, %get3A_771] {strides = array<i32>} : memref<128x128xf32, #tpu.memory_space<vmem>>, vector<1x16xf32>,
        %get3A_773 = vector.shape_cast %get3A_772 : vector<1x16xf32> to vector<16xf32>
        %mul3A_774 = arith.mulf %get3A_773, %gather3A_657 : vector<16xf32>
        %mul3A_775 = arith.constant 16 : i32
        %mul3A_776 = arith.muli %add3A_60, %mul3A_775 : i32
        %add3A_777 = arith.constant 4 : i32
        %add3A_778 = arith.addi %mul3A_776, %add3A_777 : i32
        %swap3A_779 = arith.index_cast %add3A_778 : i32 to index
        %swap3A_780 = arith.constant 96 : index
        %swap3A_781 = tpu.vector_load %arg10[%swap3A_779, %swap3A_780] {strides = array<i32>} : memref<128x128xf32, #tpu.memory_space<vmem>>, vector<1x16xf32>,
        %swap3A_782 = vector.shape_cast %swap3A_781 : vector<1x16xf32> to vector<16xf32>
        %swap3A_783 = vector.shape_cast %mul3A_774 : vector<16xf32> to vector<1x16xf32>
        tpu.vector_store %arg10[%swap3A_779, %swap3A_780], %swap3A_783 {strides = array<i32>} : memref<128x128xf32, #tpu.memory_space<vmem>>, vector<1x16xf32>,
        %mul3A_784 = arith.constant 16 : i32
        %mul3A_785 = arith.muli %add3A_60, %mul3A_784 : i32
        %add3A_786 = arith.constant 4 : i32
        %add3A_787 = arith.addi %mul3A_785, %add3A_786 : i32
        %get3A_788 = arith.index_cast %add3A_787 : i32 to index
        %get3A_789 = arith.constant 112 : index
        %get3A_790 = tpu.vector_load %arg10[%get3A_788, %get3A_789] {strides = array<i32>} : memref<128x128xf32, #tpu.memory_space<vmem>>, vector<1x16xf32>,
        %get3A_791 = vector.shape_cast %get3A_790 : vector<1x16xf32> to vector<16xf32>
        %mul3A_792 = arith.mulf %get3A_791, %gather3A_657 : vector<16xf32>
        %mul3A_793 = arith.constant 16 : i32
        %mul3A_794 = arith.muli %add3A_60, %mul3A_793 : i32
        %add3A_795 = arith.constant 4 : i32
        %add3A_796 = arith.addi %mul3A_794, %add3A_795 : i32
        %swap3A_797 = arith.index_cast %add3A_796 : i32 to index
        %swap3A_798 = arith.constant 112 : index
        %swap3A_799 = tpu.vector_load %arg10[%swap3A_797, %swap3A_798] {strides = array<i32>} : memref<128x128xf32, #tpu.memory_space<vmem>>, vector<1x16xf32>,
        %swap3A_800 = vector.shape_cast %swap3A_799 : vector<1x16xf32> to vector<16xf32>
        %swap3A_801 = vector.shape_cast %mul3A_792 : vector<16xf32> to vector<1x16xf32>
        tpu.vector_store %arg10[%swap3A_797, %swap3A_798], %swap3A_801 {strides = array<i32>} : memref<128x128xf32, #tpu.memory_space<vmem>>, vector<1x16xf32>,
        %broadcast_in_dim3A_802 = arith.constant 5 : i32
        %broadcast_in_dim3A_803 = vector.broadcast %broadcast_in_dim3A_802 : i32 to vector<16x1xi32>
        %gather3A_804 = vector.shape_cast %broadcast_in_dim3A_803 : vector<16x1xi32> to vector<16xi32>
        %gather3A_805 = tpu.dynamic_gather %get3A_64[%gather3A_804] in [0] : vector<16xf32>, vector<16xi32> -> vector<16xf32>
        %mul3A_806 = arith.constant 16 : i32
        %mul3A_807 = arith.muli %add3A_60, %mul3A_806 : i32
        %add3A_808 = arith.constant 5 : i32
        %add3A_809 = arith.addi %mul3A_807, %add3A_808 : i32
        %get3A_810 = arith.index_cast %add3A_809 : i32 to index
        %get3A_811 = arith.constant 0 : index
        %get3A_812 = tpu.vector_load %arg10[%get3A_810, %get3A_811] {strides = array<i32>} : memref<128x128xf32, #tpu.memory_space<vmem>>, vector<1x16xf32>,
        %get3A_813 = vector.shape_cast %get3A_812 : vector<1x16xf32> to vector<16xf32>
        %mul3A_814 = arith.mulf %get3A_813, %gather3A_805 : vector<16xf32>
        %mul3A_815 = arith.constant 16 : i32
        %mul3A_816 = arith.muli %add3A_60, %mul3A_815 : i32
        %add3A_817 = arith.constant 5 : i32
        %add3A_818 = arith.addi %mul3A_816, %add3A_817 : i32
        %swap3A_819 = arith.index_cast %add3A_818 : i32 to index
        %swap3A_820 = arith.constant 0 : index
        %swap3A_821 = tpu.vector_load %arg10[%swap3A_819, %swap3A_820] {strides = array<i32>} : memref<128x128xf32, #tpu.memory_space<vmem>>, vector<1x16xf32>,
        %swap3A_822 = vector.shape_cast %swap3A_821 : vector<1x16xf32> to vector<16xf32>
        %swap3A_823 = vector.shape_cast %mul3A_814 : vector<16xf32> to vector<1x16xf32>
        tpu.vector_store %arg10[%swap3A_819, %swap3A_820], %swap3A_823 {strides = array<i32>} : memref<128x128xf32, #tpu.memory_space<vmem>>, vector<1x16xf32>,
        %mul3A_824 = arith.constant 16 : i32
        %mul3A_825 = arith.muli %add3A_60, %mul3A_824 : i32
        %add3A_826 = arith.constant 5 : i32
        %add3A_827 = arith.addi %mul3A_825, %add3A_826 : i32
        %get3A_828 = arith.index_cast %add3A_827 : i32 to index
        %get3A_829 = arith.constant 16 : index
        %get3A_830 = tpu.vector_load %arg10[%get3A_828, %get3A_829] {strides = array<i32>} : memref<128x128xf32, #tpu.memory_space<vmem>>, vector<1x16xf32>,
        %get3A_831 = vector.shape_cast %get3A_830 : vector<1x16xf32> to vector<16xf32>
        %mul3A_832 = arith.mulf %get3A_831, %gather3A_805 : vector<16xf32>
        %mul3A_833 = arith.constant 16 : i32
        %mul3A_834 = arith.muli %add3A_60, %mul3A_833 : i32
        %add3A_835 = arith.constant 5 : i32
        %add3A_836 = arith.addi %mul3A_834, %add3A_835 : i32
        %swap3A_837 = arith.index_cast %add3A_836 : i32 to index
        %swap3A_838 = arith.constant 16 : index
        %swap3A_839 = tpu.vector_load %arg10[%swap3A_837, %swap3A_838] {strides = array<i32>} : memref<128x128xf32, #tpu.memory_space<vmem>>, vector<1x16xf32>,
        %swap3A_840 = vector.shape_cast %swap3A_839 : vector<1x16xf32> to vector<16xf32>
        %swap3A_841 = vector.shape_cast %mul3A_832 : vector<16xf32> to vector<1x16xf32>
        tpu.vector_store %arg10[%swap3A_837, %swap3A_838], %swap3A_841 {strides = array<i32>} : memref<128x128xf32, #tpu.memory_space<vmem>>, vector<1x16xf32>,
        %mul3A_842 = arith.constant 16 : i32
        %mul3A_843 = arith.muli %add3A_60, %mul3A_842 : i32
        %add3A_844 = arith.constant 5 : i32
        %add3A_845 = arith.addi %mul3A_843, %add3A_844 : i32
        %get3A_846 = arith.index_cast %add3A_845 : i32 to index
        %get3A_847 = arith.constant 32 : index
        %get3A_848 = tpu.vector_load %arg10[%get3A_846, %get3A_847] {strides = array<i32>} : memref<128x128xf32, #tpu.memory_space<vmem>>, vector<1x16xf32>,
        %get3A_849 = vector.shape_cast %get3A_848 : vector<1x16xf32> to vector<16xf32>
        %mul3A_850 = arith.mulf %get3A_849, %gather3A_805 : vector<16xf32>
        %mul3A_851 = arith.constant 16 : i32
        %mul3A_852 = arith.muli %add3A_60, %mul3A_851 : i32
        %add3A_853 = arith.constant 5 : i32
        %add3A_854 = arith.addi %mul3A_852, %add3A_853 : i32
        %swap3A_855 = arith.index_cast %add3A_854 : i32 to index
        %swap3A_856 = arith.constant 32 : index
        %swap3A_857 = tpu.vector_load %arg10[%swap3A_855, %swap3A_856] {strides = array<i32>} : memref<128x128xf32, #tpu.memory_space<vmem>>, vector<1x16xf32>,
        %swap3A_858 = vector.shape_cast %swap3A_857 : vector<1x16xf32> to vector<16xf32>
        %swap3A_859 = vector.shape_cast %mul3A_850 : vector<16xf32> to vector<1x16xf32>
        tpu.vector_store %arg10[%swap3A_855, %swap3A_856], %swap3A_859 {strides = array<i32>} : memref<128x128xf32, #tpu.memory_space<vmem>>, vector<1x16xf32>,
        %mul3A_860 = arith.constant 16 : i32
        %mul3A_861 = arith.muli %add3A_60, %mul3A_860 : i32
        %add3A_862 = arith.constant 5 : i32
        %add3A_863 = arith.addi %mul3A_861, %add3A_862 : i32
        %get3A_864 = arith.index_cast %add3A_863 : i32 to index
        %get3A_865 = arith.constant 48 : index
        %get3A_866 = tpu.vector_load %arg10[%get3A_864, %get3A_865] {strides = array<i32>} : memref<128x128xf32, #tpu.memory_space<vmem>>, vector<1x16xf32>,
        %get3A_867 = vector.shape_cast %get3A_866 : vector<1x16xf32> to vector<16xf32>
        %mul3A_868 = arith.mulf %get3A_867, %gather3A_805 : vector<16xf32>
        %mul3A_869 = arith.constant 16 : i32
        %mul3A_870 = arith.muli %add3A_60, %mul3A_869 : i32
        %add3A_871 = arith.constant 5 : i32
        %add3A_872 = arith.addi %mul3A_870, %add3A_871 : i32
        %swap3A_873 = arith.index_cast %add3A_872 : i32 to index
        %swap3A_874 = arith.constant 48 : index
        %swap3A_875 = tpu.vector_load %arg10[%swap3A_873, %swap3A_874] {strides = array<i32>} : memref<128x128xf32, #tpu.memory_space<vmem>>, vector<1x16xf32>,
        %swap3A_876 = vector.shape_cast %swap3A_875 : vector<1x16xf32> to vector<16xf32>
        %swap3A_877 = vector.shape_cast %mul3A_868 : vector<16xf32> to vector<1x16xf32>
        tpu.vector_store %arg10[%swap3A_873, %swap3A_874], %swap3A_877 {strides = array<i32>} : memref<128x128xf32, #tpu.memory_space<vmem>>, vector<1x16xf32>,
        %mul3A_878 = arith.constant 16 : i32
        %mul3A_879 = arith.muli %add3A_60, %mul3A_878 : i32
        %add3A_880 = arith.constant 5 : i32
        %add3A_881 = arith.addi %mul3A_879, %add3A_880 : i32
        %get3A_882 = arith.index_cast %add3A_881 : i32 to index
        %get3A_883 = arith.constant 64 : index
        %get3A_884 = tpu.vector_load %arg10[%get3A_882, %get3A_883] {strides = array<i32>} : memref<128x128xf32, #tpu.memory_space<vmem>>, vector<1x16xf32>,
        %get3A_885 = vector.shape_cast %get3A_884 : vector<1x16xf32> to vector<16xf32>
        %mul3A_886 = arith.mulf %get3A_885, %gather3A_805 : vector<16xf32>
        %mul3A_887 = arith.constant 16 : i32
        %mul3A_888 = arith.muli %add3A_60, %mul3A_887 : i32
        %add3A_889 = arith.constant 5 : i32
        %add3A_890 = arith.addi %mul3A_888, %add3A_889 : i32
        %swap3A_891 = arith.index_cast %add3A_890 : i32 to index
        %swap3A_892 = arith.constant 64 : index
        %swap3A_893 = tpu.vector_load %arg10[%swap3A_891, %swap3A_892] {strides = array<i32>} : memref<128x128xf32, #tpu.memory_space<vmem>>, vector<1x16xf32>,
        %swap3A_894 = vector.shape_cast %swap3A_893 : vector<1x16xf32> to vector<16xf32>
        %swap3A_895 = vector.shape_cast %mul3A_886 : vector<16xf32> to vector<1x16xf32>
        tpu.vector_store %arg10[%swap3A_891, %swap3A_892], %swap3A_895 {strides = array<i32>} : memref<128x128xf32, #tpu.memory_space<vmem>>, vector<1x16xf32>,
        %mul3A_896 = arith.constant 16 : i32
        %mul3A_897 = arith.muli %add3A_60, %mul3A_896 : i32
        %add3A_898 = arith.constant 5 : i32
        %add3A_899 = arith.addi %mul3A_897, %add3A_898 : i32
        %get3A_900 = arith.index_cast %add3A_899 : i32 to index
        %get3A_901 = arith.constant 80 : index
        %get3A_902 = tpu.vector_load %arg10[%get3A_900, %get3A_901] {strides = array<i32>} : memref<128x128xf32, #tpu.memory_space<vmem>>, vector<1x16xf32>,
        %get3A_903 = vector.shape_cast %get3A_902 : vector<1x16xf32> to vector<16xf32>
        %mul3A_904 = arith.mulf %get3A_903, %gather3A_805 : vector<16xf32>
        %mul3A_905 = arith.constant 16 : i32
        %mul3A_906 = arith.muli %add3A_60, %mul3A_905 : i32
        %add3A_907 = arith.constant 5 : i32
        %add3A_908 = arith.addi %mul3A_906, %add3A_907 : i32
        %swap3A_909 = arith.index_cast %add3A_908 : i32 to index
        %swap3A_910 = arith.constant 80 : index
        %swap3A_911 = tpu.vector_load %arg10[%swap3A_909, %swap3A_910] {strides = array<i32>} : memref<128x128xf32, #tpu.memory_space<vmem>>, vector<1x16xf32>,
        %swap3A_912 = vector.shape_cast %swap3A_911 : vector<1x16xf32> to vector<16xf32>
        %swap3A_913 = vector.shape_cast %mul3A_904 : vector<16xf32> to vector<1x16xf32>
        tpu.vector_store %arg10[%swap3A_909, %swap3A_910], %swap3A_913 {strides = array<i32>} : memref<128x128xf32, #tpu.memory_space<vmem>>, vector<1x16xf32>,
        %mul3A_914 = arith.constant 16 : i32
        %mul3A_915 = arith.muli %add3A_60, %mul3A_914 : i32
        %add3A_916 = arith.constant 5 : i32
        %add3A_917 = arith.addi %mul3A_915, %add3A_916 : i32
        %get3A_918 = arith.index_cast %add3A_917 : i32 to index
        %get3A_919 = arith.constant 96 : index
        %get3A_920 = tpu.vector_load %arg10[%get3A_918, %get3A_919] {strides = array<i32>} : memref<128x128xf32, #tpu.memory_space<vmem>>, vector<1x16xf32>,
        %get3A_921 = vector.shape_cast %get3A_920 : vector<1x16xf32> to vector<16xf32>
        %mul3A_922 = arith.mulf %get3A_921, %gather3A_805 : vector<16xf32>
        %mul3A_923 = arith.constant 16 : i32
        %mul3A_924 = arith.muli %add3A_60, %mul3A_923 : i32
        %add3A_925 = arith.constant 5 : i32
        %add3A_926 = arith.addi %mul3A_924, %add3A_925 : i32
        %swap3A_927 = arith.index_cast %add3A_926 : i32 to index
        %swap3A_928 = arith.constant 96 : index
        %swap3A_929 = tpu.vector_load %arg10[%swap3A_927, %swap3A_928] {strides = array<i32>} : memref<128x128xf32, #tpu.memory_space<vmem>>, vector<1x16xf32>,
        %swap3A_930 = vector.shape_cast %swap3A_929 : vector<1x16xf32> to vector<16xf32>
        %swap3A_931 = vector.shape_cast %mul3A_922 : vector<16xf32> to vector<1x16xf32>
        tpu.vector_store %arg10[%swap3A_927, %swap3A_928], %swap3A_931 {strides = array<i32>} : memref<128x128xf32, #tpu.memory_space<vmem>>, vector<1x16xf32>,
        %mul3A_932 = arith.constant 16 : i32
        %mul3A_933 = arith.muli %add3A_60, %mul3A_932 : i32
        %add3A_934 = arith.constant 5 : i32
        %add3A_935 = arith.addi %mul3A_933, %add3A_934 : i32
        %get3A_936 = arith.index_cast %add3A_935 : i32 to index
        %get3A_937 = arith.constant 112 : index
        %get3A_938 = tpu.vector_load %arg10[%get3A_936, %get3A_937] {strides = array<i32>} : memref<128x128xf32, #tpu.memory_space<vmem>>, vector<1x16xf32>,
        %get3A_939 = vector.shape_cast %get3A_938 : vector<1x16xf32> to vector<16xf32>
        %mul3A_940 = arith.mulf %get3A_939, %gather3A_805 : vector<16xf32>
        %mul3A_941 = arith.constant 16 : i32
        %mul3A_942 = arith.muli %add3A_60, %mul3A_941 : i32
        %add3A_943 = arith.constant 5 : i32
        %add3A_944 = arith.addi %mul3A_942, %add3A_943 : i32
        %swap3A_945 = arith.index_cast %add3A_944 : i32 to index
        %swap3A_946 = arith.constant 112 : index
        %swap3A_947 = tpu.vector_load %arg10[%swap3A_945, %swap3A_946] {strides = array<i32>} : memref<128x128xf32, #tpu.memory_space<vmem>>, vector<1x16xf32>,
        %swap3A_948 = vector.shape_cast %swap3A_947 : vector<1x16xf32> to vector<16xf32>
        %swap3A_949 = vector.shape_cast %mul3A_940 : vector<16xf32> to vector<1x16xf32>
        tpu.vector_store %arg10[%swap3A_945, %swap3A_946], %swap3A_949 {strides = array<i32>} : memref<128x128xf32, #tpu.memory_space<vmem>>, vector<1x16xf32>,
        %broadcast_in_dim3A_950 = arith.constant 6 : i32
        %broadcast_in_dim3A_951 = vector.broadcast %broadcast_in_dim3A_950 : i32 to vector<16x1xi32>
        %gather3A_952 = vector.shape_cast %broadcast_in_dim3A_951 : vector<16x1xi32> to vector<16xi32>
        %gather3A_953 = tpu.dynamic_gather %get3A_64[%gather3A_952] in [0] : vector<16xf32>, vector<16xi32> -> vector<16xf32>
        %mul3A_954 = arith.constant 16 : i32
        %mul3A_955 = arith.muli %add3A_60, %mul3A_954 : i32
        %add3A_956 = arith.constant 6 : i32
        %add3A_957 = arith.addi %mul3A_955, %add3A_956 : i32
        %get3A_958 = arith.index_cast %add3A_957 : i32 to index
        %get3A_959 = arith.constant 0 : index
        %get3A_960 = tpu.vector_load %arg10[%get3A_958, %get3A_959] {strides = array<i32>} : memref<128x128xf32, #tpu.memory_space<vmem>>, vector<1x16xf32>,
        %get3A_961 = vector.shape_cast %get3A_960 : vector<1x16xf32> to vector<16xf32>
        %mul3A_962 = arith.mulf %get3A_961, %gather3A_953 : vector<16xf32>
        %mul3A_963 = arith.constant 16 : i32
        %mul3A_964 = arith.muli %add3A_60, %mul3A_963 : i32
        %add3A_965 = arith.constant 6 : i32
        %add3A_966 = arith.addi %mul3A_964, %add3A_965 : i32
        %swap3A_967 = arith.index_cast %add3A_966 : i32 to index
        %swap3A_968 = arith.constant 0 : index
        %swap3A_969 = tpu.vector_load %arg10[%swap3A_967, %swap3A_968] {strides = array<i32>} : memref<128x128xf32, #tpu.memory_space<vmem>>, vector<1x16xf32>,
        %swap3A_970 = vector.shape_cast %swap3A_969 : vector<1x16xf32> to vector<16xf32>
        %swap3A_971 = vector.shape_cast %mul3A_962 : vector<16xf32> to vector<1x16xf32>
        tpu.vector_store %arg10[%swap3A_967, %swap3A_968], %swap3A_971 {strides = array<i32>} : memref<128x128xf32, #tpu.memory_space<vmem>>, vector<1x16xf32>,
        %mul3A_972 = arith.constant 16 : i32
        %mul3A_973 = arith.muli %add3A_60, %mul3A_972 : i32
        %add3A_974 = arith.constant 6 : i32
        %add3A_975 = arith.addi %mul3A_973, %add3A_974 : i32
        %get3A_976 = arith.index_cast %add3A_975 : i32 to index
        %get3A_977 = arith.constant 16 : index
        %get3A_978 = tpu.vector_load %arg10[%get3A_976, %get3A_977] {strides = array<i32>} : memref<128x128xf32, #tpu.memory_space<vmem>>, vector<1x16xf32>,
        %get3A_979 = vector.shape_cast %get3A_978 : vector<1x16xf32> to vector<16xf32>
        %mul3A_980 = arith.mulf %get3A_979, %gather3A_953 : vector<16xf32>
        %mul3A_981 = arith.constant 16 : i32
        %mul3A_982 = arith.muli %add3A_60, %mul3A_981 : i32
        %add3A_983 = arith.constant 6 : i32
        %add3A_984 = arith.addi %mul3A_982, %add3A_983 : i32
        %swap3A_985 = arith.index_cast %add3A_984 : i32 to index
        %swap3A_986 = arith.constant 16 : index
        %swap3A_987 = tpu.vector_load %arg10[%swap3A_985, %swap3A_986] {strides = array<i32>} : memref<128x128xf32, #tpu.memory_space<vmem>>, vector<1x16xf32>,
        %swap3A_988 = vector.shape_cast %swap3A_987 : vector<1x16xf32> to vector<16xf32>
        %swap3A_989 = vector.shape_cast %mul3A_980 : vector<16xf32> to vector<1x16xf32>
        tpu.vector_store %arg10[%swap3A_985, %swap3A_986], %swap3A_989 {strides = array<i32>} : memref<128x128xf32, #tpu.memory_space<vmem>>, vector<1x16xf32>,
        %mul3A_990 = arith.constant 16 : i32
        %mul3A_991 = arith.muli %add3A_60, %mul3A_990 : i32
        %add3A_992 = arith.constant 6 : i32
        %add3A_993 = arith.addi %mul3A_991, %add3A_992 : i32
        %get3A_994 = arith.index_cast %add3A_993 : i32 to index
        %get3A_995 = arith.constant 32 : index
        %get3A_996 = tpu.vector_load %arg10[%get3A_994, %get3A_995] {strides = array<i32>} : memref<128x128xf32, #tpu.memory_space<vmem>>, vector<1x16xf32>,
        %get3A_997 = vector.shape_cast %get3A_996 : vector<1x16xf32> to vector<16xf32>
        %mul3A_998 = arith.mulf %get3A_997, %gather3A_953 : vector<16xf32>
        %mul3A_999 = arith.constant 16 : i32
        %mul3A_1000 = arith.muli %add3A_60, %mul3A_999 : i32
        %add3A_1001 = arith.constant 6 : i32
        %add3A_1002 = arith.addi %mul3A_1000, %add3A_1001 : i32
        %swap3A_1003 = arith.index_cast %add3A_1002 : i32 to index
        %swap3A_1004 = arith.constant 32 : index
        %swap3A_1005 = tpu.vector_load %arg10[%swap3A_1003, %swap3A_1004] {strides = array<i32>} : memref<128x128xf32, #tpu.memory_space<vmem>>, vector<1x16xf32>,
        %swap3A_1006 = vector.shape_cast %swap3A_1005 : vector<1x16xf32> to vector<16xf32>
        %swap3A_1007 = vector.shape_cast %mul3A_998 : vector<16xf32> to vector<1x16xf32>
        tpu.vector_store %arg10[%swap3A_1003, %swap3A_1004], %swap3A_1007 {strides = array<i32>} : memref<128x128xf32, #tpu.memory_space<vmem>>, vector<1x16xf32>,
        %mul3A_1008 = arith.constant 16 : i32
        %mul3A_1009 = arith.muli %add3A_60, %mul3A_1008 : i32
        %add3A_1010 = arith.constant 6 : i32
        %add3A_1011 = arith.addi %mul3A_1009, %add3A_1010 : i32
        %get3A_1012 = arith.index_cast %add3A_1011 : i32 to index
        %get3A_1013 = arith.constant 48 : index
        %get3A_1014 = tpu.vector_load %arg10[%get3A_1012, %get3A_1013] {strides = array<i32>} : memref<128x128xf32, #tpu.memory_space<vmem>>, vector<1x16xf32>,
        %get3A_1015 = vector.shape_cast %get3A_1014 : vector<1x16xf32> to vector<16xf32>
        %mul3A_1016 = arith.mulf %get3A_1015, %gather3A_953 : vector<16xf32>
        %mul3A_1017 = arith.constant 16 : i32
        %mul3A_1018 = arith.muli %add3A_60, %mul3A_1017 : i32
        %add3A_1019 = arith.constant 6 : i32
        %add3A_1020 = arith.addi %mul3A_1018, %add3A_1019 : i32
        %swap3A_1021 = arith.index_cast %add3A_1020 : i32 to index
        %swap3A_1022 = arith.constant 48 : index
        %swap3A_1023 = tpu.vector_load %arg10[%swap3A_1021, %swap3A_1022] {strides = array<i32>} : memref<128x128xf32, #tpu.memory_space<vmem>>, vector<1x16xf32>,
        %swap3A_1024 = vector.shape_cast %swap3A_1023 : vector<1x16xf32> to vector<16xf32>
        %swap3A_1025 = vector.shape_cast %mul3A_1016 : vector<16xf32> to vector<1x16xf32>
        tpu.vector_store %arg10[%swap3A_1021, %swap3A_1022], %swap3A_1025 {strides = array<i32>} : memref<128x128xf32, #tpu.memory_space<vmem>>, vector<1x16xf32>,
        %mul3A_1026 = arith.constant 16 : i32
        %mul3A_1027 = arith.muli %add3A_60, %mul3A_1026 : i32
        %add3A_1028 = arith.constant 6 : i32
        %add3A_1029 = arith.addi %mul3A_1027, %add3A_1028 : i32
        %get3A_1030 = arith.index_cast %add3A_1029 : i32 to index
        %get3A_1031 = arith.constant 64 : index
        %get3A_1032 = tpu.vector_load %arg10[%get3A_1030, %get3A_1031] {strides = array<i32>} : memref<128x128xf32, #tpu.memory_space<vmem>>, vector<1x16xf32>,
        %get3A_1033 = vector.shape_cast %get3A_1032 : vector<1x16xf32> to vector<16xf32>
        %mul3A_1034 = arith.mulf %get3A_1033, %gather3A_953 : vector<16xf32>
        %mul3A_1035 = arith.constant 16 : i32
        %mul3A_1036 = arith.muli %add3A_60, %mul3A_1035 : i32
        %add3A_1037 = arith.constant 6 : i32
        %add3A_1038 = arith.addi %mul3A_1036, %add3A_1037 : i32
        %swap3A_1039 = arith.index_cast %add3A_1038 : i32 to index
        %swap3A_1040 = arith.constant 64 : index
        %swap3A_1041 = tpu.vector_load %arg10[%swap3A_1039, %swap3A_1040] {strides = array<i32>} : memref<128x128xf32, #tpu.memory_space<vmem>>, vector<1x16xf32>,
        %swap3A_1042 = vector.shape_cast %swap3A_1041 : vector<1x16xf32> to vector<16xf32>
        %swap3A_1043 = vector.shape_cast %mul3A_1034 : vector<16xf32> to vector<1x16xf32>
        tpu.vector_store %arg10[%swap3A_1039, %swap3A_1040], %swap3A_1043 {strides = array<i32>} : memref<128x128xf32, #tpu.memory_space<vmem>>, vector<1x16xf32>,
        %mul3A_1044 = arith.constant 16 : i32
        %mul3A_1045 = arith.muli %add3A_60, %mul3A_1044 : i32
        %add3A_1046 = arith.constant 6 : i32
        %add3A_1047 = arith.addi %mul3A_1045, %add3A_1046 : i32
        %get3A_1048 = arith.index_cast %add3A_1047 : i32 to index
        %get3A_1049 = arith.constant 80 : index
        %get3A_1050 = tpu.vector_load %arg10[%get3A_1048, %get3A_1049] {strides = array<i32>} : memref<128x128xf32, #tpu.memory_space<vmem>>, vector<1x16xf32>,
        %get3A_1051 = vector.shape_cast %get3A_1050 : vector<1x16xf32> to vector<16xf32>
        %mul3A_1052 = arith.mulf %get3A_1051, %gather3A_953 : vector<16xf32>
        %mul3A_1053 = arith.constant 16 : i32
        %mul3A_1054 = arith.muli %add3A_60, %mul3A_1053 : i32
        %add3A_1055 = arith.constant 6 : i32
        %add3A_1056 = arith.addi %mul3A_1054, %add3A_1055 : i32
        %swap3A_1057 = arith.index_cast %add3A_1056 : i32 to index
        %swap3A_1058 = arith.constant 80 : index
        %swap3A_1059 = tpu.vector_load %arg10[%swap3A_1057, %swap3A_1058] {strides = array<i32>} : memref<128x128xf32, #tpu.memory_space<vmem>>, vector<1x16xf32>,
        %swap3A_1060 = vector.shape_cast %swap3A_1059 : vector<1x16xf32> to vector<16xf32>
        %swap3A_1061 = vector.shape_cast %mul3A_1052 : vector<16xf32> to vector<1x16xf32>
        tpu.vector_store %arg10[%swap3A_1057, %swap3A_1058], %swap3A_1061 {strides = array<i32>} : memref<128x128xf32, #tpu.memory_space<vmem>>, vector<1x16xf32>,
        %mul3A_1062 = arith.constant 16 : i32
        %mul3A_1063 = arith.muli %add3A_60, %mul3A_1062 : i32
        %add3A_1064 = arith.constant 6 : i32
        %add3A_1065 = arith.addi %mul3A_1063, %add3A_1064 : i32
        %get3A_1066 = arith.index_cast %add3A_1065 : i32 to index
        %get3A_1067 = arith.constant 96 : index
        %get3A_1068 = tpu.vector_load %arg10[%get3A_1066, %get3A_1067] {strides = array<i32>} : memref<128x128xf32, #tpu.memory_space<vmem>>, vector<1x16xf32>,
        %get3A_1069 = vector.shape_cast %get3A_1068 : vector<1x16xf32> to vector<16xf32>
        %mul3A_1070 = arith.mulf %get3A_1069, %gather3A_953 : vector<16xf32>
        %mul3A_1071 = arith.constant 16 : i32
        %mul3A_1072 = arith.muli %add3A_60, %mul3A_1071 : i32
        %add3A_1073 = arith.constant 6 : i32
        %add3A_1074 = arith.addi %mul3A_1072, %add3A_1073 : i32
        %swap3A_1075 = arith.index_cast %add3A_1074 : i32 to index
        %swap3A_1076 = arith.constant 96 : index
        %swap3A_1077 = tpu.vector_load %arg10[%swap3A_1075, %swap3A_1076] {strides = array<i32>} : memref<128x128xf32, #tpu.memory_space<vmem>>, vector<1x16xf32>,
        %swap3A_1078 = vector.shape_cast %swap3A_1077 : vector<1x16xf32> to vector<16xf32>
        %swap3A_1079 = vector.shape_cast %mul3A_1070 : vector<16xf32> to vector<1x16xf32>
        tpu.vector_store %arg10[%swap3A_1075, %swap3A_1076], %swap3A_1079 {strides = array<i32>} : memref<128x128xf32, #tpu.memory_space<vmem>>, vector<1x16xf32>,
        %mul3A_1080 = arith.constant 16 : i32
        %mul3A_1081 = arith.muli %add3A_60, %mul3A_1080 : i32
        %add3A_1082 = arith.constant 6 : i32
        %add3A_1083 = arith.addi %mul3A_1081, %add3A_1082 : i32
        %get3A_1084 = arith.index_cast %add3A_1083 : i32 to index
        %get3A_1085 = arith.constant 112 : index
        %get3A_1086 = tpu.vector_load %arg10[%get3A_1084, %get3A_1085] {strides = array<i32>} : memref<128x128xf32, #tpu.memory_space<vmem>>, vector<1x16xf32>,
        %get3A_1087 = vector.shape_cast %get3A_1086 : vector<1x16xf32> to vector<16xf32>
        %mul3A_1088 = arith.mulf %get3A_1087, %gather3A_953 : vector<16xf32>
        %mul3A_1089 = arith.constant 16 : i32
        %mul3A_1090 = arith.muli %add3A_60, %mul3A_1089 : i32
        %add3A_1091 = arith.constant 6 : i32
        %add3A_1092 = arith.addi %mul3A_1090, %add3A_1091 : i32
        %swap3A_1093 = arith.index_cast %add3A_1092 : i32 to index
        %swap3A_1094 = arith.constant 112 : index
        %swap3A_1095 = tpu.vector_load %arg10[%swap3A_1093, %swap3A_1094] {strides = array<i32>} : memref<128x128xf32, #tpu.memory_space<vmem>>, vector<1x16xf32>,
        %swap3A_1096 = vector.shape_cast %swap3A_1095 : vector<1x16xf32> to vector<16xf32>
        %swap3A_1097 = vector.shape_cast %mul3A_1088 : vector<16xf32> to vector<1x16xf32>
        tpu.vector_store %arg10[%swap3A_1093, %swap3A_1094], %swap3A_1097 {strides = array<i32>} : memref<128x128xf32, #tpu.memory_space<vmem>>, vector<1x16xf32>,
        %broadcast_in_dim3A_1098 = arith.constant 7 : i32
        %broadcast_in_dim3A_1099 = vector.broadcast %broadcast_in_dim3A_1098 : i32 to vector<16x1xi32>
        %gather3A_1100 = vector.shape_cast %broadcast_in_dim3A_1099 : vector<16x1xi32> to vector<16xi32>
        %gather3A_1101 = tpu.dynamic_gather %get3A_64[%gather3A_1100] in [0] : vector<16xf32>, vector<16xi32> -> vector<16xf32>
        %mul3A_1102 = arith.constant 16 : i32
        %mul3A_1103 = arith.muli %add3A_60, %mul3A_1102 : i32
        %add3A_1104 = arith.constant 7 : i32
        %add3A_1105 = arith.addi %mul3A_1103, %add3A_1104 : i32
        %get3A_1106 = arith.index_cast %add3A_1105 : i32 to index
        %get3A_1107 = arith.constant 0 : index
        %get3A_1108 = tpu.vector_load %arg10[%get3A_1106, %get3A_1107] {strides = array<i32>} : memref<128x128xf32, #tpu.memory_space<vmem>>, vector<1x16xf32>,
        %get3A_1109 = vector.shape_cast %get3A_1108 : vector<1x16xf32> to vector<16xf32>
        %mul3A_1110 = arith.mulf %get3A_1109, %gather3A_1101 : vector<16xf32>
        %mul3A_1111 = arith.constant 16 : i32
        %mul3A_1112 = arith.muli %add3A_60, %mul3A_1111 : i32
        %add3A_1113 = arith.constant 7 : i32
        %add3A_1114 = arith.addi %mul3A_1112, %add3A_1113 : i32
        %swap3A_1115 = arith.index_cast %add3A_1114 : i32 to index
        %swap3A_1116 = arith.constant 0 : index
        %swap3A_1117 = tpu.vector_load %arg10[%swap3A_1115, %swap3A_1116] {strides = array<i32>} : memref<128x128xf32, #tpu.memory_space<vmem>>, vector<1x16xf32>,
        %swap3A_1118 = vector.shape_cast %swap3A_1117 : vector<1x16xf32> to vector<16xf32>
        %swap3A_1119 = vector.shape_cast %mul3A_1110 : vector<16xf32> to vector<1x16xf32>
        tpu.vector_store %arg10[%swap3A_1115, %swap3A_1116], %swap3A_1119 {strides = array<i32>} : memref<128x128xf32, #tpu.memory_space<vmem>>, vector<1x16xf32>,
        %mul3A_1120 = arith.constant 16 : i32
        %mul3A_1121 = arith.muli %add3A_60, %mul3A_1120 : i32
        %add3A_1122 = arith.constant 7 : i32
        %add3A_1123 = arith.addi %mul3A_1121, %add3A_1122 : i32
        %get3A_1124 = arith.index_cast %add3A_1123 : i32 to index
        %get3A_1125 = arith.constant 16 : index
        %get3A_1126 = tpu.vector_load %arg10[%get3A_1124, %get3A_1125] {strides = array<i32>} : memref<128x128xf32, #tpu.memory_space<vmem>>, vector<1x16xf32>,
        %get3A_1127 = vector.shape_cast %get3A_1126 : vector<1x16xf32> to vector<16xf32>
        %mul3A_1128 = arith.mulf %get3A_1127, %gather3A_1101 : vector<16xf32>
        %mul3A_1129 = arith.constant 16 : i32
        %mul3A_1130 = arith.muli %add3A_60, %mul3A_1129 : i32
        %add3A_1131 = arith.constant 7 : i32
        %add3A_1132 = arith.addi %mul3A_1130, %add3A_1131 : i32
        %swap3A_1133 = arith.index_cast %add3A_1132 : i32 to index
        %swap3A_1134 = arith.constant 16 : index
        %swap3A_1135 = tpu.vector_load %arg10[%swap3A_1133, %swap3A_1134] {strides = array<i32>} : memref<128x128xf32, #tpu.memory_space<vmem>>, vector<1x16xf32>,
        %swap3A_1136 = vector.shape_cast %swap3A_1135 : vector<1x16xf32> to vector<16xf32>
        %swap3A_1137 = vector.shape_cast %mul3A_1128 : vector<16xf32> to vector<1x16xf32>
        tpu.vector_store %arg10[%swap3A_1133, %swap3A_1134], %swap3A_1137 {strides = array<i32>} : memref<128x128xf32, #tpu.memory_space<vmem>>, vector<1x16xf32>,
        %mul3A_1138 = arith.constant 16 : i32
        %mul3A_1139 = arith.muli %add3A_60, %mul3A_1138 : i32
        %add3A_1140 = arith.constant 7 : i32
        %add3A_1141 = arith.addi %mul3A_1139, %add3A_1140 : i32
        %get3A_1142 = arith.index_cast %add3A_1141 : i32 to index
        %get3A_1143 = arith.constant 32 : index
        %get3A_1144 = tpu.vector_load %arg10[%get3A_1142, %get3A_1143] {strides = array<i32>} : memref<128x128xf32, #tpu.memory_space<vmem>>, vector<1x16xf32>,
        %get3A_1145 = vector.shape_cast %get3A_1144 : vector<1x16xf32> to vector<16xf32>
        %mul3A_1146 = arith.mulf %get3A_1145, %gather3A_1101 : vector<16xf32>
        %mul3A_1147 = arith.constant 16 : i32
        %mul3A_1148 = arith.muli %add3A_60, %mul3A_1147 : i32
        %add3A_1149 = arith.constant 7 : i32
        %add3A_1150 = arith.addi %mul3A_1148, %add3A_1149 : i32
        %swap3A_1151 = arith.index_cast %add3A_1150 : i32 to index
        %swap3A_1152 = arith.constant 32 : index
        %swap3A_1153 = tpu.vector_load %arg10[%swap3A_1151, %swap3A_1152] {strides = array<i32>} : memref<128x128xf32, #tpu.memory_space<vmem>>, vector<1x16xf32>,
        %swap3A_1154 = vector.shape_cast %swap3A_1153 : vector<1x16xf32> to vector<16xf32>
        %swap3A_1155 = vector.shape_cast %mul3A_1146 : vector<16xf32> to vector<1x16xf32>
        tpu.vector_store %arg10[%swap3A_1151, %swap3A_1152], %swap3A_1155 {strides = array<i32>} : memref<128x128xf32, #tpu.memory_space<vmem>>, vector<1x16xf32>,
        %mul3A_1156 = arith.constant 16 : i32
        %mul3A_1157 = arith.muli %add3A_60, %mul3A_1156 : i32
        %add3A_1158 = arith.constant 7 : i32
        %add3A_1159 = arith.addi %mul3A_1157, %add3A_1158 : i32
        %get3A_1160 = arith.index_cast %add3A_1159 : i32 to index
        %get3A_1161 = arith.constant 48 : index
        %get3A_1162 = tpu.vector_load %arg10[%get3A_1160, %get3A_1161] {strides = array<i32>} : memref<128x128xf32, #tpu.memory_space<vmem>>, vector<1x16xf32>,
        %get3A_1163 = vector.shape_cast %get3A_1162 : vector<1x16xf32> to vector<16xf32>
        %mul3A_1164 = arith.mulf %get3A_1163, %gather3A_1101 : vector<16xf32>
        %mul3A_1165 = arith.constant 16 : i32
        %mul3A_1166 = arith.muli %add3A_60, %mul3A_1165 : i32
        %add3A_1167 = arith.constant 7 : i32
        %add3A_1168 = arith.addi %mul3A_1166, %add3A_1167 : i32
        %swap3A_1169 = arith.index_cast %add3A_1168 : i32 to index
        %swap3A_1170 = arith.constant 48 : index
        %swap3A_1171 = tpu.vector_load %arg10[%swap3A_1169, %swap3A_1170] {strides = array<i32>} : memref<128x128xf32, #tpu.memory_space<vmem>>, vector<1x16xf32>,
        %swap3A_1172 = vector.shape_cast %swap3A_1171 : vector<1x16xf32> to vector<16xf32>
        %swap3A_1173 = vector.shape_cast %mul3A_1164 : vector<16xf32> to vector<1x16xf32>
        tpu.vector_store %arg10[%swap3A_1169, %swap3A_1170], %swap3A_1173 {strides = array<i32>} : memref<128x128xf32, #tpu.memory_space<vmem>>, vector<1x16xf32>,
        %mul3A_1174 = arith.constant 16 : i32
        %mul3A_1175 = arith.muli %add3A_60, %mul3A_1174 : i32
        %add3A_1176 = arith.constant 7 : i32
        %add3A_1177 = arith.addi %mul3A_1175, %add3A_1176 : i32
        %get3A_1178 = arith.index_cast %add3A_1177 : i32 to index
        %get3A_1179 = arith.constant 64 : index
        %get3A_1180 = tpu.vector_load %arg10[%get3A_1178, %get3A_1179] {strides = array<i32>} : memref<128x128xf32, #tpu.memory_space<vmem>>, vector<1x16xf32>,
        %get3A_1181 = vector.shape_cast %get3A_1180 : vector<1x16xf32> to vector<16xf32>
        %mul3A_1182 = arith.mulf %get3A_1181, %gather3A_1101 : vector<16xf32>
        %mul3A_1183 = arith.constant 16 : i32
        %mul3A_1184 = arith.muli %add3A_60, %mul3A_1183 : i32
        %add3A_1185 = arith.constant 7 : i32
        %add3A_1186 = arith.addi %mul3A_1184, %add3A_1185 : i32
        %swap3A_1187 = arith.index_cast %add3A_1186 : i32 to index
        %swap3A_1188 = arith.constant 64 : index
        %swap3A_1189 = tpu.vector_load %arg10[%swap3A_1187, %swap3A_1188] {strides = array<i32>} : memref<128x128xf32, #tpu.memory_space<vmem>>, vector<1x16xf32>,
        %swap3A_1190 = vector.shape_cast %swap3A_1189 : vector<1x16xf32> to vector<16xf32>
        %swap3A_1191 = vector.shape_cast %mul3A_1182 : vector<16xf32> to vector<1x16xf32>
        tpu.vector_store %arg10[%swap3A_1187, %swap3A_1188], %swap3A_1191 {strides = array<i32>} : memref<128x128xf32, #tpu.memory_space<vmem>>, vector<1x16xf32>,
        %mul3A_1192 = arith.constant 16 : i32
        %mul3A_1193 = arith.muli %add3A_60, %mul3A_1192 : i32
        %add3A_1194 = arith.constant 7 : i32
        %add3A_1195 = arith.addi %mul3A_1193, %add3A_1194 : i32
        %get3A_1196 = arith.index_cast %add3A_1195 : i32 to index
        %get3A_1197 = arith.constant 80 : index
        %get3A_1198 = tpu.vector_load %arg10[%get3A_1196, %get3A_1197] {strides = array<i32>} : memref<128x128xf32, #tpu.memory_space<vmem>>, vector<1x16xf32>,
        %get3A_1199 = vector.shape_cast %get3A_1198 : vector<1x16xf32> to vector<16xf32>
        %mul3A_1200 = arith.mulf %get3A_1199, %gather3A_1101 : vector<16xf32>
        %mul3A_1201 = arith.constant 16 : i32
        %mul3A_1202 = arith.muli %add3A_60, %mul3A_1201 : i32
        %add3A_1203 = arith.constant 7 : i32
        %add3A_1204 = arith.addi %mul3A_1202, %add3A_1203 : i32
        %swap3A_1205 = arith.index_cast %add3A_1204 : i32 to index
        %swap3A_1206 = arith.constant 80 : index
        %swap3A_1207 = tpu.vector_load %arg10[%swap3A_1205, %swap3A_1206] {strides = array<i32>} : memref<128x128xf32, #tpu.memory_space<vmem>>, vector<1x16xf32>,
        %swap3A_1208 = vector.shape_cast %swap3A_1207 : vector<1x16xf32> to vector<16xf32>
        %swap3A_1209 = vector.shape_cast %mul3A_1200 : vector<16xf32> to vector<1x16xf32>
        tpu.vector_store %arg10[%swap3A_1205, %swap3A_1206], %swap3A_1209 {strides = array<i32>} : memref<128x128xf32, #tpu.memory_space<vmem>>, vector<1x16xf32>,
        %mul3A_1210 = arith.constant 16 : i32
        %mul3A_1211 = arith.muli %add3A_60, %mul3A_1210 : i32
        %add3A_1212 = arith.constant 7 : i32
        %add3A_1213 = arith.addi %mul3A_1211, %add3A_1212 : i32
        %get3A_1214 = arith.index_cast %add3A_1213 : i32 to index
        %get3A_1215 = arith.constant 96 : index
        %get3A_1216 = tpu.vector_load %arg10[%get3A_1214, %get3A_1215] {strides = array<i32>} : memref<128x128xf32, #tpu.memory_space<vmem>>, vector<1x16xf32>,
        %get3A_1217 = vector.shape_cast %get3A_1216 : vector<1x16xf32> to vector<16xf32>
        %mul3A_1218 = arith.mulf %get3A_1217, %gather3A_1101 : vector<16xf32>
        %mul3A_1219 = arith.constant 16 : i32
        %mul3A_1220 = arith.muli %add3A_60, %mul3A_1219 : i32
        %add3A_1221 = arith.constant 7 : i32
        %add3A_1222 = arith.addi %mul3A_1220, %add3A_1221 : i32
        %swap3A_1223 = arith.index_cast %add3A_1222 : i32 to index
        %swap3A_1224 = arith.constant 96 : index
        %swap3A_1225 = tpu.vector_load %arg10[%swap3A_1223, %swap3A_1224] {strides = array<i32>} : memref<128x128xf32, #tpu.memory_space<vmem>>, vector<1x16xf32>,
        %swap3A_1226 = vector.shape_cast %swap3A_1225 : vector<1x16xf32> to vector<16xf32>
        %swap3A_1227 = vector.shape_cast %mul3A_1218 : vector<16xf32> to vector<1x16xf32>
        tpu.vector_store %arg10[%swap3A_1223, %swap3A_1224], %swap3A_1227 {strides = array<i32>} : memref<128x128xf32, #tpu.memory_space<vmem>>, vector<1x16xf32>,
        %mul3A_1228 = arith.constant 16 : i32
        %mul3A_1229 = arith.muli %add3A_60, %mul3A_1228 : i32
        %add3A_1230 = arith.constant 7 : i32
        %add3A_1231 = arith.addi %mul3A_1229, %add3A_1230 : i32
        %get3A_1232 = arith.index_cast %add3A_1231 : i32 to index
        %get3A_1233 = arith.constant 112 : index
        %get3A_1234 = tpu.vector_load %arg10[%get3A_1232, %get3A_1233] {strides = array<i32>} : memref<128x128xf32, #tpu.memory_space<vmem>>, vector<1x16xf32>,
        %get3A_1235 = vector.shape_cast %get3A_1234 : vector<1x16xf32> to vector<16xf32>
        %mul3A_1236 = arith.mulf %get3A_1235, %gather3A_1101 : vector<16xf32>
        %mul3A_1237 = arith.constant 16 : i32
        %mul3A_1238 = arith.muli %add3A_60, %mul3A_1237 : i32
        %add3A_1239 = arith.constant 7 : i32
        %add3A_1240 = arith.addi %mul3A_1238, %add3A_1239 : i32
        %swap3A_1241 = arith.index_cast %add3A_1240 : i32 to index
        %swap3A_1242 = arith.constant 112 : index
        %swap3A_1243 = tpu.vector_load %arg10[%swap3A_1241, %swap3A_1242] {strides = array<i32>} : memref<128x128xf32, #tpu.memory_space<vmem>>, vector<1x16xf32>,
        %swap3A_1244 = vector.shape_cast %swap3A_1243 : vector<1x16xf32> to vector<16xf32>
        %swap3A_1245 = vector.shape_cast %mul3A_1236 : vector<16xf32> to vector<1x16xf32>
        tpu.vector_store %arg10[%swap3A_1241, %swap3A_1242], %swap3A_1245 {strides = array<i32>} : memref<128x128xf32, #tpu.memory_space<vmem>>, vector<1x16xf32>,
        %broadcast_in_dim3A_1246 = arith.constant 8 : i32
        %broadcast_in_dim3A_1247 = vector.broadcast %broadcast_in_dim3A_1246 : i32 to vector<16x1xi32>
        %gather3A_1248 = vector.shape_cast %broadcast_in_dim3A_1247 : vector<16x1xi32> to vector<16xi32>
        %gather3A_1249 = tpu.dynamic_gather %get3A_64[%gather3A_1248] in [0] : vector<16xf32>, vector<16xi32> -> vector<16xf32>
        %mul3A_1250 = arith.constant 16 : i32
        %mul3A_1251 = arith.muli %add3A_60, %mul3A_1250 : i32
        %add3A_1252 = arith.constant 8 : i32
        %add3A_1253 = arith.addi %mul3A_1251, %add3A_1252 : i32
        %get3A_1254 = arith.index_cast %add3A_1253 : i32 to index
        %get3A_1255 = arith.constant 0 : index
        %get3A_1256 = tpu.vector_load %arg10[%get3A_1254, %get3A_1255] {strides = array<i32>} : memref<128x128xf32, #tpu.memory_space<vmem>>, vector<1x16xf32>,
        %get3A_1257 = vector.shape_cast %get3A_1256 : vector<1x16xf32> to vector<16xf32>
        %mul3A_1258 = arith.mulf %get3A_1257, %gather3A_1249 : vector<16xf32>
        %mul3A_1259 = arith.constant 16 : i32
        %mul3A_1260 = arith.muli %add3A_60, %mul3A_1259 : i32
        %add3A_1261 = arith.constant 8 : i32
        %add3A_1262 = arith.addi %mul3A_1260, %add3A_1261 : i32
        %swap3A_1263 = arith.index_cast %add3A_1262 : i32 to index
        %swap3A_1264 = arith.constant 0 : index
        %swap3A_1265 = tpu.vector_load %arg10[%swap3A_1263, %swap3A_1264] {strides = array<i32>} : memref<128x128xf32, #tpu.memory_space<vmem>>, vector<1x16xf32>,
        %swap3A_1266 = vector.shape_cast %swap3A_1265 : vector<1x16xf32> to vector<16xf32>
        %swap3A_1267 = vector.shape_cast %mul3A_1258 : vector<16xf32> to vector<1x16xf32>
        tpu.vector_store %arg10[%swap3A_1263, %swap3A_1264], %swap3A_1267 {strides = array<i32>} : memref<128x128xf32, #tpu.memory_space<vmem>>, vector<1x16xf32>,
        %mul3A_1268 = arith.constant 16 : i32
        %mul3A_1269 = arith.muli %add3A_60, %mul3A_1268 : i32
        %add3A_1270 = arith.constant 8 : i32
        %add3A_1271 = arith.addi %mul3A_1269, %add3A_1270 : i32
        %get3A_1272 = arith.index_cast %add3A_1271 : i32 to index
        %get3A_1273 = arith.constant 16 : index
        %get3A_1274 = tpu.vector_load %arg10[%get3A_1272, %get3A_1273] {strides = array<i32>} : memref<128x128xf32, #tpu.memory_space<vmem>>, vector<1x16xf32>,
        %get3A_1275 = vector.shape_cast %get3A_1274 : vector<1x16xf32> to vector<16xf32>
        %mul3A_1276 = arith.mulf %get3A_1275, %gather3A_1249 : vector<16xf32>
        %mul3A_1277 = arith.constant 16 : i32
        %mul3A_1278 = arith.muli %add3A_60, %mul3A_1277 : i32
        %add3A_1279 = arith.constant 8 : i32
        %add3A_1280 = arith.addi %mul3A_1278, %add3A_1279 : i32
        %swap3A_1281 = arith.index_cast %add3A_1280 : i32 to index
        %swap3A_1282 = arith.constant 16 : index
        %swap3A_1283 = tpu.vector_load %arg10[%swap3A_1281, %swap3A_1282] {strides = array<i32>} : memref<128x128xf32, #tpu.memory_space<vmem>>, vector<1x16xf32>,
        %swap3A_1284 = vector.shape_cast %swap3A_1283 : vector<1x16xf32> to vector<16xf32>
        %swap3A_1285 = vector.shape_cast %mul3A_1276 : vector<16xf32> to vector<1x16xf32>
        tpu.vector_store %arg10[%swap3A_1281, %swap3A_1282], %swap3A_1285 {strides = array<i32>} : memref<128x128xf32, #tpu.memory_space<vmem>>, vector<1x16xf32>,
        %mul3A_1286 = arith.constant 16 : i32
        %mul3A_1287 = arith.muli %add3A_60, %mul3A_1286 : i32
        %add3A_1288 = arith.constant 8 : i32
        %add3A_1289 = arith.addi %mul3A_1287, %add3A_1288 : i32
        %get3A_1290 = arith.index_cast %add3A_1289 : i32 to index
        %get3A_1291 = arith.constant 32 : index
        %get3A_1292 = tpu.vector_load %arg10[%get3A_1290, %get3A_1291] {strides = array<i32>} : memref<128x128xf32, #tpu.memory_space<vmem>>, vector<1x16xf32>,
        %get3A_1293 = vector.shape_cast %get3A_1292 : vector<1x16xf32> to vector<16xf32>
        %mul3A_1294 = arith.mulf %get3A_1293, %gather3A_1249 : vector<16xf32>
        %mul3A_1295 = arith.constant 16 : i32
        %mul3A_1296 = arith.muli %add3A_60, %mul3A_1295 : i32
        %add3A_1297 = arith.constant 8 : i32
        %add3A_1298 = arith.addi %mul3A_1296, %add3A_1297 : i32
        %swap3A_1299 = arith.index_cast %add3A_1298 : i32 to index
        %swap3A_1300 = arith.constant 32 : index
        %swap3A_1301 = tpu.vector_load %arg10[%swap3A_1299, %swap3A_1300] {strides = array<i32>} : memref<128x128xf32, #tpu.memory_space<vmem>>, vector<1x16xf32>,
        %swap3A_1302 = vector.shape_cast %swap3A_1301 : vector<1x16xf32> to vector<16xf32>
        %swap3A_1303 = vector.shape_cast %mul3A_1294 : vector<16xf32> to vector<1x16xf32>
        tpu.vector_store %arg10[%swap3A_1299, %swap3A_1300], %swap3A_1303 {strides = array<i32>} : memref<128x128xf32, #tpu.memory_space<vmem>>, vector<1x16xf32>,
        %mul3A_1304 = arith.constant 16 : i32
        %mul3A_1305 = arith.muli %add3A_60, %mul3A_1304 : i32
        %add3A_1306 = arith.constant 8 : i32
        %add3A_1307 = arith.addi %mul3A_1305, %add3A_1306 : i32
        %get3A_1308 = arith.index_cast %add3A_1307 : i32 to index
        %get3A_1309 = arith.constant 48 : index
        %get3A_1310 = tpu.vector_load %arg10[%get3A_1308, %get3A_1309] {strides = array<i32>} : memref<128x128xf32, #tpu.memory_space<vmem>>, vector<1x16xf32>,
        %get3A_1311 = vector.shape_cast %get3A_1310 : vector<1x16xf32> to vector<16xf32>
        %mul3A_1312 = arith.mulf %get3A_1311, %gather3A_1249 : vector<16xf32>
        %mul3A_1313 = arith.constant 16 : i32
        %mul3A_1314 = arith.muli %add3A_60, %mul3A_1313 : i32
        %add3A_1315 = arith.constant 8 : i32
        %add3A_1316 = arith.addi %mul3A_1314, %add3A_1315 : i32
        %swap3A_1317 = arith.index_cast %add3A_1316 : i32 to index
        %swap3A_1318 = arith.constant 48 : index
        %swap3A_1319 = tpu.vector_load %arg10[%swap3A_1317, %swap3A_1318] {strides = array<i32>} : memref<128x128xf32, #tpu.memory_space<vmem>>, vector<1x16xf32>,
        %swap3A_1320 = vector.shape_cast %swap3A_1319 : vector<1x16xf32> to vector<16xf32>
        %swap3A_1321 = vector.shape_cast %mul3A_1312 : vector<16xf32> to vector<1x16xf32>
        tpu.vector_store %arg10[%swap3A_1317, %swap3A_1318], %swap3A_1321 {strides = array<i32>} : memref<128x128xf32, #tpu.memory_space<vmem>>, vector<1x16xf32>,
        %mul3A_1322 = arith.constant 16 : i32
        %mul3A_1323 = arith.muli %add3A_60, %mul3A_1322 : i32
        %add3A_1324 = arith.constant 8 : i32
        %add3A_1325 = arith.addi %mul3A_1323, %add3A_1324 : i32
        %get3A_1326 = arith.index_cast %add3A_1325 : i32 to index
        %get3A_1327 = arith.constant 64 : index
        %get3A_1328 = tpu.vector_load %arg10[%get3A_1326, %get3A_1327] {strides = array<i32>} : memref<128x128xf32, #tpu.memory_space<vmem>>, vector<1x16xf32>,
        %get3A_1329 = vector.shape_cast %get3A_1328 : vector<1x16xf32> to vector<16xf32>
        %mul3A_1330 = arith.mulf %get3A_1329, %gather3A_1249 : vector<16xf32>
        %mul3A_1331 = arith.constant 16 : i32
        %mul3A_1332 = arith.muli %add3A_60, %mul3A_1331 : i32
        %add3A_1333 = arith.constant 8 : i32
        %add3A_1334 = arith.addi %mul3A_1332, %add3A_1333 : i32
        %swap3A_1335 = arith.index_cast %add3A_1334 : i32 to index
        %swap3A_1336 = arith.constant 64 : index
        %swap3A_1337 = tpu.vector_load %arg10[%swap3A_1335, %swap3A_1336] {strides = array<i32>} : memref<128x128xf32, #tpu.memory_space<vmem>>, vector<1x16xf32>,
        %swap3A_1338 = vector.shape_cast %swap3A_1337 : vector<1x16xf32> to vector<16xf32>
        %swap3A_1339 = vector.shape_cast %mul3A_1330 : vector<16xf32> to vector<1x16xf32>
        tpu.vector_store %arg10[%swap3A_1335, %swap3A_1336], %swap3A_1339 {strides = array<i32>} : memref<128x128xf32, #tpu.memory_space<vmem>>, vector<1x16xf32>,
        %mul3A_1340 = arith.constant 16 : i32
        %mul3A_1341 = arith.muli %add3A_60, %mul3A_1340 : i32
        %add3A_1342 = arith.constant 8 : i32
        %add3A_1343 = arith.addi %mul3A_1341, %add3A_1342 : i32
        %get3A_1344 = arith.index_cast %add3A_1343 : i32 to index
        %get3A_1345 = arith.constant 80 : index
        %get3A_1346 = tpu.vector_load %arg10[%get3A_1344, %get3A_1345] {strides = array<i32>} : memref<128x128xf32, #tpu.memory_space<vmem>>, vector<1x16xf32>,
        %get3A_1347 = vector.shape_cast %get3A_1346 : vector<1x16xf32> to vector<16xf32>
        %mul3A_1348 = arith.mulf %get3A_1347, %gather3A_1249 : vector<16xf32>
        %mul3A_1349 = arith.constant 16 : i32
        %mul3A_1350 = arith.muli %add3A_60, %mul3A_1349 : i32
        %add3A_1351 = arith.constant 8 : i32
        %add3A_1352 = arith.addi %mul3A_1350, %add3A_1351 : i32
        %swap3A_1353 = arith.index_cast %add3A_1352 : i32 to index
        %swap3A_1354 = arith.constant 80 : index
        %swap3A_1355 = tpu.vector_load %arg10[%swap3A_1353, %swap3A_1354] {strides = array<i32>} : memref<128x128xf32, #tpu.memory_space<vmem>>, vector<1x16xf32>,
        %swap3A_1356 = vector.shape_cast %swap3A_1355 : vector<1x16xf32> to vector<16xf32>
        %swap3A_1357 = vector.shape_cast %mul3A_1348 : vector<16xf32> to vector<1x16xf32>
        tpu.vector_store %arg10[%swap3A_1353, %swap3A_1354], %swap3A_1357 {strides = array<i32>} : memref<128x128xf32, #tpu.memory_space<vmem>>, vector<1x16xf32>,
        %mul3A_1358 = arith.constant 16 : i32
        %mul3A_1359 = arith.muli %add3A_60, %mul3A_1358 : i32
        %add3A_1360 = arith.constant 8 : i32
        %add3A_1361 = arith.addi %mul3A_1359, %add3A_1360 : i32
        %get3A_1362 = arith.index_cast %add3A_1361 : i32 to index
        %get3A_1363 = arith.constant 96 : index
        %get3A_1364 = tpu.vector_load %arg10[%get3A_1362, %get3A_1363] {strides = array<i32>} : memref<128x128xf32, #tpu.memory_space<vmem>>, vector<1x16xf32>,
        %get3A_1365 = vector.shape_cast %get3A_1364 : vector<1x16xf32> to vector<16xf32>
        %mul3A_1366 = arith.mulf %get3A_1365, %gather3A_1249 : vector<16xf32>
        %mul3A_1367 = arith.constant 16 : i32
        %mul3A_1368 = arith.muli %add3A_60, %mul3A_1367 : i32
        %add3A_1369 = arith.constant 8 : i32
        %add3A_1370 = arith.addi %mul3A_1368, %add3A_1369 : i32
        %swap3A_1371 = arith.index_cast %add3A_1370 : i32 to index
        %swap3A_1372 = arith.constant 96 : index
        %swap3A_1373 = tpu.vector_load %arg10[%swap3A_1371, %swap3A_1372] {strides = array<i32>} : memref<128x128xf32, #tpu.memory_space<vmem>>, vector<1x16xf32>,
        %swap3A_1374 = vector.shape_cast %swap3A_1373 : vector<1x16xf32> to vector<16xf32>
        %swap3A_1375 = vector.shape_cast %mul3A_1366 : vector<16xf32> to vector<1x16xf32>
        tpu.vector_store %arg10[%swap3A_1371, %swap3A_1372], %swap3A_1375 {strides = array<i32>} : memref<128x128xf32, #tpu.memory_space<vmem>>, vector<1x16xf32>,
        %mul3A_1376 = arith.constant 16 : i32
        %mul3A_1377 = arith.muli %add3A_60, %mul3A_1376 : i32
        %add3A_1378 = arith.constant 8 : i32
        %add3A_1379 = arith.addi %mul3A_1377, %add3A_1378 : i32
        %get3A_1380 = arith.index_cast %add3A_1379 : i32 to index
        %get3A_1381 = arith.constant 112 : index
        %get3A_1382 = tpu.vector_load %arg10[%get3A_1380, %get3A_1381] {strides = array<i32>} : memref<128x128xf32, #tpu.memory_space<vmem>>, vector<1x16xf32>,
        %get3A_1383 = vector.shape_cast %get3A_1382 : vector<1x16xf32> to vector<16xf32>
        %mul3A_1384 = arith.mulf %get3A_1383, %gather3A_1249 : vector<16xf32>
        %mul3A_1385 = arith.constant 16 : i32
        %mul3A_1386 = arith.muli %add3A_60, %mul3A_1385 : i32
        %add3A_1387 = arith.constant 8 : i32
        %add3A_1388 = arith.addi %mul3A_1386, %add3A_1387 : i32
        %swap3A_1389 = arith.index_cast %add3A_1388 : i32 to index
        %swap3A_1390 = arith.constant 112 : index
        %swap3A_1391 = tpu.vector_load %arg10[%swap3A_1389, %swap3A_1390] {strides = array<i32>} : memref<128x128xf32, #tpu.memory_space<vmem>>, vector<1x16xf32>,
        %swap3A_1392 = vector.shape_cast %swap3A_1391 : vector<1x16xf32> to vector<16xf32>
        %swap3A_1393 = vector.shape_cast %mul3A_1384 : vector<16xf32> to vector<1x16xf32>
        tpu.vector_store %arg10[%swap3A_1389, %swap3A_1390], %swap3A_1393 {strides = array<i32>} : memref<128x128xf32, #tpu.memory_space<vmem>>, vector<1x16xf32>,
        %broadcast_in_dim3A_1394 = arith.constant 9 : i32
        %broadcast_in_dim3A_1395 = vector.broadcast %broadcast_in_dim3A_1394 : i32 to vector<16x1xi32>
        %gather3A_1396 = vector.shape_cast %broadcast_in_dim3A_1395 : vector<16x1xi32> to vector<16xi32>
        %gather3A_1397 = tpu.dynamic_gather %get3A_64[%gather3A_1396] in [0] : vector<16xf32>, vector<16xi32> -> vector<16xf32>
        %mul3A_1398 = arith.constant 16 : i32
        %mul3A_1399 = arith.muli %add3A_60, %mul3A_1398 : i32
        %add3A_1400 = arith.constant 9 : i32
        %add3A_1401 = arith.addi %mul3A_1399, %add3A_1400 : i32
        %get3A_1402 = arith.index_cast %add3A_1401 : i32 to index
        %get3A_1403 = arith.constant 0 : index
        %get3A_1404 = tpu.vector_load %arg10[%get3A_1402, %get3A_1403] {strides = array<i32>} : memref<128x128xf32, #tpu.memory_space<vmem>>, vector<1x16xf32>,
        %get3A_1405 = vector.shape_cast %get3A_1404 : vector<1x16xf32> to vector<16xf32>
        %mul3A_1406 = arith.mulf %get3A_1405, %gather3A_1397 : vector<16xf32>
        %mul3A_1407 = arith.constant 16 : i32
        %mul3A_1408 = arith.muli %add3A_60, %mul3A_1407 : i32
        %add3A_1409 = arith.constant 9 : i32
        %add3A_1410 = arith.addi %mul3A_1408, %add3A_1409 : i32
        %swap3A_1411 = arith.index_cast %add3A_1410 : i32 to index
        %swap3A_1412 = arith.constant 0 : index
        %swap3A_1413 = tpu.vector_load %arg10[%swap3A_1411, %swap3A_1412] {strides = array<i32>} : memref<128x128xf32, #tpu.memory_space<vmem>>, vector<1x16xf32>,
        %swap3A_1414 = vector.shape_cast %swap3A_1413 : vector<1x16xf32> to vector<16xf32>
        %swap3A_1415 = vector.shape_cast %mul3A_1406 : vector<16xf32> to vector<1x16xf32>
        tpu.vector_store %arg10[%swap3A_1411, %swap3A_1412], %swap3A_1415 {strides = array<i32>} : memref<128x128xf32, #tpu.memory_space<vmem>>, vector<1x16xf32>,
        %mul3A_1416 = arith.constant 16 : i32
        %mul3A_1417 = arith.muli %add3A_60, %mul3A_1416 : i32
        %add3A_1418 = arith.constant 9 : i32
        %add3A_1419 = arith.addi %mul3A_1417, %add3A_1418 : i32
        %get3A_1420 = arith.index_cast %add3A_1419 : i32 to index
        %get3A_1421 = arith.constant 16 : index
        %get3A_1422 = tpu.vector_load %arg10[%get3A_1420, %get3A_1421] {strides = array<i32>} : memref<128x128xf32, #tpu.memory_space<vmem>>, vector<1x16xf32>,
        %get3A_1423 = vector.shape_cast %get3A_1422 : vector<1x16xf32> to vector<16xf32>
        %mul3A_1424 = arith.mulf %get3A_1423, %gather3A_1397 : vector<16xf32>
        %mul3A_1425 = arith.constant 16 : i32
        %mul3A_1426 = arith.muli %add3A_60, %mul3A_1425 : i32
        %add3A_1427 = arith.constant 9 : i32
        %add3A_1428 = arith.addi %mul3A_1426, %add3A_1427 : i32
        %swap3A_1429 = arith.index_cast %add3A_1428 : i32 to index
        %swap3A_1430 = arith.constant 16 : index
        %swap3A_1431 = tpu.vector_load %arg10[%swap3A_1429, %swap3A_1430] {strides = array<i32>} : memref<128x128xf32, #tpu.memory_space<vmem>>, vector<1x16xf32>,
        %swap3A_1432 = vector.shape_cast %swap3A_1431 : vector<1x16xf32> to vector<16xf32>
        %swap3A_1433 = vector.shape_cast %mul3A_1424 : vector<16xf32> to vector<1x16xf32>
        tpu.vector_store %arg10[%swap3A_1429, %swap3A_1430], %swap3A_1433 {strides = array<i32>} : memref<128x128xf32, #tpu.memory_space<vmem>>, vector<1x16xf32>,
        %mul3A_1434 = arith.constant 16 : i32
        %mul3A_1435 = arith.muli %add3A_60, %mul3A_1434 : i32
        %add3A_1436 = arith.constant 9 : i32
        %add3A_1437 = arith.addi %mul3A_1435, %add3A_1436 : i32
        %get3A_1438 = arith.index_cast %add3A_1437 : i32 to index
        %get3A_1439 = arith.constant 32 : index
        %get3A_1440 = tpu.vector_load %arg10[%get3A_1438, %get3A_1439] {strides = array<i32>} : memref<128x128xf32, #tpu.memory_space<vmem>>, vector<1x16xf32>,
        %get3A_1441 = vector.shape_cast %get3A_1440 : vector<1x16xf32> to vector<16xf32>
        %mul3A_1442 = arith.mulf %get3A_1441, %gather3A_1397 : vector<16xf32>
        %mul3A_1443 = arith.constant 16 : i32
        %mul3A_1444 = arith.muli %add3A_60, %mul3A_1443 : i32
        %add3A_1445 = arith.constant 9 : i32
        %add3A_1446 = arith.addi %mul3A_1444, %add3A_1445 : i32
        %swap3A_1447 = arith.index_cast %add3A_1446 : i32 to index
        %swap3A_1448 = arith.constant 32 : index
        %swap3A_1449 = tpu.vector_load %arg10[%swap3A_1447, %swap3A_1448] {strides = array<i32>} : memref<128x128xf32, #tpu.memory_space<vmem>>, vector<1x16xf32>,
        %swap3A_1450 = vector.shape_cast %swap3A_1449 : vector<1x16xf32> to vector<16xf32>
        %swap3A_1451 = vector.shape_cast %mul3A_1442 : vector<16xf32> to vector<1x16xf32>
        tpu.vector_store %arg10[%swap3A_1447, %swap3A_1448], %swap3A_1451 {strides = array<i32>} : memref<128x128xf32, #tpu.memory_space<vmem>>, vector<1x16xf32>,
        %mul3A_1452 = arith.constant 16 : i32
        %mul3A_1453 = arith.muli %add3A_60, %mul3A_1452 : i32
        %add3A_1454 = arith.constant 9 : i32
        %add3A_1455 = arith.addi %mul3A_1453, %add3A_1454 : i32
        %get3A_1456 = arith.index_cast %add3A_1455 : i32 to index
        %get3A_1457 = arith.constant 48 : index
        %get3A_1458 = tpu.vector_load %arg10[%get3A_1456, %get3A_1457] {strides = array<i32>} : memref<128x128xf32, #tpu.memory_space<vmem>>, vector<1x16xf32>,
        %get3A_1459 = vector.shape_cast %get3A_1458 : vector<1x16xf32> to vector<16xf32>
        %mul3A_1460 = arith.mulf %get3A_1459, %gather3A_1397 : vector<16xf32>
        %mul3A_1461 = arith.constant 16 : i32
        %mul3A_1462 = arith.muli %add3A_60, %mul3A_1461 : i32
        %add3A_1463 = arith.constant 9 : i32
        %add3A_1464 = arith.addi %mul3A_1462, %add3A_1463 : i32
        %swap3A_1465 = arith.index_cast %add3A_1464 : i32 to index
        %swap3A_1466 = arith.constant 48 : index
        %swap3A_1467 = tpu.vector_load %arg10[%swap3A_1465, %swap3A_1466] {strides = array<i32>} : memref<128x128xf32, #tpu.memory_space<vmem>>, vector<1x16xf32>,
        %swap3A_1468 = vector.shape_cast %swap3A_1467 : vector<1x16xf32> to vector<16xf32>
        %swap3A_1469 = vector.shape_cast %mul3A_1460 : vector<16xf32> to vector<1x16xf32>
        tpu.vector_store %arg10[%swap3A_1465, %swap3A_1466], %swap3A_1469 {strides = array<i32>} : memref<128x128xf32, #tpu.memory_space<vmem>>, vector<1x16xf32>,
        %mul3A_1470 = arith.constant 16 : i32
        %mul3A_1471 = arith.muli %add3A_60, %mul3A_1470 : i32
        %add3A_1472 = arith.constant 9 : i32
        %add3A_1473 = arith.addi %mul3A_1471, %add3A_1472 : i32
        %get3A_1474 = arith.index_cast %add3A_1473 : i32 to index
        %get3A_1475 = arith.constant 64 : index
        %get3A_1476 = tpu.vector_load %arg10[%get3A_1474, %get3A_1475] {strides = array<i32>} : memref<128x128xf32, #tpu.memory_space<vmem>>, vector<1x16xf32>,
        %get3A_1477 = vector.shape_cast %get3A_1476 : vector<1x16xf32> to vector<16xf32>
        %mul3A_1478 = arith.mulf %get3A_1477, %gather3A_1397 : vector<16xf32>
        %mul3A_1479 = arith.constant 16 : i32
        %mul3A_1480 = arith.muli %add3A_60, %mul3A_1479 : i32
        %add3A_1481 = arith.constant 9 : i32
        %add3A_1482 = arith.addi %mul3A_1480, %add3A_1481 : i32
        %swap3A_1483 = arith.index_cast %add3A_1482 : i32 to index
        %swap3A_1484 = arith.constant 64 : index
        %swap3A_1485 = tpu.vector_load %arg10[%swap3A_1483, %swap3A_1484] {strides = array<i32>} : memref<128x128xf32, #tpu.memory_space<vmem>>, vector<1x16xf32>,
        %swap3A_1486 = vector.shape_cast %swap3A_1485 : vector<1x16xf32> to vector<16xf32>
        %swap3A_1487 = vector.shape_cast %mul3A_1478 : vector<16xf32> to vector<1x16xf32>
        tpu.vector_store %arg10[%swap3A_1483, %swap3A_1484], %swap3A_1487 {strides = array<i32>} : memref<128x128xf32, #tpu.memory_space<vmem>>, vector<1x16xf32>,
        %mul3A_1488 = arith.constant 16 : i32
        %mul3A_1489 = arith.muli %add3A_60, %mul3A_1488 : i32
        %add3A_1490 = arith.constant 9 : i32
        %add3A_1491 = arith.addi %mul3A_1489, %add3A_1490 : i32
        %get3A_1492 = arith.index_cast %add3A_1491 : i32 to index
        %get3A_1493 = arith.constant 80 : index
        %get3A_1494 = tpu.vector_load %arg10[%get3A_1492, %get3A_1493] {strides = array<i32>} : memref<128x128xf32, #tpu.memory_space<vmem>>, vector<1x16xf32>,
        %get3A_1495 = vector.shape_cast %get3A_1494 : vector<1x16xf32> to vector<16xf32>
        %mul3A_1496 = arith.mulf %get3A_1495, %gather3A_1397 : vector<16xf32>
        %mul3A_1497 = arith.constant 16 : i32
        %mul3A_1498 = arith.muli %add3A_60, %mul3A_1497 : i32
        %add3A_1499 = arith.constant 9 : i32
        %add3A_1500 = arith.addi %mul3A_1498, %add3A_1499 : i32
        %swap3A_1501 = arith.index_cast %add3A_1500 : i32 to index
        %swap3A_1502 = arith.constant 80 : index
        %swap3A_1503 = tpu.vector_load %arg10[%swap3A_1501, %swap3A_1502] {strides = array<i32>} : memref<128x128xf32, #tpu.memory_space<vmem>>, vector<1x16xf32>,
        %swap3A_1504 = vector.shape_cast %swap3A_1503 : vector<1x16xf32> to vector<16xf32>
        %swap3A_1505 = vector.shape_cast %mul3A_1496 : vector<16xf32> to vector<1x16xf32>
        tpu.vector_store %arg10[%swap3A_1501, %swap3A_1502], %swap3A_1505 {strides = array<i32>} : memref<128x128xf32, #tpu.memory_space<vmem>>, vector<1x16xf32>,
        %mul3A_1506 = arith.constant 16 : i32
        %mul3A_1507 = arith.muli %add3A_60, %mul3A_1506 : i32
        %add3A_1508 = arith.constant 9 : i32
        %add3A_1509 = arith.addi %mul3A_1507, %add3A_1508 : i32
        %get3A_1510 = arith.index_cast %add3A_1509 : i32 to index
        %get3A_1511 = arith.constant 96 : index
        %get3A_1512 = tpu.vector_load %arg10[%get3A_1510, %get3A_1511] {strides = array<i32>} : memref<128x128xf32, #tpu.memory_space<vmem>>, vector<1x16xf32>,
        %get3A_1513 = vector.shape_cast %get3A_1512 : vector<1x16xf32> to vector<16xf32>
        %mul3A_1514 = arith.mulf %get3A_1513, %gather3A_1397 : vector<16xf32>
        %mul3A_1515 = arith.constant 16 : i32
        %mul3A_1516 = arith.muli %add3A_60, %mul3A_1515 : i32
        %add3A_1517 = arith.constant 9 : i32
        %add3A_1518 = arith.addi %mul3A_1516, %add3A_1517 : i32
        %swap3A_1519 = arith.index_cast %add3A_1518 : i32 to index
        %swap3A_1520 = arith.constant 96 : index
        %swap3A_1521 = tpu.vector_load %arg10[%swap3A_1519, %swap3A_1520] {strides = array<i32>} : memref<128x128xf32, #tpu.memory_space<vmem>>, vector<1x16xf32>,
        %swap3A_1522 = vector.shape_cast %swap3A_1521 : vector<1x16xf32> to vector<16xf32>
        %swap3A_1523 = vector.shape_cast %mul3A_1514 : vector<16xf32> to vector<1x16xf32>
        tpu.vector_store %arg10[%swap3A_1519, %swap3A_1520], %swap3A_1523 {strides = array<i32>} : memref<128x128xf32, #tpu.memory_space<vmem>>, vector<1x16xf32>,
        %mul3A_1524 = arith.constant 16 : i32
        %mul3A_1525 = arith.muli %add3A_60, %mul3A_1524 : i32
        %add3A_1526 = arith.constant 9 : i32
        %add3A_1527 = arith.addi %mul3A_1525, %add3A_1526 : i32
        %get3A_1528 = arith.index_cast %add3A_1527 : i32 to index
        %get3A_1529 = arith.constant 112 : index
        %get3A_1530 = tpu.vector_load %arg10[%get3A_1528, %get3A_1529] {strides = array<i32>} : memref<128x128xf32, #tpu.memory_space<vmem>>, vector<1x16xf32>,
        %get3A_1531 = vector.shape_cast %get3A_1530 : vector<1x16xf32> to vector<16xf32>
        %mul3A_1532 = arith.mulf %get3A_1531, %gather3A_1397 : vector<16xf32>
        %mul3A_1533 = arith.constant 16 : i32
        %mul3A_1534 = arith.muli %add3A_60, %mul3A_1533 : i32
        %add3A_1535 = arith.constant 9 : i32
        %add3A_1536 = arith.addi %mul3A_1534, %add3A_1535 : i32
        %swap3A_1537 = arith.index_cast %add3A_1536 : i32 to index
        %swap3A_1538 = arith.constant 112 : index
        %swap3A_1539 = tpu.vector_load %arg10[%swap3A_1537, %swap3A_1538] {strides = array<i32>} : memref<128x128xf32, #tpu.memory_space<vmem>>, vector<1x16xf32>,
        %swap3A_1540 = vector.shape_cast %swap3A_1539 : vector<1x16xf32> to vector<16xf32>
        %swap3A_1541 = vector.shape_cast %mul3A_1532 : vector<16xf32> to vector<1x16xf32>
        tpu.vector_store %arg10[%swap3A_1537, %swap3A_1538], %swap3A_1541 {strides = array<i32>} : memref<128x128xf32, #tpu.memory_space<vmem>>, vector<1x16xf32>,
        %broadcast_in_dim3A_1542 = arith.constant 10 : i32
        %broadcast_in_dim3A_1543 = vector.broadcast %broadcast_in_dim3A_1542 : i32 to vector<16x1xi32>
        %gather3A_1544 = vector.shape_cast %broadcast_in_dim3A_1543 : vector<16x1xi32> to vector<16xi32>
        %gather3A_1545 = tpu.dynamic_gather %get3A_64[%gather3A_1544] in [0] : vector<16xf32>, vector<16xi32> -> vector<16xf32>
        %mul3A_1546 = arith.constant 16 : i32
        %mul3A_1547 = arith.muli %add3A_60, %mul3A_1546 : i32
        %add3A_1548 = arith.constant 10 : i32
        %add3A_1549 = arith.addi %mul3A_1547, %add3A_1548 : i32
        %get3A_1550 = arith.index_cast %add3A_1549 : i32 to index
        %get3A_1551 = arith.constant 0 : index
        %get3A_1552 = tpu.vector_load %arg10[%get3A_1550, %get3A_1551] {strides = array<i32>} : memref<128x128xf32, #tpu.memory_space<vmem>>, vector<1x16xf32>,
        %get3A_1553 = vector.shape_cast %get3A_1552 : vector<1x16xf32> to vector<16xf32>
        %mul3A_1554 = arith.mulf %get3A_1553, %gather3A_1545 : vector<16xf32>
        %mul3A_1555 = arith.constant 16 : i32
        %mul3A_1556 = arith.muli %add3A_60, %mul3A_1555 : i32
        %add3A_1557 = arith.constant 10 : i32
        %add3A_1558 = arith.addi %mul3A_1556, %add3A_1557 : i32
        %swap3A_1559 = arith.index_cast %add3A_1558 : i32 to index
        %swap3A_1560 = arith.constant 0 : index
        %swap3A_1561 = tpu.vector_load %arg10[%swap3A_1559, %swap3A_1560] {strides = array<i32>} : memref<128x128xf32, #tpu.memory_space<vmem>>, vector<1x16xf32>,
        %swap3A_1562 = vector.shape_cast %swap3A_1561 : vector<1x16xf32> to vector<16xf32>
        %swap3A_1563 = vector.shape_cast %mul3A_1554 : vector<16xf32> to vector<1x16xf32>
        tpu.vector_store %arg10[%swap3A_1559, %swap3A_1560], %swap3A_1563 {strides = array<i32>} : memref<128x128xf32, #tpu.memory_space<vmem>>, vector<1x16xf32>,
        %mul3A_1564 = arith.constant 16 : i32
        %mul3A_1565 = arith.muli %add3A_60, %mul3A_1564 : i32
        %add3A_1566 = arith.constant 10 : i32
        %add3A_1567 = arith.addi %mul3A_1565, %add3A_1566 : i32
        %get3A_1568 = arith.index_cast %add3A_1567 : i32 to index
        %get3A_1569 = arith.constant 16 : index
        %get3A_1570 = tpu.vector_load %arg10[%get3A_1568, %get3A_1569] {strides = array<i32>} : memref<128x128xf32, #tpu.memory_space<vmem>>, vector<1x16xf32>,
        %get3A_1571 = vector.shape_cast %get3A_1570 : vector<1x16xf32> to vector<16xf32>
        %mul3A_1572 = arith.mulf %get3A_1571, %gather3A_1545 : vector<16xf32>
        %mul3A_1573 = arith.constant 16 : i32
        %mul3A_1574 = arith.muli %add3A_60, %mul3A_1573 : i32
        %add3A_1575 = arith.constant 10 : i32
        %add3A_1576 = arith.addi %mul3A_1574, %add3A_1575 : i32
        %swap3A_1577 = arith.index_cast %add3A_1576 : i32 to index
        %swap3A_1578 = arith.constant 16 : index
        %swap3A_1579 = tpu.vector_load %arg10[%swap3A_1577, %swap3A_1578] {strides = array<i32>} : memref<128x128xf32, #tpu.memory_space<vmem>>, vector<1x16xf32>,
        %swap3A_1580 = vector.shape_cast %swap3A_1579 : vector<1x16xf32> to vector<16xf32>
        %swap3A_1581 = vector.shape_cast %mul3A_1572 : vector<16xf32> to vector<1x16xf32>
        tpu.vector_store %arg10[%swap3A_1577, %swap3A_1578], %swap3A_1581 {strides = array<i32>} : memref<128x128xf32, #tpu.memory_space<vmem>>, vector<1x16xf32>,
        %mul3A_1582 = arith.constant 16 : i32
        %mul3A_1583 = arith.muli %add3A_60, %mul3A_1582 : i32
        %add3A_1584 = arith.constant 10 : i32
        %add3A_1585 = arith.addi %mul3A_1583, %add3A_1584 : i32
        %get3A_1586 = arith.index_cast %add3A_1585 : i32 to index
        %get3A_1587 = arith.constant 32 : index
        %get3A_1588 = tpu.vector_load %arg10[%get3A_1586, %get3A_1587] {strides = array<i32>} : memref<128x128xf32, #tpu.memory_space<vmem>>, vector<1x16xf32>,
        %get3A_1589 = vector.shape_cast %get3A_1588 : vector<1x16xf32> to vector<16xf32>
        %mul3A_1590 = arith.mulf %get3A_1589, %gather3A_1545 : vector<16xf32>
        %mul3A_1591 = arith.constant 16 : i32
        %mul3A_1592 = arith.muli %add3A_60, %mul3A_1591 : i32
        %add3A_1593 = arith.constant 10 : i32
        %add3A_1594 = arith.addi %mul3A_1592, %add3A_1593 : i32
        %swap3A_1595 = arith.index_cast %add3A_1594 : i32 to index
        %swap3A_1596 = arith.constant 32 : index
        %swap3A_1597 = tpu.vector_load %arg10[%swap3A_1595, %swap3A_1596] {strides = array<i32>} : memref<128x128xf32, #tpu.memory_space<vmem>>, vector<1x16xf32>,
        %swap3A_1598 = vector.shape_cast %swap3A_1597 : vector<1x16xf32> to vector<16xf32>
        %swap3A_1599 = vector.shape_cast %mul3A_1590 : vector<16xf32> to vector<1x16xf32>
        tpu.vector_store %arg10[%swap3A_1595, %swap3A_1596], %swap3A_1599 {strides = array<i32>} : memref<128x128xf32, #tpu.memory_space<vmem>>, vector<1x16xf32>,
        %mul3A_1600 = arith.constant 16 : i32
        %mul3A_1601 = arith.muli %add3A_60, %mul3A_1600 : i32
        %add3A_1602 = arith.constant 10 : i32
        %add3A_1603 = arith.addi %mul3A_1601, %add3A_1602 : i32
        %get3A_1604 = arith.index_cast %add3A_1603 : i32 to index
        %get3A_1605 = arith.constant 48 : index
        %get3A_1606 = tpu.vector_load %arg10[%get3A_1604, %get3A_1605] {strides = array<i32>} : memref<128x128xf32, #tpu.memory_space<vmem>>, vector<1x16xf32>,
        %get3A_1607 = vector.shape_cast %get3A_1606 : vector<1x16xf32> to vector<16xf32>
        %mul3A_1608 = arith.mulf %get3A_1607, %gather3A_1545 : vector<16xf32>
        %mul3A_1609 = arith.constant 16 : i32
        %mul3A_1610 = arith.muli %add3A_60, %mul3A_1609 : i32
        %add3A_1611 = arith.constant 10 : i32
        %add3A_1612 = arith.addi %mul3A_1610, %add3A_1611 : i32
        %swap3A_1613 = arith.index_cast %add3A_1612 : i32 to index
        %swap3A_1614 = arith.constant 48 : index
        %swap3A_1615 = tpu.vector_load %arg10[%swap3A_1613, %swap3A_1614] {strides = array<i32>} : memref<128x128xf32, #tpu.memory_space<vmem>>, vector<1x16xf32>,
        %swap3A_1616 = vector.shape_cast %swap3A_1615 : vector<1x16xf32> to vector<16xf32>
        %swap3A_1617 = vector.shape_cast %mul3A_1608 : vector<16xf32> to vector<1x16xf32>
        tpu.vector_store %arg10[%swap3A_1613, %swap3A_1614], %swap3A_1617 {strides = array<i32>} : memref<128x128xf32, #tpu.memory_space<vmem>>, vector<1x16xf32>,
        %mul3A_1618 = arith.constant 16 : i32
        %mul3A_1619 = arith.muli %add3A_60, %mul3A_1618 : i32
        %add3A_1620 = arith.constant 10 : i32
        %add3A_1621 = arith.addi %mul3A_1619, %add3A_1620 : i32
        %get3A_1622 = arith.index_cast %add3A_1621 : i32 to index
        %get3A_1623 = arith.constant 64 : index
        %get3A_1624 = tpu.vector_load %arg10[%get3A_1622, %get3A_1623] {strides = array<i32>} : memref<128x128xf32, #tpu.memory_space<vmem>>, vector<1x16xf32>,
        %get3A_1625 = vector.shape_cast %get3A_1624 : vector<1x16xf32> to vector<16xf32>
        %mul3A_1626 = arith.mulf %get3A_1625, %gather3A_1545 : vector<16xf32>
        %mul3A_1627 = arith.constant 16 : i32
        %mul3A_1628 = arith.muli %add3A_60, %mul3A_1627 : i32
        %add3A_1629 = arith.constant 10 : i32
        %add3A_1630 = arith.addi %mul3A_1628, %add3A_1629 : i32
        %swap3A_1631 = arith.index_cast %add3A_1630 : i32 to index
        %swap3A_1632 = arith.constant 64 : index
        %swap3A_1633 = tpu.vector_load %arg10[%swap3A_1631, %swap3A_1632] {strides = array<i32>} : memref<128x128xf32, #tpu.memory_space<vmem>>, vector<1x16xf32>,
        %swap3A_1634 = vector.shape_cast %swap3A_1633 : vector<1x16xf32> to vector<16xf32>
        %swap3A_1635 = vector.shape_cast %mul3A_1626 : vector<16xf32> to vector<1x16xf32>
        tpu.vector_store %arg10[%swap3A_1631, %swap3A_1632], %swap3A_1635 {strides = array<i32>} : memref<128x128xf32, #tpu.memory_space<vmem>>, vector<1x16xf32>,
        %mul3A_1636 = arith.constant 16 : i32
        %mul3A_1637 = arith.muli %add3A_60, %mul3A_1636 : i32
        %add3A_1638 = arith.constant 10 : i32
        %add3A_1639 = arith.addi %mul3A_1637, %add3A_1638 : i32
        %get3A_1640 = arith.index_cast %add3A_1639 : i32 to index
        %get3A_1641 = arith.constant 80 : index
        %get3A_1642 = tpu.vector_load %arg10[%get3A_1640, %get3A_1641] {strides = array<i32>} : memref<128x128xf32, #tpu.memory_space<vmem>>, vector<1x16xf32>,
        %get3A_1643 = vector.shape_cast %get3A_1642 : vector<1x16xf32> to vector<16xf32>
        %mul3A_1644 = arith.mulf %get3A_1643, %gather3A_1545 : vector<16xf32>
        %mul3A_1645 = arith.constant 16 : i32
        %mul3A_1646 = arith.muli %add3A_60, %mul3A_1645 : i32
        %add3A_1647 = arith.constant 10 : i32
        %add3A_1648 = arith.addi %mul3A_1646, %add3A_1647 : i32
        %swap3A_1649 = arith.index_cast %add3A_1648 : i32 to index
        %swap3A_1650 = arith.constant 80 : index
        %swap3A_1651 = tpu.vector_load %arg10[%swap3A_1649, %swap3A_1650] {strides = array<i32>} : memref<128x128xf32, #tpu.memory_space<vmem>>, vector<1x16xf32>,
        %swap3A_1652 = vector.shape_cast %swap3A_1651 : vector<1x16xf32> to vector<16xf32>
        %swap3A_1653 = vector.shape_cast %mul3A_1644 : vector<16xf32> to vector<1x16xf32>
        tpu.vector_store %arg10[%swap3A_1649, %swap3A_1650], %swap3A_1653 {strides = array<i32>} : memref<128x128xf32, #tpu.memory_space<vmem>>, vector<1x16xf32>,
        %mul3A_1654 = arith.constant 16 : i32
        %mul3A_1655 = arith.muli %add3A_60, %mul3A_1654 : i32
        %add3A_1656 = arith.constant 10 : i32
        %add3A_1657 = arith.addi %mul3A_1655, %add3A_1656 : i32
        %get3A_1658 = arith.index_cast %add3A_1657 : i32 to index
        %get3A_1659 = arith.constant 96 : index
        %get3A_1660 = tpu.vector_load %arg10[%get3A_1658, %get3A_1659] {strides = array<i32>} : memref<128x128xf32, #tpu.memory_space<vmem>>, vector<1x16xf32>,
        %get3A_1661 = vector.shape_cast %get3A_1660 : vector<1x16xf32> to vector<16xf32>
        %mul3A_1662 = arith.mulf %get3A_1661, %gather3A_1545 : vector<16xf32>
        %mul3A_1663 = arith.constant 16 : i32
        %mul3A_1664 = arith.muli %add3A_60, %mul3A_1663 : i32
        %add3A_1665 = arith.constant 10 : i32
        %add3A_1666 = arith.addi %mul3A_1664, %add3A_1665 : i32
        %swap3A_1667 = arith.index_cast %add3A_1666 : i32 to index
        %swap3A_1668 = arith.constant 96 : index
        %swap3A_1669 = tpu.vector_load %arg10[%swap3A_1667, %swap3A_1668] {strides = array<i32>} : memref<128x128xf32, #tpu.memory_space<vmem>>, vector<1x16xf32>,
        %swap3A_1670 = vector.shape_cast %swap3A_1669 : vector<1x16xf32> to vector<16xf32>
        %swap3A_1671 = vector.shape_cast %mul3A_1662 : vector<16xf32> to vector<1x16xf32>
        tpu.vector_store %arg10[%swap3A_1667, %swap3A_1668], %swap3A_1671 {strides = array<i32>} : memref<128x128xf32, #tpu.memory_space<vmem>>, vector<1x16xf32>,
        %mul3A_1672 = arith.constant 16 : i32
        %mul3A_1673 = arith.muli %add3A_60, %mul3A_1672 : i32
        %add3A_1674 = arith.constant 10 : i32
        %add3A_1675 = arith.addi %mul3A_1673, %add3A_1674 : i32
        %get3A_1676 = arith.index_cast %add3A_1675 : i32 to index
        %get3A_1677 = arith.constant 112 : index
        %get3A_1678 = tpu.vector_load %arg10[%get3A_1676, %get3A_1677] {strides = array<i32>} : memref<128x128xf32, #tpu.memory_space<vmem>>, vector<1x16xf32>,
        %get3A_1679 = vector.shape_cast %get3A_1678 : vector<1x16xf32> to vector<16xf32>
        %mul3A_1680 = arith.mulf %get3A_1679, %gather3A_1545 : vector<16xf32>
        %mul3A_1681 = arith.constant 16 : i32
        %mul3A_1682 = arith.muli %add3A_60, %mul3A_1681 : i32
        %add3A_1683 = arith.constant 10 : i32
        %add3A_1684 = arith.addi %mul3A_1682, %add3A_1683 : i32
        %swap3A_1685 = arith.index_cast %add3A_1684 : i32 to index
        %swap3A_1686 = arith.constant 112 : index
        %swap3A_1687 = tpu.vector_load %arg10[%swap3A_1685, %swap3A_1686] {strides = array<i32>} : memref<128x128xf32, #tpu.memory_space<vmem>>, vector<1x16xf32>,
        %swap3A_1688 = vector.shape_cast %swap3A_1687 : vector<1x16xf32> to vector<16xf32>
        %swap3A_1689 = vector.shape_cast %mul3A_1680 : vector<16xf32> to vector<1x16xf32>
        tpu.vector_store %arg10[%swap3A_1685, %swap3A_1686], %swap3A_1689 {strides = array<i32>} : memref<128x128xf32, #tpu.memory_space<vmem>>, vector<1x16xf32>,
        %broadcast_in_dim3A_1690 = arith.constant 11 : i32
        %broadcast_in_dim3A_1691 = vector.broadcast %broadcast_in_dim3A_1690 : i32 to vector<16x1xi32>
        %gather3A_1692 = vector.shape_cast %broadcast_in_dim3A_1691 : vector<16x1xi32> to vector<16xi32>
        %gather3A_1693 = tpu.dynamic_gather %get3A_64[%gather3A_1692] in [0] : vector<16xf32>, vector<16xi32> -> vector<16xf32>
        %mul3A_1694 = arith.constant 16 : i32
        %mul3A_1695 = arith.muli %add3A_60, %mul3A_1694 : i32
        %add3A_1696 = arith.constant 11 : i32
        %add3A_1697 = arith.addi %mul3A_1695, %add3A_1696 : i32
        %get3A_1698 = arith.index_cast %add3A_1697 : i32 to index
        %get3A_1699 = arith.constant 0 : index
        %get3A_1700 = tpu.vector_load %arg10[%get3A_1698, %get3A_1699] {strides = array<i32>} : memref<128x128xf32, #tpu.memory_space<vmem>>, vector<1x16xf32>,
        %get3A_1701 = vector.shape_cast %get3A_1700 : vector<1x16xf32> to vector<16xf32>
        %mul3A_1702 = arith.mulf %get3A_1701, %gather3A_1693 : vector<16xf32>
        %mul3A_1703 = arith.constant 16 : i32
        %mul3A_1704 = arith.muli %add3A_60, %mul3A_1703 : i32
        %add3A_1705 = arith.constant 11 : i32
        %add3A_1706 = arith.addi %mul3A_1704, %add3A_1705 : i32
        %swap3A_1707 = arith.index_cast %add3A_1706 : i32 to index
        %swap3A_1708 = arith.constant 0 : index
        %swap3A_1709 = tpu.vector_load %arg10[%swap3A_1707, %swap3A_1708] {strides = array<i32>} : memref<128x128xf32, #tpu.memory_space<vmem>>, vector<1x16xf32>,
        %swap3A_1710 = vector.shape_cast %swap3A_1709 : vector<1x16xf32> to vector<16xf32>
        %swap3A_1711 = vector.shape_cast %mul3A_1702 : vector<16xf32> to vector<1x16xf32>
        tpu.vector_store %arg10[%swap3A_1707, %swap3A_1708], %swap3A_1711 {strides = array<i32>} : memref<128x128xf32, #tpu.memory_space<vmem>>, vector<1x16xf32>,
        %mul3A_1712 = arith.constant 16 : i32
        %mul3A_1713 = arith.muli %add3A_60, %mul3A_1712 : i32
        %add3A_1714 = arith.constant 11 : i32
        %add3A_1715 = arith.addi %mul3A_1713, %add3A_1714 : i32
        %get3A_1716 = arith.index_cast %add3A_1715 : i32 to index
        %get3A_1717 = arith.constant 16 : index
        %get3A_1718 = tpu.vector_load %arg10[%get3A_1716, %get3A_1717] {strides = array<i32>} : memref<128x128xf32, #tpu.memory_space<vmem>>, vector<1x16xf32>,
        %get3A_1719 = vector.shape_cast %get3A_1718 : vector<1x16xf32> to vector<16xf32>
        %mul3A_1720 = arith.mulf %get3A_1719, %gather3A_1693 : vector<16xf32>
        %mul3A_1721 = arith.constant 16 : i32
        %mul3A_1722 = arith.muli %add3A_60, %mul3A_1721 : i32
        %add3A_1723 = arith.constant 11 : i32
        %add3A_1724 = arith.addi %mul3A_1722, %add3A_1723 : i32
        %swap3A_1725 = arith.index_cast %add3A_1724 : i32 to index
        %swap3A_1726 = arith.constant 16 : index
        %swap3A_1727 = tpu.vector_load %arg10[%swap3A_1725, %swap3A_1726] {strides = array<i32>} : memref<128x128xf32, #tpu.memory_space<vmem>>, vector<1x16xf32>,
        %swap3A_1728 = vector.shape_cast %swap3A_1727 : vector<1x16xf32> to vector<16xf32>
        %swap3A_1729 = vector.shape_cast %mul3A_1720 : vector<16xf32> to vector<1x16xf32>
        tpu.vector_store %arg10[%swap3A_1725, %swap3A_1726], %swap3A_1729 {strides = array<i32>} : memref<128x128xf32, #tpu.memory_space<vmem>>, vector<1x16xf32>,
        %mul3A_1730 = arith.constant 16 : i32
        %mul3A_1731 = arith.muli %add3A_60, %mul3A_1730 : i32
        %add3A_1732 = arith.constant 11 : i32
        %add3A_1733 = arith.addi %mul3A_1731, %add3A_1732 : i32
        %get3A_1734 = arith.index_cast %add3A_1733 : i32 to index
        %get3A_1735 = arith.constant 32 : index
        %get3A_1736 = tpu.vector_load %arg10[%get3A_1734, %get3A_1735] {strides = array<i32>} : memref<128x128xf32, #tpu.memory_space<vmem>>, vector<1x16xf32>,
        %get3A_1737 = vector.shape_cast %get3A_1736 : vector<1x16xf32> to vector<16xf32>
        %mul3A_1738 = arith.mulf %get3A_1737, %gather3A_1693 : vector<16xf32>
        %mul3A_1739 = arith.constant 16 : i32
        %mul3A_1740 = arith.muli %add3A_60, %mul3A_1739 : i32
        %add3A_1741 = arith.constant 11 : i32
        %add3A_1742 = arith.addi %mul3A_1740, %add3A_1741 : i32
        %swap3A_1743 = arith.index_cast %add3A_1742 : i32 to index
        %swap3A_1744 = arith.constant 32 : index
        %swap3A_1745 = tpu.vector_load %arg10[%swap3A_1743, %swap3A_1744] {strides = array<i32>} : memref<128x128xf32, #tpu.memory_space<vmem>>, vector<1x16xf32>,
        %swap3A_1746 = vector.shape_cast %swap3A_1745 : vector<1x16xf32> to vector<16xf32>
        %swap3A_1747 = vector.shape_cast %mul3A_1738 : vector<16xf32> to vector<1x16xf32>
        tpu.vector_store %arg10[%swap3A_1743, %swap3A_1744], %swap3A_1747 {strides = array<i32>} : memref<128x128xf32, #tpu.memory_space<vmem>>, vector<1x16xf32>,
        %mul3A_1748 = arith.constant 16 : i32
        %mul3A_1749 = arith.muli %add3A_60, %mul3A_1748 : i32
        %add3A_1750 = arith.constant 11 : i32
        %add3A_1751 = arith.addi %mul3A_1749, %add3A_1750 : i32
        %get3A_1752 = arith.index_cast %add3A_1751 : i32 to index
        %get3A_1753 = arith.constant 48 : index
        %get3A_1754 = tpu.vector_load %arg10[%get3A_1752, %get3A_1753] {strides = array<i32>} : memref<128x128xf32, #tpu.memory_space<vmem>>, vector<1x16xf32>,
        %get3A_1755 = vector.shape_cast %get3A_1754 : vector<1x16xf32> to vector<16xf32>
        %mul3A_1756 = arith.mulf %get3A_1755, %gather3A_1693 : vector<16xf32>
        %mul3A_1757 = arith.constant 16 : i32
        %mul3A_1758 = arith.muli %add3A_60, %mul3A_1757 : i32
        %add3A_1759 = arith.constant 11 : i32
        %add3A_1760 = arith.addi %mul3A_1758, %add3A_1759 : i32
        %swap3A_1761 = arith.index_cast %add3A_1760 : i32 to index
        %swap3A_1762 = arith.constant 48 : index
        %swap3A_1763 = tpu.vector_load %arg10[%swap3A_1761, %swap3A_1762] {strides = array<i32>} : memref<128x128xf32, #tpu.memory_space<vmem>>, vector<1x16xf32>,
        %swap3A_1764 = vector.shape_cast %swap3A_1763 : vector<1x16xf32> to vector<16xf32>
        %swap3A_1765 = vector.shape_cast %mul3A_1756 : vector<16xf32> to vector<1x16xf32>
        tpu.vector_store %arg10[%swap3A_1761, %swap3A_1762], %swap3A_1765 {strides = array<i32>} : memref<128x128xf32, #tpu.memory_space<vmem>>, vector<1x16xf32>,
        %mul3A_1766 = arith.constant 16 : i32
        %mul3A_1767 = arith.muli %add3A_60, %mul3A_1766 : i32
        %add3A_1768 = arith.constant 11 : i32
        %add3A_1769 = arith.addi %mul3A_1767, %add3A_1768 : i32
        %get3A_1770 = arith.index_cast %add3A_1769 : i32 to index
        %get3A_1771 = arith.constant 64 : index
        %get3A_1772 = tpu.vector_load %arg10[%get3A_1770, %get3A_1771] {strides = array<i32>} : memref<128x128xf32, #tpu.memory_space<vmem>>, vector<1x16xf32>,
        %get3A_1773 = vector.shape_cast %get3A_1772 : vector<1x16xf32> to vector<16xf32>
        %mul3A_1774 = arith.mulf %get3A_1773, %gather3A_1693 : vector<16xf32>
        %mul3A_1775 = arith.constant 16 : i32
        %mul3A_1776 = arith.muli %add3A_60, %mul3A_1775 : i32
        %add3A_1777 = arith.constant 11 : i32
        %add3A_1778 = arith.addi %mul3A_1776, %add3A_1777 : i32
        %swap3A_1779 = arith.index_cast %add3A_1778 : i32 to index
        %swap3A_1780 = arith.constant 64 : index
        %swap3A_1781 = tpu.vector_load %arg10[%swap3A_1779, %swap3A_1780] {strides = array<i32>} : memref<128x128xf32, #tpu.memory_space<vmem>>, vector<1x16xf32>,
        %swap3A_1782 = vector.shape_cast %swap3A_1781 : vector<1x16xf32> to vector<16xf32>
        %swap3A_1783 = vector.shape_cast %mul3A_1774 : vector<16xf32> to vector<1x16xf32>
        tpu.vector_store %arg10[%swap3A_1779, %swap3A_1780], %swap3A_1783 {strides = array<i32>} : memref<128x128xf32, #tpu.memory_space<vmem>>, vector<1x16xf32>,
        %mul3A_1784 = arith.constant 16 : i32
        %mul3A_1785 = arith.muli %add3A_60, %mul3A_1784 : i32
        %add3A_1786 = arith.constant 11 : i32
        %add3A_1787 = arith.addi %mul3A_1785, %add3A_1786 : i32
        %get3A_1788 = arith.index_cast %add3A_1787 : i32 to index
        %get3A_1789 = arith.constant 80 : index
        %get3A_1790 = tpu.vector_load %arg10[%get3A_1788, %get3A_1789] {strides = array<i32>} : memref<128x128xf32, #tpu.memory_space<vmem>>, vector<1x16xf32>,
        %get3A_1791 = vector.shape_cast %get3A_1790 : vector<1x16xf32> to vector<16xf32>
        %mul3A_1792 = arith.mulf %get3A_1791, %gather3A_1693 : vector<16xf32>
        %mul3A_1793 = arith.constant 16 : i32
        %mul3A_1794 = arith.muli %add3A_60, %mul3A_1793 : i32
        %add3A_1795 = arith.constant 11 : i32
        %add3A_1796 = arith.addi %mul3A_1794, %add3A_1795 : i32
        %swap3A_1797 = arith.index_cast %add3A_1796 : i32 to index
        %swap3A_1798 = arith.constant 80 : index
        %swap3A_1799 = tpu.vector_load %arg10[%swap3A_1797, %swap3A_1798] {strides = array<i32>} : memref<128x128xf32, #tpu.memory_space<vmem>>, vector<1x16xf32>,
        %swap3A_1800 = vector.shape_cast %swap3A_1799 : vector<1x16xf32> to vector<16xf32>
        %swap3A_1801 = vector.shape_cast %mul3A_1792 : vector<16xf32> to vector<1x16xf32>
        tpu.vector_store %arg10[%swap3A_1797, %swap3A_1798], %swap3A_1801 {strides = array<i32>} : memref<128x128xf32, #tpu.memory_space<vmem>>, vector<1x16xf32>,
        %mul3A_1802 = arith.constant 16 : i32
        %mul3A_1803 = arith.muli %add3A_60, %mul3A_1802 : i32
        %add3A_1804 = arith.constant 11 : i32
        %add3A_1805 = arith.addi %mul3A_1803, %add3A_1804 : i32
        %get3A_1806 = arith.index_cast %add3A_1805 : i32 to index
        %get3A_1807 = arith.constant 96 : index
        %get3A_1808 = tpu.vector_load %arg10[%get3A_1806, %get3A_1807] {strides = array<i32>} : memref<128x128xf32, #tpu.memory_space<vmem>>, vector<1x16xf32>,
        %get3A_1809 = vector.shape_cast %get3A_1808 : vector<1x16xf32> to vector<16xf32>
        %mul3A_1810 = arith.mulf %get3A_1809, %gather3A_1693 : vector<16xf32>
        %mul3A_1811 = arith.constant 16 : i32
        %mul3A_1812 = arith.muli %add3A_60, %mul3A_1811 : i32
        %add3A_1813 = arith.constant 11 : i32
        %add3A_1814 = arith.addi %mul3A_1812, %add3A_1813 : i32
        %swap3A_1815 = arith.index_cast %add3A_1814 : i32 to index
        %swap3A_1816 = arith.constant 96 : index
        %swap3A_1817 = tpu.vector_load %arg10[%swap3A_1815, %swap3A_1816] {strides = array<i32>} : memref<128x128xf32, #tpu.memory_space<vmem>>, vector<1x16xf32>,
        %swap3A_1818 = vector.shape_cast %swap3A_1817 : vector<1x16xf32> to vector<16xf32>
        %swap3A_1819 = vector.shape_cast %mul3A_1810 : vector<16xf32> to vector<1x16xf32>
        tpu.vector_store %arg10[%swap3A_1815, %swap3A_1816], %swap3A_1819 {strides = array<i32>} : memref<128x128xf32, #tpu.memory_space<vmem>>, vector<1x16xf32>,
        %mul3A_1820 = arith.constant 16 : i32
        %mul3A_1821 = arith.muli %add3A_60, %mul3A_1820 : i32
        %add3A_1822 = arith.constant 11 : i32
        %add3A_1823 = arith.addi %mul3A_1821, %add3A_1822 : i32
        %get3A_1824 = arith.index_cast %add3A_1823 : i32 to index
        %get3A_1825 = arith.constant 112 : index
        %get3A_1826 = tpu.vector_load %arg10[%get3A_1824, %get3A_1825] {strides = array<i32>} : memref<128x128xf32, #tpu.memory_space<vmem>>, vector<1x16xf32>,
        %get3A_1827 = vector.shape_cast %get3A_1826 : vector<1x16xf32> to vector<16xf32>
        %mul3A_1828 = arith.mulf %get3A_1827, %gather3A_1693 : vector<16xf32>
        %mul3A_1829 = arith.constant 16 : i32
        %mul3A_1830 = arith.muli %add3A_60, %mul3A_1829 : i32
        %add3A_1831 = arith.constant 11 : i32
        %add3A_1832 = arith.addi %mul3A_1830, %add3A_1831 : i32
        %swap3A_1833 = arith.index_cast %add3A_1832 : i32 to index
        %swap3A_1834 = arith.constant 112 : index
        %swap3A_1835 = tpu.vector_load %arg10[%swap3A_1833, %swap3A_1834] {strides = array<i32>} : memref<128x128xf32, #tpu.memory_space<vmem>>, vector<1x16xf32>,
        %swap3A_1836 = vector.shape_cast %swap3A_1835 : vector<1x16xf32> to vector<16xf32>
        %swap3A_1837 = vector.shape_cast %mul3A_1828 : vector<16xf32> to vector<1x16xf32>
        tpu.vector_store %arg10[%swap3A_1833, %swap3A_1834], %swap3A_1837 {strides = array<i32>} : memref<128x128xf32, #tpu.memory_space<vmem>>, vector<1x16xf32>,
        %broadcast_in_dim3A_1838 = arith.constant 12 : i32
        %broadcast_in_dim3A_1839 = vector.broadcast %broadcast_in_dim3A_1838 : i32 to vector<16x1xi32>
        %gather3A_1840 = vector.shape_cast %broadcast_in_dim3A_1839 : vector<16x1xi32> to vector<16xi32>
        %gather3A_1841 = tpu.dynamic_gather %get3A_64[%gather3A_1840] in [0] : vector<16xf32>, vector<16xi32> -> vector<16xf32>
        %mul3A_1842 = arith.constant 16 : i32
        %mul3A_1843 = arith.muli %add3A_60, %mul3A_1842 : i32
        %add3A_1844 = arith.constant 12 : i32
        %add3A_1845 = arith.addi %mul3A_1843, %add3A_1844 : i32
        %get3A_1846 = arith.index_cast %add3A_1845 : i32 to index
        %get3A_1847 = arith.constant 0 : index
        %get3A_1848 = tpu.vector_load %arg10[%get3A_1846, %get3A_1847] {strides = array<i32>} : memref<128x128xf32, #tpu.memory_space<vmem>>, vector<1x16xf32>,
        %get3A_1849 = vector.shape_cast %get3A_1848 : vector<1x16xf32> to vector<16xf32>
        %mul3A_1850 = arith.mulf %get3A_1849, %gather3A_1841 : vector<16xf32>
        %mul3A_1851 = arith.constant 16 : i32
        %mul3A_1852 = arith.muli %add3A_60, %mul3A_1851 : i32
        %add3A_1853 = arith.constant 12 : i32
        %add3A_1854 = arith.addi %mul3A_1852, %add3A_1853 : i32
        %swap3A_1855 = arith.index_cast %add3A_1854 : i32 to index
        %swap3A_1856 = arith.constant 0 : index
        %swap3A_1857 = tpu.vector_load %arg10[%swap3A_1855, %swap3A_1856] {strides = array<i32>} : memref<128x128xf32, #tpu.memory_space<vmem>>, vector<1x16xf32>,
        %swap3A_1858 = vector.shape_cast %swap3A_1857 : vector<1x16xf32> to vector<16xf32>
        %swap3A_1859 = vector.shape_cast %mul3A_1850 : vector<16xf32> to vector<1x16xf32>
        tpu.vector_store %arg10[%swap3A_1855, %swap3A_1856], %swap3A_1859 {strides = array<i32>} : memref<128x128xf32, #tpu.memory_space<vmem>>, vector<1x16xf32>,
        %mul3A_1860 = arith.constant 16 : i32
        %mul3A_1861 = arith.muli %add3A_60, %mul3A_1860 : i32
        %add3A_1862 = arith.constant 12 : i32
        %add3A_1863 = arith.addi %mul3A_1861, %add3A_1862 : i32
        %get3A_1864 = arith.index_cast %add3A_1863 : i32 to index
        %get3A_1865 = arith.constant 16 : index
        %get3A_1866 = tpu.vector_load %arg10[%get3A_1864, %get3A_1865] {strides = array<i32>} : memref<128x128xf32, #tpu.memory_space<vmem>>, vector<1x16xf32>,
        %get3A_1867 = vector.shape_cast %get3A_1866 : vector<1x16xf32> to vector<16xf32>
        %mul3A_1868 = arith.mulf %get3A_1867, %gather3A_1841 : vector<16xf32>
        %mul3A_1869 = arith.constant 16 : i32
        %mul3A_1870 = arith.muli %add3A_60, %mul3A_1869 : i32
        %add3A_1871 = arith.constant 12 : i32
        %add3A_1872 = arith.addi %mul3A_1870, %add3A_1871 : i32
        %swap3A_1873 = arith.index_cast %add3A_1872 : i32 to index
        %swap3A_1874 = arith.constant 16 : index
        %swap3A_1875 = tpu.vector_load %arg10[%swap3A_1873, %swap3A_1874] {strides = array<i32>} : memref<128x128xf32, #tpu.memory_space<vmem>>, vector<1x16xf32>,
        %swap3A_1876 = vector.shape_cast %swap3A_1875 : vector<1x16xf32> to vector<16xf32>
        %swap3A_1877 = vector.shape_cast %mul3A_1868 : vector<16xf32> to vector<1x16xf32>
        tpu.vector_store %arg10[%swap3A_1873, %swap3A_1874], %swap3A_1877 {strides = array<i32>} : memref<128x128xf32, #tpu.memory_space<vmem>>, vector<1x16xf32>,
        %mul3A_1878 = arith.constant 16 : i32
        %mul3A_1879 = arith.muli %add3A_60, %mul3A_1878 : i32
        %add3A_1880 = arith.constant 12 : i32
        %add3A_1881 = arith.addi %mul3A_1879, %add3A_1880 : i32
        %get3A_1882 = arith.index_cast %add3A_1881 : i32 to index
        %get3A_1883 = arith.constant 32 : index
        %get3A_1884 = tpu.vector_load %arg10[%get3A_1882, %get3A_1883] {strides = array<i32>} : memref<128x128xf32, #tpu.memory_space<vmem>>, vector<1x16xf32>,
        %get3A_1885 = vector.shape_cast %get3A_1884 : vector<1x16xf32> to vector<16xf32>
        %mul3A_1886 = arith.mulf %get3A_1885, %gather3A_1841 : vector<16xf32>
        %mul3A_1887 = arith.constant 16 : i32
        %mul3A_1888 = arith.muli %add3A_60, %mul3A_1887 : i32
        %add3A_1889 = arith.constant 12 : i32
        %add3A_1890 = arith.addi %mul3A_1888, %add3A_1889 : i32
        %swap3A_1891 = arith.index_cast %add3A_1890 : i32 to index
        %swap3A_1892 = arith.constant 32 : index
        %swap3A_1893 = tpu.vector_load %arg10[%swap3A_1891, %swap3A_1892] {strides = array<i32>} : memref<128x128xf32, #tpu.memory_space<vmem>>, vector<1x16xf32>,
        %swap3A_1894 = vector.shape_cast %swap3A_1893 : vector<1x16xf32> to vector<16xf32>
        %swap3A_1895 = vector.shape_cast %mul3A_1886 : vector<16xf32> to vector<1x16xf32>
        tpu.vector_store %arg10[%swap3A_1891, %swap3A_1892], %swap3A_1895 {strides = array<i32>} : memref<128x128xf32, #tpu.memory_space<vmem>>, vector<1x16xf32>,
        %mul3A_1896 = arith.constant 16 : i32
        %mul3A_1897 = arith.muli %add3A_60, %mul3A_1896 : i32
        %add3A_1898 = arith.constant 12 : i32
        %add3A_1899 = arith.addi %mul3A_1897, %add3A_1898 : i32
        %get3A_1900 = arith.index_cast %add3A_1899 : i32 to index
        %get3A_1901 = arith.constant 48 : index
        %get3A_1902 = tpu.vector_load %arg10[%get3A_1900, %get3A_1901] {strides = array<i32>} : memref<128x128xf32, #tpu.memory_space<vmem>>, vector<1x16xf32>,
        %get3A_1903 = vector.shape_cast %get3A_1902 : vector<1x16xf32> to vector<16xf32>
        %mul3A_1904 = arith.mulf %get3A_1903, %gather3A_1841 : vector<16xf32>
        %mul3A_1905 = arith.constant 16 : i32
        %mul3A_1906 = arith.muli %add3A_60, %mul3A_1905 : i32
        %add3A_1907 = arith.constant 12 : i32
        %add3A_1908 = arith.addi %mul3A_1906, %add3A_1907 : i32
        %swap3A_1909 = arith.index_cast %add3A_1908 : i32 to index
        %swap3A_1910 = arith.constant 48 : index
        %swap3A_1911 = tpu.vector_load %arg10[%swap3A_1909, %swap3A_1910] {strides = array<i32>} : memref<128x128xf32, #tpu.memory_space<vmem>>, vector<1x16xf32>,
        %swap3A_1912 = vector.shape_cast %swap3A_1911 : vector<1x16xf32> to vector<16xf32>
        %swap3A_1913 = vector.shape_cast %mul3A_1904 : vector<16xf32> to vector<1x16xf32>
        tpu.vector_store %arg10[%swap3A_1909, %swap3A_1910], %swap3A_1913 {strides = array<i32>} : memref<128x128xf32, #tpu.memory_space<vmem>>, vector<1x16xf32>,
        %mul3A_1914 = arith.constant 16 : i32
        %mul3A_1915 = arith.muli %add3A_60, %mul3A_1914 : i32
        %add3A_1916 = arith.constant 12 : i32
        %add3A_1917 = arith.addi %mul3A_1915, %add3A_1916 : i32
        %get3A_1918 = arith.index_cast %add3A_1917 : i32 to index
        %get3A_1919 = arith.constant 64 : index
        %get3A_1920 = tpu.vector_load %arg10[%get3A_1918, %get3A_1919] {strides = array<i32>} : memref<128x128xf32, #tpu.memory_space<vmem>>, vector<1x16xf32>,
        %get3A_1921 = vector.shape_cast %get3A_1920 : vector<1x16xf32> to vector<16xf32>
        %mul3A_1922 = arith.mulf %get3A_1921, %gather3A_1841 : vector<16xf32>
        %mul3A_1923 = arith.constant 16 : i32
        %mul3A_1924 = arith.muli %add3A_60, %mul3A_1923 : i32
        %add3A_1925 = arith.constant 12 : i32
        %add3A_1926 = arith.addi %mul3A_1924, %add3A_1925 : i32
        %swap3A_1927 = arith.index_cast %add3A_1926 : i32 to index
        %swap3A_1928 = arith.constant 64 : index
        %swap3A_1929 = tpu.vector_load %arg10[%swap3A_1927, %swap3A_1928] {strides = array<i32>} : memref<128x128xf32, #tpu.memory_space<vmem>>, vector<1x16xf32>,
        %swap3A_1930 = vector.shape_cast %swap3A_1929 : vector<1x16xf32> to vector<16xf32>
        %swap3A_1931 = vector.shape_cast %mul3A_1922 : vector<16xf32> to vector<1x16xf32>
        tpu.vector_store %arg10[%swap3A_1927, %swap3A_1928], %swap3A_1931 {strides = array<i32>} : memref<128x128xf32, #tpu.memory_space<vmem>>, vector<1x16xf32>,
        %mul3A_1932 = arith.constant 16 : i32
        %mul3A_1933 = arith.muli %add3A_60, %mul3A_1932 : i32
        %add3A_1934 = arith.constant 12 : i32
        %add3A_1935 = arith.addi %mul3A_1933, %add3A_1934 : i32
        %get3A_1936 = arith.index_cast %add3A_1935 : i32 to index
        %get3A_1937 = arith.constant 80 : index
        %get3A_1938 = tpu.vector_load %arg10[%get3A_1936, %get3A_1937] {strides = array<i32>} : memref<128x128xf32, #tpu.memory_space<vmem>>, vector<1x16xf32>,
        %get3A_1939 = vector.shape_cast %get3A_1938 : vector<1x16xf32> to vector<16xf32>
        %mul3A_1940 = arith.mulf %get3A_1939, %gather3A_1841 : vector<16xf32>
        %mul3A_1941 = arith.constant 16 : i32
        %mul3A_1942 = arith.muli %add3A_60, %mul3A_1941 : i32
        %add3A_1943 = arith.constant 12 : i32
        %add3A_1944 = arith.addi %mul3A_1942, %add3A_1943 : i32
        %swap3A_1945 = arith.index_cast %add3A_1944 : i32 to index
        %swap3A_1946 = arith.constant 80 : index
        %swap3A_1947 = tpu.vector_load %arg10[%swap3A_1945, %swap3A_1946] {strides = array<i32>} : memref<128x128xf32, #tpu.memory_space<vmem>>, vector<1x16xf32>,
        %swap3A_1948 = vector.shape_cast %swap3A_1947 : vector<1x16xf32> to vector<16xf32>
        %swap3A_1949 = vector.shape_cast %mul3A_1940 : vector<16xf32> to vector<1x16xf32>
        tpu.vector_store %arg10[%swap3A_1945, %swap3A_1946], %swap3A_1949 {strides = array<i32>} : memref<128x128xf32, #tpu.memory_space<vmem>>, vector<1x16xf32>,
        %mul3A_1950 = arith.constant 16 : i32
        %mul3A_1951 = arith.muli %add3A_60, %mul3A_1950 : i32
        %add3A_1952 = arith.constant 12 : i32
        %add3A_1953 = arith.addi %mul3A_1951, %add3A_1952 : i32
        %get3A_1954 = arith.index_cast %add3A_1953 : i32 to index
        %get3A_1955 = arith.constant 96 : index
        %get3A_1956 = tpu.vector_load %arg10[%get3A_1954, %get3A_1955] {strides = array<i32>} : memref<128x128xf32, #tpu.memory_space<vmem>>, vector<1x16xf32>,
        %get3A_1957 = vector.shape_cast %get3A_1956 : vector<1x16xf32> to vector<16xf32>
        %mul3A_1958 = arith.mulf %get3A_1957, %gather3A_1841 : vector<16xf32>
        %mul3A_1959 = arith.constant 16 : i32
        %mul3A_1960 = arith.muli %add3A_60, %mul3A_1959 : i32
        %add3A_1961 = arith.constant 12 : i32
        %add3A_1962 = arith.addi %mul3A_1960, %add3A_1961 : i32
        %swap3A_1963 = arith.index_cast %add3A_1962 : i32 to index
        %swap3A_1964 = arith.constant 96 : index
        %swap3A_1965 = tpu.vector_load %arg10[%swap3A_1963, %swap3A_1964] {strides = array<i32>} : memref<128x128xf32, #tpu.memory_space<vmem>>, vector<1x16xf32>,
        %swap3A_1966 = vector.shape_cast %swap3A_1965 : vector<1x16xf32> to vector<16xf32>
        %swap3A_1967 = vector.shape_cast %mul3A_1958 : vector<16xf32> to vector<1x16xf32>
        tpu.vector_store %arg10[%swap3A_1963, %swap3A_1964], %swap3A_1967 {strides = array<i32>} : memref<128x128xf32, #tpu.memory_space<vmem>>, vector<1x16xf32>,
        %mul3A_1968 = arith.constant 16 : i32
        %mul3A_1969 = arith.muli %add3A_60, %mul3A_1968 : i32
        %add3A_1970 = arith.constant 12 : i32
        %add3A_1971 = arith.addi %mul3A_1969, %add3A_1970 : i32
        %get3A_1972 = arith.index_cast %add3A_1971 : i32 to index
        %get3A_1973 = arith.constant 112 : index
        %get3A_1974 = tpu.vector_load %arg10[%get3A_1972, %get3A_1973] {strides = array<i32>} : memref<128x128xf32, #tpu.memory_space<vmem>>, vector<1x16xf32>,
        %get3A_1975 = vector.shape_cast %get3A_1974 : vector<1x16xf32> to vector<16xf32>
        %mul3A_1976 = arith.mulf %get3A_1975, %gather3A_1841 : vector<16xf32>
        %mul3A_1977 = arith.constant 16 : i32
        %mul3A_1978 = arith.muli %add3A_60, %mul3A_1977 : i32
        %add3A_1979 = arith.constant 12 : i32
        %add3A_1980 = arith.addi %mul3A_1978, %add3A_1979 : i32
        %swap3A_1981 = arith.index_cast %add3A_1980 : i32 to index
        %swap3A_1982 = arith.constant 112 : index
        %swap3A_1983 = tpu.vector_load %arg10[%swap3A_1981, %swap3A_1982] {strides = array<i32>} : memref<128x128xf32, #tpu.memory_space<vmem>>, vector<1x16xf32>,
        %swap3A_1984 = vector.shape_cast %swap3A_1983 : vector<1x16xf32> to vector<16xf32>
        %swap3A_1985 = vector.shape_cast %mul3A_1976 : vector<16xf32> to vector<1x16xf32>
        tpu.vector_store %arg10[%swap3A_1981, %swap3A_1982], %swap3A_1985 {strides = array<i32>} : memref<128x128xf32, #tpu.memory_space<vmem>>, vector<1x16xf32>,
        %broadcast_in_dim3A_1986 = arith.constant 13 : i32
        %broadcast_in_dim3A_1987 = vector.broadcast %broadcast_in_dim3A_1986 : i32 to vector<16x1xi32>
        %gather3A_1988 = vector.shape_cast %broadcast_in_dim3A_1987 : vector<16x1xi32> to vector<16xi32>
        %gather3A_1989 = tpu.dynamic_gather %get3A_64[%gather3A_1988] in [0] : vector<16xf32>, vector<16xi32> -> vector<16xf32>
        %mul3A_1990 = arith.constant 16 : i32
        %mul3A_1991 = arith.muli %add3A_60, %mul3A_1990 : i32
        %add3A_1992 = arith.constant 13 : i32
        %add3A_1993 = arith.addi %mul3A_1991, %add3A_1992 : i32
        %get3A_1994 = arith.index_cast %add3A_1993 : i32 to index
        %get3A_1995 = arith.constant 0 : index
        %get3A_1996 = tpu.vector_load %arg10[%get3A_1994, %get3A_1995] {strides = array<i32>} : memref<128x128xf32, #tpu.memory_space<vmem>>, vector<1x16xf32>,
        %get3A_1997 = vector.shape_cast %get3A_1996 : vector<1x16xf32> to vector<16xf32>
        %mul3A_1998 = arith.mulf %get3A_1997, %gather3A_1989 : vector<16xf32>
        %mul3A_1999 = arith.constant 16 : i32
        %mul3A_2000 = arith.muli %add3A_60, %mul3A_1999 : i32
        %add3A_2001 = arith.constant 13 : i32
        %add3A_2002 = arith.addi %mul3A_2000, %add3A_2001 : i32
        %swap3A_2003 = arith.index_cast %add3A_2002 : i32 to index
        %swap3A_2004 = arith.constant 0 : index
        %swap3A_2005 = tpu.vector_load %arg10[%swap3A_2003, %swap3A_2004] {strides = array<i32>} : memref<128x128xf32, #tpu.memory_space<vmem>>, vector<1x16xf32>,
        %swap3A_2006 = vector.shape_cast %swap3A_2005 : vector<1x16xf32> to vector<16xf32>
        %swap3A_2007 = vector.shape_cast %mul3A_1998 : vector<16xf32> to vector<1x16xf32>
        tpu.vector_store %arg10[%swap3A_2003, %swap3A_2004], %swap3A_2007 {strides = array<i32>} : memref<128x128xf32, #tpu.memory_space<vmem>>, vector<1x16xf32>,
        %mul3A_2008 = arith.constant 16 : i32
        %mul3A_2009 = arith.muli %add3A_60, %mul3A_2008 : i32
        %add3A_2010 = arith.constant 13 : i32
        %add3A_2011 = arith.addi %mul3A_2009, %add3A_2010 : i32
        %get3A_2012 = arith.index_cast %add3A_2011 : i32 to index
        %get3A_2013 = arith.constant 16 : index
        %get3A_2014 = tpu.vector_load %arg10[%get3A_2012, %get3A_2013] {strides = array<i32>} : memref<128x128xf32, #tpu.memory_space<vmem>>, vector<1x16xf32>,
        %get3A_2015 = vector.shape_cast %get3A_2014 : vector<1x16xf32> to vector<16xf32>
        %mul3A_2016 = arith.mulf %get3A_2015, %gather3A_1989 : vector<16xf32>
        %mul3A_2017 = arith.constant 16 : i32
        %mul3A_2018 = arith.muli %add3A_60, %mul3A_2017 : i32
        %add3A_2019 = arith.constant 13 : i32
        %add3A_2020 = arith.addi %mul3A_2018, %add3A_2019 : i32
        %swap3A_2021 = arith.index_cast %add3A_2020 : i32 to index
        %swap3A_2022 = arith.constant 16 : index
        %swap3A_2023 = tpu.vector_load %arg10[%swap3A_2021, %swap3A_2022] {strides = array<i32>} : memref<128x128xf32, #tpu.memory_space<vmem>>, vector<1x16xf32>,
        %swap3A_2024 = vector.shape_cast %swap3A_2023 : vector<1x16xf32> to vector<16xf32>
        %swap3A_2025 = vector.shape_cast %mul3A_2016 : vector<16xf32> to vector<1x16xf32>
        tpu.vector_store %arg10[%swap3A_2021, %swap3A_2022], %swap3A_2025 {strides = array<i32>} : memref<128x128xf32, #tpu.memory_space<vmem>>, vector<1x16xf32>,
        %mul3A_2026 = arith.constant 16 : i32
        %mul3A_2027 = arith.muli %add3A_60, %mul3A_2026 : i32
        %add3A_2028 = arith.constant 13 : i32
        %add3A_2029 = arith.addi %mul3A_2027, %add3A_2028 : i32
        %get3A_2030 = arith.index_cast %add3A_2029 : i32 to index
        %get3A_2031 = arith.constant 32 : index
        %get3A_2032 = tpu.vector_load %arg10[%get3A_2030, %get3A_2031] {strides = array<i32>} : memref<128x128xf32, #tpu.memory_space<vmem>>, vector<1x16xf32>,
        %get3A_2033 = vector.shape_cast %get3A_2032 : vector<1x16xf32> to vector<16xf32>
        %mul3A_2034 = arith.mulf %get3A_2033, %gather3A_1989 : vector<16xf32>
        %mul3A_2035 = arith.constant 16 : i32
        %mul3A_2036 = arith.muli %add3A_60, %mul3A_2035 : i32
        %add3A_2037 = arith.constant 13 : i32
        %add3A_2038 = arith.addi %mul3A_2036, %add3A_2037 : i32
        %swap3A_2039 = arith.index_cast %add3A_2038 : i32 to index
        %swap3A_2040 = arith.constant 32 : index
        %swap3A_2041 = tpu.vector_load %arg10[%swap3A_2039, %swap3A_2040] {strides = array<i32>} : memref<128x128xf32, #tpu.memory_space<vmem>>, vector<1x16xf32>,
        %swap3A_2042 = vector.shape_cast %swap3A_2041 : vector<1x16xf32> to vector<16xf32>
        %swap3A_2043 = vector.shape_cast %mul3A_2034 : vector<16xf32> to vector<1x16xf32>
        tpu.vector_store %arg10[%swap3A_2039, %swap3A_2040], %swap3A_2043 {strides = array<i32>} : memref<128x128xf32, #tpu.memory_space<vmem>>, vector<1x16xf32>,
        %mul3A_2044 = arith.constant 16 : i32
        %mul3A_2045 = arith.muli %add3A_60, %mul3A_2044 : i32
        %add3A_2046 = arith.constant 13 : i32
        %add3A_2047 = arith.addi %mul3A_2045, %add3A_2046 : i32
        %get3A_2048 = arith.index_cast %add3A_2047 : i32 to index
        %get3A_2049 = arith.constant 48 : index
        %get3A_2050 = tpu.vector_load %arg10[%get3A_2048, %get3A_2049] {strides = array<i32>} : memref<128x128xf32, #tpu.memory_space<vmem>>, vector<1x16xf32>,
        %get3A_2051 = vector.shape_cast %get3A_2050 : vector<1x16xf32> to vector<16xf32>
        %mul3A_2052 = arith.mulf %get3A_2051, %gather3A_1989 : vector<16xf32>
        %mul3A_2053 = arith.constant 16 : i32
        %mul3A_2054 = arith.muli %add3A_60, %mul3A_2053 : i32
        %add3A_2055 = arith.constant 13 : i32
        %add3A_2056 = arith.addi %mul3A_2054, %add3A_2055 : i32
        %swap3A_2057 = arith.index_cast %add3A_2056 : i32 to index
        %swap3A_2058 = arith.constant 48 : index
        %swap3A_2059 = tpu.vector_load %arg10[%swap3A_2057, %swap3A_2058] {strides = array<i32>} : memref<128x128xf32, #tpu.memory_space<vmem>>, vector<1x16xf32>,
        %swap3A_2060 = vector.shape_cast %swap3A_2059 : vector<1x16xf32> to vector<16xf32>
        %swap3A_2061 = vector.shape_cast %mul3A_2052 : vector<16xf32> to vector<1x16xf32>
        tpu.vector_store %arg10[%swap3A_2057, %swap3A_2058], %swap3A_2061 {strides = array<i32>} : memref<128x128xf32, #tpu.memory_space<vmem>>, vector<1x16xf32>,
        %mul3A_2062 = arith.constant 16 : i32
        %mul3A_2063 = arith.muli %add3A_60, %mul3A_2062 : i32
        %add3A_2064 = arith.constant 13 : i32
        %add3A_2065 = arith.addi %mul3A_2063, %add3A_2064 : i32
        %get3A_2066 = arith.index_cast %add3A_2065 : i32 to index
        %get3A_2067 = arith.constant 64 : index
        %get3A_2068 = tpu.vector_load %arg10[%get3A_2066, %get3A_2067] {strides = array<i32>} : memref<128x128xf32, #tpu.memory_space<vmem>>, vector<1x16xf32>,
        %get3A_2069 = vector.shape_cast %get3A_2068 : vector<1x16xf32> to vector<16xf32>
        %mul3A_2070 = arith.mulf %get3A_2069, %gather3A_1989 : vector<16xf32>
        %mul3A_2071 = arith.constant 16 : i32
        %mul3A_2072 = arith.muli %add3A_60, %mul3A_2071 : i32
        %add3A_2073 = arith.constant 13 : i32
        %add3A_2074 = arith.addi %mul3A_2072, %add3A_2073 : i32
        %swap3A_2075 = arith.index_cast %add3A_2074 : i32 to index
        %swap3A_2076 = arith.constant 64 : index
        %swap3A_2077 = tpu.vector_load %arg10[%swap3A_2075, %swap3A_2076] {strides = array<i32>} : memref<128x128xf32, #tpu.memory_space<vmem>>, vector<1x16xf32>,
        %swap3A_2078 = vector.shape_cast %swap3A_2077 : vector<1x16xf32> to vector<16xf32>
        %swap3A_2079 = vector.shape_cast %mul3A_2070 : vector<16xf32> to vector<1x16xf32>
        tpu.vector_store %arg10[%swap3A_2075, %swap3A_2076], %swap3A_2079 {strides = array<i32>} : memref<128x128xf32, #tpu.memory_space<vmem>>, vector<1x16xf32>,
        %mul3A_2080 = arith.constant 16 : i32
        %mul3A_2081 = arith.muli %add3A_60, %mul3A_2080 : i32
        %add3A_2082 = arith.constant 13 : i32
        %add3A_2083 = arith.addi %mul3A_2081, %add3A_2082 : i32
        %get3A_2084 = arith.index_cast %add3A_2083 : i32 to index
        %get3A_2085 = arith.constant 80 : index
        %get3A_2086 = tpu.vector_load %arg10[%get3A_2084, %get3A_2085] {strides = array<i32>} : memref<128x128xf32, #tpu.memory_space<vmem>>, vector<1x16xf32>,
        %get3A_2087 = vector.shape_cast %get3A_2086 : vector<1x16xf32> to vector<16xf32>
        %mul3A_2088 = arith.mulf %get3A_2087, %gather3A_1989 : vector<16xf32>
        %mul3A_2089 = arith.constant 16 : i32
        %mul3A_2090 = arith.muli %add3A_60, %mul3A_2089 : i32
        %add3A_2091 = arith.constant 13 : i32
        %add3A_2092 = arith.addi %mul3A_2090, %add3A_2091 : i32
        %swap3A_2093 = arith.index_cast %add3A_2092 : i32 to index
        %swap3A_2094 = arith.constant 80 : index
        %swap3A_2095 = tpu.vector_load %arg10[%swap3A_2093, %swap3A_2094] {strides = array<i32>} : memref<128x128xf32, #tpu.memory_space<vmem>>, vector<1x16xf32>,
        %swap3A_2096 = vector.shape_cast %swap3A_2095 : vector<1x16xf32> to vector<16xf32>
        %swap3A_2097 = vector.shape_cast %mul3A_2088 : vector<16xf32> to vector<1x16xf32>
        tpu.vector_store %arg10[%swap3A_2093, %swap3A_2094], %swap3A_2097 {strides = array<i32>} : memref<128x128xf32, #tpu.memory_space<vmem>>, vector<1x16xf32>,
        %mul3A_2098 = arith.constant 16 : i32
        %mul3A_2099 = arith.muli %add3A_60, %mul3A_2098 : i32
        %add3A_2100 = arith.constant 13 : i32
        %add3A_2101 = arith.addi %mul3A_2099, %add3A_2100 : i32
        %get3A_2102 = arith.index_cast %add3A_2101 : i32 to index
        %get3A_2103 = arith.constant 96 : index
        %get3A_2104 = tpu.vector_load %arg10[%get3A_2102, %get3A_2103] {strides = array<i32>} : memref<128x128xf32, #tpu.memory_space<vmem>>, vector<1x16xf32>,
        %get3A_2105 = vector.shape_cast %get3A_2104 : vector<1x16xf32> to vector<16xf32>
        %mul3A_2106 = arith.mulf %get3A_2105, %gather3A_1989 : vector<16xf32>
        %mul3A_2107 = arith.constant 16 : i32
        %mul3A_2108 = arith.muli %add3A_60, %mul3A_2107 : i32
        %add3A_2109 = arith.constant 13 : i32
        %add3A_2110 = arith.addi %mul3A_2108, %add3A_2109 : i32
        %swap3A_2111 = arith.index_cast %add3A_2110 : i32 to index
        %swap3A_2112 = arith.constant 96 : index
        %swap3A_2113 = tpu.vector_load %arg10[%swap3A_2111, %swap3A_2112] {strides = array<i32>} : memref<128x128xf32, #tpu.memory_space<vmem>>, vector<1x16xf32>,
        %swap3A_2114 = vector.shape_cast %swap3A_2113 : vector<1x16xf32> to vector<16xf32>
        %swap3A_2115 = vector.shape_cast %mul3A_2106 : vector<16xf32> to vector<1x16xf32>
        tpu.vector_store %arg10[%swap3A_2111, %swap3A_2112], %swap3A_2115 {strides = array<i32>} : memref<128x128xf32, #tpu.memory_space<vmem>>, vector<1x16xf32>,
        %mul3A_2116 = arith.constant 16 : i32
        %mul3A_2117 = arith.muli %add3A_60, %mul3A_2116 : i32
        %add3A_2118 = arith.constant 13 : i32
        %add3A_2119 = arith.addi %mul3A_2117, %add3A_2118 : i32
        %get3A_2120 = arith.index_cast %add3A_2119 : i32 to index
        %get3A_2121 = arith.constant 112 : index
        %get3A_2122 = tpu.vector_load %arg10[%get3A_2120, %get3A_2121] {strides = array<i32>} : memref<128x128xf32, #tpu.memory_space<vmem>>, vector<1x16xf32>,
        %get3A_2123 = vector.shape_cast %get3A_2122 : vector<1x16xf32> to vector<16xf32>
        %mul3A_2124 = arith.mulf %get3A_2123, %gather3A_1989 : vector<16xf32>
        %mul3A_2125 = arith.constant 16 : i32
        %mul3A_2126 = arith.muli %add3A_60, %mul3A_2125 : i32
        %add3A_2127 = arith.constant 13 : i32
        %add3A_2128 = arith.addi %mul3A_2126, %add3A_2127 : i32
        %swap3A_2129 = arith.index_cast %add3A_2128 : i32 to index
        %swap3A_2130 = arith.constant 112 : index
        %swap3A_2131 = tpu.vector_load %arg10[%swap3A_2129, %swap3A_2130] {strides = array<i32>} : memref<128x128xf32, #tpu.memory_space<vmem>>, vector<1x16xf32>,
        %swap3A_2132 = vector.shape_cast %swap3A_2131 : vector<1x16xf32> to vector<16xf32>
        %swap3A_2133 = vector.shape_cast %mul3A_2124 : vector<16xf32> to vector<1x16xf32>
        tpu.vector_store %arg10[%swap3A_2129, %swap3A_2130], %swap3A_2133 {strides = array<i32>} : memref<128x128xf32, #tpu.memory_space<vmem>>, vector<1x16xf32>,
        %broadcast_in_dim3A_2134 = arith.constant 14 : i32
        %broadcast_in_dim3A_2135 = vector.broadcast %broadcast_in_dim3A_2134 : i32 to vector<16x1xi32>
        %gather3A_2136 = vector.shape_cast %broadcast_in_dim3A_2135 : vector<16x1xi32> to vector<16xi32>
        %gather3A_2137 = tpu.dynamic_gather %get3A_64[%gather3A_2136] in [0] : vector<16xf32>, vector<16xi32> -> vector<16xf32>
        %mul3A_2138 = arith.constant 16 : i32
        %mul3A_2139 = arith.muli %add3A_60, %mul3A_2138 : i32
        %add3A_2140 = arith.constant 14 : i32
        %add3A_2141 = arith.addi %mul3A_2139, %add3A_2140 : i32
        %get3A_2142 = arith.index_cast %add3A_2141 : i32 to index
        %get3A_2143 = arith.constant 0 : index
        %get3A_2144 = tpu.vector_load %arg10[%get3A_2142, %get3A_2143] {strides = array<i32>} : memref<128x128xf32, #tpu.memory_space<vmem>>, vector<1x16xf32>,
        %get3A_2145 = vector.shape_cast %get3A_2144 : vector<1x16xf32> to vector<16xf32>
        %mul3A_2146 = arith.mulf %get3A_2145, %gather3A_2137 : vector<16xf32>
        %mul3A_2147 = arith.constant 16 : i32
        %mul3A_2148 = arith.muli %add3A_60, %mul3A_2147 : i32
        %add3A_2149 = arith.constant 14 : i32
        %add3A_2150 = arith.addi %mul3A_2148, %add3A_2149 : i32
        %swap3A_2151 = arith.index_cast %add3A_2150 : i32 to index
        %swap3A_2152 = arith.constant 0 : index
        %swap3A_2153 = tpu.vector_load %arg10[%swap3A_2151, %swap3A_2152] {strides = array<i32>} : memref<128x128xf32, #tpu.memory_space<vmem>>, vector<1x16xf32>,
        %swap3A_2154 = vector.shape_cast %swap3A_2153 : vector<1x16xf32> to vector<16xf32>
        %swap3A_2155 = vector.shape_cast %mul3A_2146 : vector<16xf32> to vector<1x16xf32>
        tpu.vector_store %arg10[%swap3A_2151, %swap3A_2152], %swap3A_2155 {strides = array<i32>} : memref<128x128xf32, #tpu.memory_space<vmem>>, vector<1x16xf32>,
        %mul3A_2156 = arith.constant 16 : i32
        %mul3A_2157 = arith.muli %add3A_60, %mul3A_2156 : i32
        %add3A_2158 = arith.constant 14 : i32
        %add3A_2159 = arith.addi %mul3A_2157, %add3A_2158 : i32
        %get3A_2160 = arith.index_cast %add3A_2159 : i32 to index
        %get3A_2161 = arith.constant 16 : index
        %get3A_2162 = tpu.vector_load %arg10[%get3A_2160, %get3A_2161] {strides = array<i32>} : memref<128x128xf32, #tpu.memory_space<vmem>>, vector<1x16xf32>,
        %get3A_2163 = vector.shape_cast %get3A_2162 : vector<1x16xf32> to vector<16xf32>
        %mul3A_2164 = arith.mulf %get3A_2163, %gather3A_2137 : vector<16xf32>
        %mul3A_2165 = arith.constant 16 : i32
        %mul3A_2166 = arith.muli %add3A_60, %mul3A_2165 : i32
        %add3A_2167 = arith.constant 14 : i32
        %add3A_2168 = arith.addi %mul3A_2166, %add3A_2167 : i32
        %swap3A_2169 = arith.index_cast %add3A_2168 : i32 to index
        %swap3A_2170 = arith.constant 16 : index
        %swap3A_2171 = tpu.vector_load %arg10[%swap3A_2169, %swap3A_2170] {strides = array<i32>} : memref<128x128xf32, #tpu.memory_space<vmem>>, vector<1x16xf32>,
        %swap3A_2172 = vector.shape_cast %swap3A_2171 : vector<1x16xf32> to vector<16xf32>
        %swap3A_2173 = vector.shape_cast %mul3A_2164 : vector<16xf32> to vector<1x16xf32>
        tpu.vector_store %arg10[%swap3A_2169, %swap3A_2170], %swap3A_2173 {strides = array<i32>} : memref<128x128xf32, #tpu.memory_space<vmem>>, vector<1x16xf32>,
        %mul3A_2174 = arith.constant 16 : i32
        %mul3A_2175 = arith.muli %add3A_60, %mul3A_2174 : i32
        %add3A_2176 = arith.constant 14 : i32
        %add3A_2177 = arith.addi %mul3A_2175, %add3A_2176 : i32
        %get3A_2178 = arith.index_cast %add3A_2177 : i32 to index
        %get3A_2179 = arith.constant 32 : index
        %get3A_2180 = tpu.vector_load %arg10[%get3A_2178, %get3A_2179] {strides = array<i32>} : memref<128x128xf32, #tpu.memory_space<vmem>>, vector<1x16xf32>,
        %get3A_2181 = vector.shape_cast %get3A_2180 : vector<1x16xf32> to vector<16xf32>
        %mul3A_2182 = arith.mulf %get3A_2181, %gather3A_2137 : vector<16xf32>
        %mul3A_2183 = arith.constant 16 : i32
        %mul3A_2184 = arith.muli %add3A_60, %mul3A_2183 : i32
        %add3A_2185 = arith.constant 14 : i32
        %add3A_2186 = arith.addi %mul3A_2184, %add3A_2185 : i32
        %swap3A_2187 = arith.index_cast %add3A_2186 : i32 to index
        %swap3A_2188 = arith.constant 32 : index
        %swap3A_2189 = tpu.vector_load %arg10[%swap3A_2187, %swap3A_2188] {strides = array<i32>} : memref<128x128xf32, #tpu.memory_space<vmem>>, vector<1x16xf32>,
        %swap3A_2190 = vector.shape_cast %swap3A_2189 : vector<1x16xf32> to vector<16xf32>
        %swap3A_2191 = vector.shape_cast %mul3A_2182 : vector<16xf32> to vector<1x16xf32>
        tpu.vector_store %arg10[%swap3A_2187, %swap3A_2188], %swap3A_2191 {strides = array<i32>} : memref<128x128xf32, #tpu.memory_space<vmem>>, vector<1x16xf32>,
        %mul3A_2192 = arith.constant 16 : i32
        %mul3A_2193 = arith.muli %add3A_60, %mul3A_2192 : i32
        %add3A_2194 = arith.constant 14 : i32
        %add3A_2195 = arith.addi %mul3A_2193, %add3A_2194 : i32
        %get3A_2196 = arith.index_cast %add3A_2195 : i32 to index
        %get3A_2197 = arith.constant 48 : index
        %get3A_2198 = tpu.vector_load %arg10[%get3A_2196, %get3A_2197] {strides = array<i32>} : memref<128x128xf32, #tpu.memory_space<vmem>>, vector<1x16xf32>,
        %get3A_2199 = vector.shape_cast %get3A_2198 : vector<1x16xf32> to vector<16xf32>
        %mul3A_2200 = arith.mulf %get3A_2199, %gather3A_2137 : vector<16xf32>
        %mul3A_2201 = arith.constant 16 : i32
        %mul3A_2202 = arith.muli %add3A_60, %mul3A_2201 : i32
        %add3A_2203 = arith.constant 14 : i32
        %add3A_2204 = arith.addi %mul3A_2202, %add3A_2203 : i32
        %swap3A_2205 = arith.index_cast %add3A_2204 : i32 to index
        %swap3A_2206 = arith.constant 48 : index
        %swap3A_2207 = tpu.vector_load %arg10[%swap3A_2205, %swap3A_2206] {strides = array<i32>} : memref<128x128xf32, #tpu.memory_space<vmem>>, vector<1x16xf32>,
        %swap3A_2208 = vector.shape_cast %swap3A_2207 : vector<1x16xf32> to vector<16xf32>
        %swap3A_2209 = vector.shape_cast %mul3A_2200 : vector<16xf32> to vector<1x16xf32>
        tpu.vector_store %arg10[%swap3A_2205, %swap3A_2206], %swap3A_2209 {strides = array<i32>} : memref<128x128xf32, #tpu.memory_space<vmem>>, vector<1x16xf32>,
        %mul3A_2210 = arith.constant 16 : i32
        %mul3A_2211 = arith.muli %add3A_60, %mul3A_2210 : i32
        %add3A_2212 = arith.constant 14 : i32
        %add3A_2213 = arith.addi %mul3A_2211, %add3A_2212 : i32
        %get3A_2214 = arith.index_cast %add3A_2213 : i32 to index
        %get3A_2215 = arith.constant 64 : index
        %get3A_2216 = tpu.vector_load %arg10[%get3A_2214, %get3A_2215] {strides = array<i32>} : memref<128x128xf32, #tpu.memory_space<vmem>>, vector<1x16xf32>,
        %get3A_2217 = vector.shape_cast %get3A_2216 : vector<1x16xf32> to vector<16xf32>
        %mul3A_2218 = arith.mulf %get3A_2217, %gather3A_2137 : vector<16xf32>
        %mul3A_2219 = arith.constant 16 : i32
        %mul3A_2220 = arith.muli %add3A_60, %mul3A_2219 : i32
        %add3A_2221 = arith.constant 14 : i32
        %add3A_2222 = arith.addi %mul3A_2220, %add3A_2221 : i32
        %swap3A_2223 = arith.index_cast %add3A_2222 : i32 to index
        %swap3A_2224 = arith.constant 64 : index
        %swap3A_2225 = tpu.vector_load %arg10[%swap3A_2223, %swap3A_2224] {strides = array<i32>} : memref<128x128xf32, #tpu.memory_space<vmem>>, vector<1x16xf32>,
        %swap3A_2226 = vector.shape_cast %swap3A_2225 : vector<1x16xf32> to vector<16xf32>
        %swap3A_2227 = vector.shape_cast %mul3A_2218 : vector<16xf32> to vector<1x16xf32>
        tpu.vector_store %arg10[%swap3A_2223, %swap3A_2224], %swap3A_2227 {strides = array<i32>} : memref<128x128xf32, #tpu.memory_space<vmem>>, vector<1x16xf32>,
        %mul3A_2228 = arith.constant 16 : i32
        %mul3A_2229 = arith.muli %add3A_60, %mul3A_2228 : i32
        %add3A_2230 = arith.constant 14 : i32
        %add3A_2231 = arith.addi %mul3A_2229, %add3A_2230 : i32
        %get3A_2232 = arith.index_cast %add3A_2231 : i32 to index
        %get3A_2233 = arith.constant 80 : index
        %get3A_2234 = tpu.vector_load %arg10[%get3A_2232, %get3A_2233] {strides = array<i32>} : memref<128x128xf32, #tpu.memory_space<vmem>>, vector<1x16xf32>,
        %get3A_2235 = vector.shape_cast %get3A_2234 : vector<1x16xf32> to vector<16xf32>
        %mul3A_2236 = arith.mulf %get3A_2235, %gather3A_2137 : vector<16xf32>
        %mul3A_2237 = arith.constant 16 : i32
        %mul3A_2238 = arith.muli %add3A_60, %mul3A_2237 : i32
        %add3A_2239 = arith.constant 14 : i32
        %add3A_2240 = arith.addi %mul3A_2238, %add3A_2239 : i32
        %swap3A_2241 = arith.index_cast %add3A_2240 : i32 to index
        %swap3A_2242 = arith.constant 80 : index
        %swap3A_2243 = tpu.vector_load %arg10[%swap3A_2241, %swap3A_2242] {strides = array<i32>} : memref<128x128xf32, #tpu.memory_space<vmem>>, vector<1x16xf32>,
        %swap3A_2244 = vector.shape_cast %swap3A_2243 : vector<1x16xf32> to vector<16xf32>
        %swap3A_2245 = vector.shape_cast %mul3A_2236 : vector<16xf32> to vector<1x16xf32>
        tpu.vector_store %arg10[%swap3A_2241, %swap3A_2242], %swap3A_2245 {strides = array<i32>} : memref<128x128xf32, #tpu.memory_space<vmem>>, vector<1x16xf32>,
        %mul3A_2246 = arith.constant 16 : i32
        %mul3A_2247 = arith.muli %add3A_60, %mul3A_2246 : i32
        %add3A_2248 = arith.constant 14 : i32
        %add3A_2249 = arith.addi %mul3A_2247, %add3A_2248 : i32
        %get3A_2250 = arith.index_cast %add3A_2249 : i32 to index
        %get3A_2251 = arith.constant 96 : index
        %get3A_2252 = tpu.vector_load %arg10[%get3A_2250, %get3A_2251] {strides = array<i32>} : memref<128x128xf32, #tpu.memory_space<vmem>>, vector<1x16xf32>,
        %get3A_2253 = vector.shape_cast %get3A_2252 : vector<1x16xf32> to vector<16xf32>
        %mul3A_2254 = arith.mulf %get3A_2253, %gather3A_2137 : vector<16xf32>
        %mul3A_2255 = arith.constant 16 : i32
        %mul3A_2256 = arith.muli %add3A_60, %mul3A_2255 : i32
        %add3A_2257 = arith.constant 14 : i32
        %add3A_2258 = arith.addi %mul3A_2256, %add3A_2257 : i32
        %swap3A_2259 = arith.index_cast %add3A_2258 : i32 to index
        %swap3A_2260 = arith.constant 96 : index
        %swap3A_2261 = tpu.vector_load %arg10[%swap3A_2259, %swap3A_2260] {strides = array<i32>} : memref<128x128xf32, #tpu.memory_space<vmem>>, vector<1x16xf32>,
        %swap3A_2262 = vector.shape_cast %swap3A_2261 : vector<1x16xf32> to vector<16xf32>
        %swap3A_2263 = vector.shape_cast %mul3A_2254 : vector<16xf32> to vector<1x16xf32>
        tpu.vector_store %arg10[%swap3A_2259, %swap3A_2260], %swap3A_2263 {strides = array<i32>} : memref<128x128xf32, #tpu.memory_space<vmem>>, vector<1x16xf32>,
        %mul3A_2264 = arith.constant 16 : i32
        %mul3A_2265 = arith.muli %add3A_60, %mul3A_2264 : i32
        %add3A_2266 = arith.constant 14 : i32
        %add3A_2267 = arith.addi %mul3A_2265, %add3A_2266 : i32
        %get3A_2268 = arith.index_cast %add3A_2267 : i32 to index
        %get3A_2269 = arith.constant 112 : index
        %get3A_2270 = tpu.vector_load %arg10[%get3A_2268, %get3A_2269] {strides = array<i32>} : memref<128x128xf32, #tpu.memory_space<vmem>>, vector<1x16xf32>,
        %get3A_2271 = vector.shape_cast %get3A_2270 : vector<1x16xf32> to vector<16xf32>
        %mul3A_2272 = arith.mulf %get3A_2271, %gather3A_2137 : vector<16xf32>
        %mul3A_2273 = arith.constant 16 : i32
        %mul3A_2274 = arith.muli %add3A_60, %mul3A_2273 : i32
        %add3A_2275 = arith.constant 14 : i32
        %add3A_2276 = arith.addi %mul3A_2274, %add3A_2275 : i32
        %swap3A_2277 = arith.index_cast %add3A_2276 : i32 to index
        %swap3A_2278 = arith.constant 112 : index
        %swap3A_2279 = tpu.vector_load %arg10[%swap3A_2277, %swap3A_2278] {strides = array<i32>} : memref<128x128xf32, #tpu.memory_space<vmem>>, vector<1x16xf32>,
        %swap3A_2280 = vector.shape_cast %swap3A_2279 : vector<1x16xf32> to vector<16xf32>
        %swap3A_2281 = vector.shape_cast %mul3A_2272 : vector<16xf32> to vector<1x16xf32>
        tpu.vector_store %arg10[%swap3A_2277, %swap3A_2278], %swap3A_2281 {strides = array<i32>} : memref<128x128xf32, #tpu.memory_space<vmem>>, vector<1x16xf32>,
        %broadcast_in_dim3A_2282 = arith.constant 15 : i32
        %broadcast_in_dim3A_2283 = vector.broadcast %broadcast_in_dim3A_2282 : i32 to vector<16x1xi32>
        %gather3A_2284 = vector.shape_cast %broadcast_in_dim3A_2283 : vector<16x1xi32> to vector<16xi32>
        %gather3A_2285 = tpu.dynamic_gather %get3A_64[%gather3A_2284] in [0] : vector<16xf32>, vector<16xi32> -> vector<16xf32>
        %mul3A_2286 = arith.constant 16 : i32
        %mul3A_2287 = arith.muli %add3A_60, %mul3A_2286 : i32
        %add3A_2288 = arith.constant 15 : i32
        %add3A_2289 = arith.addi %mul3A_2287, %add3A_2288 : i32
        %get3A_2290 = arith.index_cast %add3A_2289 : i32 to index
        %get3A_2291 = arith.constant 0 : index
        %get3A_2292 = tpu.vector_load %arg10[%get3A_2290, %get3A_2291] {strides = array<i32>} : memref<128x128xf32, #tpu.memory_space<vmem>>, vector<1x16xf32>,
        %get3A_2293 = vector.shape_cast %get3A_2292 : vector<1x16xf32> to vector<16xf32>
        %mul3A_2294 = arith.mulf %get3A_2293, %gather3A_2285 : vector<16xf32>
        %mul3A_2295 = arith.constant 16 : i32
        %mul3A_2296 = arith.muli %add3A_60, %mul3A_2295 : i32
        %add3A_2297 = arith.constant 15 : i32
        %add3A_2298 = arith.addi %mul3A_2296, %add3A_2297 : i32
        %swap3A_2299 = arith.index_cast %add3A_2298 : i32 to index
        %swap3A_2300 = arith.constant 0 : index
        %swap3A_2301 = tpu.vector_load %arg10[%swap3A_2299, %swap3A_2300] {strides = array<i32>} : memref<128x128xf32, #tpu.memory_space<vmem>>, vector<1x16xf32>,
        %swap3A_2302 = vector.shape_cast %swap3A_2301 : vector<1x16xf32> to vector<16xf32>
        %swap3A_2303 = vector.shape_cast %mul3A_2294 : vector<16xf32> to vector<1x16xf32>
        tpu.vector_store %arg10[%swap3A_2299, %swap3A_2300], %swap3A_2303 {strides = array<i32>} : memref<128x128xf32, #tpu.memory_space<vmem>>, vector<1x16xf32>,
        %mul3A_2304 = arith.constant 16 : i32
        %mul3A_2305 = arith.muli %add3A_60, %mul3A_2304 : i32
        %add3A_2306 = arith.constant 15 : i32
        %add3A_2307 = arith.addi %mul3A_2305, %add3A_2306 : i32
        %get3A_2308 = arith.index_cast %add3A_2307 : i32 to index
        %get3A_2309 = arith.constant 16 : index
        %get3A_2310 = tpu.vector_load %arg10[%get3A_2308, %get3A_2309] {strides = array<i32>} : memref<128x128xf32, #tpu.memory_space<vmem>>, vector<1x16xf32>,
        %get3A_2311 = vector.shape_cast %get3A_2310 : vector<1x16xf32> to vector<16xf32>
        %mul3A_2312 = arith.mulf %get3A_2311, %gather3A_2285 : vector<16xf32>
        %mul3A_2313 = arith.constant 16 : i32
        %mul3A_2314 = arith.muli %add3A_60, %mul3A_2313 : i32
        %add3A_2315 = arith.constant 15 : i32
        %add3A_2316 = arith.addi %mul3A_2314, %add3A_2315 : i32
        %swap3A_2317 = arith.index_cast %add3A_2316 : i32 to index
        %swap3A_2318 = arith.constant 16 : index
        %swap3A_2319 = tpu.vector_load %arg10[%swap3A_2317, %swap3A_2318] {strides = array<i32>} : memref<128x128xf32, #tpu.memory_space<vmem>>, vector<1x16xf32>,
        %swap3A_2320 = vector.shape_cast %swap3A_2319 : vector<1x16xf32> to vector<16xf32>
        %swap3A_2321 = vector.shape_cast %mul3A_2312 : vector<16xf32> to vector<1x16xf32>
        tpu.vector_store %arg10[%swap3A_2317, %swap3A_2318], %swap3A_2321 {strides = array<i32>} : memref<128x128xf32, #tpu.memory_space<vmem>>, vector<1x16xf32>,
        %mul3A_2322 = arith.constant 16 : i32
        %mul3A_2323 = arith.muli %add3A_60, %mul3A_2322 : i32
        %add3A_2324 = arith.constant 15 : i32
        %add3A_2325 = arith.addi %mul3A_2323, %add3A_2324 : i32
        %get3A_2326 = arith.index_cast %add3A_2325 : i32 to index
        %get3A_2327 = arith.constant 32 : index
        %get3A_2328 = tpu.vector_load %arg10[%get3A_2326, %get3A_2327] {strides = array<i32>} : memref<128x128xf32, #tpu.memory_space<vmem>>, vector<1x16xf32>,
        %get3A_2329 = vector.shape_cast %get3A_2328 : vector<1x16xf32> to vector<16xf32>
        %mul3A_2330 = arith.mulf %get3A_2329, %gather3A_2285 : vector<16xf32>
        %mul3A_2331 = arith.constant 16 : i32
        %mul3A_2332 = arith.muli %add3A_60, %mul3A_2331 : i32
        %add3A_2333 = arith.constant 15 : i32
        %add3A_2334 = arith.addi %mul3A_2332, %add3A_2333 : i32
        %swap3A_2335 = arith.index_cast %add3A_2334 : i32 to index
        %swap3A_2336 = arith.constant 32 : index
        %swap3A_2337 = tpu.vector_load %arg10[%swap3A_2335, %swap3A_2336] {strides = array<i32>} : memref<128x128xf32, #tpu.memory_space<vmem>>, vector<1x16xf32>,
        %swap3A_2338 = vector.shape_cast %swap3A_2337 : vector<1x16xf32> to vector<16xf32>
        %swap3A_2339 = vector.shape_cast %mul3A_2330 : vector<16xf32> to vector<1x16xf32>
        tpu.vector_store %arg10[%swap3A_2335, %swap3A_2336], %swap3A_2339 {strides = array<i32>} : memref<128x128xf32, #tpu.memory_space<vmem>>, vector<1x16xf32>,
        %mul3A_2340 = arith.constant 16 : i32
        %mul3A_2341 = arith.muli %add3A_60, %mul3A_2340 : i32
        %add3A_2342 = arith.constant 15 : i32
        %add3A_2343 = arith.addi %mul3A_2341, %add3A_2342 : i32
        %get3A_2344 = arith.index_cast %add3A_2343 : i32 to index
        %get3A_2345 = arith.constant 48 : index
        %get3A_2346 = tpu.vector_load %arg10[%get3A_2344, %get3A_2345] {strides = array<i32>} : memref<128x128xf32, #tpu.memory_space<vmem>>, vector<1x16xf32>,
        %get3A_2347 = vector.shape_cast %get3A_2346 : vector<1x16xf32> to vector<16xf32>
        %mul3A_2348 = arith.mulf %get3A_2347, %gather3A_2285 : vector<16xf32>
        %mul3A_2349 = arith.constant 16 : i32
        %mul3A_2350 = arith.muli %add3A_60, %mul3A_2349 : i32
        %add3A_2351 = arith.constant 15 : i32
        %add3A_2352 = arith.addi %mul3A_2350, %add3A_2351 : i32
        %swap3A_2353 = arith.index_cast %add3A_2352 : i32 to index
        %swap3A_2354 = arith.constant 48 : index
        %swap3A_2355 = tpu.vector_load %arg10[%swap3A_2353, %swap3A_2354] {strides = array<i32>} : memref<128x128xf32, #tpu.memory_space<vmem>>, vector<1x16xf32>,
        %swap3A_2356 = vector.shape_cast %swap3A_2355 : vector<1x16xf32> to vector<16xf32>
        %swap3A_2357 = vector.shape_cast %mul3A_2348 : vector<16xf32> to vector<1x16xf32>
        tpu.vector_store %arg10[%swap3A_2353, %swap3A_2354], %swap3A_2357 {strides = array<i32>} : memref<128x128xf32, #tpu.memory_space<vmem>>, vector<1x16xf32>,
        %mul3A_2358 = arith.constant 16 : i32
        %mul3A_2359 = arith.muli %add3A_60, %mul3A_2358 : i32
        %add3A_2360 = arith.constant 15 : i32
        %add3A_2361 = arith.addi %mul3A_2359, %add3A_2360 : i32
        %get3A_2362 = arith.index_cast %add3A_2361 : i32 to index
        %get3A_2363 = arith.constant 64 : index
        %get3A_2364 = tpu.vector_load %arg10[%get3A_2362, %get3A_2363] {strides = array<i32>} : memref<128x128xf32, #tpu.memory_space<vmem>>, vector<1x16xf32>,
        %get3A_2365 = vector.shape_cast %get3A_2364 : vector<1x16xf32> to vector<16xf32>
        %mul3A_2366 = arith.mulf %get3A_2365, %gather3A_2285 : vector<16xf32>
        %mul3A_2367 = arith.constant 16 : i32
        %mul3A_2368 = arith.muli %add3A_60, %mul3A_2367 : i32
        %add3A_2369 = arith.constant 15 : i32
        %add3A_2370 = arith.addi %mul3A_2368, %add3A_2369 : i32
        %swap3A_2371 = arith.index_cast %add3A_2370 : i32 to index
        %swap3A_2372 = arith.constant 64 : index
        %swap3A_2373 = tpu.vector_load %arg10[%swap3A_2371, %swap3A_2372] {strides = array<i32>} : memref<128x128xf32, #tpu.memory_space<vmem>>, vector<1x16xf32>,
        %swap3A_2374 = vector.shape_cast %swap3A_2373 : vector<1x16xf32> to vector<16xf32>
        %swap3A_2375 = vector.shape_cast %mul3A_2366 : vector<16xf32> to vector<1x16xf32>
        tpu.vector_store %arg10[%swap3A_2371, %swap3A_2372], %swap3A_2375 {strides = array<i32>} : memref<128x128xf32, #tpu.memory_space<vmem>>, vector<1x16xf32>,
        %mul3A_2376 = arith.constant 16 : i32
        %mul3A_2377 = arith.muli %add3A_60, %mul3A_2376 : i32
        %add3A_2378 = arith.constant 15 : i32
        %add3A_2379 = arith.addi %mul3A_2377, %add3A_2378 : i32
        %get3A_2380 = arith.index_cast %add3A_2379 : i32 to index
        %get3A_2381 = arith.constant 80 : index
        %get3A_2382 = tpu.vector_load %arg10[%get3A_2380, %get3A_2381] {strides = array<i32>} : memref<128x128xf32, #tpu.memory_space<vmem>>, vector<1x16xf32>,
        %get3A_2383 = vector.shape_cast %get3A_2382 : vector<1x16xf32> to vector<16xf32>
        %mul3A_2384 = arith.mulf %get3A_2383, %gather3A_2285 : vector<16xf32>
        %mul3A_2385 = arith.constant 16 : i32
        %mul3A_2386 = arith.muli %add3A_60, %mul3A_2385 : i32
        %add3A_2387 = arith.constant 15 : i32
        %add3A_2388 = arith.addi %mul3A_2386, %add3A_2387 : i32
        %swap3A_2389 = arith.index_cast %add3A_2388 : i32 to index
        %swap3A_2390 = arith.constant 80 : index
        %swap3A_2391 = tpu.vector_load %arg10[%swap3A_2389, %swap3A_2390] {strides = array<i32>} : memref<128x128xf32, #tpu.memory_space<vmem>>, vector<1x16xf32>,
        %swap3A_2392 = vector.shape_cast %swap3A_2391 : vector<1x16xf32> to vector<16xf32>
        %swap3A_2393 = vector.shape_cast %mul3A_2384 : vector<16xf32> to vector<1x16xf32>
        tpu.vector_store %arg10[%swap3A_2389, %swap3A_2390], %swap3A_2393 {strides = array<i32>} : memref<128x128xf32, #tpu.memory_space<vmem>>, vector<1x16xf32>,
        %mul3A_2394 = arith.constant 16 : i32
        %mul3A_2395 = arith.muli %add3A_60, %mul3A_2394 : i32
        %add3A_2396 = arith.constant 15 : i32
        %add3A_2397 = arith.addi %mul3A_2395, %add3A_2396 : i32
        %get3A_2398 = arith.index_cast %add3A_2397 : i32 to index
        %get3A_2399 = arith.constant 96 : index
        %get3A_2400 = tpu.vector_load %arg10[%get3A_2398, %get3A_2399] {strides = array<i32>} : memref<128x128xf32, #tpu.memory_space<vmem>>, vector<1x16xf32>,
        %get3A_2401 = vector.shape_cast %get3A_2400 : vector<1x16xf32> to vector<16xf32>
        %mul3A_2402 = arith.mulf %get3A_2401, %gather3A_2285 : vector<16xf32>
        %mul3A_2403 = arith.constant 16 : i32
        %mul3A_2404 = arith.muli %add3A_60, %mul3A_2403 : i32
        %add3A_2405 = arith.constant 15 : i32
        %add3A_2406 = arith.addi %mul3A_2404, %add3A_2405 : i32
        %swap3A_2407 = arith.index_cast %add3A_2406 : i32 to index
        %swap3A_2408 = arith.constant 96 : index
        %swap3A_2409 = tpu.vector_load %arg10[%swap3A_2407, %swap3A_2408] {strides = array<i32>} : memref<128x128xf32, #tpu.memory_space<vmem>>, vector<1x16xf32>,
        %swap3A_2410 = vector.shape_cast %swap3A_2409 : vector<1x16xf32> to vector<16xf32>
        %swap3A_2411 = vector.shape_cast %mul3A_2402 : vector<16xf32> to vector<1x16xf32>
        tpu.vector_store %arg10[%swap3A_2407, %swap3A_2408], %swap3A_2411 {strides = array<i32>} : memref<128x128xf32, #tpu.memory_space<vmem>>, vector<1x16xf32>,
        %mul3A_2412 = arith.constant 16 : i32
        %mul3A_2413 = arith.muli %add3A_60, %mul3A_2412 : i32
        %add3A_2414 = arith.constant 15 : i32
        %add3A_2415 = arith.addi %mul3A_2413, %add3A_2414 : i32
        %get3A_2416 = arith.index_cast %add3A_2415 : i32 to index
        %get3A_2417 = arith.constant 112 : index
        %get3A_2418 = tpu.vector_load %arg10[%get3A_2416, %get3A_2417] {strides = array<i32>} : memref<128x128xf32, #tpu.memory_space<vmem>>, vector<1x16xf32>,
        %get3A_2419 = vector.shape_cast %get3A_2418 : vector<1x16xf32> to vector<16xf32>
        %mul3A_2420 = arith.mulf %get3A_2419, %gather3A_2285 : vector<16xf32>
        %mul3A_2421 = arith.constant 16 : i32
        %mul3A_2422 = arith.muli %add3A_60, %mul3A_2421 : i32
        %add3A_2423 = arith.constant 15 : i32
        %add3A_2424 = arith.addi %mul3A_2422, %add3A_2423 : i32
        %swap3A_2425 = arith.index_cast %add3A_2424 : i32 to index
        %swap3A_2426 = arith.constant 112 : index
        %swap3A_2427 = tpu.vector_load %arg10[%swap3A_2425, %swap3A_2426] {strides = array<i32>} : memref<128x128xf32, #tpu.memory_space<vmem>>, vector<1x16xf32>,
        %swap3A_2428 = vector.shape_cast %swap3A_2427 : vector<1x16xf32> to vector<16xf32>
        %swap3A_2429 = vector.shape_cast %mul3A_2420 : vector<16xf32> to vector<1x16xf32>
        tpu.vector_store %arg10[%swap3A_2425, %swap3A_2426], %swap3A_2429 {strides = array<i32>} : memref<128x128xf32, #tpu.memory_space<vmem>>, vector<1x16xf32>,
      }
      %scan3A_55 = arith.constant 8 : i32
      "tpu.region"() ({
        %run_scoped3A = tpu.sem_alloc : memref<!tpu.dma_semaphore, #tpu.memory_space<semaphore_mem>>
        %dma_start3A_56 = arith.constant 0 : i32
        %dma_start3A_57 = arith.constant 0 : i32
        %dma_start3A_58 = tpu.memref_slice %arg11[%dma_start3A_56, %dma_start3A_57] : memref<10240x128xf32, #tpu.memory_space<vmem_shared>> -> memref<10240x128xf32, #tpu.memory_space<vmem_shared>>
        tpu.enqueue_indirect_dma source(%arg10 : memref<128x128xf32, #tpu.memory_space<vmem>>) target(%dma_start3A_58 : memref<10240x128xf32, #tpu.memory_space<vmem_shared>>) offsets(%arg8 : memref<128xi32, #tpu.memory_space<vmem>>) semaphore(%run_scoped3A : memref<!tpu.dma_semaphore, #tpu.memory_space<semaphore_mem>>) {add = true}
        %dma_wait3A_59 = arith.constant 0 : i32
        %dma_wait3A_60 = arith.constant 0 : i32
        %dma_wait3A_61 = tpu.memref_slice %arg11[%dma_wait3A_59, %dma_wait3A_60] : memref<10240x128xf32, #tpu.memory_space<vmem_shared>> -> memref<10240x128xf32, #tpu.memory_space<vmem_shared>>
        tpu.wait_indirect_dma semaphore(%run_scoped3A : memref<!tpu.dma_semaphore, #tpu.memory_space<semaphore_mem>>) src(%arg10 : memref<128x128xf32, #tpu.memory_space<vmem>>) dst(%dma_wait3A_61 : memref<10240x128xf32, #tpu.memory_space<vmem_shared>>)
        tpu.yield
      }) : () -> ()
    }
    %barrier3A_36 = arith.constant 0 : index
    tpu.barrier barrier_id(%barrier3A_36)
    %mul3A_37 = arith.constant 640 : i32
    %mul3A_38 = arith.muli %arg1, %mul3A_37 : i32
    %mul3A_39 = arith.constant 640 : i32
    %mul3A_40 = arith.muli %arg1, %mul3A_39 : i32
    "tpu.region"() ({
      %run_scoped3A = tpu.sem_alloc : memref<!tpu.dma_semaphore, #tpu.memory_space<semaphore_mem>>
      %dma_start3A = arith.constant 0 : i32
      %dma_start3A_41 = tpu.memref_slice %arg6[%arg0, %mul3A_40, %dma_start3A] : memref<2x10240x128xf32, #tpu.memory_space<hbm>> -> memref<1x640x128xf32, #tpu.memory_space<hbm>>
      %dma_start3A_42 = tpu.memref_squeeze %dma_start3A_41 : memref<1x640x128xf32, #tpu.memory_space<hbm>> -> memref<640x128xf32, #tpu.memory_space<hbm>>
      %dma_start3A_43 = arith.constant 0 : i32
      %dma_start3A_44 = tpu.memref_slice %arg11[%mul3A_38, %dma_start3A_43] : memref<10240x128xf32, #tpu.memory_space<vmem_shared>> -> memref<640x128xf32, #tpu.memory_space<vmem_shared>>
      tpu.enqueue_dma source(%dma_start3A_44 : memref<640x128xf32, #tpu.memory_space<vmem_shared>>) target(%dma_start3A_42 : memref<640x128xf32, #tpu.memory_space<hbm>>) target_semaphore(%run_scoped3A : memref<!tpu.dma_semaphore, #tpu.memory_space<semaphore_mem>>)
      %dma_wait3A = arith.constant 0 : i32
      %dma_wait3A_45 = tpu.memref_slice %arg6[%arg0, %mul3A_40, %dma_wait3A] : memref<2x10240x128xf32, #tpu.memory_space<hbm>> -> memref<1x640x128xf32, #tpu.memory_space<hbm>>
      %dma_wait3A_46 = tpu.memref_squeeze %dma_wait3A_45 : memref<1x640x128xf32, #tpu.memory_space<hbm>> -> memref<640x128xf32, #tpu.memory_space<hbm>>
      %dma_wait3A_47 = arith.constant 0 : i32
      %dma_wait3A_48 = tpu.memref_slice %arg11[%mul3A_38, %dma_wait3A_47] : memref<10240x128xf32, #tpu.memory_space<vmem_shared>> -> memref<640x128xf32, #tpu.memory_space<vmem_shared>>
      tpu.wait_dma2 semaphore(%run_scoped3A : memref<!tpu.dma_semaphore, #tpu.memory_space<semaphore_mem>>) src(%dma_wait3A_48 : memref<640x128xf32, #tpu.memory_space<vmem_shared>>) dst(%dma_wait3A_46 : memref<640x128xf32, #tpu.memory_space<hbm>>)
      tpu.yield
    }) : () -> ()
    return
  }
}

module attributes {stable_mosaic.version = 14 : i64} {
  func.func @body(%arg0: i32, %arg1: i32, %arg2: memref<2000x128xf32, #tpu.memory_space<vmem>>, %arg3: memref<1x128x128xf32, #tpu.memory_space<vmem>>, %arg4: memref<1x2000x128xf32, #tpu.memory_space<vmem>>) attributes {dimension_semantics = [#tpu.dimension_semantics<arbitrary>, #tpu.dimension_semantics<arbitrary>], iteration_bounds = array<i64: 4, 5>, scalar_prefetch = 0 : i64, scratch_operands = 0 : i64, tpu.core_type = #tpu.core_type<tc>, window_params = [{transform_indices = @transform_0, window_bounds = array<i64: 2000, 128>}, {transform_indices = @transform_1, window_bounds = array<i64: 1, 128, 128>}, {transform_indices = @transform_2, window_bounds = array<i64: 1, 2000, 128>}]} {
    %get3A = arith.constant 0 : index
    %get3A_0 = arith.constant 0 : index
    %get3A_1 = vector.load %arg2[%get3A, %get3A_0] : memref<2000x128xf32, #tpu.memory_space<vmem>>, vector<2000x128xf32>
    %get3A_2 = arith.constant 0 : index
    %get3A_3 = arith.constant 0 : index
    %get3A_4 = arith.constant 0 : index
    %get3A_5 = vector.load %arg3[%get3A_2, %get3A_3, %get3A_4] : memref<1x128x128xf32, #tpu.memory_space<vmem>>, vector<1x128x128xf32>
    %get3A_6 = vector.shape_cast %get3A_5 : vector<1x128x128xf32> to vector<128x128xf32>
    %dot_general3A = arith.constant dense<0.000000e+00> : vector<2000x128xf32>
    %dot_general3A_7 = tpu.matmul %get3A_1, %get3A_6, %dot_general3A {dimension_numbers = #tpu.dot_dimension_numbers<[1], [0], [0], [1], [0, 0, 1, 1], [], []>, transpose_lhs_hint = false} : vector<2000x128xf32>, vector<128x128xf32>, vector<2000x128xf32> -> vector<2000x128xf32>
    %swap3A = arith.constant 0 : index
    %swap3A_8 = arith.constant 0 : index
    %swap3A_9 = arith.constant 0 : index
    %swap3A_10 = vector.load %arg4[%swap3A, %swap3A_8, %swap3A_9] : memref<1x2000x128xf32, #tpu.memory_space<vmem>>, vector<1x2000x128xf32>
    %swap3A_11 = vector.shape_cast %swap3A_10 : vector<1x2000x128xf32> to vector<2000x128xf32>
    %swap3A_12 = vector.shape_cast %dot_general3A_7 : vector<2000x128xf32> to vector<1x2000x128xf32>
    tpu.vector_store %arg4[%swap3A, %swap3A_8, %swap3A_9], %swap3A_12 {strides = array<i32>} : memref<1x2000x128xf32, #tpu.memory_space<vmem>>, vector<1x2000x128xf32>,
    return
  }
  func.func @transform_0(%arg0: i32, %arg1: i32) -> (i32, i32) {
    %c0_i32 = arith.constant 0 : i32
    %c0_i32_0 = arith.constant 0 : i32
    return %arg1, %c0_i32 : i32, i32
  }
  func.func @transform_1(%arg0: i32, %arg1: i32) -> (i32, i32, i32) {
    %c0_i32 = arith.constant 0 : i32
    %c0_i32_0 = arith.constant 0 : i32
    %c0_i32_1 = arith.constant 0 : i32
    return %arg0, %c0_i32, %c0_i32_0 : i32, i32, i32
  }
  func.func @transform_2(%arg0: i32, %arg1: i32) -> (i32, i32, i32) {
    %c0_i32 = arith.constant 0 : i32
    %c0_i32_0 = arith.constant 0 : i32
    return %arg0, %arg1, %c0_i32 : i32, i32, i32
  }
}

module attributes {stable_mosaic.version = 14 : i64} {
  func.func @body(%arg0: i32, %arg1: memref<2x1000x128xf32, #tpu.memory_space<vmem>>, %arg2: memref<1000x128xf32, #tpu.memory_space<vmem>>) attributes {dimension_semantics = [#tpu.dimension_semantics<arbitrary>], iteration_bounds = array<i64: 10>, scalar_prefetch = 0 : i64, scratch_operands = 0 : i64, tpu.core_type = #tpu.core_type<tc>, window_params = [{transform_indices = @transform_0, window_bounds = array<i64: 2, 1000, 128>}, {transform_indices = @transform_1, window_bounds = array<i64: 1000, 128>}]} {
    %get3A = arith.constant 0 : index
    %get3A_0 = arith.constant 0 : index
    %get3A_1 = arith.constant 0 : index
    %get3A_2 = vector.load %arg1[%get3A, %get3A_0, %get3A_1] : memref<2x1000x128xf32, #tpu.memory_space<vmem>>, vector<1x1000x128xf32>
    %get3A_3 = vector.shape_cast %get3A_2 : vector<1x1000x128xf32> to vector<1000x128xf32>
    %get3A_4 = arith.constant 1 : index
    %get3A_5 = arith.constant 0 : index
    %get3A_6 = arith.constant 0 : index
    %get3A_7 = vector.load %arg1[%get3A_4, %get3A_5, %get3A_6] : memref<2x1000x128xf32, #tpu.memory_space<vmem>>, vector<1x1000x128xf32>
    %get3A_8 = vector.shape_cast %get3A_7 : vector<1x1000x128xf32> to vector<1000x128xf32>
    %add3A = arith.addf %get3A_3, %get3A_8 : vector<1000x128xf32>
    %swap3A = arith.constant 0 : index
    %swap3A_9 = arith.constant 0 : index
    %swap3A_10 = vector.load %arg2[%swap3A, %swap3A_9] : memref<1000x128xf32, #tpu.memory_space<vmem>>, vector<1000x128xf32>
    tpu.vector_store %arg2[%swap3A, %swap3A_9], %add3A {strides = array<i32>} : memref<1000x128xf32, #tpu.memory_space<vmem>>, vector<1000x128xf32>,
    return
  }
  func.func @transform_0(%arg0: i32) -> (i32, i32, i32) {
    %c0_i32 = arith.constant 0 : i32
    %c0_i32_0 = arith.constant 0 : i32
    %c0_i32_1 = arith.constant 0 : i32
    return %c0_i32, %arg0, %c0_i32_0 : i32, i32, i32
  }
  func.func @transform_1(%arg0: i32) -> (i32, i32) {
    %c0_i32 = arith.constant 0 : i32
    %c0_i32_0 = arith.constant 0 : i32
    return %arg0, %c0_i32 : i32, i32
  }
}

</mosaic_0001>

<sc_bundles>
// kernel: kernel.5.cloned.1.call-start
scs
__scs_entry_jumppad:
0x0: {  	(pc) =	sbr.rel $0x88, $3  }
0x1: {  	(tag) =	ssettag $0x0;
	lr =	simm.s32 $0x1  }
0x2: {  	[smem:$0x3F9D] =	sst lr;
	_ =	strace $0xD0000000  }
0x3: {  	_ = 	snop  }
0x4: {  	_ = 	snop  }
0x5: {  	_ = 	snop  }
0x6: {  	_ = 	snop  }
0x7: {  	_ = 	snop  }
__scs_overlays_trampoline_lowered:
0x8: {  	[smem:$0x3FAC] =	sst s0  }
0x9: {  	[smem:$0x3FAD] =	sst s1  }
0xa: {  	[smem:$0x3FAE] =	sst s2  }
0xb: {  	[smem:$0x3FAF] =	sst s3  }
0xc: {  	[smem:$0x3FB0] =	sst s4  }
0xd: {  	[smem:$0x3FB1] =	sst s5  }
0xe: {  	[smem:$0x3FB2] =	sst s6  }
0xf: {  	[smem:$0x3FB3] =	sst s7  }
0x10: {  	[smem:$0x3FB4] =	sst s8  }
0x11: {  	[smem:$0x3FB5] =	sst s9;
	s0 =	simm.s32 @!p0 $0x0  }
0x12: {  	s1 =	sld [smem:$0x3F9B];
	s0 =	simm.s32 @p0 $0x1  }
0x13: {  	[smem:$0x3FB6] =	sst s0;
	s0 =	simm.s32 @!p1 $0x0  }
0x14: {  	s2 =	sld [smem:$0x3F9A];
	s0 =	simm.s32 @p1 $0x1  }
0x15: {  	[smem:$0x3FB7] =	sst s0;
	s0 =	simm.s32 @!p2 $0x0  }
0x16: {  	s3 =	sld [smem:$0x3FDB];
	s0 =	simm.s32 @p2 $0x1  }
0x17: {  	s4 =	simm.s32 $0x1BF5;
	[smem:$0x3FB9] =	sst s0  }
0x18: {  	s0 =	sld [smem:$0x3F9C];
	_ =	swait.ge [sflag:s4], $0x0  }
0x19: {  	s7 =	sld [smem:$0x3F9D]  }
0x1a: {  	s8 =	sadd.s32 $0xFFFFE003, lr  }
0x1b: {  	s9 =	sadd.s32 $0xFFFFFEF7, lr;
	s5 =	simm.s32 $0xFFFFFFFF;
	p2 =	slt.u32 s8, $0xFFFFF086  }
0x1c: {  	p1 =	slt.u32 s9, $0xF7A;
	s5 =	simm.s32 @!p2 $0x0  }
0x1d: {  	s5 =	simm.s32 @p1 $0x1;
	p0 =	seq.s32 s7, s2  }
0x1e: {  	s7 =	smul.u32 @!p0 $0xF7A, s2;
	p2 =	seq.s32 @!p0 s5, $0x0  }
0x1f: {  	s9 =	smul.u32 $0xF7A, s1;
	s8 =	simm.s32 @!p0 $0x1BF5;
	p2 =	por !p2, p0  }
0x20: {  	[sflag:s8] =	ssyncset.s32 @!p0 $0xFFFFF086;
	s6 =	sadd.s32 @!p0 s3, s7;
	s7 =	simm.s32 @!p0 $0x108  }
0x21: {  	s3 =	sadd.s32 s3, s9;
	s6 =	sadd.s32 @!p0 $0x88, s6;
	s7 =	simm.s32 @p2 $0x1082  }
0x22: {  	[simem:s7], [sflag:s8] =	dma.local @!p0 [hbm:s6], $0xF7A  }
0x23: {  	s9 =	sor.u32 $0xD0000000, s2;
	s6 =	simm.s32 $0x108;
	_ =	swait.ge @!p0 [sflag:s8], $0x0  }
0x24: {  	s3 =	sadd.s32 $0x88, s3;
	s6 =	simm.s32 @!p1 $0x1082;
	[sflag:s4] =	ssyncset.s32 $0xFFFFF086  }
0x25: {  	[simem:s6], [sflag:s4] =	dma.local [hbm:s3], $0xF7A  }
0x26: {  	[smem:$0x3F9D] =	sst s1;
	(tag) =	ssettag s2;
	_ =	strace s9  }
0x27: {  	s1 =	sld [smem:$0x3FAD]  }
0x28: {  	s2 =	sld [smem:$0x3FAE]  }
0x29: {  	s4 =	sld [smem:$0x3FB0]  }
0x2a: {  	p0 =	seq.s32 s5, $0x0;
	s5 =	sld [smem:$0x3FB1]  }
0x2b: {  	s6 =	sld [smem:$0x3FB2]  }
0x2c: {  	s7 =	sld [smem:$0x3FB3]  }
0x2d: {  	s3 =	simm.s32 $0x108;
	s8 =	sld [smem:$0x3FB4]  }
0x2e: {  	s3 =	simm.s32 @!p0 $0x1082;
	s9 =	sld [smem:$0x3FB5]  }
0x2f: {  	lr =	sadd.s32 s0, s3;
	s0 =	sld [smem:$0x3FAC]  }
0x30: {  	s3 =	sld [smem:$0x3FAF]  }
0x31: {  	[smem:$0x3FB8] =	sst s10  }
0x32: {  	s10 =	sld [smem:$0x3FB6];
	_ =	sdelay $0x3  }
0x33: {  	p0 =	seq.s32 s10, $0x1;
	s10 =	sld [smem:$0x3FB8];
	_ =	sdelay $0x3  }
0x34: {  	[smem:$0x3FB8] =	sst s10  }
0x35: {  	s10 =	sld [smem:$0x3FB7];
	_ =	sdelay $0x3  }
0x36: {  	p1 =	seq.s32 s10, $0x1;
	s10 =	sld [smem:$0x3FB8];
	_ =	sdelay $0x3  }
0x37: {  	[smem:$0x3FB8] =	sst s10  }
0x38: {  	s10 =	sld [smem:$0x3FB9]  }
0x39: {  	_ = 	snop;
	(pc) =	sbr.ind lr, $3  }
0x3a: {  	_ = 	snop  }
0x3b: {  	_ = 	snop  }
0x3c: {  	p2 =	seq.s32 s10, $0x1;
	s10 =	sld [smem:$0x3FB8]  }
0x3d: {  	_ =	shalt  }
0x3e: {  	_ =	shalt  }
0x3f: {  	_ =	shalt  }
0x40: {  	_ =	shalt  }
0x41: {  	_ =	shalt  }
0x42: {  	_ =	shalt  }
0x43: {  	_ =	shalt  }
0x44: {  	_ =	shalt  }
0x45: {  	_ =	shalt  }
0x46: {  	_ =	shalt  }
0x47: {  	_ =	shalt  }
0x48: {  	_ =	shalt  }
0x49: {  	_ =	shalt  }
0x4a: {  	_ =	shalt  }
0x4b: {  	_ =	shalt  }
0x4c: {  	_ =	shalt  }
0x4d: {  	_ =	shalt  }
0x4e: {  	_ =	shalt  }
0x4f: {  	_ =	shalt  }
0x50: {  	_ =	shalt  }
0x51: {  	_ =	shalt  }
0x52: {  	_ =	shalt  }
0x53: {  	_ =	shalt  }
0x54: {  	_ =	shalt  }
0x55: {  	_ =	shalt  }
0x56: {  	_ =	shalt  }
0x57: {  	_ =	shalt  }
0x58: {  	_ =	shalt  }
0x59: {  	_ =	shalt  }
0x5a: {  	_ =	shalt  }
0x5b: {  	_ =	shalt  }
0x5c: {  	_ =	shalt  }
0x5d: {  	_ =	shalt  }
0x5e: {  	_ =	shalt  }
0x5f: {  	_ =	shalt  }
0x60: {  	_ =	shalt  }
0x61: {  	_ =	shalt  }
0x62: {  	_ =	shalt  }
0x63: {  	_ =	shalt  }
0x64: {  	_ =	shalt  }
0x65: {  	_ =	shalt  }
0x66: {  	_ =	shalt  }
0x67: {  	_ =	shalt  }
0x68: {  	_ =	shalt  }
0x69: {  	_ =	shalt  }
0x6a: {  	_ =	shalt  }
0x6b: {  	_ =	shalt  }
0x6c: {  	_ =	shalt  }
0x6d: {  	_ =	shalt  }
0x6e: {  	_ =	shalt  }
0x6f: {  	_ =	shalt  }
0x70: {  	_ =	shalt  }
0x71: {  	_ =	shalt  }
0x72: {  	_ =	shalt  }
0x73: {  	_ =	shalt  }
0x74: {  	_ =	shalt  }
0x75: {  	_ =	shalt  }
0x76: {  	_ =	shalt  }
0x77: {  	_ =	shalt  }
0x78: {  	_ =	shalt  }
0x79: {  	_ =	shalt  }
0x7a: {  	_ =	shalt  }
0x7b: {  	_ =	shalt  }
0x7c: {  	_ =	shalt  }
0x7d: {  	_ =	shalt  }
0x7e: {  	_ =	shalt  }
0x7f: {  	_ =	shalt  }
0x80: {  	_ =	shalt  }
0x81: {  	_ =	shalt  }
0x82: {  	_ =	shalt  }
0x83: {  	_ =	shalt  }
0x84: {  	_ =	shalt  }
0x85: {  	_ =	shalt  }
0x86: {  	_ =	shalt  }
0x87: {  	_ =	shalt  }
.Lfunc_end0:
.L_simem_size_0:
called_computation_lowered:
.L_overlay_start_0:
0x88: {  	s2 =	sld [smem:$0x3FD9]  }
0x89: {  	s3 =	sld [smem:$0x3FFE];
	_ =	sdelay $0x1  }
0x8a: {  	s1 =	srdreg.scid  }
0x8b: {  	s0 =	sand.u32 $0x1, s1  }
0x8c: {  	s17 =	sshll.u32 s0, $0xA;
	s2 =	sadd.s32 s3, s2  }
0x8d: {  	s2 =	sadd.s32 s2, s17  }
0x8e: {  	[smem:$0x3FC4] =	sst s2  }
0x8f: {  	_ = 	snop  }
0x90: {  	s2 =	sld [smem:$0x3FD0];
	(tm) =	ssettm $0x1  }
0x91: {  	s18 =	sld [smem:$0x3FFB];
	_ =	sdelay $0x3  }
0x92: {  	_ =	strace s18  }
0x93: {  	s3 =	sld [smem:$0x3FFC];
	_ =	sdelay $0x3  }
0x94: {  	_ =	strace s3  }
0x95: {  	s3 =	sld [smem:$0x3FFD];
	_ =	sdelay $0x3  }
0x96: {  	_ =	strace s3  }
0x97: {  	_ =	strace $0x8FFFFFFF  }
0x98: {  	s19 =	sld [smem:$0x3FDB];
	_ =	sdelay $0x1  }
0x99: {  	s4 =	simm.s32 $_scs_section_size  }
0x9a: {  	s5 =	simm.s32 $_size__tile_overlayer_lowered;
	s6 =	simm.s32 $_tile_overlayer_lowered  }
0x9b: {  	s22 =	simm.s32 $0x1BFF;
	s21 =	sshll.u32 s6, $0x1;
	s3 =	sadd.s32 s4, s19  }
0x9c: {  	s7 =	simm.s32 $0x0;
	s20 =	sshll.u32 s5, $0x1;
	s5 =	sadd.s32 s21, s3  }
0x9d: {  	[timem:s7], [sflag:s22] =	dma.local [hbm:s5], s20  }
0x9e: {  	_ =	swait.ge [sflag:s22], s20  }
0x9f: {  	s4 =	ssub.s32 $0x0, s20;
	[sflag:s22] =	ssyncset.done $0x0  }
0xa0: {  	[sflag:s22] =	ssyncadd.s32 s4;
	_ =	sdelay $0x1  }
0xa1: {  	s23 =	simm.s32 $0x1B8B  }
0xa2: {  	_ =	swait.ge [sflag:s23], $0x1  }
0xa3: {  	[sflag:s23] =	ssyncset.done $0x0  }
0xa4: {  	s25 =	simm.s32 $0x1B8E;
	s24 =	sld [smem:$0x3FFE];
	[sflag:s23] =	ssyncadd.s32 $0xFFFFFFFF  }
0xa5: {  	s26 =	simm.s32 $execute0_lowered;
	[smem:$0x3FD2] =	sst s25  }
0xa6: {  	s5 =	sshll.u32 s26, $0x1;
	_ =	strace $0x80000046;
	[dreg:$0x1] =	wrdreg $0xFFFFFFFF  }
0xa7: {  	s28 =	simm.s32 $_size_execute0_lowered;
	s3 =	sadd.s32 s3, s5;
	[dreg:$0x0] =	wrdreg $0x0  }
0xa8: {  	s5 =	sshll.u32 s28, $0x1;
	[dreg:$0x2] =	wrdreg s3  }
0xa9: {  	[dreg:$0x3] =	wrdreg s5  }
0xaa: {  	[dreg:$0x4] =	wrdreg $0xC0  }
0xab: {  	_ =	task [dreg:s7], $0x5FFFF  }
0xac: {  	[dreg:$0x1] =	wrdreg $0xFFFFFFFF  }
0xad: {  	[dreg:$0x0] =	wrdreg $0x60  }
0xae: {  	[dreg:$0x2] =	wrdreg s24  }
0xaf: {  	[dreg:$0x3] =	wrdreg s2  }
0xb0: {  	[dreg:$0x4] =	wrdreg $0x41800  }
0xb1: {  	[dreg:$0x5] =	wrdreg $0x9  }
0xb2: {  	_ =	task.clear_ibuf [dreg:s7], $0x6FFFF;
	_ =	strace $0x90000046  }
0xb3: {  	s29 =	simm.s32 $0x9;
	_ =	strace $0x80000048  }
0xb4: {  	_ =	swait.ge [sflag:s29], $0x1  }
0xb5: {  	[sflag:s29] =	ssyncadd.s32 $0xFFFFFFFF  }
0xb6: {  	_ =	strace $0x90000048  }
0xb7: {  	_ =	sfence  }
0xb8: {  	s30 =	sld [smem:$0x0];
	_ =	sdelay $0x2  }
0xb9: {  	s31 =	sshll.u32 s1, $0xD;
	s1 =	sshrl.u32 s1, $0x2  }
0xba: {  	s3 =	sand.u32 $0x4000, s31;
	s1 =	sadd.s32 s1, s30  }
0xbb: {  	s0 =	sor.u32 s3, s0;
	s1 =	sshll.u32 s1, $0x11  }
0xbc: {  	s0 =	sor.u32 s1, s0  }
0xbd: {  	s0 =	sadd.s32 $0x8F2B, s0  }
0xbe: {  	[sflag:s0] =	ssyncadd.remote.s32 $0x1  }
0xbf: {  	_ =	sfence.sel $0xFFFF  }
0xc0: {  	[dreg:$0x0] =	wrdreg $0xFFFFFFFF;
	(pc) =	sbr.abs _section_cstart, $3  }
0xc1: {  	[dreg:$0x1] =	wrdreg $0xFFFFFFFF  }
0xc2: {  	_ =	task.clear_ibuf [dreg:s7], $0x2FFFF;
	_ =	strace $0x9FFFFFFF  }
0xc3: {  	(tm) =	ssettm $0x7FFFFFFF  }
tec
execute0_lowered:
.L_overlay_start_1:
0x0: {  	(tag) =	ssettag $0x1  }
0x1: {  	s8 =	rddreg [dreg:$0x0]  }
0x2: {  	s2 =	rddreg [dreg:$0x1];
	s0 =	srdreg.scid  }
0x3: {  	s3 =	rddreg [dreg:$0x2];
	s1 =	stileid.u32  }
0x4: {  	s4 =	simm.s32 $0x0;
	s17 =	simm.s32 $0x180;
	s18 =	simm.s32 $0x2  }
0x5: {  	s19 =	simm.s32 $0x80;
	s20 =	simm.s32 $0x100;
	s7 =	smul.u32 $0x14000, s1  }
0x6: {  	s9 =	sand.u32 $0x1, s0;
	s0 =	rddreg [dreg:$0x3];
	s11 =	smul.u32 $0x50000, s1  }
0x7: {  	s21 =	simm.s32 $0x1;
	[smem:$0x7FF] =	sst s4;
	s13 =	smul.u32 $0x36, s1  }
0x8: {  	s5 =	sadd.s32 $0x14C00, s8;
	s22 =	sshll.u32 s1, $0x6;
	s6 =	smul.u32 $0x140000, s9  }
0x9: {  	_ =	strace $0x80000047;
	s30 =	ssub.s32 $0x2, s9;
	p0 =	seq.s32 s9, $0x0  }
0xa: {  	s9 =	simm.s32 $0x6A;
	s22 =	sor.u32 $0x1C02, s22;
	s31 =	sshrl.u32 s30, $0x1  }
0xb: {  	v0 =	vimm.f32 $0.0e+00;
	v1 =	vimm.s32 $0x0;
	s11 =	sshrl.u32 s11, $0x2;
	s9 =	simm.s32 @!p0 $0x36;
	s7 =	sadd.s32 s7, s6  }
0xc: {  	v2 =	vimm.s32 $0x1;
	v3 =	vimm.s32 $0x2;
	v4 =	vimm.s32 $0x3;
	s6 =	sadd.s32 $0xC00, s8;
	s10 =	sshrl.u32 s7, $0x3;
	s7 =	sadd.s32 $0xAC00, s8  }
0xd: {  	v5 =	vimm.s32 $0x4;
	v6 =	vimm.s32 $0x5;
	v7 =	vimm.s32 $0x6;
	s12 =	sadd.s32 s10, s8;
	s8 =	sadd.s32 s11, s3;
	s11 =	smul.u32 $0x6A, s1  }
0xe: {  	v8 =	vimm.s32 $0x7;
	v9 =	vimm.s32 $0x8;
	v10 =	vimm.s32 $0x9;
	s14 =	ssub.s32 s30, s31;
	s10 =	sadd.s32 $0x6A0, s13;
	s13 =	sadd.s32 $0x4000, s8  }
0xf: {  	v11 =	vimm.s32 $0xA;
	v12 =	vimm.s32 $0xB;
	v13 =	vimm.s32 $0xC;
	s15 =	sadd.s32 $0xC000, s8;
	s16 =	sadd.s32 $0x10000, s8;
	s10 =	smov.u32 @p0 s11  }
0x10: {  	v14 =	vimm.s32 $0xD;
	v15 =	vimm.s32 $0xE;
	v16 =	vimm.s32 $0xF;
	s11 =	sadd.s32 $0xB1000, s12;
	s12 =	smax.u32 s14, $0x1;
	s14 =	sadd.s32 $0x8000, s8  }
.LBB2_1:
0x11: {  	s23 =	simm.s32 $0x0;
	s24 =	simm.s32 $0x200  }
.LBB2_2:
0x12: {  	p0 =	sne.s32 s24, $0xFE00;
	[tilespmem:s23+$0x1F0] =	vst v0  }
0x13: {  	[tilespmem:s23+$0x180] =	vst v0  }
0x14: {  	[tilespmem:s23+$0x190] =	vst v0  }
.Ltmp0:
0x15: {  	[tilespmem:s23+$0x1A0] =	vst v0;
	(pc) =	sbr.rel @p0 .LBB2_2-.Ltmp0, $4  }
0x16: {  	[tilespmem:s23+$0x1B0] =	vst v0  }
0x17: {  	[tilespmem:s23+$0x1C0] =	vst v0  }
0x18: {  	[tilespmem:s23+$0x1D0] =	vst v0  }
0x19: {  	[tilespmem:s23+$0x1E0] =	vst v0;
	s23 =	sshra.s32 s24, $0x2;
	s24 =	sadd.s32 $0x200, s24  }
0x1a: {  	[tilespmem:s23+$0x1F0] =	vst v0  }
0x1b: {  	[tilespmem:s23+$0x180] =	vst v0  }
0x1c: {  	[tilespmem:s23+$0x190] =	vst v0  }
0x1d: {  	[tilespmem:s23+$0x1A0] =	vst v0  }
0x1e: {  	[tilespmem:s23+$0x1B0] =	vst v0  }
0x1f: {  	[tilespmem:s23+$0x1C0] =	vst v0  }
0x20: {  	[tilespmem:s23+$0x1D0] =	vst v0  }
0x21: {  	[tilespmem:s23+$0x1E0] =	vst v0  }
0x22: {  	[spmem:s8] =	stream.linear.scatter [tilespmem:s17], [sflag:$0x2], $0x4000, $0x38;
	[tilespmem:$0x18180] =	vst v63  }
0x23: {  	_ =	swait.ge [sflag:s18], $0x4000  }
0x24: {  	[sflag:s18] =	ssyncset.done $0x0  }
0x25: {  	[sflag:s18] =	ssyncadd.s32 $0xFFFFC000  }
0x26: {  	[spmem:s13] =	stream.linear.scatter [tilespmem:s17], [sflag:$0x2], $0x4000, $0x38;
	[tilespmem:$0x18180] =	vst v63  }
0x27: {  	_ =	swait.ge [sflag:s18], $0x4000  }
0x28: {  	[sflag:s18] =	ssyncset.done $0x0  }
0x29: {  	[sflag:s18] =	ssyncadd.s32 $0xFFFFC000  }
0x2a: {  	[spmem:s14] =	stream.linear.scatter [tilespmem:s17], [sflag:$0x2], $0x4000, $0x38;
	[tilespmem:$0x18180] =	vst v63  }
0x2b: {  	_ =	swait.ge [sflag:s18], $0x4000  }
0x2c: {  	[sflag:s18] =	ssyncset.done $0x0  }
0x2d: {  	[sflag:s18] =	ssyncadd.s32 $0xFFFFC000  }
0x2e: {  	[spmem:s15] =	stream.linear.scatter [tilespmem:s17], [sflag:$0x2], $0x4000, $0x38;
	[tilespmem:$0x18180] =	vst v63  }
0x2f: {  	_ =	swait.ge [sflag:s18], $0x4000  }
0x30: {  	[sflag:s18] =	ssyncset.done $0x0  }
0x31: {  	[sflag:s18] =	ssyncadd.s32 $0xFFFFC000  }
0x32: {  	[spmem:s16] =	stream.linear.scatter [tilespmem:s17], [sflag:$0x2], $0x4000, $0x38;
	[tilespmem:$0x18180] =	vst v63  }
0x33: {  	_ =	swait.ge [sflag:s18], $0x4000  }
0x34: {  	[sflag:s18] =	ssyncset.done $0x0  }
0x35: {  	[sflag:s18] =	ssyncadd.s32 $0xFFFFC000  }
0x36: {  	s23 =	simm.s32 $0x0;
	s24 =	simm.s32 $0x0;
	[bflag:$0x0] =	sbarrier.arrive $0xFFFF  }
.LBB2_4:
0x37: {  	s25 =	sadd.s32 s10, s24  }
0x38: {  	s25 =	sshll.u32 s25, $0x4  }
0x39: {  	s26 =	sadd.s32 s2, s25  }
0x3a: {  	[tilespmem:s23], [sflag:$0x2] =	stream.linear.gather [hbm4b:s26+s23], $0x80, $0x38;
	[tilespmem:$0x18180] =	vst v63  }
0x3b: {  	_ =	swait.ge [sflag:s18], $0x80  }
0x3c: {  	[sflag:s18] =	ssyncset.done $0x0  }
0x3d: {  	[sflag:s18] =	ssyncadd.s32 $0xFFFFFF80  }
0x3e: {  	[tilespmem:s17], [sflag:$0x1] =	stream.indirect.gather [hbm4b:s5+s19], $0x80, s23, s19, $0xb8;
	[tilespmem:$0x18180] =	vst v63  }
0x3f: {  	s31 =	sadd.s32 s7, s25  }
0x40: {  	[tilespmem:s20], [sflag:$0x2] =	stream.linear.gather [hbm4b:s31+s23], $0x80, $0x38;
	[tilespmem:$0x18180] =	vst v63  }
0x41: {  	_ =	swait.ge [sflag:s18], $0x80  }
0x42: {  	[sflag:s18] =	ssyncset.done $0x0  }
0x43: {  	s25 =	sadd.s32 s6, s25;
	[sflag:s18] =	ssyncadd.s32 $0xFFFFFF80  }
0x44: {  	[tilespmem:s19], [sflag:$0x2] =	stream.linear.gather [hbm4b:s25+s23], $0x80, $0x38;
	[tilespmem:$0x18180] =	vst v63  }
0x45: {  	_ =	swait.ge [sflag:s18], $0x80  }
0x46: {  	[sflag:s18] =	ssyncset.done $0x0  }
0x47: {  	[sflag:s18] =	ssyncadd.s32 $0xFFFFFF80  }
0x48: {  	_ =	swait.ge [sflag:s21], $0x4000  }
0x49: {  	[sflag:s21] =	ssyncset.done $0x0  }
0x4a: {  	s25 =	simm.s32 $0x0;
	[sflag:s21] =	ssyncadd.s32 $0xFFFFC000  }
.LBB2_5:
0x4b: {  	s26 =	sshll.u32 s25, $0x4  }
0x4c: {  	s26 =	sand.u32 $0x3FFFFFF0, s26  }
0x4d: {  	s31 =	sshll.u32 s25, $0xB;
	v17 =	vld [tilespmem:s26+$0x100]  }
0x4e: {  	s26 =	sand.u32 $0x3FFFF800, s31  }
0x4f: {  	v18 =	vld [tilespmem:s26+$0x180]  }
0x50: {  	v19 =	vld [tilespmem:s26+$0x190]  }
0x51: {  	v20 =	vld [tilespmem:s26+$0x1A0]  }
0x52: {  	v22 =	vld [tilespmem:s26+$0x1B0];
	v21 =	vperm.xlane v17, v1  }
0x53: {  	v23 =	vld [tilespmem:s26+$0x1C0]  }
0x54: {  	v24 =	vld [tilespmem:s26+$0x1D0];
	v18 =	vmul.f32 v18, v21  }
0x55: {  	v25 =	vld [tilespmem:s26+$0x1E0];
	v19 =	vmul.f32 v19, v21  }
0x56: {  	v38 =	vld [tilespmem:s26+$0x1F0];
	[tilespmem:s26+$0x180] =	vst v18;
	v18 =	vmul.f32 v20, v21  }
0x57: {  	v39 =	vld [tilespmem:s26+$0x200];
	[tilespmem:s26+$0x190] =	vst v19;
	v19 =	vmul.f32 v22, v21  }
0x58: {  	v40 =	vld [tilespmem:s26+$0x210];
	[tilespmem:s26+$0x1A0] =	vst v18;
	v18 =	vmul.f32 v23, v21  }
0x59: {  	v41 =	vld [tilespmem:s26+$0x220];
	[tilespmem:s26+$0x1B0] =	vst v19;
	v19 =	vmul.f32 v24, v21  }
0x5a: {  	v26 =	vld [tilespmem:s26+$0x230];
	v42 =	vperm.xlane v17, v2;
	[tilespmem:s26+$0x1C0] =	vst v18;
	v18 =	vmul.f32 v25, v21  }
0x5b: {  	v43 =	vld [tilespmem:s26+$0x240];
	[tilespmem:s26+$0x1D0] =	vst v19;
	v19 =	vmul.f32 v38, v21  }
0x5c: {  	v44 =	vld [tilespmem:s26+$0x250];
	[tilespmem:s26+$0x1E0] =	vst v18;
	v18 =	vmul.f32 v39, v42  }
0x5d: {  	v45 =	vld [tilespmem:s26+$0x260];
	[tilespmem:s26+$0x1F0] =	vst v19;
	v19 =	vmul.f32 v40, v42  }
0x5e: {  	v46 =	vld [tilespmem:s26+$0x270];
	[tilespmem:s26+$0x200] =	vst v18;
	v18 =	vmul.f32 v41, v42  }
0x5f: {  	v47 =	vld [tilespmem:s26+$0x280];
	[tilespmem:s26+$0x210] =	vst v19;
	v19 =	vmul.f32 v26, v42  }
0x60: {  	v48 =	vld [tilespmem:s26+$0x290];
	[tilespmem:s26+$0x220] =	vst v18;
	v18 =	vmul.f32 v43, v42  }
0x61: {  	v49 =	vld [tilespmem:s26+$0x2A0];
	[tilespmem:s26+$0x230] =	vst v19;
	v19 =	vmul.f32 v44, v42  }
0x62: {  	v51 =	vld [tilespmem:s26+$0x2B0];
	v50 =	vperm.xlane v17, v3;
	[tilespmem:s26+$0x240] =	vst v18;
	v18 =	vmul.f32 v45, v42  }
0x63: {  	v52 =	vld [tilespmem:s26+$0x2C0];
	[tilespmem:s26+$0x250] =	vst v19;
	v19 =	vmul.f32 v46, v42  }
0x64: {  	v53 =	vld [tilespmem:s26+$0x2D0];
	[tilespmem:s26+$0x260] =	vst v18;
	v18 =	vmul.f32 v47, v50  }
0x65: {  	v54 =	vld [tilespmem:s26+$0x2E0];
	[tilespmem:s26+$0x270] =	vst v19;
	v19 =	vmul.f32 v48, v50  }
0x66: {  	v55 =	vld [tilespmem:s26+$0x2F0];
	[tilespmem:s26+$0x280] =	vst v18;
	v18 =	vmul.f32 v49, v50  }
0x67: {  	v56 =	vld [tilespmem:s26+$0x300];
	[tilespmem:s26+$0x290] =	vst v19;
	v19 =	vmul.f32 v51, v50  }
0x68: {  	v57 =	vld [tilespmem:s26+$0x310];
	[tilespmem:s26+$0x2A0] =	vst v18;
	v18 =	vmul.f32 v52, v50  }
0x69: {  	v58 =	vld [tilespmem:s26+$0x320];
	[tilespmem:s26+$0x2B0] =	vst v19;
	v19 =	vmul.f32 v53, v50  }
0x6a: {  	v60 =	vld [tilespmem:s26+$0x330];
	v59 =	vperm.xlane v17, v4;
	[tilespmem:s26+$0x2C0] =	vst v18;
	v18 =	vmul.f32 v54, v50  }
0x6b: {  	v61 =	vld [tilespmem:s26+$0x340];
	[tilespmem:s26+$0x2D0] =	vst v19;
	v19 =	vmul.f32 v55, v50  }
0x6c: {  	v62 =	vld [tilespmem:s26+$0x350];
	[tilespmem:s26+$0x2E0] =	vst v18;
	v18 =	vmul.f32 v56, v59  }
0x6d: {  	v63 =	vld [tilespmem:s26+$0x360];
	[tilespmem:s26+$0x2F0] =	vst v19;
	v19 =	vmul.f32 v57, v59  }
0x6e: {  	v28 =	vld [tilespmem:s26+$0x370];
	[tilespmem:s26+$0x300] =	vst v18;
	v18 =	vmul.f32 v58, v59  }
0x6f: {  	v29 =	vld [tilespmem:s26+$0x380];
	[tilespmem:s26+$0x310] =	vst v19;
	v19 =	vmul.f32 v60, v59  }
0x70: {  	v30 =	vld [tilespmem:s26+$0x390];
	[tilespmem:s26+$0x320] =	vst v18;
	v18 =	vmul.f32 v61, v59  }
0x71: {  	v31 =	vld [tilespmem:s26+$0x3A0];
	[tilespmem:s26+$0x330] =	vst v19;
	v19 =	vmul.f32 v62, v59  }
0x72: {  	v33 =	vld [tilespmem:s26+$0x3B0];
	v32 =	vperm.xlane v17, v5;
	[tilespmem:s26+$0x340] =	vst v18;
	v18 =	vmul.f32 v63, v59  }
0x73: {  	v34 =	vld [tilespmem:s26+$0x3C0];
	[tilespmem:s26+$0x350] =	vst v19;
	v19 =	vmul.f32 v28, v59  }
0x74: {  	v35 =	vld [tilespmem:s26+$0x3D0];
	[tilespmem:s26+$0x360] =	vst v18;
	v18 =	vmul.f32 v29, v32  }
0x75: {  	v36 =	vld [tilespmem:s26+$0x3E0];
	[tilespmem:s26+$0x370] =	vst v19;
	v19 =	vmul.f32 v30, v32  }
0x76: {  	v37 =	vld [tilespmem:s26+$0x3F0];
	[tilespmem:s26+$0x380] =	vst v18;
	v18 =	vmul.f32 v31, v32  }
0x77: {  	v38 =	vld [tilespmem:s26+$0x400];
	[tilespmem:s26+$0x390] =	vst v19;
	v19 =	vmul.f32 v33, v32  }
0x78: {  	v39 =	vld [tilespmem:s26+$0x410];
	[tilespmem:s26+$0x3A0] =	vst v18;
	v18 =	vmul.f32 v34, v32  }
0x79: {  	v40 =	vld [tilespmem:s26+$0x420];
	[tilespmem:s26+$0x3B0] =	vst v19;
	v19 =	vmul.f32 v35, v32  }
0x7a: {  	v41 =	vperm.xlane v17, v6;
	v42 =	vld [tilespmem:s26+$0x430];
	[tilespmem:s26+$0x3C0] =	vst v18;
	v18 =	vmul.f32 v36, v32  }
0x7b: {  	v43 =	vld [tilespmem:s26+$0x440];
	[tilespmem:s26+$0x3D0] =	vst v19;
	v19 =	vmul.f32 v37, v32  }
0x7c: {  	v44 =	vld [tilespmem:s26+$0x450];
	[tilespmem:s26+$0x3E0] =	vst v18;
	v18 =	vmul.f32 v38, v41  }
0x7d: {  	v45 =	vld [tilespmem:s26+$0x460];
	[tilespmem:s26+$0x3F0] =	vst v19;
	v19 =	vmul.f32 v39, v41  }
0x7e: {  	v46 =	vld [tilespmem:s26+$0x470];
	[tilespmem:s26+$0x400] =	vst v18;
	v18 =	vmul.f32 v40, v41  }
0x7f: {  	v47 =	vld [tilespmem:s26+$0x480];
	[tilespmem:s26+$0x410] =	vst v19;
	v19 =	vmul.f32 v42, v41  }
0x80: {  	v48 =	vld [tilespmem:s26+$0x490];
	[tilespmem:s26+$0x420] =	vst v18;
	v18 =	vmul.f32 v43, v41  }
0x81: {  	v49 =	vld [tilespmem:s26+$0x4A0];
	[tilespmem:s26+$0x430] =	vst v19;
	v19 =	vmul.f32 v44, v41  }
0x82: {  	v51 =	vld [tilespmem:s26+$0x4B0];
	v50 =	vperm.xlane v17, v7;
	[tilespmem:s26+$0x440] =	vst v18;
	v18 =	vmul.f32 v45, v41  }
0x83: {  	v52 =	vld [tilespmem:s26+$0x4C0];
	[tilespmem:s26+$0x450] =	vst v19;
	v19 =	vmul.f32 v46, v41  }
0x84: {  	v53 =	vld [tilespmem:s26+$0x4D0];
	[tilespmem:s26+$0x460] =	vst v18;
	v18 =	vmul.f32 v47, v50  }
0x85: {  	v54 =	vld [tilespmem:s26+$0x4E0];
	[tilespmem:s26+$0x470] =	vst v19;
	v19 =	vmul.f32 v48, v50  }
0x86: {  	v55 =	vld [tilespmem:s26+$0x4F0];
	[tilespmem:s26+$0x480] =	vst v18;
	v18 =	vmul.f32 v49, v50  }
0x87: {  	v56 =	vld [tilespmem:s26+$0x500];
	[tilespmem:s26+$0x490] =	vst v19;
	v19 =	vmul.f32 v51, v50  }
0x88: {  	v57 =	vld [tilespmem:s26+$0x510];
	[tilespmem:s26+$0x4A0] =	vst v18;
	v18 =	vmul.f32 v52, v50  }
0x89: {  	v58 =	vld [tilespmem:s26+$0x520];
	[tilespmem:s26+$0x4B0] =	vst v19;
	v19 =	vmul.f32 v53, v50  }
0x8a: {  	v60 =	vld [tilespmem:s26+$0x530];
	v59 =	vperm.xlane v17, v8;
	[tilespmem:s26+$0x4C0] =	vst v18;
	v18 =	vmul.f32 v54, v50  }
0x8b: {  	v61 =	vld [tilespmem:s26+$0x540];
	[tilespmem:s26+$0x4D0] =	vst v19;
	v19 =	vmul.f32 v55, v50  }
0x8c: {  	v62 =	vld [tilespmem:s26+$0x550];
	[tilespmem:s26+$0x4E0] =	vst v18;
	v18 =	vmul.f32 v56, v59  }
0x8d: {  	v63 =	vld [tilespmem:s26+$0x560];
	[tilespmem:s26+$0x4F0] =	vst v19;
	v19 =	vmul.f32 v57, v59  }
0x8e: {  	v28 =	vld [tilespmem:s26+$0x570];
	[tilespmem:s26+$0x500] =	vst v18;
	v18 =	vmul.f32 v58, v59  }
0x8f: {  	v29 =	vld [tilespmem:s26+$0x580];
	[tilespmem:s26+$0x510] =	vst v19;
	v19 =	vmul.f32 v60, v59  }
0x90: {  	v30 =	vld [tilespmem:s26+$0x590];
	[tilespmem:s26+$0x520] =	vst v18;
	v18 =	vmul.f32 v61, v59  }
0x91: {  	v31 =	vld [tilespmem:s26+$0x5A0];
	[tilespmem:s26+$0x530] =	vst v19;
	v19 =	vmul.f32 v62, v59  }
0x92: {  	v33 =	vld [tilespmem:s26+$0x5B0];
	v32 =	vperm.xlane v17, v9;
	[tilespmem:s26+$0x540] =	vst v18;
	v18 =	vmul.f32 v63, v59  }
0x93: {  	v34 =	vld [tilespmem:s26+$0x5C0];
	[tilespmem:s26+$0x550] =	vst v19;
	v19 =	vmul.f32 v28, v59  }
0x94: {  	v35 =	vld [tilespmem:s26+$0x5D0];
	[tilespmem:s26+$0x560] =	vst v18;
	v18 =	vmul.f32 v29, v32  }
0x95: {  	v36 =	vld [tilespmem:s26+$0x5E0];
	[tilespmem:s26+$0x570] =	vst v19;
	v19 =	vmul.f32 v30, v32  }
0x96: {  	v37 =	vld [tilespmem:s26+$0x5F0];
	[tilespmem:s26+$0x580] =	vst v18;
	v18 =	vmul.f32 v31, v32  }
0x97: {  	v38 =	vld [tilespmem:s26+$0x600];
	[tilespmem:s26+$0x590] =	vst v19;
	v19 =	vmul.f32 v33, v32  }
0x98: {  	v39 =	vld [tilespmem:s26+$0x610];
	[tilespmem:s26+$0x5A0] =	vst v18;
	v18 =	vmul.f32 v34, v32  }
0x99: {  	v40 =	vld [tilespmem:s26+$0x620];
	[tilespmem:s26+$0x5B0] =	vst v19;
	v19 =	vmul.f32 v35, v32  }
0x9a: {  	v42 =	vld [tilespmem:s26+$0x630];
	v41 =	vperm.xlane v17, v10;
	[tilespmem:s26+$0x5C0] =	vst v18;
	v18 =	vmul.f32 v36, v32  }
0x9b: {  	v43 =	vld [tilespmem:s26+$0x640];
	[tilespmem:s26+$0x5D0] =	vst v19;
	v19 =	vmul.f32 v37, v32  }
0x9c: {  	v44 =	vld [tilespmem:s26+$0x650];
	[tilespmem:s26+$0x5E0] =	vst v18;
	v18 =	vmul.f32 v38, v41  }
0x9d: {  	v45 =	vld [tilespmem:s26+$0x660];
	[tilespmem:s26+$0x5F0] =	vst v19;
	v19 =	vmul.f32 v39, v41  }
0x9e: {  	v46 =	vld [tilespmem:s26+$0x670];
	[tilespmem:s26+$0x600] =	vst v18;
	v18 =	vmul.f32 v40, v41  }
0x9f: {  	v47 =	vld [tilespmem:s26+$0x680];
	[tilespmem:s26+$0x610] =	vst v19;
	v19 =	vmul.f32 v42, v41  }
0xa0: {  	v48 =	vld [tilespmem:s26+$0x690];
	[tilespmem:s26+$0x620] =	vst v18;
	v18 =	vmul.f32 v43, v41  }
0xa1: {  	v49 =	vld [tilespmem:s26+$0x6A0];
	[tilespmem:s26+$0x630] =	vst v19;
	v19 =	vmul.f32 v44, v41  }
0xa2: {  	v51 =	vld [tilespmem:s26+$0x6B0];
	v50 =	vperm.xlane v17, v11;
	[tilespmem:s26+$0x640] =	vst v18;
	v18 =	vmul.f32 v45, v41  }
0xa3: {  	v52 =	vld [tilespmem:s26+$0x6C0];
	[tilespmem:s26+$0x650] =	vst v19;
	v19 =	vmul.f32 v46, v41  }
0xa4: {  	v53 =	vld [tilespmem:s26+$0x6D0];
	[tilespmem:s26+$0x660] =	vst v18;
	v18 =	vmul.f32 v47, v50  }
0xa5: {  	v54 =	vld [tilespmem:s26+$0x6E0];
	[tilespmem:s26+$0x670] =	vst v19;
	v19 =	vmul.f32 v48, v50  }
0xa6: {  	v55 =	vld [tilespmem:s26+$0x6F0];
	[tilespmem:s26+$0x680] =	vst v18;
	v18 =	vmul.f32 v49, v50  }
0xa7: {  	v56 =	vld [tilespmem:s26+$0x700];
	[tilespmem:s26+$0x690] =	vst v19;
	v19 =	vmul.f32 v51, v50  }
0xa8: {  	v57 =	vld [tilespmem:s26+$0x710];
	[tilespmem:s26+$0x6A0] =	vst v18;
	v18 =	vmul.f32 v52, v50  }
0xa9: {  	v58 =	vld [tilespmem:s26+$0x720];
	[tilespmem:s26+$0x6B0] =	vst v19;
	v19 =	vmul.f32 v53, v50  }
0xaa: {  	v60 =	vld [tilespmem:s26+$0x730];
	v59 =	vperm.xlane v17, v12;
	[tilespmem:s26+$0x6C0] =	vst v18;
	v18 =	vmul.f32 v54, v50  }
0xab: {  	v61 =	vld [tilespmem:s26+$0x740];
	[tilespmem:s26+$0x6D0] =	vst v19;
	v19 =	vmul.f32 v55, v50  }
0xac: {  	v62 =	vld [tilespmem:s26+$0x750];
	[tilespmem:s26+$0x6E0] =	vst v18;
	v18 =	vmul.f32 v56, v59  }
0xad: {  	v63 =	vld [tilespmem:s26+$0x760];
	[tilespmem:s26+$0x6F0] =	vst v19;
	v19 =	vmul.f32 v57, v59  }
0xae: {  	v28 =	vld [tilespmem:s26+$0x770];
	[tilespmem:s26+$0x700] =	vst v18;
	v18 =	vmul.f32 v58, v59  }
0xaf: {  	v29 =	vld [tilespmem:s26+$0x780];
	[tilespmem:s26+$0x710] =	vst v19;
	v19 =	vmul.f32 v60, v59  }
0xb0: {  	v30 =	vld [tilespmem:s26+$0x790];
	[tilespmem:s26+$0x720] =	vst v18;
	v18 =	vmul.f32 v61, v59  }
0xb1: {  	v31 =	vld [tilespmem:s26+$0x7A0];
	[tilespmem:s26+$0x730] =	vst v19;
	v19 =	vmul.f32 v62, v59  }
0xb2: {  	v33 =	vld [tilespmem:s26+$0x7B0];
	v32 =	vperm.xlane v17, v13;
	[tilespmem:s26+$0x740] =	vst v18;
	v18 =	vmul.f32 v63, v59  }
0xb3: {  	v34 =	vld [tilespmem:s26+$0x7C0];
	[tilespmem:s26+$0x750] =	vst v19;
	v19 =	vmul.f32 v28, v59  }
0xb4: {  	v35 =	vld [tilespmem:s26+$0x7D0];
	[tilespmem:s26+$0x760] =	vst v18;
	v18 =	vmul.f32 v29, v32  }
0xb5: {  	v36 =	vld [tilespmem:s26+$0x7E0];
	[tilespmem:s26+$0x770] =	vst v19;
	v19 =	vmul.f32 v30, v32  }
0xb6: {  	v37 =	vld [tilespmem:s26+$0x7F0];
	[tilespmem:s26+$0x780] =	vst v18;
	v18 =	vmul.f32 v31, v32  }
0xb7: {  	v38 =	vld [tilespmem:s26+$0x800];
	[tilespmem:s26+$0x790] =	vst v19;
	v19 =	vmul.f32 v33, v32  }
0xb8: {  	v39 =	vld [tilespmem:s26+$0x810];
	[tilespmem:s26+$0x7A0] =	vst v18;
	v18 =	vmul.f32 v34, v32  }
0xb9: {  	v40 =	vld [tilespmem:s26+$0x820];
	[tilespmem:s26+$0x7B0] =	vst v19;
	v19 =	vmul.f32 v35, v32  }
0xba: {  	v42 =	vld [tilespmem:s26+$0x830];
	v41 =	vperm.xlane v17, v14;
	[tilespmem:s26+$0x7C0] =	vst v18;
	v18 =	vmul.f32 v36, v32  }
0xbb: {  	v43 =	vld [tilespmem:s26+$0x840];
	[tilespmem:s26+$0x7D0] =	vst v19;
	v19 =	vmul.f32 v37, v32  }
0xbc: {  	v44 =	vld [tilespmem:s26+$0x850];
	[tilespmem:s26+$0x7E0] =	vst v18;
	v18 =	vmul.f32 v38, v41  }
0xbd: {  	v45 =	vld [tilespmem:s26+$0x860];
	[tilespmem:s26+$0x7F0] =	vst v19;
	v19 =	vmul.f32 v39, v41  }
0xbe: {  	v46 =	vld [tilespmem:s26+$0x870];
	[tilespmem:s26+$0x800] =	vst v18;
	v18 =	vmul.f32 v40, v41  }
0xbf: {  	v47 =	vld [tilespmem:s26+$0x880];
	[tilespmem:s26+$0x810] =	vst v19;
	v19 =	vmul.f32 v42, v41  }
0xc0: {  	v48 =	vld [tilespmem:s26+$0x890];
	[tilespmem:s26+$0x820] =	vst v18;
	v18 =	vmul.f32 v43, v41  }
0xc1: {  	v49 =	vld [tilespmem:s26+$0x8A0];
	[tilespmem:s26+$0x830] =	vst v19;
	v19 =	vmul.f32 v44, v41  }
0xc2: {  	v51 =	vld [tilespmem:s26+$0x8B0];
	v50 =	vperm.xlane v17, v15;
	[tilespmem:s26+$0x840] =	vst v18;
	v18 =	vmul.f32 v45, v41  }
0xc3: {  	v52 =	vld [tilespmem:s26+$0x8C0];
	[tilespmem:s26+$0x850] =	vst v19;
	v19 =	vmul.f32 v46, v41  }
0xc4: {  	v53 =	vld [tilespmem:s26+$0x8D0];
	[tilespmem:s26+$0x860] =	vst v18;
	v18 =	vmul.f32 v47, v50  }
0xc5: {  	v54 =	vld [tilespmem:s26+$0x8E0];
	[tilespmem:s26+$0x870] =	vst v19;
	v19 =	vmul.f32 v48, v50  }
0xc6: {  	v55 =	vld [tilespmem:s26+$0x8F0];
	[tilespmem:s26+$0x880] =	vst v18;
	v18 =	vmul.f32 v49, v50  }
0xc7: {  	v56 =	vld [tilespmem:s26+$0x900];
	[tilespmem:s26+$0x890] =	vst v19;
	v19 =	vmul.f32 v51, v50  }
0xc8: {  	v57 =	vld [tilespmem:s26+$0x910];
	[tilespmem:s26+$0x8A0] =	vst v18;
	v18 =	vmul.f32 v52, v50  }
0xc9: {  	v58 =	vld [tilespmem:s26+$0x920];
	[tilespmem:s26+$0x8B0] =	vst v19;
	v19 =	vmul.f32 v53, v50  }
0xca: {  	v17 =	vperm.xlane v17, v16;
	v59 =	vld [tilespmem:s26+$0x930];
	[tilespmem:s26+$0x8C0] =	vst v18;
	v18 =	vmul.f32 v54, v50  }
0xcb: {  	v60 =	vld [tilespmem:s26+$0x940];
	[tilespmem:s26+$0x8D0] =	vst v19;
	v19 =	vmul.f32 v55, v50  }
0xcc: {  	v61 =	vld [tilespmem:s26+$0x950];
	[tilespmem:s26+$0x8E0] =	vst v18;
	v18 =	vmul.f32 v56, v17  }
0xcd: {  	v62 =	vld [tilespmem:s26+$0x960];
	[tilespmem:s26+$0x8F0] =	vst v19;
	v19 =	vmul.f32 v57, v17  }
0xce: {  	v63 =	vld [tilespmem:s26+$0x970];
	[tilespmem:s26+$0x900] =	vst v18;
	v18 =	vmul.f32 v58, v17  }
0xcf: {  	[tilespmem:s26+$0x910] =	vst v19;
	v19 =	vmul.f32 v59, v17  }
0xd0: {  	p0 =	sne.s32 s25, $0x7;
	[tilespmem:s26+$0x920] =	vst v18;
	v18 =	vmul.f32 v60, v17  }
.Ltmp1:
0xd1: {  	[tilespmem:s26+$0x930] =	vst v19;
	v19 =	vmul.f32 v61, v17;
	(pc) =	sbr.rel @p0 .LBB2_5-.Ltmp1, $4  }
0xd2: {  	[tilespmem:s26+$0x940] =	vst v18;
	v18 =	vmul.f32 v62, v17  }
0xd3: {  	[tilespmem:s26+$0x950] =	vst v19;
	v17 =	vmul.f32 v63, v17  }
0xd4: {  	[tilespmem:s26+$0x960] =	vst v18  }
0xd5: {  	s25 =	sadd.s32 $0x1, s25;
	[tilespmem:s26+$0x970] =	vst v17  }
0xd6: {  	s24 =	sadd.s32 $0x1, s24  }
0xd7: {  	p0 =	sne.s32 s24, s9  }
.Ltmp2:
0xd8: {  	_ = 	snop;
	(pc) =	sbr.rel @p0 .LBB2_4-.Ltmp2, $4  }
0xd9: {  	[spmem:s3] =	stream.indirect.scatter.add.f32 [tilespmem:s17], [sflag:$0x2], $0x80, s19, s19, $0xb8;
	[tilespmem:$0x18180] =	vst v63  }
0xda: {  	_ =	swait.ge [sflag:s18], $0x4000  }
0xdb: {  	[sflag:s18] =	ssyncset.done $0x0  }
0xdc: {  	[sflag:s18] =	ssyncadd.s32 $0xFFFFC000  }
0xdd: {  	s4 =	sadd.s32 $0x1, s4  }
0xde: {  	p0 =	sne.s32 s4, s12  }
.Ltmp3:
0xdf: {  	[bflag:$0x0] =	sbarrier.arrive $0xFFFF;
	s23 =	sshrl.u32 s8, $0x3;
	(pc) =	sbr.rel @p0 .LBB2_1-.Ltmp3, $4  }
0xe0: {  	[hbm:s11], [sflag:s22] =	dma.local [spmem:s23], $0x2800  }
0xe1: {  	_ =	swait.ge [sflag:s18], $0x2800  }
0xe2: {  	[sflag:s18] =	ssyncset.done $0x0  }
0xe3: {  	[sflag:s18] =	ssyncadd.s32 $0xFFFFD800  }
0xe4: {  	_ =	sfence.sel $0x180000  }
0xe5: {  	[bflag:$0x0] =	sbarrier.arrive $0xFFFF  }
0xe6: {  	p0 =	sne.s32 s1, $0x0;
	_ =	strace $0x90000047  }
0xe7: {  	s0 =	sadd.s32 @!p0 $0x100000, s0;
	[bflag:$0x2] =	sbarrier.arrive $0xFFFF  }
0xe8: {  	[sflag:s0] =	ssyncadd.tile.s32 @!p0 $0x1;
	_ =	shalt  }
.Lfunc_end2:
_tile_overlayer_lowered:
.L_overlay_start_2:
0xe9: {  	(tag) =	ssettag $0x2  }
0xea: {  	s0 =	rddreg [dreg:$0x0];
	s2 =	stileid.u32  }
0xeb: {  	s1 =	rddreg [dreg:$0x1];
	p0 =	sne.s32 s2, $0x0  }
0xec: {  	s3 =	rddreg [dreg:$0x2];
	[bflag:$0x3] =	sbarrier.arrive $0xFFFF;
	s2 =	simm.s32 @!p0 $0x1C02  }
0xed: {  	[timem:s3], [sflag:s2] =	dma.local @!p0 [hbm:s0], s1  }
0xee: {  	s0 =	simm.s32 @!p0 $0x2  }
0xef: {  	_ =	swait.ge @!p0 [sflag:s0], s1  }
0xf0: {  	s1 =	ssub.s32 @!p0 $0x0, s1;
	[sflag:s0] =	ssyncset.done @!p0 $0x0  }
0xf1: {  	[sflag:s0] =	ssyncadd.s32 @!p0 s1  }
0xf2: {  	[bflag:$0x3] =	sbarrier.arrive $0xFFFF  }
0xf3: {  	_ =	shalt  }

</sc_bundles>
